<compile_context>
chip_gen: v7x
topology: tpu7x:2x2x1
jax: 0.10.2.dev20260603
libtpu: 0.0.44.dev20260713+nightly
codegen_flags: <defaults>
</compile_context>

<pallas_src>
import functools

import jax
import jax.numpy as jnp
from jax import lax
from jax.experimental import pallas as pl
from jax.experimental.pallas import tpu as pltpu
from jax.experimental.pallas import tpu_sc as plsc

B, N = 4096, 64
VOCAB = 1000000
TOTAL = B * N * 2
SAMPLES = B * N
NC, NS = 2, 16
NW = NC * NS
PER_W = TOTAL // NW
SAMP_W = SAMPLES // NW
DMA_B = 128
N_DMA = PER_W // DMA_B
FIRE = 8

CH_S = 2048
CH_R = CH_S * 2
N_CHUNK = PER_W // CH_R
DMA_PER_CHUNK = CH_R // DMA_B

ROWS_W = VOCAB // NW
W_CH = 3125
W_NCH = ROWS_W // W_CH


def _widen_body(table_hbm, wide_hbm, buf_v, sem):
    wid = lax.axis_index("s") * NC + lax.axis_index("c")
    base = wid * ROWS_W
    for c in range(W_NCH):
        r0 = base + c * W_CH
        pltpu.sync_copy(table_hbm.at[pl.ds(r0, W_CH), :], buf_v)
        pltpu.sync_copy(buf_v, wide_hbm.at[pl.ds(r0, W_CH), 0:4])


@functools.cache
def _widen():
    return pl.kernel(
        _widen_body,
        out_type=jax.ShapeDtypeStruct((VOCAB, 8), jnp.float32),
        mesh=plsc.VectorSubcoreMesh(
            core_axis_name="c", subcore_axis_name="s",
            num_cores=NC, num_subcores=NS,
        ),
        scratch_types=[
            pltpu.VMEM((W_CH, 4), jnp.float32),
            pltpu.SemaphoreType.DMA,
        ],
        compiler_params=pltpu.CompilerParams(use_tc_tiling_on_sc=False),
    )


def _sc_gather_body(table_hbm, idx_hbm, out_hbm, idx_v, rows_v, plane_v, sem):
    wid = lax.axis_index("s") * NC + lax.axis_index("c")
    pltpu.sync_copy(idx_hbm.at[wid], idx_v)
    lane = lax.iota(jnp.int32, 16)

    for chunk in range(N_CHUNK):
        dma0 = chunk * DMA_PER_CHUNK

        def gbody(g, carry):
            cps = [
                pltpu.async_copy(
                    table_hbm.at[idx_v.at[dma0 + g * FIRE + t]],
                    rows_v.at[pl.ds((g * FIRE + t) * DMA_B, DMA_B), :],
                    sem,
                )
                for t in range(FIRE)
            ]
            for cp in cps:
                cp.wait()
            return carry

        lax.fori_loop(0, DMA_PER_CHUNK // FIRE, gbody, 0)

        def rbody(j, carry):
            row0 = j * 32 + 2 * lane
            row1 = row0 + 1
            c0 = jnp.zeros((16,), jnp.int32)
            s1 = plsc.load_gather(rows_v, [row0, c0])
            s2 = plsc.load_gather(rows_v, [row1, c0])
            plane_v[0, pl.ds(j * 16, 16)] = s1 * s2
            for k in range(3):
                ck = jnp.full((16,), k + 1, jnp.int32)
                plane_v[1 + k, pl.ds(j * 16, 16)] = plsc.load_gather(
                    rows_v, [row0, ck]
                )
                plane_v[4 + k, pl.ds(j * 16, 16)] = plsc.load_gather(
                    rows_v, [row1, ck]
                )
            return carry

        lax.fori_loop(0, CH_S // 16, rbody, 0)

        base = wid * SAMP_W + chunk * CH_S
        cps = [
            pltpu.async_copy(plane_v.at[k], out_hbm.at[k, pl.ds(base, CH_S)], sem)
            for k in range(7)
        ]
        for cp in cps:
            cp.wait()


@functools.cache
def _sc_gather():
    return pl.kernel(
        _sc_gather_body,
        out_type=jax.ShapeDtypeStruct((7, SAMPLES), jnp.float32),
        mesh=plsc.VectorSubcoreMesh(
            core_axis_name="c", subcore_axis_name="s",
            num_cores=NC, num_subcores=NS,
        ),
        scratch_types=[
            pltpu.VMEM((N_DMA, DMA_B), jnp.int32),
            pltpu.VMEM((CH_R, 8), jnp.float32),
            pltpu.VMEM((7, CH_S), jnp.float32),
            pltpu.SemaphoreType.DMA,
        ],
        compiler_params=pltpu.CompilerParams(
            use_tc_tiling_on_sc=False, needs_layout_passes=False
        ),
    )


BB = 512


def _sigmoid(z):
    return 1.0 / (1.0 + jnp.exp(-z))


def _tc_body(planes_ref, d_ref, w0_ref, w1_ref, sigma_ref, color_ref):
    p = planes_ref[...]
    w0 = w0_ref[...]
    w1 = w1_ref[...]

    sigma = _sigmoid(p[0])
    sigma_ref[...] = sigma

    dproj = lax.dot_general(
        d_ref[...], w0[:, :16], (((1,), (1,)), ((), ())),
        preferred_element_type=jnp.float32,
    )

    hs = []
    for j in range(8):
        acc = dproj[:, j][:, None]
        for k in range(6):
            acc = acc + p[1 + k] * w0[j, 16 + k]
        hs.append(jnp.maximum(acc, 0.0))

    cs = []
    for i in range(3):
        accc = hs[0] * w1[i, 0]
        for j in range(1, 8):
            accc = accc + hs[j] * w1[i, j]
        cs.append(_sigmoid(accc))

    cp = 1.0 - sigma
    for sh in (1, 2, 4, 8, 16, 32):
        shifted = jnp.concatenate(
            [jnp.ones((BB, sh), jnp.float32), cp[:, :-sh]], axis=1
        )
        cp = cp * shifted
    tb = jnp.concatenate([jnp.ones((BB, 1), jnp.float32), cp[:, :-1]], axis=1)

    cw = tb * sigma
    color_ref[...] = jnp.stack(
        [jnp.sum(cw * cs[i], axis=1) for i in range(3)], axis=1
    )


def _tc_dense(planes, d, Wc0, Wc1):
    return pl.pallas_call(
        _tc_body,
        grid=(B // BB,),
        in_specs=[
            pl.BlockSpec((7, BB, N), lambda i: (0, i, 0)),
            pl.BlockSpec((BB, 16), lambda i: (i, 0)),
            pl.BlockSpec((8, 22), lambda i: (0, 0)),
            pl.BlockSpec((3, 8), lambda i: (0, 0)),
        ],
        out_specs=[
            pl.BlockSpec((BB, N), lambda i: (i, 0)),
            pl.BlockSpec((BB, 3), lambda i: (i, 0)),
        ],
        out_shape=[
            jax.ShapeDtypeStruct((B, N), jnp.float32),
            jax.ShapeDtypeStruct((B, 3), jnp.float32),
        ],
    )(planes, d, Wc0, Wc1)


def kernel(x, d, gridWeight, Wc0, Wc1):
    idx = x.reshape(NW, N_DMA, DMA_B)
    gw8 = _widen()(gridWeight)
    planes = _sc_gather()(gw8, idx).reshape(7, B, N)
    sigma, color = _tc_dense(planes, d, Wc0, Wc1)
    return (sigma, color)

# --- scband reference (transcript-rebuilt; emitter-appended) ---
"""Pipeline reference for scband-surf-network-59631325937890 (READ-ONLY COPY).

The authoritative reference and input builder live on the scoring server;
editing this copy changes nothing except your own understanding.
"""

import jax, jax.numpy as jnp
import numpy as np

B, N = 4096, 64
VOCAB, D = 1000000, 4
IN_DIM_DIR = 16
HDC = 8

def setup_inputs(seed: int = 0) -> dict:
    key = jax.random.key(seed)
    k1, k2, k3, k4, k5 = jax.random.split(key, 5)
    x = jax.random.randint(k1, (B, N, 2), 0, VOCAB, dtype=jnp.int32)
    d = jax.random.normal(k2, (B, IN_DIM_DIR), dtype=jnp.float32)
    gridWeight = jax.random.uniform(k3, (VOCAB, D), dtype=jnp.float32)
    # nn.Linear(in, out, bias=False) weights: [out, in]
    in0 = IN_DIM_DIR + 2 * D - 2  # = in_dim_dir + gridFeatLevelCnt*eachGridFeatDim - gridFeatLevelCnt with L=2
    Wc0 = jax.random.normal(k4, (HDC, in0), dtype=jnp.float32) * 0.1
    Wc1 = jax.random.normal(k5, (3, HDC), dtype=jnp.float32) * 0.1
    return {"x": x, "d": d, "gridWeight": gridWeight, "Wc0": Wc0, "Wc1": Wc1}

def reference(x, d, gridWeight, Wc0, Wc1):
    Bb, Nn, _ = x.shape
    # embedding gather: index_select over the grid feature table
    feat = jnp.take(gridWeight, x.reshape(-1), axis=0).reshape(Bb, Nn * 2, -1)
    sigma12 = feat[..., 0].reshape(Bb, Nn, -1)
    sigma1 = sigma12[..., 0]
    sigma2 = sigma12[..., 1]
    sigma = jax.nn.sigmoid(sigma1 * sigma2)
    geo_feat = feat[..., 1:].reshape(Bb, Nn, -1)
    d_tiled = jnp.tile(d[:, None, :], (1, Nn, 1))
    h = jnp.concatenate([d_tiled, geo_feat], axis=-1)
    h = jax.nn.relu(h @ Wc0.T)
    h = h @ Wc1.T
    color = jax.nn.sigmoid(h)
    transparentBefore = jnp.cumprod(
        jnp.concatenate([jnp.ones((Bb, 1), dtype=sigma.dtype), (1.0 - sigma)[:, :-1]], axis=1), axis=1)
    colorWeight = transparentBefore * sigma
    c0 = jnp.sum(colorWeight * color[..., 0], axis=1).reshape(-1, 1)
    c1 = jnp.sum(colorWeight * color[..., 1], axis=1).reshape(-1, 1)
    c2 = jnp.sum(colorWeight * color[..., 2], axis=1).reshape(-1, 1)
    return (sigma, jnp.concatenate([c0, c1, c2], axis=1))

if __name__ == "__main__":
    import jax
    _d = setup_inputs()
    print(jax.jit(kernel)(*tuple(_d.values())))

</pallas_src>

<mosaic_0001>
#map = affine_map<(d0, d1) -> (0, 0)>
module attributes {stable_mosaic.version = 14 : i64} {
  func.func @_widen_body(%arg0: i32, %arg1: i32, %arg2: memref<1000000x4xf32, #tpu.memory_space<hbm>>, %arg3: memref<1000000x8xf32, #tpu.memory_space<hbm>>, %arg4: memref<3125x4xf32, #tpu.memory_space<vmem>>, %arg5: memref<!tpu.dma_semaphore, #tpu.memory_space<semaphore_mem>>) attributes {dimension_semantics = [#tpu.dimension_semantics<core_parallel>, #tpu.dimension_semantics<subcore_parallel>], iteration_bounds = array<i64: 2, 16>, scalar_prefetch = 0 : i64, scratch_operands = 2 : i64, tpu.core_type = #tpu.core_type<sc_vector_subcore>, window_params = [{transform_indices = #map}, {transform_indices = #map}]} {
    %mul3A = arith.constant 2 : i32
    %mul3A_0 = arith.muli %arg1, %mul3A : i32
    %add3A = arith.addi %mul3A_0, %arg0 : i32
    %mul3A_1 = arith.constant 31250 : i32
    %mul3A_2 = arith.muli %add3A, %mul3A_1 : i32
    %add3A_3 = arith.constant 0 : i32
    %add3A_4 = arith.addi %mul3A_2, %add3A_3 : i32
    "tpu.region"() ({
      %run_scoped3A = tpu.sem_alloc : memref<!tpu.dma_semaphore, #tpu.memory_space<semaphore_mem>>
      %dma_start3A = arith.constant 0 : i32
      %dma_start3A_23 = tpu.memref_slice %arg2[%add3A_4, %dma_start3A] : memref<1000000x4xf32, #tpu.memory_space<hbm>> -> memref<3125x4xf32, #tpu.memory_space<hbm>>
      %dma_start3A_24 = arith.constant 0 : i32
      %dma_start3A_25 = tpu.memref_slice %arg2[%add3A_4, %dma_start3A_24] : memref<1000000x4xf32, #tpu.memory_space<hbm>> -> memref<3125x4xf32, #tpu.memory_space<hbm>>
      tpu.enqueue_dma source(%dma_start3A_25 : memref<3125x4xf32, #tpu.memory_space<hbm>>) target(%arg4 : memref<3125x4xf32, #tpu.memory_space<vmem>>) target_semaphore(%run_scoped3A : memref<!tpu.dma_semaphore, #tpu.memory_space<semaphore_mem>>)
      %dma_wait3A = arith.constant 0 : i32
      %dma_wait3A_26 = tpu.memref_slice %arg2[%add3A_4, %dma_wait3A] : memref<1000000x4xf32, #tpu.memory_space<hbm>> -> memref<3125x4xf32, #tpu.memory_space<hbm>>
      %dma_wait3A_27 = arith.constant 0 : i32
      %dma_wait3A_28 = tpu.memref_slice %arg2[%add3A_4, %dma_wait3A_27] : memref<1000000x4xf32, #tpu.memory_space<hbm>> -> memref<3125x4xf32, #tpu.memory_space<hbm>>
      tpu.wait_dma2 semaphore(%run_scoped3A : memref<!tpu.dma_semaphore, #tpu.memory_space<semaphore_mem>>) src(%dma_wait3A_28 : memref<3125x4xf32, #tpu.memory_space<hbm>>) dst(%arg4 : memref<3125x4xf32, #tpu.memory_space<vmem>>)
      tpu.yield
    }) : () -> ()
    "tpu.region"() ({
      %run_scoped3A = tpu.sem_alloc : memref<!tpu.dma_semaphore, #tpu.memory_space<semaphore_mem>>
      %dma_start3A = arith.constant 0 : i32
      %dma_start3A_23 = tpu.memref_slice %arg3[%add3A_4, %dma_start3A] : memref<1000000x8xf32, #tpu.memory_space<hbm>> -> memref<3125x4xf32, #tpu.memory_space<hbm>>
      %dma_start3A_24 = arith.constant 0 : i32
      %dma_start3A_25 = tpu.memref_slice %arg3[%add3A_4, %dma_start3A_24] : memref<1000000x8xf32, #tpu.memory_space<hbm>> -> memref<3125x4xf32, #tpu.memory_space<hbm>>
      tpu.enqueue_dma source(%arg4 : memref<3125x4xf32, #tpu.memory_space<vmem>>) target(%dma_start3A_25 : memref<3125x4xf32, #tpu.memory_space<hbm>>) target_semaphore(%run_scoped3A : memref<!tpu.dma_semaphore, #tpu.memory_space<semaphore_mem>>)
      %dma_wait3A = arith.constant 0 : i32
      %dma_wait3A_26 = tpu.memref_slice %arg3[%add3A_4, %dma_wait3A] : memref<1000000x8xf32, #tpu.memory_space<hbm>> -> memref<3125x4xf32, #tpu.memory_space<hbm>>
      %dma_wait3A_27 = arith.constant 0 : i32
      %dma_wait3A_28 = tpu.memref_slice %arg3[%add3A_4, %dma_wait3A_27] : memref<1000000x8xf32, #tpu.memory_space<hbm>> -> memref<3125x4xf32, #tpu.memory_space<hbm>>
      tpu.wait_dma2 semaphore(%run_scoped3A : memref<!tpu.dma_semaphore, #tpu.memory_space<semaphore_mem>>) src(%arg4 : memref<3125x4xf32, #tpu.memory_space<vmem>>) dst(%dma_wait3A_28 : memref<3125x4xf32, #tpu.memory_space<hbm>>)
      tpu.yield
    }) : () -> ()
    %add3A_5 = arith.constant 3125 : i32
    %add3A_6 = arith.addi %mul3A_2, %add3A_5 : i32
    "tpu.region"() ({
      %run_scoped3A = tpu.sem_alloc : memref<!tpu.dma_semaphore, #tpu.memory_space<semaphore_mem>>
      %dma_start3A = arith.constant 0 : i32
      %dma_start3A_23 = tpu.memref_slice %arg2[%add3A_6, %dma_start3A] : memref<1000000x4xf32, #tpu.memory_space<hbm>> -> memref<3125x4xf32, #tpu.memory_space<hbm>>
      %dma_start3A_24 = arith.constant 0 : i32
      %dma_start3A_25 = tpu.memref_slice %arg2[%add3A_6, %dma_start3A_24] : memref<1000000x4xf32, #tpu.memory_space<hbm>> -> memref<3125x4xf32, #tpu.memory_space<hbm>>
      tpu.enqueue_dma source(%dma_start3A_25 : memref<3125x4xf32, #tpu.memory_space<hbm>>) target(%arg4 : memref<3125x4xf32, #tpu.memory_space<vmem>>) target_semaphore(%run_scoped3A : memref<!tpu.dma_semaphore, #tpu.memory_space<semaphore_mem>>)
      %dma_wait3A = arith.constant 0 : i32
      %dma_wait3A_26 = tpu.memref_slice %arg2[%add3A_6, %dma_wait3A] : memref<1000000x4xf32, #tpu.memory_space<hbm>> -> memref<3125x4xf32, #tpu.memory_space<hbm>>
      %dma_wait3A_27 = arith.constant 0 : i32
      %dma_wait3A_28 = tpu.memref_slice %arg2[%add3A_6, %dma_wait3A_27] : memref<1000000x4xf32, #tpu.memory_space<hbm>> -> memref<3125x4xf32, #tpu.memory_space<hbm>>
      tpu.wait_dma2 semaphore(%run_scoped3A : memref<!tpu.dma_semaphore, #tpu.memory_space<semaphore_mem>>) src(%dma_wait3A_28 : memref<3125x4xf32, #tpu.memory_space<hbm>>) dst(%arg4 : memref<3125x4xf32, #tpu.memory_space<vmem>>)
      tpu.yield
    }) : () -> ()
    "tpu.region"() ({
      %run_scoped3A = tpu.sem_alloc : memref<!tpu.dma_semaphore, #tpu.memory_space<semaphore_mem>>
      %dma_start3A = arith.constant 0 : i32
      %dma_start3A_23 = tpu.memref_slice %arg3[%add3A_6, %dma_start3A] : memref<1000000x8xf32, #tpu.memory_space<hbm>> -> memref<3125x4xf32, #tpu.memory_space<hbm>>
      %dma_start3A_24 = arith.constant 0 : i32
      %dma_start3A_25 = tpu.memref_slice %arg3[%add3A_6, %dma_start3A_24] : memref<1000000x8xf32, #tpu.memory_space<hbm>> -> memref<3125x4xf32, #tpu.memory_space<hbm>>
      tpu.enqueue_dma source(%arg4 : memref<3125x4xf32, #tpu.memory_space<vmem>>) target(%dma_start3A_25 : memref<3125x4xf32, #tpu.memory_space<hbm>>) target_semaphore(%run_scoped3A : memref<!tpu.dma_semaphore, #tpu.memory_space<semaphore_mem>>)
      %dma_wait3A = arith.constant 0 : i32
      %dma_wait3A_26 = tpu.memref_slice %arg3[%add3A_6, %dma_wait3A] : memref<1000000x8xf32, #tpu.memory_space<hbm>> -> memref<3125x4xf32, #tpu.memory_space<hbm>>
      %dma_wait3A_27 = arith.constant 0 : i32
      %dma_wait3A_28 = tpu.memref_slice %arg3[%add3A_6, %dma_wait3A_27] : memref<1000000x8xf32, #tpu.memory_space<hbm>> -> memref<3125x4xf32, #tpu.memory_space<hbm>>
      tpu.wait_dma2 semaphore(%run_scoped3A : memref<!tpu.dma_semaphore, #tpu.memory_space<semaphore_mem>>) src(%arg4 : memref<3125x4xf32, #tpu.memory_space<vmem>>) dst(%dma_wait3A_28 : memref<3125x4xf32, #tpu.memory_space<hbm>>)
      tpu.yield
    }) : () -> ()
    %add3A_7 = arith.constant 6250 : i32
    %add3A_8 = arith.addi %mul3A_2, %add3A_7 : i32
    "tpu.region"() ({
      %run_scoped3A = tpu.sem_alloc : memref<!tpu.dma_semaphore, #tpu.memory_space<semaphore_mem>>
      %dma_start3A = arith.constant 0 : i32
      %dma_start3A_23 = tpu.memref_slice %arg2[%add3A_8, %dma_start3A] : memref<1000000x4xf32, #tpu.memory_space<hbm>> -> memref<3125x4xf32, #tpu.memory_space<hbm>>
      %dma_start3A_24 = arith.constant 0 : i32
      %dma_start3A_25 = tpu.memref_slice %arg2[%add3A_8, %dma_start3A_24] : memref<1000000x4xf32, #tpu.memory_space<hbm>> -> memref<3125x4xf32, #tpu.memory_space<hbm>>
      tpu.enqueue_dma source(%dma_start3A_25 : memref<3125x4xf32, #tpu.memory_space<hbm>>) target(%arg4 : memref<3125x4xf32, #tpu.memory_space<vmem>>) target_semaphore(%run_scoped3A : memref<!tpu.dma_semaphore, #tpu.memory_space<semaphore_mem>>)
      %dma_wait3A = arith.constant 0 : i32
      %dma_wait3A_26 = tpu.memref_slice %arg2[%add3A_8, %dma_wait3A] : memref<1000000x4xf32, #tpu.memory_space<hbm>> -> memref<3125x4xf32, #tpu.memory_space<hbm>>
      %dma_wait3A_27 = arith.constant 0 : i32
      %dma_wait3A_28 = tpu.memref_slice %arg2[%add3A_8, %dma_wait3A_27] : memref<1000000x4xf32, #tpu.memory_space<hbm>> -> memref<3125x4xf32, #tpu.memory_space<hbm>>
      tpu.wait_dma2 semaphore(%run_scoped3A : memref<!tpu.dma_semaphore, #tpu.memory_space<semaphore_mem>>) src(%dma_wait3A_28 : memref<3125x4xf32, #tpu.memory_space<hbm>>) dst(%arg4 : memref<3125x4xf32, #tpu.memory_space<vmem>>)
      tpu.yield
    }) : () -> ()
    "tpu.region"() ({
      %run_scoped3A = tpu.sem_alloc : memref<!tpu.dma_semaphore, #tpu.memory_space<semaphore_mem>>
      %dma_start3A = arith.constant 0 : i32
      %dma_start3A_23 = tpu.memref_slice %arg3[%add3A_8, %dma_start3A] : memref<1000000x8xf32, #tpu.memory_space<hbm>> -> memref<3125x4xf32, #tpu.memory_space<hbm>>
      %dma_start3A_24 = arith.constant 0 : i32
      %dma_start3A_25 = tpu.memref_slice %arg3[%add3A_8, %dma_start3A_24] : memref<1000000x8xf32, #tpu.memory_space<hbm>> -> memref<3125x4xf32, #tpu.memory_space<hbm>>
      tpu.enqueue_dma source(%arg4 : memref<3125x4xf32, #tpu.memory_space<vmem>>) target(%dma_start3A_25 : memref<3125x4xf32, #tpu.memory_space<hbm>>) target_semaphore(%run_scoped3A : memref<!tpu.dma_semaphore, #tpu.memory_space<semaphore_mem>>)
      %dma_wait3A = arith.constant 0 : i32
      %dma_wait3A_26 = tpu.memref_slice %arg3[%add3A_8, %dma_wait3A] : memref<1000000x8xf32, #tpu.memory_space<hbm>> -> memref<3125x4xf32, #tpu.memory_space<hbm>>
      %dma_wait3A_27 = arith.constant 0 : i32
      %dma_wait3A_28 = tpu.memref_slice %arg3[%add3A_8, %dma_wait3A_27] : memref<1000000x8xf32, #tpu.memory_space<hbm>> -> memref<3125x4xf32, #tpu.memory_space<hbm>>
      tpu.wait_dma2 semaphore(%run_scoped3A : memref<!tpu.dma_semaphore, #tpu.memory_space<semaphore_mem>>) src(%arg4 : memref<3125x4xf32, #tpu.memory_space<vmem>>) dst(%dma_wait3A_28 : memref<3125x4xf32, #tpu.memory_space<hbm>>)
      tpu.yield
    }) : () -> ()
    %add3A_9 = arith.constant 9375 : i32
    %add3A_10 = arith.addi %mul3A_2, %add3A_9 : i32
    "tpu.region"() ({
      %run_scoped3A = tpu.sem_alloc : memref<!tpu.dma_semaphore, #tpu.memory_space<semaphore_mem>>
      %dma_start3A = arith.constant 0 : i32
      %dma_start3A_23 = tpu.memref_slice %arg2[%add3A_10, %dma_start3A] : memref<1000000x4xf32, #tpu.memory_space<hbm>> -> memref<3125x4xf32, #tpu.memory_space<hbm>>
      %dma_start3A_24 = arith.constant 0 : i32
      %dma_start3A_25 = tpu.memref_slice %arg2[%add3A_10, %dma_start3A_24] : memref<1000000x4xf32, #tpu.memory_space<hbm>> -> memref<3125x4xf32, #tpu.memory_space<hbm>>
      tpu.enqueue_dma source(%dma_start3A_25 : memref<3125x4xf32, #tpu.memory_space<hbm>>) target(%arg4 : memref<3125x4xf32, #tpu.memory_space<vmem>>) target_semaphore(%run_scoped3A : memref<!tpu.dma_semaphore, #tpu.memory_space<semaphore_mem>>)
      %dma_wait3A = arith.constant 0 : i32
      %dma_wait3A_26 = tpu.memref_slice %arg2[%add3A_10, %dma_wait3A] : memref<1000000x4xf32, #tpu.memory_space<hbm>> -> memref<3125x4xf32, #tpu.memory_space<hbm>>
      %dma_wait3A_27 = arith.constant 0 : i32
      %dma_wait3A_28 = tpu.memref_slice %arg2[%add3A_10, %dma_wait3A_27] : memref<1000000x4xf32, #tpu.memory_space<hbm>> -> memref<3125x4xf32, #tpu.memory_space<hbm>>
      tpu.wait_dma2 semaphore(%run_scoped3A : memref<!tpu.dma_semaphore, #tpu.memory_space<semaphore_mem>>) src(%dma_wait3A_28 : memref<3125x4xf32, #tpu.memory_space<hbm>>) dst(%arg4 : memref<3125x4xf32, #tpu.memory_space<vmem>>)
      tpu.yield
    }) : () -> ()
    "tpu.region"() ({
      %run_scoped3A = tpu.sem_alloc : memref<!tpu.dma_semaphore, #tpu.memory_space<semaphore_mem>>
      %dma_start3A = arith.constant 0 : i32
      %dma_start3A_23 = tpu.memref_slice %arg3[%add3A_10, %dma_start3A] : memref<1000000x8xf32, #tpu.memory_space<hbm>> -> memref<3125x4xf32, #tpu.memory_space<hbm>>
      %dma_start3A_24 = arith.constant 0 : i32
      %dma_start3A_25 = tpu.memref_slice %arg3[%add3A_10, %dma_start3A_24] : memref<1000000x8xf32, #tpu.memory_space<hbm>> -> memref<3125x4xf32, #tpu.memory_space<hbm>>
      tpu.enqueue_dma source(%arg4 : memref<3125x4xf32, #tpu.memory_space<vmem>>) target(%dma_start3A_25 : memref<3125x4xf32, #tpu.memory_space<hbm>>) target_semaphore(%run_scoped3A : memref<!tpu.dma_semaphore, #tpu.memory_space<semaphore_mem>>)
      %dma_wait3A = arith.constant 0 : i32
      %dma_wait3A_26 = tpu.memref_slice %arg3[%add3A_10, %dma_wait3A] : memref<1000000x8xf32, #tpu.memory_space<hbm>> -> memref<3125x4xf32, #tpu.memory_space<hbm>>
      %dma_wait3A_27 = arith.constant 0 : i32
      %dma_wait3A_28 = tpu.memref_slice %arg3[%add3A_10, %dma_wait3A_27] : memref<1000000x8xf32, #tpu.memory_space<hbm>> -> memref<3125x4xf32, #tpu.memory_space<hbm>>
      tpu.wait_dma2 semaphore(%run_scoped3A : memref<!tpu.dma_semaphore, #tpu.memory_space<semaphore_mem>>) src(%arg4 : memref<3125x4xf32, #tpu.memory_space<vmem>>) dst(%dma_wait3A_28 : memref<3125x4xf32, #tpu.memory_space<hbm>>)
      tpu.yield
    }) : () -> ()
    %add3A_11 = arith.constant 12500 : i32
    %add3A_12 = arith.addi %mul3A_2, %add3A_11 : i32
    "tpu.region"() ({
      %run_scoped3A = tpu.sem_alloc : memref<!tpu.dma_semaphore, #tpu.memory_space<semaphore_mem>>
      %dma_start3A = arith.constant 0 : i32
      %dma_start3A_23 = tpu.memref_slice %arg2[%add3A_12, %dma_start3A] : memref<1000000x4xf32, #tpu.memory_space<hbm>> -> memref<3125x4xf32, #tpu.memory_space<hbm>>
      %dma_start3A_24 = arith.constant 0 : i32
      %dma_start3A_25 = tpu.memref_slice %arg2[%add3A_12, %dma_start3A_24] : memref<1000000x4xf32, #tpu.memory_space<hbm>> -> memref<3125x4xf32, #tpu.memory_space<hbm>>
      tpu.enqueue_dma source(%dma_start3A_25 : memref<3125x4xf32, #tpu.memory_space<hbm>>) target(%arg4 : memref<3125x4xf32, #tpu.memory_space<vmem>>) target_semaphore(%run_scoped3A : memref<!tpu.dma_semaphore, #tpu.memory_space<semaphore_mem>>)
      %dma_wait3A = arith.constant 0 : i32
      %dma_wait3A_26 = tpu.memref_slice %arg2[%add3A_12, %dma_wait3A] : memref<1000000x4xf32, #tpu.memory_space<hbm>> -> memref<3125x4xf32, #tpu.memory_space<hbm>>
      %dma_wait3A_27 = arith.constant 0 : i32
      %dma_wait3A_28 = tpu.memref_slice %arg2[%add3A_12, %dma_wait3A_27] : memref<1000000x4xf32, #tpu.memory_space<hbm>> -> memref<3125x4xf32, #tpu.memory_space<hbm>>
      tpu.wait_dma2 semaphore(%run_scoped3A : memref<!tpu.dma_semaphore, #tpu.memory_space<semaphore_mem>>) src(%dma_wait3A_28 : memref<3125x4xf32, #tpu.memory_space<hbm>>) dst(%arg4 : memref<3125x4xf32, #tpu.memory_space<vmem>>)
      tpu.yield
    }) : () -> ()
    "tpu.region"() ({
      %run_scoped3A = tpu.sem_alloc : memref<!tpu.dma_semaphore, #tpu.memory_space<semaphore_mem>>
      %dma_start3A = arith.constant 0 : i32
      %dma_start3A_23 = tpu.memref_slice %arg3[%add3A_12, %dma_start3A] : memref<1000000x8xf32, #tpu.memory_space<hbm>> -> memref<3125x4xf32, #tpu.memory_space<hbm>>
      %dma_start3A_24 = arith.constant 0 : i32
      %dma_start3A_25 = tpu.memref_slice %arg3[%add3A_12, %dma_start3A_24] : memref<1000000x8xf32, #tpu.memory_space<hbm>> -> memref<3125x4xf32, #tpu.memory_space<hbm>>
      tpu.enqueue_dma source(%arg4 : memref<3125x4xf32, #tpu.memory_space<vmem>>) target(%dma_start3A_25 : memref<3125x4xf32, #tpu.memory_space<hbm>>) target_semaphore(%run_scoped3A : memref<!tpu.dma_semaphore, #tpu.memory_space<semaphore_mem>>)
      %dma_wait3A = arith.constant 0 : i32
      %dma_wait3A_26 = tpu.memref_slice %arg3[%add3A_12, %dma_wait3A] : memref<1000000x8xf32, #tpu.memory_space<hbm>> -> memref<3125x4xf32, #tpu.memory_space<hbm>>
      %dma_wait3A_27 = arith.constant 0 : i32
      %dma_wait3A_28 = tpu.memref_slice %arg3[%add3A_12, %dma_wait3A_27] : memref<1000000x8xf32, #tpu.memory_space<hbm>> -> memref<3125x4xf32, #tpu.memory_space<hbm>>
      tpu.wait_dma2 semaphore(%run_scoped3A : memref<!tpu.dma_semaphore, #tpu.memory_space<semaphore_mem>>) src(%arg4 : memref<3125x4xf32, #tpu.memory_space<vmem>>) dst(%dma_wait3A_28 : memref<3125x4xf32, #tpu.memory_space<hbm>>)
      tpu.yield
    }) : () -> ()
    %add3A_13 = arith.constant 15625 : i32
    %add3A_14 = arith.addi %mul3A_2, %add3A_13 : i32
    "tpu.region"() ({
      %run_scoped3A = tpu.sem_alloc : memref<!tpu.dma_semaphore, #tpu.memory_space<semaphore_mem>>
      %dma_start3A = arith.constant 0 : i32
      %dma_start3A_23 = tpu.memref_slice %arg2[%add3A_14, %dma_start3A] : memref<1000000x4xf32, #tpu.memory_space<hbm>> -> memref<3125x4xf32, #tpu.memory_space<hbm>>
      %dma_start3A_24 = arith.constant 0 : i32
      %dma_start3A_25 = tpu.memref_slice %arg2[%add3A_14, %dma_start3A_24] : memref<1000000x4xf32, #tpu.memory_space<hbm>> -> memref<3125x4xf32, #tpu.memory_space<hbm>>
      tpu.enqueue_dma source(%dma_start3A_25 : memref<3125x4xf32, #tpu.memory_space<hbm>>) target(%arg4 : memref<3125x4xf32, #tpu.memory_space<vmem>>) target_semaphore(%run_scoped3A : memref<!tpu.dma_semaphore, #tpu.memory_space<semaphore_mem>>)
      %dma_wait3A = arith.constant 0 : i32
      %dma_wait3A_26 = tpu.memref_slice %arg2[%add3A_14, %dma_wait3A] : memref<1000000x4xf32, #tpu.memory_space<hbm>> -> memref<3125x4xf32, #tpu.memory_space<hbm>>
      %dma_wait3A_27 = arith.constant 0 : i32
      %dma_wait3A_28 = tpu.memref_slice %arg2[%add3A_14, %dma_wait3A_27] : memref<1000000x4xf32, #tpu.memory_space<hbm>> -> memref<3125x4xf32, #tpu.memory_space<hbm>>
      tpu.wait_dma2 semaphore(%run_scoped3A : memref<!tpu.dma_semaphore, #tpu.memory_space<semaphore_mem>>) src(%dma_wait3A_28 : memref<3125x4xf32, #tpu.memory_space<hbm>>) dst(%arg4 : memref<3125x4xf32, #tpu.memory_space<vmem>>)
      tpu.yield
    }) : () -> ()
    "tpu.region"() ({
      %run_scoped3A = tpu.sem_alloc : memref<!tpu.dma_semaphore, #tpu.memory_space<semaphore_mem>>
      %dma_start3A = arith.constant 0 : i32
      %dma_start3A_23 = tpu.memref_slice %arg3[%add3A_14, %dma_start3A] : memref<1000000x8xf32, #tpu.memory_space<hbm>> -> memref<3125x4xf32, #tpu.memory_space<hbm>>
      %dma_start3A_24 = arith.constant 0 : i32
      %dma_start3A_25 = tpu.memref_slice %arg3[%add3A_14, %dma_start3A_24] : memref<1000000x8xf32, #tpu.memory_space<hbm>> -> memref<3125x4xf32, #tpu.memory_space<hbm>>
      tpu.enqueue_dma source(%arg4 : memref<3125x4xf32, #tpu.memory_space<vmem>>) target(%dma_start3A_25 : memref<3125x4xf32, #tpu.memory_space<hbm>>) target_semaphore(%run_scoped3A : memref<!tpu.dma_semaphore, #tpu.memory_space<semaphore_mem>>)
      %dma_wait3A = arith.constant 0 : i32
      %dma_wait3A_26 = tpu.memref_slice %arg3[%add3A_14, %dma_wait3A] : memref<1000000x8xf32, #tpu.memory_space<hbm>> -> memref<3125x4xf32, #tpu.memory_space<hbm>>
      %dma_wait3A_27 = arith.constant 0 : i32
      %dma_wait3A_28 = tpu.memref_slice %arg3[%add3A_14, %dma_wait3A_27] : memref<1000000x8xf32, #tpu.memory_space<hbm>> -> memref<3125x4xf32, #tpu.memory_space<hbm>>
      tpu.wait_dma2 semaphore(%run_scoped3A : memref<!tpu.dma_semaphore, #tpu.memory_space<semaphore_mem>>) src(%arg4 : memref<3125x4xf32, #tpu.memory_space<vmem>>) dst(%dma_wait3A_28 : memref<3125x4xf32, #tpu.memory_space<hbm>>)
      tpu.yield
    }) : () -> ()
    %add3A_15 = arith.constant 18750 : i32
    %add3A_16 = arith.addi %mul3A_2, %add3A_15 : i32
    "tpu.region"() ({
      %run_scoped3A = tpu.sem_alloc : memref<!tpu.dma_semaphore, #tpu.memory_space<semaphore_mem>>
      %dma_start3A = arith.constant 0 : i32
      %dma_start3A_23 = tpu.memref_slice %arg2[%add3A_16, %dma_start3A] : memref<1000000x4xf32, #tpu.memory_space<hbm>> -> memref<3125x4xf32, #tpu.memory_space<hbm>>
      %dma_start3A_24 = arith.constant 0 : i32
      %dma_start3A_25 = tpu.memref_slice %arg2[%add3A_16, %dma_start3A_24] : memref<1000000x4xf32, #tpu.memory_space<hbm>> -> memref<3125x4xf32, #tpu.memory_space<hbm>>
      tpu.enqueue_dma source(%dma_start3A_25 : memref<3125x4xf32, #tpu.memory_space<hbm>>) target(%arg4 : memref<3125x4xf32, #tpu.memory_space<vmem>>) target_semaphore(%run_scoped3A : memref<!tpu.dma_semaphore, #tpu.memory_space<semaphore_mem>>)
      %dma_wait3A = arith.constant 0 : i32
      %dma_wait3A_26 = tpu.memref_slice %arg2[%add3A_16, %dma_wait3A] : memref<1000000x4xf32, #tpu.memory_space<hbm>> -> memref<3125x4xf32, #tpu.memory_space<hbm>>
      %dma_wait3A_27 = arith.constant 0 : i32
      %dma_wait3A_28 = tpu.memref_slice %arg2[%add3A_16, %dma_wait3A_27] : memref<1000000x4xf32, #tpu.memory_space<hbm>> -> memref<3125x4xf32, #tpu.memory_space<hbm>>
      tpu.wait_dma2 semaphore(%run_scoped3A : memref<!tpu.dma_semaphore, #tpu.memory_space<semaphore_mem>>) src(%dma_wait3A_28 : memref<3125x4xf32, #tpu.memory_space<hbm>>) dst(%arg4 : memref<3125x4xf32, #tpu.memory_space<vmem>>)
      tpu.yield
    }) : () -> ()
    "tpu.region"() ({
      %run_scoped3A = tpu.sem_alloc : memref<!tpu.dma_semaphore, #tpu.memory_space<semaphore_mem>>
      %dma_start3A = arith.constant 0 : i32
      %dma_start3A_23 = tpu.memref_slice %arg3[%add3A_16, %dma_start3A] : memref<1000000x8xf32, #tpu.memory_space<hbm>> -> memref<3125x4xf32, #tpu.memory_space<hbm>>
      %dma_start3A_24 = arith.constant 0 : i32
      %dma_start3A_25 = tpu.memref_slice %arg3[%add3A_16, %dma_start3A_24] : memref<1000000x8xf32, #tpu.memory_space<hbm>> -> memref<3125x4xf32, #tpu.memory_space<hbm>>
      tpu.enqueue_dma source(%arg4 : memref<3125x4xf32, #tpu.memory_space<vmem>>) target(%dma_start3A_25 : memref<3125x4xf32, #tpu.memory_space<hbm>>) target_semaphore(%run_scoped3A : memref<!tpu.dma_semaphore, #tpu.memory_space<semaphore_mem>>)
      %dma_wait3A = arith.constant 0 : i32
      %dma_wait3A_26 = tpu.memref_slice %arg3[%add3A_16, %dma_wait3A] : memref<1000000x8xf32, #tpu.memory_space<hbm>> -> memref<3125x4xf32, #tpu.memory_space<hbm>>
      %dma_wait3A_27 = arith.constant 0 : i32
      %dma_wait3A_28 = tpu.memref_slice %arg3[%add3A_16, %dma_wait3A_27] : memref<1000000x8xf32, #tpu.memory_space<hbm>> -> memref<3125x4xf32, #tpu.memory_space<hbm>>
      tpu.wait_dma2 semaphore(%run_scoped3A : memref<!tpu.dma_semaphore, #tpu.memory_space<semaphore_mem>>) src(%arg4 : memref<3125x4xf32, #tpu.memory_space<vmem>>) dst(%dma_wait3A_28 : memref<3125x4xf32, #tpu.memory_space<hbm>>)
      tpu.yield
    }) : () -> ()
    %add3A_17 = arith.constant 21875 : i32
    %add3A_18 = arith.addi %mul3A_2, %add3A_17 : i32
    "tpu.region"() ({
      %run_scoped3A = tpu.sem_alloc : memref<!tpu.dma_semaphore, #tpu.memory_space<semaphore_mem>>
      %dma_start3A = arith.constant 0 : i32
      %dma_start3A_23 = tpu.memref_slice %arg2[%add3A_18, %dma_start3A] : memref<1000000x4xf32, #tpu.memory_space<hbm>> -> memref<3125x4xf32, #tpu.memory_space<hbm>>
      %dma_start3A_24 = arith.constant 0 : i32
      %dma_start3A_25 = tpu.memref_slice %arg2[%add3A_18, %dma_start3A_24] : memref<1000000x4xf32, #tpu.memory_space<hbm>> -> memref<3125x4xf32, #tpu.memory_space<hbm>>
      tpu.enqueue_dma source(%dma_start3A_25 : memref<3125x4xf32, #tpu.memory_space<hbm>>) target(%arg4 : memref<3125x4xf32, #tpu.memory_space<vmem>>) target_semaphore(%run_scoped3A : memref<!tpu.dma_semaphore, #tpu.memory_space<semaphore_mem>>)
      %dma_wait3A = arith.constant 0 : i32
      %dma_wait3A_26 = tpu.memref_slice %arg2[%add3A_18, %dma_wait3A] : memref<1000000x4xf32, #tpu.memory_space<hbm>> -> memref<3125x4xf32, #tpu.memory_space<hbm>>
      %dma_wait3A_27 = arith.constant 0 : i32
      %dma_wait3A_28 = tpu.memref_slice %arg2[%add3A_18, %dma_wait3A_27] : memref<1000000x4xf32, #tpu.memory_space<hbm>> -> memref<3125x4xf32, #tpu.memory_space<hbm>>
      tpu.wait_dma2 semaphore(%run_scoped3A : memref<!tpu.dma_semaphore, #tpu.memory_space<semaphore_mem>>) src(%dma_wait3A_28 : memref<3125x4xf32, #tpu.memory_space<hbm>>) dst(%arg4 : memref<3125x4xf32, #tpu.memory_space<vmem>>)
      tpu.yield
    }) : () -> ()
    "tpu.region"() ({
      %run_scoped3A = tpu.sem_alloc : memref<!tpu.dma_semaphore, #tpu.memory_space<semaphore_mem>>
      %dma_start3A = arith.constant 0 : i32
      %dma_start3A_23 = tpu.memref_slice %arg3[%add3A_18, %dma_start3A] : memref<1000000x8xf32, #tpu.memory_space<hbm>> -> memref<3125x4xf32, #tpu.memory_space<hbm>>
      %dma_start3A_24 = arith.constant 0 : i32
      %dma_start3A_25 = tpu.memref_slice %arg3[%add3A_18, %dma_start3A_24] : memref<1000000x8xf32, #tpu.memory_space<hbm>> -> memref<3125x4xf32, #tpu.memory_space<hbm>>
      tpu.enqueue_dma source(%arg4 : memref<3125x4xf32, #tpu.memory_space<vmem>>) target(%dma_start3A_25 : memref<3125x4xf32, #tpu.memory_space<hbm>>) target_semaphore(%run_scoped3A : memref<!tpu.dma_semaphore, #tpu.memory_space<semaphore_mem>>)
      %dma_wait3A = arith.constant 0 : i32
      %dma_wait3A_26 = tpu.memref_slice %arg3[%add3A_18, %dma_wait3A] : memref<1000000x8xf32, #tpu.memory_space<hbm>> -> memref<3125x4xf32, #tpu.memory_space<hbm>>
      %dma_wait3A_27 = arith.constant 0 : i32
      %dma_wait3A_28 = tpu.memref_slice %arg3[%add3A_18, %dma_wait3A_27] : memref<1000000x8xf32, #tpu.memory_space<hbm>> -> memref<3125x4xf32, #tpu.memory_space<hbm>>
      tpu.wait_dma2 semaphore(%run_scoped3A : memref<!tpu.dma_semaphore, #tpu.memory_space<semaphore_mem>>) src(%arg4 : memref<3125x4xf32, #tpu.memory_space<vmem>>) dst(%dma_wait3A_28 : memref<3125x4xf32, #tpu.memory_space<hbm>>)
      tpu.yield
    }) : () -> ()
    %add3A_19 = arith.constant 25000 : i32
    %add3A_20 = arith.addi %mul3A_2, %add3A_19 : i32
    "tpu.region"() ({
      %run_scoped3A = tpu.sem_alloc : memref<!tpu.dma_semaphore, #tpu.memory_space<semaphore_mem>>
      %dma_start3A = arith.constant 0 : i32
      %dma_start3A_23 = tpu.memref_slice %arg2[%add3A_20, %dma_start3A] : memref<1000000x4xf32, #tpu.memory_space<hbm>> -> memref<3125x4xf32, #tpu.memory_space<hbm>>
      %dma_start3A_24 = arith.constant 0 : i32
      %dma_start3A_25 = tpu.memref_slice %arg2[%add3A_20, %dma_start3A_24] : memref<1000000x4xf32, #tpu.memory_space<hbm>> -> memref<3125x4xf32, #tpu.memory_space<hbm>>
      tpu.enqueue_dma source(%dma_start3A_25 : memref<3125x4xf32, #tpu.memory_space<hbm>>) target(%arg4 : memref<3125x4xf32, #tpu.memory_space<vmem>>) target_semaphore(%run_scoped3A : memref<!tpu.dma_semaphore, #tpu.memory_space<semaphore_mem>>)
      %dma_wait3A = arith.constant 0 : i32
      %dma_wait3A_26 = tpu.memref_slice %arg2[%add3A_20, %dma_wait3A] : memref<1000000x4xf32, #tpu.memory_space<hbm>> -> memref<3125x4xf32, #tpu.memory_space<hbm>>
      %dma_wait3A_27 = arith.constant 0 : i32
      %dma_wait3A_28 = tpu.memref_slice %arg2[%add3A_20, %dma_wait3A_27] : memref<1000000x4xf32, #tpu.memory_space<hbm>> -> memref<3125x4xf32, #tpu.memory_space<hbm>>
      tpu.wait_dma2 semaphore(%run_scoped3A : memref<!tpu.dma_semaphore, #tpu.memory_space<semaphore_mem>>) src(%dma_wait3A_28 : memref<3125x4xf32, #tpu.memory_space<hbm>>) dst(%arg4 : memref<3125x4xf32, #tpu.memory_space<vmem>>)
      tpu.yield
    }) : () -> ()
    "tpu.region"() ({
      %run_scoped3A = tpu.sem_alloc : memref<!tpu.dma_semaphore, #tpu.memory_space<semaphore_mem>>
      %dma_start3A = arith.constant 0 : i32
      %dma_start3A_23 = tpu.memref_slice %arg3[%add3A_20, %dma_start3A] : memref<1000000x8xf32, #tpu.memory_space<hbm>> -> memref<3125x4xf32, #tpu.memory_space<hbm>>
      %dma_start3A_24 = arith.constant 0 : i32
      %dma_start3A_25 = tpu.memref_slice %arg3[%add3A_20, %dma_start3A_24] : memref<1000000x8xf32, #tpu.memory_space<hbm>> -> memref<3125x4xf32, #tpu.memory_space<hbm>>
      tpu.enqueue_dma source(%arg4 : memref<3125x4xf32, #tpu.memory_space<vmem>>) target(%dma_start3A_25 : memref<3125x4xf32, #tpu.memory_space<hbm>>) target_semaphore(%run_scoped3A : memref<!tpu.dma_semaphore, #tpu.memory_space<semaphore_mem>>)
      %dma_wait3A = arith.constant 0 : i32
      %dma_wait3A_26 = tpu.memref_slice %arg3[%add3A_20, %dma_wait3A] : memref<1000000x8xf32, #tpu.memory_space<hbm>> -> memref<3125x4xf32, #tpu.memory_space<hbm>>
      %dma_wait3A_27 = arith.constant 0 : i32
      %dma_wait3A_28 = tpu.memref_slice %arg3[%add3A_20, %dma_wait3A_27] : memref<1000000x8xf32, #tpu.memory_space<hbm>> -> memref<3125x4xf32, #tpu.memory_space<hbm>>
      tpu.wait_dma2 semaphore(%run_scoped3A : memref<!tpu.dma_semaphore, #tpu.memory_space<semaphore_mem>>) src(%arg4 : memref<3125x4xf32, #tpu.memory_space<vmem>>) dst(%dma_wait3A_28 : memref<3125x4xf32, #tpu.memory_space<hbm>>)
      tpu.yield
    }) : () -> ()
    %add3A_21 = arith.constant 28125 : i32
    %add3A_22 = arith.addi %mul3A_2, %add3A_21 : i32
    "tpu.region"() ({
      %run_scoped3A = tpu.sem_alloc : memref<!tpu.dma_semaphore, #tpu.memory_space<semaphore_mem>>
      %dma_start3A = arith.constant 0 : i32
      %dma_start3A_23 = tpu.memref_slice %arg2[%add3A_22, %dma_start3A] : memref<1000000x4xf32, #tpu.memory_space<hbm>> -> memref<3125x4xf32, #tpu.memory_space<hbm>>
      %dma_start3A_24 = arith.constant 0 : i32
      %dma_start3A_25 = tpu.memref_slice %arg2[%add3A_22, %dma_start3A_24] : memref<1000000x4xf32, #tpu.memory_space<hbm>> -> memref<3125x4xf32, #tpu.memory_space<hbm>>
      tpu.enqueue_dma source(%dma_start3A_25 : memref<3125x4xf32, #tpu.memory_space<hbm>>) target(%arg4 : memref<3125x4xf32, #tpu.memory_space<vmem>>) target_semaphore(%run_scoped3A : memref<!tpu.dma_semaphore, #tpu.memory_space<semaphore_mem>>)
      %dma_wait3A = arith.constant 0 : i32
      %dma_wait3A_26 = tpu.memref_slice %arg2[%add3A_22, %dma_wait3A] : memref<1000000x4xf32, #tpu.memory_space<hbm>> -> memref<3125x4xf32, #tpu.memory_space<hbm>>
      %dma_wait3A_27 = arith.constant 0 : i32
      %dma_wait3A_28 = tpu.memref_slice %arg2[%add3A_22, %dma_wait3A_27] : memref<1000000x4xf32, #tpu.memory_space<hbm>> -> memref<3125x4xf32, #tpu.memory_space<hbm>>
      tpu.wait_dma2 semaphore(%run_scoped3A : memref<!tpu.dma_semaphore, #tpu.memory_space<semaphore_mem>>) src(%dma_wait3A_28 : memref<3125x4xf32, #tpu.memory_space<hbm>>) dst(%arg4 : memref<3125x4xf32, #tpu.memory_space<vmem>>)
      tpu.yield
    }) : () -> ()
    "tpu.region"() ({
      %run_scoped3A = tpu.sem_alloc : memref<!tpu.dma_semaphore, #tpu.memory_space<semaphore_mem>>
      %dma_start3A = arith.constant 0 : i32
      %dma_start3A_23 = tpu.memref_slice %arg3[%add3A_22, %dma_start3A] : memref<1000000x8xf32, #tpu.memory_space<hbm>> -> memref<3125x4xf32, #tpu.memory_space<hbm>>
      %dma_start3A_24 = arith.constant 0 : i32
      %dma_start3A_25 = tpu.memref_slice %arg3[%add3A_22, %dma_start3A_24] : memref<1000000x8xf32, #tpu.memory_space<hbm>> -> memref<3125x4xf32, #tpu.memory_space<hbm>>
      tpu.enqueue_dma source(%arg4 : memref<3125x4xf32, #tpu.memory_space<vmem>>) target(%dma_start3A_25 : memref<3125x4xf32, #tpu.memory_space<hbm>>) target_semaphore(%run_scoped3A : memref<!tpu.dma_semaphore, #tpu.memory_space<semaphore_mem>>)
      %dma_wait3A = arith.constant 0 : i32
      %dma_wait3A_26 = tpu.memref_slice %arg3[%add3A_22, %dma_wait3A] : memref<1000000x8xf32, #tpu.memory_space<hbm>> -> memref<3125x4xf32, #tpu.memory_space<hbm>>
      %dma_wait3A_27 = arith.constant 0 : i32
      %dma_wait3A_28 = tpu.memref_slice %arg3[%add3A_22, %dma_wait3A_27] : memref<1000000x8xf32, #tpu.memory_space<hbm>> -> memref<3125x4xf32, #tpu.memory_space<hbm>>
      tpu.wait_dma2 semaphore(%run_scoped3A : memref<!tpu.dma_semaphore, #tpu.memory_space<semaphore_mem>>) src(%arg4 : memref<3125x4xf32, #tpu.memory_space<vmem>>) dst(%dma_wait3A_28 : memref<3125x4xf32, #tpu.memory_space<hbm>>)
      tpu.yield
    }) : () -> ()
    return
  }
}

#map = affine_map<(d0, d1) -> (0, 0)>
#map1 = affine_map<(d0, d1) -> (0, 0, 0)>
module attributes {stable_mosaic.version = 14 : i64} {
  func.func @_sc_gather_body(%arg0: i32, %arg1: i32, %arg2: memref<1000000x8xf32, #tpu.memory_space<hbm>>, %arg3: memref<32x128x128xi32, #tpu.memory_space<hbm>>, %arg4: memref<7x262144xf32, #tpu.memory_space<hbm>>, %arg5: memref<128x128xi32, #tpu.memory_space<vmem>>, %arg6: memref<4096x8xf32, #tpu.memory_space<vmem>>, %arg7: memref<7x2048xf32, #tpu.memory_space<vmem>>, %arg8: memref<!tpu.dma_semaphore, #tpu.memory_space<semaphore_mem>>) attributes {dimension_semantics = [#tpu.dimension_semantics<core_parallel>, #tpu.dimension_semantics<subcore_parallel>], iteration_bounds = array<i64: 2, 16>, scalar_prefetch = 0 : i64, scratch_operands = 4 : i64, tpu.core_type = #tpu.core_type<sc_vector_subcore>, window_params = [{transform_indices = #map}, {transform_indices = #map1}, {transform_indices = #map}]} {
    %mul3A = arith.constant 2 : i32
    %mul3A_0 = arith.muli %arg1, %mul3A : i32
    %add3A = arith.addi %mul3A_0, %arg0 : i32
    "tpu.region"() ({
      %run_scoped3A = tpu.sem_alloc : memref<!tpu.dma_semaphore, #tpu.memory_space<semaphore_mem>>
      %dma_start3A_734 = arith.constant 0 : i32
      %dma_start3A_735 = arith.constant 0 : i32
      %dma_start3A_736 = tpu.memref_slice %arg3[%add3A, %dma_start3A_734, %dma_start3A_735] : memref<32x128x128xi32, #tpu.memory_space<hbm>> -> memref<1x128x128xi32, #tpu.memory_space<hbm>>
      %dma_start3A_737 = tpu.memref_squeeze %dma_start3A_736 : memref<1x128x128xi32, #tpu.memory_space<hbm>> -> memref<128x128xi32, #tpu.memory_space<hbm>>
      %dma_start3A_738 = arith.constant 0 : i32
      %dma_start3A_739 = arith.constant 0 : i32
      %dma_start3A_740 = tpu.memref_slice %arg3[%add3A, %dma_start3A_738, %dma_start3A_739] : memref<32x128x128xi32, #tpu.memory_space<hbm>> -> memref<1x128x128xi32, #tpu.memory_space<hbm>>
      %dma_start3A_741 = tpu.memref_squeeze %dma_start3A_740 : memref<1x128x128xi32, #tpu.memory_space<hbm>> -> memref<128x128xi32, #tpu.memory_space<hbm>>
      tpu.enqueue_dma source(%dma_start3A_741 : memref<128x128xi32, #tpu.memory_space<hbm>>) target(%arg5 : memref<128x128xi32, #tpu.memory_space<vmem>>) target_semaphore(%run_scoped3A : memref<!tpu.dma_semaphore, #tpu.memory_space<semaphore_mem>>)
      %dma_wait3A_742 = arith.constant 0 : i32
      %dma_wait3A_743 = arith.constant 0 : i32
      %dma_wait3A_744 = tpu.memref_slice %arg3[%add3A, %dma_wait3A_742, %dma_wait3A_743] : memref<32x128x128xi32, #tpu.memory_space<hbm>> -> memref<1x128x128xi32, #tpu.memory_space<hbm>>
      %dma_wait3A_745 = tpu.memref_squeeze %dma_wait3A_744 : memref<1x128x128xi32, #tpu.memory_space<hbm>> -> memref<128x128xi32, #tpu.memory_space<hbm>>
      %dma_wait3A_746 = arith.constant 0 : i32
      %dma_wait3A_747 = arith.constant 0 : i32
      %dma_wait3A_748 = tpu.memref_slice %arg3[%add3A, %dma_wait3A_746, %dma_wait3A_747] : memref<32x128x128xi32, #tpu.memory_space<hbm>> -> memref<1x128x128xi32, #tpu.memory_space<hbm>>
      %dma_wait3A_749 = tpu.memref_squeeze %dma_wait3A_748 : memref<1x128x128xi32, #tpu.memory_space<hbm>> -> memref<128x128xi32, #tpu.memory_space<hbm>>
      tpu.wait_dma2 semaphore(%run_scoped3A : memref<!tpu.dma_semaphore, #tpu.memory_space<semaphore_mem>>) src(%dma_wait3A_749 : memref<128x128xi32, #tpu.memory_space<hbm>>) dst(%arg5 : memref<128x128xi32, #tpu.memory_space<vmem>>)
      tpu.yield
    }) : () -> ()
    %iota3A = tpu.iota {dimensions = array<i32: 0>} : vector<16xi32>
    %scan3A = arith.constant 0 : i32
    %scan3A_1 = arith.constant 0 : i32
    %scan3A_2 = arith.constant 4 : i32
    %scan3A_3 = arith.addi %scan3A_1, %scan3A_2 : i32
    %scan3A_4 = arith.constant 1 : i32
    scf.for %scan3A_734 = %scan3A_1 to %scan3A_3 step %scan3A_4  : i32 {
      %mul3A_735 = arith.constant 8 : i32
      %mul3A_736 = arith.muli %scan3A_734, %mul3A_735 : i32
      %add3A_737 = arith.constant 0 : i32
      %add3A_738 = arith.addi %add3A_737, %mul3A_736 : i32
      %add3A_739 = arith.constant 0 : i32
      %add3A_740 = arith.addi %add3A_738, %add3A_739 : i32
      %mul3A_741 = arith.constant 8 : i32
      %mul3A_742 = arith.muli %scan3A_734, %mul3A_741 : i32
      %add3A_743 = arith.constant 0 : i32
      %add3A_744 = arith.addi %mul3A_742, %add3A_743 : i32
      %mul3A_745 = arith.constant 128 : i32
      %mul3A_746 = arith.muli %add3A_744, %mul3A_745 : i32
      %dma_start3A_747 = arith.constant 0 : i32
      %dma_start3A_748 = tpu.memref_slice %arg6[%mul3A_746, %dma_start3A_747] : memref<4096x8xf32, #tpu.memory_space<vmem>> -> memref<128x8xf32, #tpu.memory_space<vmem>>
      %dma_start3A_749 = arith.constant 0 : i32
      %dma_start3A_750 = tpu.memref_slice %arg5[%add3A_740, %dma_start3A_749] : memref<128x128xi32, #tpu.memory_space<vmem>> -> memref<1x128xi32, #tpu.memory_space<vmem>>
      %dma_start3A_751 = tpu.memref_squeeze %dma_start3A_750 : memref<1x128xi32, #tpu.memory_space<vmem>> -> memref<128xi32, #tpu.memory_space<vmem>>
      %dma_start3A_752 = arith.constant 0 : i32
      %dma_start3A_753 = arith.constant 0 : i32
      %dma_start3A_754 = tpu.memref_slice %arg2[%dma_start3A_752, %dma_start3A_753] : memref<1000000x8xf32, #tpu.memory_space<hbm>> -> memref<1000000x8xf32, #tpu.memory_space<hbm>>
      tpu.enqueue_indirect_dma source(%dma_start3A_754 : memref<1000000x8xf32, #tpu.memory_space<hbm>>) target(%dma_start3A_748 : memref<128x8xf32, #tpu.memory_space<vmem>>) offsets(%dma_start3A_751 : memref<128xi32, #tpu.memory_space<vmem>>) semaphore(%arg8 : memref<!tpu.dma_semaphore, #tpu.memory_space<semaphore_mem>>)
      %mul3A_755 = arith.constant 8 : i32
      %mul3A_756 = arith.muli %scan3A_734, %mul3A_755 : i32
      %add3A_757 = arith.constant 0 : i32
      %add3A_758 = arith.addi %add3A_757, %mul3A_756 : i32
      %add3A_759 = arith.constant 1 : i32
      %add3A_760 = arith.addi %add3A_758, %add3A_759 : i32
      %mul3A_761 = arith.constant 8 : i32
      %mul3A_762 = arith.muli %scan3A_734, %mul3A_761 : i32
      %add3A_763 = arith.constant 1 : i32
      %add3A_764 = arith.addi %mul3A_762, %add3A_763 : i32
      %mul3A_765 = arith.constant 128 : i32
      %mul3A_766 = arith.muli %add3A_764, %mul3A_765 : i32
      %dma_start3A_767 = arith.constant 0 : i32
      %dma_start3A_768 = tpu.memref_slice %arg6[%mul3A_766, %dma_start3A_767] : memref<4096x8xf32, #tpu.memory_space<vmem>> -> memref<128x8xf32, #tpu.memory_space<vmem>>
      %dma_start3A_769 = arith.constant 0 : i32
      %dma_start3A_770 = tpu.memref_slice %arg5[%add3A_760, %dma_start3A_769] : memref<128x128xi32, #tpu.memory_space<vmem>> -> memref<1x128xi32, #tpu.memory_space<vmem>>
      %dma_start3A_771 = tpu.memref_squeeze %dma_start3A_770 : memref<1x128xi32, #tpu.memory_space<vmem>> -> memref<128xi32, #tpu.memory_space<vmem>>
      %dma_start3A_772 = arith.constant 0 : i32
      %dma_start3A_773 = arith.constant 0 : i32
      %dma_start3A_774 = tpu.memref_slice %arg2[%dma_start3A_772, %dma_start3A_773] : memref<1000000x8xf32, #tpu.memory_space<hbm>> -> memref<1000000x8xf32, #tpu.memory_space<hbm>>
      tpu.enqueue_indirect_dma source(%dma_start3A_774 : memref<1000000x8xf32, #tpu.memory_space<hbm>>) target(%dma_start3A_768 : memref<128x8xf32, #tpu.memory_space<vmem>>) offsets(%dma_start3A_771 : memref<128xi32, #tpu.memory_space<vmem>>) semaphore(%arg8 : memref<!tpu.dma_semaphore, #tpu.memory_space<semaphore_mem>>)
      %mul3A_775 = arith.constant 8 : i32
      %mul3A_776 = arith.muli %scan3A_734, %mul3A_775 : i32
      %add3A_777 = arith.constant 0 : i32
      %add3A_778 = arith.addi %add3A_777, %mul3A_776 : i32
      %add3A_779 = arith.constant 2 : i32
      %add3A_780 = arith.addi %add3A_778, %add3A_779 : i32
      %mul3A_781 = arith.constant 8 : i32
      %mul3A_782 = arith.muli %scan3A_734, %mul3A_781 : i32
      %add3A_783 = arith.constant 2 : i32
      %add3A_784 = arith.addi %mul3A_782, %add3A_783 : i32
      %mul3A_785 = arith.constant 128 : i32
      %mul3A_786 = arith.muli %add3A_784, %mul3A_785 : i32
      %dma_start3A_787 = arith.constant 0 : i32
      %dma_start3A_788 = tpu.memref_slice %arg6[%mul3A_786, %dma_start3A_787] : memref<4096x8xf32, #tpu.memory_space<vmem>> -> memref<128x8xf32, #tpu.memory_space<vmem>>
      %dma_start3A_789 = arith.constant 0 : i32
      %dma_start3A_790 = tpu.memref_slice %arg5[%add3A_780, %dma_start3A_789] : memref<128x128xi32, #tpu.memory_space<vmem>> -> memref<1x128xi32, #tpu.memory_space<vmem>>
      %dma_start3A_791 = tpu.memref_squeeze %dma_start3A_790 : memref<1x128xi32, #tpu.memory_space<vmem>> -> memref<128xi32, #tpu.memory_space<vmem>>
      %dma_start3A_792 = arith.constant 0 : i32
      %dma_start3A_793 = arith.constant 0 : i32
      %dma_start3A_794 = tpu.memref_slice %arg2[%dma_start3A_792, %dma_start3A_793] : memref<1000000x8xf32, #tpu.memory_space<hbm>> -> memref<1000000x8xf32, #tpu.memory_space<hbm>>
      tpu.enqueue_indirect_dma source(%dma_start3A_794 : memref<1000000x8xf32, #tpu.memory_space<hbm>>) target(%dma_start3A_788 : memref<128x8xf32, #tpu.memory_space<vmem>>) offsets(%dma_start3A_791 : memref<128xi32, #tpu.memory_space<vmem>>) semaphore(%arg8 : memref<!tpu.dma_semaphore, #tpu.memory_space<semaphore_mem>>)
      %mul3A_795 = arith.constant 8 : i32
      %mul3A_796 = arith.muli %scan3A_734, %mul3A_795 : i32
      %add3A_797 = arith.constant 0 : i32
      %add3A_798 = arith.addi %add3A_797, %mul3A_796 : i32
      %add3A_799 = arith.constant 3 : i32
      %add3A_800 = arith.addi %add3A_798, %add3A_799 : i32
      %mul3A_801 = arith.constant 8 : i32
      %mul3A_802 = arith.muli %scan3A_734, %mul3A_801 : i32
      %add3A_803 = arith.constant 3 : i32
      %add3A_804 = arith.addi %mul3A_802, %add3A_803 : i32
      %mul3A_805 = arith.constant 128 : i32
      %mul3A_806 = arith.muli %add3A_804, %mul3A_805 : i32
      %dma_start3A_807 = arith.constant 0 : i32
      %dma_start3A_808 = tpu.memref_slice %arg6[%mul3A_806, %dma_start3A_807] : memref<4096x8xf32, #tpu.memory_space<vmem>> -> memref<128x8xf32, #tpu.memory_space<vmem>>
      %dma_start3A_809 = arith.constant 0 : i32
      %dma_start3A_810 = tpu.memref_slice %arg5[%add3A_800, %dma_start3A_809] : memref<128x128xi32, #tpu.memory_space<vmem>> -> memref<1x128xi32, #tpu.memory_space<vmem>>
      %dma_start3A_811 = tpu.memref_squeeze %dma_start3A_810 : memref<1x128xi32, #tpu.memory_space<vmem>> -> memref<128xi32, #tpu.memory_space<vmem>>
      %dma_start3A_812 = arith.constant 0 : i32
      %dma_start3A_813 = arith.constant 0 : i32
      %dma_start3A_814 = tpu.memref_slice %arg2[%dma_start3A_812, %dma_start3A_813] : memref<1000000x8xf32, #tpu.memory_space<hbm>> -> memref<1000000x8xf32, #tpu.memory_space<hbm>>
      tpu.enqueue_indirect_dma source(%dma_start3A_814 : memref<1000000x8xf32, #tpu.memory_space<hbm>>) target(%dma_start3A_808 : memref<128x8xf32, #tpu.memory_space<vmem>>) offsets(%dma_start3A_811 : memref<128xi32, #tpu.memory_space<vmem>>) semaphore(%arg8 : memref<!tpu.dma_semaphore, #tpu.memory_space<semaphore_mem>>)
      %mul3A_815 = arith.constant 8 : i32
      %mul3A_816 = arith.muli %scan3A_734, %mul3A_815 : i32
      %add3A_817 = arith.constant 0 : i32
      %add3A_818 = arith.addi %add3A_817, %mul3A_816 : i32
      %add3A_819 = arith.constant 4 : i32
      %add3A_820 = arith.addi %add3A_818, %add3A_819 : i32
      %mul3A_821 = arith.constant 8 : i32
      %mul3A_822 = arith.muli %scan3A_734, %mul3A_821 : i32
      %add3A_823 = arith.constant 4 : i32
      %add3A_824 = arith.addi %mul3A_822, %add3A_823 : i32
      %mul3A_825 = arith.constant 128 : i32
      %mul3A_826 = arith.muli %add3A_824, %mul3A_825 : i32
      %dma_start3A_827 = arith.constant 0 : i32
      %dma_start3A_828 = tpu.memref_slice %arg6[%mul3A_826, %dma_start3A_827] : memref<4096x8xf32, #tpu.memory_space<vmem>> -> memref<128x8xf32, #tpu.memory_space<vmem>>
      %dma_start3A_829 = arith.constant 0 : i32
      %dma_start3A_830 = tpu.memref_slice %arg5[%add3A_820, %dma_start3A_829] : memref<128x128xi32, #tpu.memory_space<vmem>> -> memref<1x128xi32, #tpu.memory_space<vmem>>
      %dma_start3A_831 = tpu.memref_squeeze %dma_start3A_830 : memref<1x128xi32, #tpu.memory_space<vmem>> -> memref<128xi32, #tpu.memory_space<vmem>>
      %dma_start3A_832 = arith.constant 0 : i32
      %dma_start3A_833 = arith.constant 0 : i32
      %dma_start3A_834 = tpu.memref_slice %arg2[%dma_start3A_832, %dma_start3A_833] : memref<1000000x8xf32, #tpu.memory_space<hbm>> -> memref<1000000x8xf32, #tpu.memory_space<hbm>>
      tpu.enqueue_indirect_dma source(%dma_start3A_834 : memref<1000000x8xf32, #tpu.memory_space<hbm>>) target(%dma_start3A_828 : memref<128x8xf32, #tpu.memory_space<vmem>>) offsets(%dma_start3A_831 : memref<128xi32, #tpu.memory_space<vmem>>) semaphore(%arg8 : memref<!tpu.dma_semaphore, #tpu.memory_space<semaphore_mem>>)
      %mul3A_835 = arith.constant 8 : i32
      %mul3A_836 = arith.muli %scan3A_734, %mul3A_835 : i32
      %add3A_837 = arith.constant 0 : i32
      %add3A_838 = arith.addi %add3A_837, %mul3A_836 : i32
      %add3A_839 = arith.constant 5 : i32
      %add3A_840 = arith.addi %add3A_838, %add3A_839 : i32
      %mul3A_841 = arith.constant 8 : i32
      %mul3A_842 = arith.muli %scan3A_734, %mul3A_841 : i32
      %add3A_843 = arith.constant 5 : i32
      %add3A_844 = arith.addi %mul3A_842, %add3A_843 : i32
      %mul3A_845 = arith.constant 128 : i32
      %mul3A_846 = arith.muli %add3A_844, %mul3A_845 : i32
      %dma_start3A_847 = arith.constant 0 : i32
      %dma_start3A_848 = tpu.memref_slice %arg6[%mul3A_846, %dma_start3A_847] : memref<4096x8xf32, #tpu.memory_space<vmem>> -> memref<128x8xf32, #tpu.memory_space<vmem>>
      %dma_start3A_849 = arith.constant 0 : i32
      %dma_start3A_850 = tpu.memref_slice %arg5[%add3A_840, %dma_start3A_849] : memref<128x128xi32, #tpu.memory_space<vmem>> -> memref<1x128xi32, #tpu.memory_space<vmem>>
      %dma_start3A_851 = tpu.memref_squeeze %dma_start3A_850 : memref<1x128xi32, #tpu.memory_space<vmem>> -> memref<128xi32, #tpu.memory_space<vmem>>
      %dma_start3A_852 = arith.constant 0 : i32
      %dma_start3A_853 = arith.constant 0 : i32
      %dma_start3A_854 = tpu.memref_slice %arg2[%dma_start3A_852, %dma_start3A_853] : memref<1000000x8xf32, #tpu.memory_space<hbm>> -> memref<1000000x8xf32, #tpu.memory_space<hbm>>
      tpu.enqueue_indirect_dma source(%dma_start3A_854 : memref<1000000x8xf32, #tpu.memory_space<hbm>>) target(%dma_start3A_848 : memref<128x8xf32, #tpu.memory_space<vmem>>) offsets(%dma_start3A_851 : memref<128xi32, #tpu.memory_space<vmem>>) semaphore(%arg8 : memref<!tpu.dma_semaphore, #tpu.memory_space<semaphore_mem>>)
      %mul3A_855 = arith.constant 8 : i32
      %mul3A_856 = arith.muli %scan3A_734, %mul3A_855 : i32
      %add3A_857 = arith.constant 0 : i32
      %add3A_858 = arith.addi %add3A_857, %mul3A_856 : i32
      %add3A_859 = arith.constant 6 : i32
      %add3A_860 = arith.addi %add3A_858, %add3A_859 : i32
      %mul3A_861 = arith.constant 8 : i32
      %mul3A_862 = arith.muli %scan3A_734, %mul3A_861 : i32
      %add3A_863 = arith.constant 6 : i32
      %add3A_864 = arith.addi %mul3A_862, %add3A_863 : i32
      %mul3A_865 = arith.constant 128 : i32
      %mul3A_866 = arith.muli %add3A_864, %mul3A_865 : i32
      %dma_start3A_867 = arith.constant 0 : i32
      %dma_start3A_868 = tpu.memref_slice %arg6[%mul3A_866, %dma_start3A_867] : memref<4096x8xf32, #tpu.memory_space<vmem>> -> memref<128x8xf32, #tpu.memory_space<vmem>>
      %dma_start3A_869 = arith.constant 0 : i32
      %dma_start3A_870 = tpu.memref_slice %arg5[%add3A_860, %dma_start3A_869] : memref<128x128xi32, #tpu.memory_space<vmem>> -> memref<1x128xi32, #tpu.memory_space<vmem>>
      %dma_start3A_871 = tpu.memref_squeeze %dma_start3A_870 : memref<1x128xi32, #tpu.memory_space<vmem>> -> memref<128xi32, #tpu.memory_space<vmem>>
      %dma_start3A_872 = arith.constant 0 : i32
      %dma_start3A_873 = arith.constant 0 : i32
      %dma_start3A_874 = tpu.memref_slice %arg2[%dma_start3A_872, %dma_start3A_873] : memref<1000000x8xf32, #tpu.memory_space<hbm>> -> memref<1000000x8xf32, #tpu.memory_space<hbm>>
      tpu.enqueue_indirect_dma source(%dma_start3A_874 : memref<1000000x8xf32, #tpu.memory_space<hbm>>) target(%dma_start3A_868 : memref<128x8xf32, #tpu.memory_space<vmem>>) offsets(%dma_start3A_871 : memref<128xi32, #tpu.memory_space<vmem>>) semaphore(%arg8 : memref<!tpu.dma_semaphore, #tpu.memory_space<semaphore_mem>>)
      %mul3A_875 = arith.constant 8 : i32
      %mul3A_876 = arith.muli %scan3A_734, %mul3A_875 : i32
      %add3A_877 = arith.constant 0 : i32
      %add3A_878 = arith.addi %add3A_877, %mul3A_876 : i32
      %add3A_879 = arith.constant 7 : i32
      %add3A_880 = arith.addi %add3A_878, %add3A_879 : i32
      %mul3A_881 = arith.constant 8 : i32
      %mul3A_882 = arith.muli %scan3A_734, %mul3A_881 : i32
      %add3A_883 = arith.constant 7 : i32
      %add3A_884 = arith.addi %mul3A_882, %add3A_883 : i32
      %mul3A_885 = arith.constant 128 : i32
      %mul3A_886 = arith.muli %add3A_884, %mul3A_885 : i32
      %dma_start3A_887 = arith.constant 0 : i32
      %dma_start3A_888 = tpu.memref_slice %arg6[%mul3A_886, %dma_start3A_887] : memref<4096x8xf32, #tpu.memory_space<vmem>> -> memref<128x8xf32, #tpu.memory_space<vmem>>
      %dma_start3A_889 = arith.constant 0 : i32
      %dma_start3A_890 = tpu.memref_slice %arg5[%add3A_880, %dma_start3A_889] : memref<128x128xi32, #tpu.memory_space<vmem>> -> memref<1x128xi32, #tpu.memory_space<vmem>>
      %dma_start3A_891 = tpu.memref_squeeze %dma_start3A_890 : memref<1x128xi32, #tpu.memory_space<vmem>> -> memref<128xi32, #tpu.memory_space<vmem>>
      %dma_start3A_892 = arith.constant 0 : i32
      %dma_start3A_893 = arith.constant 0 : i32
      %dma_start3A_894 = tpu.memref_slice %arg2[%dma_start3A_892, %dma_start3A_893] : memref<1000000x8xf32, #tpu.memory_space<hbm>> -> memref<1000000x8xf32, #tpu.memory_space<hbm>>
      tpu.enqueue_indirect_dma source(%dma_start3A_894 : memref<1000000x8xf32, #tpu.memory_space<hbm>>) target(%dma_start3A_888 : memref<128x8xf32, #tpu.memory_space<vmem>>) offsets(%dma_start3A_891 : memref<128xi32, #tpu.memory_space<vmem>>) semaphore(%arg8 : memref<!tpu.dma_semaphore, #tpu.memory_space<semaphore_mem>>)
      %dma_wait3A_895 = arith.constant 0 : i32
      %dma_wait3A_896 = tpu.memref_slice %arg6[%mul3A_746, %dma_wait3A_895] : memref<4096x8xf32, #tpu.memory_space<vmem>> -> memref<128x8xf32, #tpu.memory_space<vmem>>
      %dma_wait3A_897 = arith.constant 0 : i32
      %dma_wait3A_898 = tpu.memref_slice %arg5[%add3A_740, %dma_wait3A_897] : memref<128x128xi32, #tpu.memory_space<vmem>> -> memref<1x128xi32, #tpu.memory_space<vmem>>
      %dma_wait3A_899 = tpu.memref_squeeze %dma_wait3A_898 : memref<1x128xi32, #tpu.memory_space<vmem>> -> memref<128xi32, #tpu.memory_space<vmem>>
      %dma_wait3A_900 = arith.constant 0 : i32
      %dma_wait3A_901 = arith.constant 0 : i32
      %dma_wait3A_902 = tpu.memref_slice %arg2[%dma_wait3A_900, %dma_wait3A_901] : memref<1000000x8xf32, #tpu.memory_space<hbm>> -> memref<1000000x8xf32, #tpu.memory_space<hbm>>
      tpu.wait_indirect_dma semaphore(%arg8 : memref<!tpu.dma_semaphore, #tpu.memory_space<semaphore_mem>>) src(%dma_wait3A_902 : memref<1000000x8xf32, #tpu.memory_space<hbm>>) dst(%dma_wait3A_896 : memref<128x8xf32, #tpu.memory_space<vmem>>)
      %dma_wait3A_903 = arith.constant 0 : i32
      %dma_wait3A_904 = tpu.memref_slice %arg6[%mul3A_766, %dma_wait3A_903] : memref<4096x8xf32, #tpu.memory_space<vmem>> -> memref<128x8xf32, #tpu.memory_space<vmem>>
      %dma_wait3A_905 = arith.constant 0 : i32
      %dma_wait3A_906 = tpu.memref_slice %arg5[%add3A_760, %dma_wait3A_905] : memref<128x128xi32, #tpu.memory_space<vmem>> -> memref<1x128xi32, #tpu.memory_space<vmem>>
      %dma_wait3A_907 = tpu.memref_squeeze %dma_wait3A_906 : memref<1x128xi32, #tpu.memory_space<vmem>> -> memref<128xi32, #tpu.memory_space<vmem>>
      %dma_wait3A_908 = arith.constant 0 : i32
      %dma_wait3A_909 = arith.constant 0 : i32
      %dma_wait3A_910 = tpu.memref_slice %arg2[%dma_wait3A_908, %dma_wait3A_909] : memref<1000000x8xf32, #tpu.memory_space<hbm>> -> memref<1000000x8xf32, #tpu.memory_space<hbm>>
      tpu.wait_indirect_dma semaphore(%arg8 : memref<!tpu.dma_semaphore, #tpu.memory_space<semaphore_mem>>) src(%dma_wait3A_910 : memref<1000000x8xf32, #tpu.memory_space<hbm>>) dst(%dma_wait3A_904 : memref<128x8xf32, #tpu.memory_space<vmem>>)
      %dma_wait3A_911 = arith.constant 0 : i32
      %dma_wait3A_912 = tpu.memref_slice %arg6[%mul3A_786, %dma_wait3A_911] : memref<4096x8xf32, #tpu.memory_space<vmem>> -> memref<128x8xf32, #tpu.memory_space<vmem>>
      %dma_wait3A_913 = arith.constant 0 : i32
      %dma_wait3A_914 = tpu.memref_slice %arg5[%add3A_780, %dma_wait3A_913] : memref<128x128xi32, #tpu.memory_space<vmem>> -> memref<1x128xi32, #tpu.memory_space<vmem>>
      %dma_wait3A_915 = tpu.memref_squeeze %dma_wait3A_914 : memref<1x128xi32, #tpu.memory_space<vmem>> -> memref<128xi32, #tpu.memory_space<vmem>>
      %dma_wait3A_916 = arith.constant 0 : i32
      %dma_wait3A_917 = arith.constant 0 : i32
      %dma_wait3A_918 = tpu.memref_slice %arg2[%dma_wait3A_916, %dma_wait3A_917] : memref<1000000x8xf32, #tpu.memory_space<hbm>> -> memref<1000000x8xf32, #tpu.memory_space<hbm>>
      tpu.wait_indirect_dma semaphore(%arg8 : memref<!tpu.dma_semaphore, #tpu.memory_space<semaphore_mem>>) src(%dma_wait3A_918 : memref<1000000x8xf32, #tpu.memory_space<hbm>>) dst(%dma_wait3A_912 : memref<128x8xf32, #tpu.memory_space<vmem>>)
      %dma_wait3A_919 = arith.constant 0 : i32
      %dma_wait3A_920 = tpu.memref_slice %arg6[%mul3A_806, %dma_wait3A_919] : memref<4096x8xf32, #tpu.memory_space<vmem>> -> memref<128x8xf32, #tpu.memory_space<vmem>>
      %dma_wait3A_921 = arith.constant 0 : i32
      %dma_wait3A_922 = tpu.memref_slice %arg5[%add3A_800, %dma_wait3A_921] : memref<128x128xi32, #tpu.memory_space<vmem>> -> memref<1x128xi32, #tpu.memory_space<vmem>>
      %dma_wait3A_923 = tpu.memref_squeeze %dma_wait3A_922 : memref<1x128xi32, #tpu.memory_space<vmem>> -> memref<128xi32, #tpu.memory_space<vmem>>
      %dma_wait3A_924 = arith.constant 0 : i32
      %dma_wait3A_925 = arith.constant 0 : i32
      %dma_wait3A_926 = tpu.memref_slice %arg2[%dma_wait3A_924, %dma_wait3A_925] : memref<1000000x8xf32, #tpu.memory_space<hbm>> -> memref<1000000x8xf32, #tpu.memory_space<hbm>>
      tpu.wait_indirect_dma semaphore(%arg8 : memref<!tpu.dma_semaphore, #tpu.memory_space<semaphore_mem>>) src(%dma_wait3A_926 : memref<1000000x8xf32, #tpu.memory_space<hbm>>) dst(%dma_wait3A_920 : memref<128x8xf32, #tpu.memory_space<vmem>>)
      %dma_wait3A_927 = arith.constant 0 : i32
      %dma_wait3A_928 = tpu.memref_slice %arg6[%mul3A_826, %dma_wait3A_927] : memref<4096x8xf32, #tpu.memory_space<vmem>> -> memref<128x8xf32, #tpu.memory_space<vmem>>
      %dma_wait3A_929 = arith.constant 0 : i32
      %dma_wait3A_930 = tpu.memref_slice %arg5[%add3A_820, %dma_wait3A_929] : memref<128x128xi32, #tpu.memory_space<vmem>> -> memref<1x128xi32, #tpu.memory_space<vmem>>
      %dma_wait3A_931 = tpu.memref_squeeze %dma_wait3A_930 : memref<1x128xi32, #tpu.memory_space<vmem>> -> memref<128xi32, #tpu.memory_space<vmem>>
      %dma_wait3A_932 = arith.constant 0 : i32
      %dma_wait3A_933 = arith.constant 0 : i32
      %dma_wait3A_934 = tpu.memref_slice %arg2[%dma_wait3A_932, %dma_wait3A_933] : memref<1000000x8xf32, #tpu.memory_space<hbm>> -> memref<1000000x8xf32, #tpu.memory_space<hbm>>
      tpu.wait_indirect_dma semaphore(%arg8 : memref<!tpu.dma_semaphore, #tpu.memory_space<semaphore_mem>>) src(%dma_wait3A_934 : memref<1000000x8xf32, #tpu.memory_space<hbm>>) dst(%dma_wait3A_928 : memref<128x8xf32, #tpu.memory_space<vmem>>)
      %dma_wait3A_935 = arith.constant 0 : i32
      %dma_wait3A_936 = tpu.memref_slice %arg6[%mul3A_846, %dma_wait3A_935] : memref<4096x8xf32, #tpu.memory_space<vmem>> -> memref<128x8xf32, #tpu.memory_space<vmem>>
      %dma_wait3A_937 = arith.constant 0 : i32
      %dma_wait3A_938 = tpu.memref_slice %arg5[%add3A_840, %dma_wait3A_937] : memref<128x128xi32, #tpu.memory_space<vmem>> -> memref<1x128xi32, #tpu.memory_space<vmem>>
      %dma_wait3A_939 = tpu.memref_squeeze %dma_wait3A_938 : memref<1x128xi32, #tpu.memory_space<vmem>> -> memref<128xi32, #tpu.memory_space<vmem>>
      %dma_wait3A_940 = arith.constant 0 : i32
      %dma_wait3A_941 = arith.constant 0 : i32
      %dma_wait3A_942 = tpu.memref_slice %arg2[%dma_wait3A_940, %dma_wait3A_941] : memref<1000000x8xf32, #tpu.memory_space<hbm>> -> memref<1000000x8xf32, #tpu.memory_space<hbm>>
      tpu.wait_indirect_dma semaphore(%arg8 : memref<!tpu.dma_semaphore, #tpu.memory_space<semaphore_mem>>) src(%dma_wait3A_942 : memref<1000000x8xf32, #tpu.memory_space<hbm>>) dst(%dma_wait3A_936 : memref<128x8xf32, #tpu.memory_space<vmem>>)
      %dma_wait3A_943 = arith.constant 0 : i32
      %dma_wait3A_944 = tpu.memref_slice %arg6[%mul3A_866, %dma_wait3A_943] : memref<4096x8xf32, #tpu.memory_space<vmem>> -> memref<128x8xf32, #tpu.memory_space<vmem>>
      %dma_wait3A_945 = arith.constant 0 : i32
      %dma_wait3A_946 = tpu.memref_slice %arg5[%add3A_860, %dma_wait3A_945] : memref<128x128xi32, #tpu.memory_space<vmem>> -> memref<1x128xi32, #tpu.memory_space<vmem>>
      %dma_wait3A_947 = tpu.memref_squeeze %dma_wait3A_946 : memref<1x128xi32, #tpu.memory_space<vmem>> -> memref<128xi32, #tpu.memory_space<vmem>>
      %dma_wait3A_948 = arith.constant 0 : i32
      %dma_wait3A_949 = arith.constant 0 : i32
      %dma_wait3A_950 = tpu.memref_slice %arg2[%dma_wait3A_948, %dma_wait3A_949] : memref<1000000x8xf32, #tpu.memory_space<hbm>> -> memref<1000000x8xf32, #tpu.memory_space<hbm>>
      tpu.wait_indirect_dma semaphore(%arg8 : memref<!tpu.dma_semaphore, #tpu.memory_space<semaphore_mem>>) src(%dma_wait3A_950 : memref<1000000x8xf32, #tpu.memory_space<hbm>>) dst(%dma_wait3A_944 : memref<128x8xf32, #tpu.memory_space<vmem>>)
      %dma_wait3A_951 = arith.constant 0 : i32
      %dma_wait3A_952 = tpu.memref_slice %arg6[%mul3A_886, %dma_wait3A_951] : memref<4096x8xf32, #tpu.memory_space<vmem>> -> memref<128x8xf32, #tpu.memory_space<vmem>>
      %dma_wait3A_953 = arith.constant 0 : i32
      %dma_wait3A_954 = tpu.memref_slice %arg5[%add3A_880, %dma_wait3A_953] : memref<128x128xi32, #tpu.memory_space<vmem>> -> memref<1x128xi32, #tpu.memory_space<vmem>>
      %dma_wait3A_955 = tpu.memref_squeeze %dma_wait3A_954 : memref<1x128xi32, #tpu.memory_space<vmem>> -> memref<128xi32, #tpu.memory_space<vmem>>
      %dma_wait3A_956 = arith.constant 0 : i32
      %dma_wait3A_957 = arith.constant 0 : i32
      %dma_wait3A_958 = tpu.memref_slice %arg2[%dma_wait3A_956, %dma_wait3A_957] : memref<1000000x8xf32, #tpu.memory_space<hbm>> -> memref<1000000x8xf32, #tpu.memory_space<hbm>>
      tpu.wait_indirect_dma semaphore(%arg8 : memref<!tpu.dma_semaphore, #tpu.memory_space<semaphore_mem>>) src(%dma_wait3A_958 : memref<1000000x8xf32, #tpu.memory_space<hbm>>) dst(%dma_wait3A_952 : memref<128x8xf32, #tpu.memory_space<vmem>>)
    }
    %scan3A_5 = arith.constant 4 : i32
    %scan3A_6 = arith.constant 0 : i32
    %scan3A_7 = arith.constant 0 : i32
    %scan3A_8 = arith.constant 128 : i32
    %scan3A_9 = arith.addi %scan3A_7, %scan3A_8 : i32
    %scan3A_10 = arith.constant 1 : i32
    scf.for %scan3A_734 = %scan3A_7 to %scan3A_9 step %scan3A_10  : i32 {
      %mul3A_735 = arith.constant 32 : i32
      %mul3A_736 = arith.muli %scan3A_734, %mul3A_735 : i32
      %mul3A_737 = arith.constant 2 : i32
      %mul3A_738 = vector.broadcast %mul3A_737 : i32 to vector<16xi32>
      %mul3A_739 = arith.muli %mul3A_738, %iota3A : vector<16xi32>
      %add3A_740 = vector.broadcast %mul3A_736 : i32 to vector<16xi32>
      %add3A_741 = arith.addi %add3A_740, %mul3A_739 : vector<16xi32>
      %add3A_742 = arith.constant 1 : i32
      %add3A_743 = vector.broadcast %add3A_742 : i32 to vector<16xi32>
      %add3A_744 = arith.addi %add3A_741, %add3A_743 : vector<16xi32>
      %broadcast_in_dim3A = arith.constant 0 : i32
      %broadcast_in_dim3A_745 = vector.broadcast %broadcast_in_dim3A : i32 to vector<16xi32>
      %gather3A = tpu.vector_load_idx %arg6[%add3A_741, %broadcast_in_dim3A_745] : memref<4096x8xf32, #tpu.memory_space<vmem>>[vector<16xi32>, vector<16xi32>], vector<16xf32>,
      %gather3A_746 = tpu.vector_load_idx %arg6[%add3A_744, %broadcast_in_dim3A_745] : memref<4096x8xf32, #tpu.memory_space<vmem>>[vector<16xi32>, vector<16xi32>], vector<16xf32>,
      %mul3A_747 = arith.mulf %gather3A, %gather3A_746 : vector<16xf32>
      %mul3A_748 = arith.constant 16 : i32
      %mul3A_749 = arith.muli %scan3A_734, %mul3A_748 : i32
      %swap3A = arith.constant 0 : i32
      %swap3A_750 = arith.index_cast %swap3A : i32 to index
      %swap3A_751 = arith.index_cast %mul3A_749 : i32 to index
      %swap3A_752 = tpu.vector_load %arg7[%swap3A_750, %swap3A_751] {strides = array<i32>} : memref<7x2048xf32, #tpu.memory_space<vmem>>, vector<16xf32>,
      tpu.vector_store %arg7[%swap3A_750, %swap3A_751], %mul3A_747 {strides = array<i32>} : memref<7x2048xf32, #tpu.memory_space<vmem>>, vector<16xf32>,
      %broadcast_in_dim3A_753 = arith.constant 1 : i32
      %broadcast_in_dim3A_754 = vector.broadcast %broadcast_in_dim3A_753 : i32 to vector<16xi32>
      %gather3A_755 = tpu.vector_load_idx %arg6[%add3A_741, %broadcast_in_dim3A_754] : memref<4096x8xf32, #tpu.memory_space<vmem>>[vector<16xi32>, vector<16xi32>], vector<16xf32>,
      %mul3A_756 = arith.constant 16 : i32
      %mul3A_757 = arith.muli %scan3A_734, %mul3A_756 : i32
      %swap3A_758 = arith.constant 1 : i32
      %swap3A_759 = arith.index_cast %swap3A_758 : i32 to index
      %swap3A_760 = arith.index_cast %mul3A_757 : i32 to index
      %swap3A_761 = tpu.vector_load %arg7[%swap3A_759, %swap3A_760] {strides = array<i32>} : memref<7x2048xf32, #tpu.memory_space<vmem>>, vector<16xf32>,
      tpu.vector_store %arg7[%swap3A_759, %swap3A_760], %gather3A_755 {strides = array<i32>} : memref<7x2048xf32, #tpu.memory_space<vmem>>, vector<16xf32>,
      %gather3A_762 = tpu.vector_load_idx %arg6[%add3A_744, %broadcast_in_dim3A_754] : memref<4096x8xf32, #tpu.memory_space<vmem>>[vector<16xi32>, vector<16xi32>], vector<16xf32>,
      %mul3A_763 = arith.constant 16 : i32
      %mul3A_764 = arith.muli %scan3A_734, %mul3A_763 : i32
      %swap3A_765 = arith.constant 4 : i32
      %swap3A_766 = arith.index_cast %swap3A_765 : i32 to index
      %swap3A_767 = arith.index_cast %mul3A_764 : i32 to index
      %swap3A_768 = tpu.vector_load %arg7[%swap3A_766, %swap3A_767] {strides = array<i32>} : memref<7x2048xf32, #tpu.memory_space<vmem>>, vector<16xf32>,
      tpu.vector_store %arg7[%swap3A_766, %swap3A_767], %gather3A_762 {strides = array<i32>} : memref<7x2048xf32, #tpu.memory_space<vmem>>, vector<16xf32>,
      %broadcast_in_dim3A_769 = arith.constant 2 : i32
      %broadcast_in_dim3A_770 = vector.broadcast %broadcast_in_dim3A_769 : i32 to vector<16xi32>
      %gather3A_771 = tpu.vector_load_idx %arg6[%add3A_741, %broadcast_in_dim3A_770] : memref<4096x8xf32, #tpu.memory_space<vmem>>[vector<16xi32>, vector<16xi32>], vector<16xf32>,
      %mul3A_772 = arith.constant 16 : i32
      %mul3A_773 = arith.muli %scan3A_734, %mul3A_772 : i32
      %swap3A_774 = arith.constant 2 : i32
      %swap3A_775 = arith.index_cast %swap3A_774 : i32 to index
      %swap3A_776 = arith.index_cast %mul3A_773 : i32 to index
      %swap3A_777 = tpu.vector_load %arg7[%swap3A_775, %swap3A_776] {strides = array<i32>} : memref<7x2048xf32, #tpu.memory_space<vmem>>, vector<16xf32>,
      tpu.vector_store %arg7[%swap3A_775, %swap3A_776], %gather3A_771 {strides = array<i32>} : memref<7x2048xf32, #tpu.memory_space<vmem>>, vector<16xf32>,
      %gather3A_778 = tpu.vector_load_idx %arg6[%add3A_744, %broadcast_in_dim3A_770] : memref<4096x8xf32, #tpu.memory_space<vmem>>[vector<16xi32>, vector<16xi32>], vector<16xf32>,
      %mul3A_779 = arith.constant 16 : i32
      %mul3A_780 = arith.muli %scan3A_734, %mul3A_779 : i32
      %swap3A_781 = arith.constant 5 : i32
      %swap3A_782 = arith.index_cast %swap3A_781 : i32 to index
      %swap3A_783 = arith.index_cast %mul3A_780 : i32 to index
      %swap3A_784 = tpu.vector_load %arg7[%swap3A_782, %swap3A_783] {strides = array<i32>} : memref<7x2048xf32, #tpu.memory_space<vmem>>, vector<16xf32>,
      tpu.vector_store %arg7[%swap3A_782, %swap3A_783], %gather3A_778 {strides = array<i32>} : memref<7x2048xf32, #tpu.memory_space<vmem>>, vector<16xf32>,
      %broadcast_in_dim3A_785 = arith.constant 3 : i32
      %broadcast_in_dim3A_786 = vector.broadcast %broadcast_in_dim3A_785 : i32 to vector<16xi32>
      %gather3A_787 = tpu.vector_load_idx %arg6[%add3A_741, %broadcast_in_dim3A_786] : memref<4096x8xf32, #tpu.memory_space<vmem>>[vector<16xi32>, vector<16xi32>], vector<16xf32>,
      %mul3A_788 = arith.constant 16 : i32
      %mul3A_789 = arith.muli %scan3A_734, %mul3A_788 : i32
      %swap3A_790 = arith.constant 3 : i32
      %swap3A_791 = arith.index_cast %swap3A_790 : i32 to index
      %swap3A_792 = arith.index_cast %mul3A_789 : i32 to index
      %swap3A_793 = tpu.vector_load %arg7[%swap3A_791, %swap3A_792] {strides = array<i32>} : memref<7x2048xf32, #tpu.memory_space<vmem>>, vector<16xf32>,
      tpu.vector_store %arg7[%swap3A_791, %swap3A_792], %gather3A_787 {strides = array<i32>} : memref<7x2048xf32, #tpu.memory_space<vmem>>, vector<16xf32>,
      %gather3A_794 = tpu.vector_load_idx %arg6[%add3A_744, %broadcast_in_dim3A_786] : memref<4096x8xf32, #tpu.memory_space<vmem>>[vector<16xi32>, vector<16xi32>], vector<16xf32>,
      %mul3A_795 = arith.constant 16 : i32
      %mul3A_796 = arith.muli %scan3A_734, %mul3A_795 : i32
      %swap3A_797 = arith.constant 6 : i32
      %swap3A_798 = arith.index_cast %swap3A_797 : i32 to index
      %swap3A_799 = arith.index_cast %mul3A_796 : i32 to index
      %swap3A_800 = tpu.vector_load %arg7[%swap3A_798, %swap3A_799] {strides = array<i32>} : memref<7x2048xf32, #tpu.memory_space<vmem>>, vector<16xf32>,
      tpu.vector_store %arg7[%swap3A_798, %swap3A_799], %gather3A_794 {strides = array<i32>} : memref<7x2048xf32, #tpu.memory_space<vmem>>, vector<16xf32>,
    }
    %scan3A_11 = arith.constant 128 : i32
    %mul3A_12 = arith.constant 8192 : i32
    %mul3A_13 = arith.muli %add3A, %mul3A_12 : i32
    %add3A_14 = arith.constant 0 : i32
    %add3A_15 = arith.addi %mul3A_13, %add3A_14 : i32
    %dma_start3A = arith.constant 0 : i32
    %dma_start3A_16 = arith.constant 0 : i32
    %dma_start3A_17 = arith.constant 0 : i32
    %dma_start3A_18 = tpu.memref_slice %arg7[%dma_start3A, %dma_start3A_17] : memref<7x2048xf32, #tpu.memory_space<vmem>> -> memref<1x2048xf32, #tpu.memory_space<vmem>>
    %dma_start3A_19 = tpu.memref_squeeze %dma_start3A_18 : memref<1x2048xf32, #tpu.memory_space<vmem>> -> memref<2048xf32, #tpu.memory_space<vmem>>
    %dma_start3A_20 = tpu.memref_slice %arg4[%dma_start3A_16, %add3A_15] : memref<7x262144xf32, #tpu.memory_space<hbm>> -> memref<1x2048xf32, #tpu.memory_space<hbm>>
    %dma_start3A_21 = tpu.memref_squeeze %dma_start3A_20 : memref<1x2048xf32, #tpu.memory_space<hbm>> -> memref<2048xf32, #tpu.memory_space<hbm>>
    %dma_start3A_22 = tpu.memref_slice %arg4[%dma_start3A_16, %add3A_15] : memref<7x262144xf32, #tpu.memory_space<hbm>> -> memref<1x2048xf32, #tpu.memory_space<hbm>>
    %dma_start3A_23 = tpu.memref_squeeze %dma_start3A_22 : memref<1x2048xf32, #tpu.memory_space<hbm>> -> memref<2048xf32, #tpu.memory_space<hbm>>
    %dma_start3A_24 = arith.constant 0 : i32
    %dma_start3A_25 = tpu.memref_slice %arg7[%dma_start3A, %dma_start3A_24] : memref<7x2048xf32, #tpu.memory_space<vmem>> -> memref<1x2048xf32, #tpu.memory_space<vmem>>
    %dma_start3A_26 = tpu.memref_squeeze %dma_start3A_25 : memref<1x2048xf32, #tpu.memory_space<vmem>> -> memref<2048xf32, #tpu.memory_space<vmem>>
    tpu.enqueue_dma source(%dma_start3A_26 : memref<2048xf32, #tpu.memory_space<vmem>>) target(%dma_start3A_23 : memref<2048xf32, #tpu.memory_space<hbm>>) target_semaphore(%arg8 : memref<!tpu.dma_semaphore, #tpu.memory_space<semaphore_mem>>)
    %dma_start3A_27 = arith.constant 1 : i32
    %dma_start3A_28 = arith.constant 1 : i32
    %dma_start3A_29 = arith.constant 0 : i32
    %dma_start3A_30 = tpu.memref_slice %arg7[%dma_start3A_27, %dma_start3A_29] : memref<7x2048xf32, #tpu.memory_space<vmem>> -> memref<1x2048xf32, #tpu.memory_space<vmem>>
    %dma_start3A_31 = tpu.memref_squeeze %dma_start3A_30 : memref<1x2048xf32, #tpu.memory_space<vmem>> -> memref<2048xf32, #tpu.memory_space<vmem>>
    %dma_start3A_32 = tpu.memref_slice %arg4[%dma_start3A_28, %add3A_15] : memref<7x262144xf32, #tpu.memory_space<hbm>> -> memref<1x2048xf32, #tpu.memory_space<hbm>>
    %dma_start3A_33 = tpu.memref_squeeze %dma_start3A_32 : memref<1x2048xf32, #tpu.memory_space<hbm>> -> memref<2048xf32, #tpu.memory_space<hbm>>
    %dma_start3A_34 = tpu.memref_slice %arg4[%dma_start3A_28, %add3A_15] : memref<7x262144xf32, #tpu.memory_space<hbm>> -> memref<1x2048xf32, #tpu.memory_space<hbm>>
    %dma_start3A_35 = tpu.memref_squeeze %dma_start3A_34 : memref<1x2048xf32, #tpu.memory_space<hbm>> -> memref<2048xf32, #tpu.memory_space<hbm>>
    %dma_start3A_36 = arith.constant 0 : i32
    %dma_start3A_37 = tpu.memref_slice %arg7[%dma_start3A_27, %dma_start3A_36] : memref<7x2048xf32, #tpu.memory_space<vmem>> -> memref<1x2048xf32, #tpu.memory_space<vmem>>
    %dma_start3A_38 = tpu.memref_squeeze %dma_start3A_37 : memref<1x2048xf32, #tpu.memory_space<vmem>> -> memref<2048xf32, #tpu.memory_space<vmem>>
    tpu.enqueue_dma source(%dma_start3A_38 : memref<2048xf32, #tpu.memory_space<vmem>>) target(%dma_start3A_35 : memref<2048xf32, #tpu.memory_space<hbm>>) target_semaphore(%arg8 : memref<!tpu.dma_semaphore, #tpu.memory_space<semaphore_mem>>)
    %dma_start3A_39 = arith.constant 2 : i32
    %dma_start3A_40 = arith.constant 2 : i32
    %dma_start3A_41 = arith.constant 0 : i32
    %dma_start3A_42 = tpu.memref_slice %arg7[%dma_start3A_39, %dma_start3A_41] : memref<7x2048xf32, #tpu.memory_space<vmem>> -> memref<1x2048xf32, #tpu.memory_space<vmem>>
    %dma_start3A_43 = tpu.memref_squeeze %dma_start3A_42 : memref<1x2048xf32, #tpu.memory_space<vmem>> -> memref<2048xf32, #tpu.memory_space<vmem>>
    %dma_start3A_44 = tpu.memref_slice %arg4[%dma_start3A_40, %add3A_15] : memref<7x262144xf32, #tpu.memory_space<hbm>> -> memref<1x2048xf32, #tpu.memory_space<hbm>>
    %dma_start3A_45 = tpu.memref_squeeze %dma_start3A_44 : memref<1x2048xf32, #tpu.memory_space<hbm>> -> memref<2048xf32, #tpu.memory_space<hbm>>
    %dma_start3A_46 = tpu.memref_slice %arg4[%dma_start3A_40, %add3A_15] : memref<7x262144xf32, #tpu.memory_space<hbm>> -> memref<1x2048xf32, #tpu.memory_space<hbm>>
    %dma_start3A_47 = tpu.memref_squeeze %dma_start3A_46 : memref<1x2048xf32, #tpu.memory_space<hbm>> -> memref<2048xf32, #tpu.memory_space<hbm>>
    %dma_start3A_48 = arith.constant 0 : i32
    %dma_start3A_49 = tpu.memref_slice %arg7[%dma_start3A_39, %dma_start3A_48] : memref<7x2048xf32, #tpu.memory_space<vmem>> -> memref<1x2048xf32, #tpu.memory_space<vmem>>
    %dma_start3A_50 = tpu.memref_squeeze %dma_start3A_49 : memref<1x2048xf32, #tpu.memory_space<vmem>> -> memref<2048xf32, #tpu.memory_space<vmem>>
    tpu.enqueue_dma source(%dma_start3A_50 : memref<2048xf32, #tpu.memory_space<vmem>>) target(%dma_start3A_47 : memref<2048xf32, #tpu.memory_space<hbm>>) target_semaphore(%arg8 : memref<!tpu.dma_semaphore, #tpu.memory_space<semaphore_mem>>)
    %dma_start3A_51 = arith.constant 3 : i32
    %dma_start3A_52 = arith.constant 3 : i32
    %dma_start3A_53 = arith.constant 0 : i32
    %dma_start3A_54 = tpu.memref_slice %arg7[%dma_start3A_51, %dma_start3A_53] : memref<7x2048xf32, #tpu.memory_space<vmem>> -> memref<1x2048xf32, #tpu.memory_space<vmem>>
    %dma_start3A_55 = tpu.memref_squeeze %dma_start3A_54 : memref<1x2048xf32, #tpu.memory_space<vmem>> -> memref<2048xf32, #tpu.memory_space<vmem>>
    %dma_start3A_56 = tpu.memref_slice %arg4[%dma_start3A_52, %add3A_15] : memref<7x262144xf32, #tpu.memory_space<hbm>> -> memref<1x2048xf32, #tpu.memory_space<hbm>>
    %dma_start3A_57 = tpu.memref_squeeze %dma_start3A_56 : memref<1x2048xf32, #tpu.memory_space<hbm>> -> memref<2048xf32, #tpu.memory_space<hbm>>
    %dma_start3A_58 = tpu.memref_slice %arg4[%dma_start3A_52, %add3A_15] : memref<7x262144xf32, #tpu.memory_space<hbm>> -> memref<1x2048xf32, #tpu.memory_space<hbm>>
    %dma_start3A_59 = tpu.memref_squeeze %dma_start3A_58 : memref<1x2048xf32, #tpu.memory_space<hbm>> -> memref<2048xf32, #tpu.memory_space<hbm>>
    %dma_start3A_60 = arith.constant 0 : i32
    %dma_start3A_61 = tpu.memref_slice %arg7[%dma_start3A_51, %dma_start3A_60] : memref<7x2048xf32, #tpu.memory_space<vmem>> -> memref<1x2048xf32, #tpu.memory_space<vmem>>
    %dma_start3A_62 = tpu.memref_squeeze %dma_start3A_61 : memref<1x2048xf32, #tpu.memory_space<vmem>> -> memref<2048xf32, #tpu.memory_space<vmem>>
    tpu.enqueue_dma source(%dma_start3A_62 : memref<2048xf32, #tpu.memory_space<vmem>>) target(%dma_start3A_59 : memref<2048xf32, #tpu.memory_space<hbm>>) target_semaphore(%arg8 : memref<!tpu.dma_semaphore, #tpu.memory_space<semaphore_mem>>)
    %dma_start3A_63 = arith.constant 4 : i32
    %dma_start3A_64 = arith.constant 4 : i32
    %dma_start3A_65 = arith.constant 0 : i32
    %dma_start3A_66 = tpu.memref_slice %arg7[%dma_start3A_63, %dma_start3A_65] : memref<7x2048xf32, #tpu.memory_space<vmem>> -> memref<1x2048xf32, #tpu.memory_space<vmem>>
    %dma_start3A_67 = tpu.memref_squeeze %dma_start3A_66 : memref<1x2048xf32, #tpu.memory_space<vmem>> -> memref<2048xf32, #tpu.memory_space<vmem>>
    %dma_start3A_68 = tpu.memref_slice %arg4[%dma_start3A_64, %add3A_15] : memref<7x262144xf32, #tpu.memory_space<hbm>> -> memref<1x2048xf32, #tpu.memory_space<hbm>>
    %dma_start3A_69 = tpu.memref_squeeze %dma_start3A_68 : memref<1x2048xf32, #tpu.memory_space<hbm>> -> memref<2048xf32, #tpu.memory_space<hbm>>
    %dma_start3A_70 = tpu.memref_slice %arg4[%dma_start3A_64, %add3A_15] : memref<7x262144xf32, #tpu.memory_space<hbm>> -> memref<1x2048xf32, #tpu.memory_space<hbm>>
    %dma_start3A_71 = tpu.memref_squeeze %dma_start3A_70 : memref<1x2048xf32, #tpu.memory_space<hbm>> -> memref<2048xf32, #tpu.memory_space<hbm>>
    %dma_start3A_72 = arith.constant 0 : i32
    %dma_start3A_73 = tpu.memref_slice %arg7[%dma_start3A_63, %dma_start3A_72] : memref<7x2048xf32, #tpu.memory_space<vmem>> -> memref<1x2048xf32, #tpu.memory_space<vmem>>
    %dma_start3A_74 = tpu.memref_squeeze %dma_start3A_73 : memref<1x2048xf32, #tpu.memory_space<vmem>> -> memref<2048xf32, #tpu.memory_space<vmem>>
    tpu.enqueue_dma source(%dma_start3A_74 : memref<2048xf32, #tpu.memory_space<vmem>>) target(%dma_start3A_71 : memref<2048xf32, #tpu.memory_space<hbm>>) target_semaphore(%arg8 : memref<!tpu.dma_semaphore, #tpu.memory_space<semaphore_mem>>)
    %dma_start3A_75 = arith.constant 5 : i32
    %dma_start3A_76 = arith.constant 5 : i32
    %dma_start3A_77 = arith.constant 0 : i32
    %dma_start3A_78 = tpu.memref_slice %arg7[%dma_start3A_75, %dma_start3A_77] : memref<7x2048xf32, #tpu.memory_space<vmem>> -> memref<1x2048xf32, #tpu.memory_space<vmem>>
    %dma_start3A_79 = tpu.memref_squeeze %dma_start3A_78 : memref<1x2048xf32, #tpu.memory_space<vmem>> -> memref<2048xf32, #tpu.memory_space<vmem>>
    %dma_start3A_80 = tpu.memref_slice %arg4[%dma_start3A_76, %add3A_15] : memref<7x262144xf32, #tpu.memory_space<hbm>> -> memref<1x2048xf32, #tpu.memory_space<hbm>>
    %dma_start3A_81 = tpu.memref_squeeze %dma_start3A_80 : memref<1x2048xf32, #tpu.memory_space<hbm>> -> memref<2048xf32, #tpu.memory_space<hbm>>
    %dma_start3A_82 = tpu.memref_slice %arg4[%dma_start3A_76, %add3A_15] : memref<7x262144xf32, #tpu.memory_space<hbm>> -> memref<1x2048xf32, #tpu.memory_space<hbm>>
    %dma_start3A_83 = tpu.memref_squeeze %dma_start3A_82 : memref<1x2048xf32, #tpu.memory_space<hbm>> -> memref<2048xf32, #tpu.memory_space<hbm>>
    %dma_start3A_84 = arith.constant 0 : i32
    %dma_start3A_85 = tpu.memref_slice %arg7[%dma_start3A_75, %dma_start3A_84] : memref<7x2048xf32, #tpu.memory_space<vmem>> -> memref<1x2048xf32, #tpu.memory_space<vmem>>
    %dma_start3A_86 = tpu.memref_squeeze %dma_start3A_85 : memref<1x2048xf32, #tpu.memory_space<vmem>> -> memref<2048xf32, #tpu.memory_space<vmem>>
    tpu.enqueue_dma source(%dma_start3A_86 : memref<2048xf32, #tpu.memory_space<vmem>>) target(%dma_start3A_83 : memref<2048xf32, #tpu.memory_space<hbm>>) target_semaphore(%arg8 : memref<!tpu.dma_semaphore, #tpu.memory_space<semaphore_mem>>)
    %dma_start3A_87 = arith.constant 6 : i32
    %dma_start3A_88 = arith.constant 6 : i32
    %dma_start3A_89 = arith.constant 0 : i32
    %dma_start3A_90 = tpu.memref_slice %arg7[%dma_start3A_87, %dma_start3A_89] : memref<7x2048xf32, #tpu.memory_space<vmem>> -> memref<1x2048xf32, #tpu.memory_space<vmem>>
    %dma_start3A_91 = tpu.memref_squeeze %dma_start3A_90 : memref<1x2048xf32, #tpu.memory_space<vmem>> -> memref<2048xf32, #tpu.memory_space<vmem>>
    %dma_start3A_92 = tpu.memref_slice %arg4[%dma_start3A_88, %add3A_15] : memref<7x262144xf32, #tpu.memory_space<hbm>> -> memref<1x2048xf32, #tpu.memory_space<hbm>>
    %dma_start3A_93 = tpu.memref_squeeze %dma_start3A_92 : memref<1x2048xf32, #tpu.memory_space<hbm>> -> memref<2048xf32, #tpu.memory_space<hbm>>
    %dma_start3A_94 = tpu.memref_slice %arg4[%dma_start3A_88, %add3A_15] : memref<7x262144xf32, #tpu.memory_space<hbm>> -> memref<1x2048xf32, #tpu.memory_space<hbm>>
    %dma_start3A_95 = tpu.memref_squeeze %dma_start3A_94 : memref<1x2048xf32, #tpu.memory_space<hbm>> -> memref<2048xf32, #tpu.memory_space<hbm>>
    %dma_start3A_96 = arith.constant 0 : i32
    %dma_start3A_97 = tpu.memref_slice %arg7[%dma_start3A_87, %dma_start3A_96] : memref<7x2048xf32, #tpu.memory_space<vmem>> -> memref<1x2048xf32, #tpu.memory_space<vmem>>
    %dma_start3A_98 = tpu.memref_squeeze %dma_start3A_97 : memref<1x2048xf32, #tpu.memory_space<vmem>> -> memref<2048xf32, #tpu.memory_space<vmem>>
    tpu.enqueue_dma source(%dma_start3A_98 : memref<2048xf32, #tpu.memory_space<vmem>>) target(%dma_start3A_95 : memref<2048xf32, #tpu.memory_space<hbm>>) target_semaphore(%arg8 : memref<!tpu.dma_semaphore, #tpu.memory_space<semaphore_mem>>)
    %dma_wait3A = arith.constant 0 : i32
    %dma_wait3A_99 = arith.constant 0 : i32
    %dma_wait3A_100 = arith.constant 0 : i32
    %dma_wait3A_101 = tpu.memref_slice %arg7[%dma_wait3A, %dma_wait3A_100] : memref<7x2048xf32, #tpu.memory_space<vmem>> -> memref<1x2048xf32, #tpu.memory_space<vmem>>
    %dma_wait3A_102 = tpu.memref_squeeze %dma_wait3A_101 : memref<1x2048xf32, #tpu.memory_space<vmem>> -> memref<2048xf32, #tpu.memory_space<vmem>>
    %dma_wait3A_103 = tpu.memref_slice %arg4[%dma_wait3A_99, %add3A_15] : memref<7x262144xf32, #tpu.memory_space<hbm>> -> memref<1x2048xf32, #tpu.memory_space<hbm>>
    %dma_wait3A_104 = tpu.memref_squeeze %dma_wait3A_103 : memref<1x2048xf32, #tpu.memory_space<hbm>> -> memref<2048xf32, #tpu.memory_space<hbm>>
    %dma_wait3A_105 = tpu.memref_slice %arg4[%dma_wait3A_99, %add3A_15] : memref<7x262144xf32, #tpu.memory_space<hbm>> -> memref<1x2048xf32, #tpu.memory_space<hbm>>
    %dma_wait3A_106 = tpu.memref_squeeze %dma_wait3A_105 : memref<1x2048xf32, #tpu.memory_space<hbm>> -> memref<2048xf32, #tpu.memory_space<hbm>>
    %dma_wait3A_107 = arith.constant 0 : i32
    %dma_wait3A_108 = tpu.memref_slice %arg7[%dma_wait3A, %dma_wait3A_107] : memref<7x2048xf32, #tpu.memory_space<vmem>> -> memref<1x2048xf32, #tpu.memory_space<vmem>>
    %dma_wait3A_109 = tpu.memref_squeeze %dma_wait3A_108 : memref<1x2048xf32, #tpu.memory_space<vmem>> -> memref<2048xf32, #tpu.memory_space<vmem>>
    tpu.wait_dma2 semaphore(%arg8 : memref<!tpu.dma_semaphore, #tpu.memory_space<semaphore_mem>>) src(%dma_wait3A_109 : memref<2048xf32, #tpu.memory_space<vmem>>) dst(%dma_wait3A_106 : memref<2048xf32, #tpu.memory_space<hbm>>)
    %dma_wait3A_110 = arith.constant 1 : i32
    %dma_wait3A_111 = arith.constant 1 : i32
    %dma_wait3A_112 = arith.constant 0 : i32
    %dma_wait3A_113 = tpu.memref_slice %arg7[%dma_wait3A_110, %dma_wait3A_112] : memref<7x2048xf32, #tpu.memory_space<vmem>> -> memref<1x2048xf32, #tpu.memory_space<vmem>>
    %dma_wait3A_114 = tpu.memref_squeeze %dma_wait3A_113 : memref<1x2048xf32, #tpu.memory_space<vmem>> -> memref<2048xf32, #tpu.memory_space<vmem>>
    %dma_wait3A_115 = tpu.memref_slice %arg4[%dma_wait3A_111, %add3A_15] : memref<7x262144xf32, #tpu.memory_space<hbm>> -> memref<1x2048xf32, #tpu.memory_space<hbm>>
    %dma_wait3A_116 = tpu.memref_squeeze %dma_wait3A_115 : memref<1x2048xf32, #tpu.memory_space<hbm>> -> memref<2048xf32, #tpu.memory_space<hbm>>
    %dma_wait3A_117 = tpu.memref_slice %arg4[%dma_wait3A_111, %add3A_15] : memref<7x262144xf32, #tpu.memory_space<hbm>> -> memref<1x2048xf32, #tpu.memory_space<hbm>>
    %dma_wait3A_118 = tpu.memref_squeeze %dma_wait3A_117 : memref<1x2048xf32, #tpu.memory_space<hbm>> -> memref<2048xf32, #tpu.memory_space<hbm>>
    %dma_wait3A_119 = arith.constant 0 : i32
    %dma_wait3A_120 = tpu.memref_slice %arg7[%dma_wait3A_110, %dma_wait3A_119] : memref<7x2048xf32, #tpu.memory_space<vmem>> -> memref<1x2048xf32, #tpu.memory_space<vmem>>
    %dma_wait3A_121 = tpu.memref_squeeze %dma_wait3A_120 : memref<1x2048xf32, #tpu.memory_space<vmem>> -> memref<2048xf32, #tpu.memory_space<vmem>>
    tpu.wait_dma2 semaphore(%arg8 : memref<!tpu.dma_semaphore, #tpu.memory_space<semaphore_mem>>) src(%dma_wait3A_121 : memref<2048xf32, #tpu.memory_space<vmem>>) dst(%dma_wait3A_118 : memref<2048xf32, #tpu.memory_space<hbm>>)
    %dma_wait3A_122 = arith.constant 2 : i32
    %dma_wait3A_123 = arith.constant 2 : i32
    %dma_wait3A_124 = arith.constant 0 : i32
    %dma_wait3A_125 = tpu.memref_slice %arg7[%dma_wait3A_122, %dma_wait3A_124] : memref<7x2048xf32, #tpu.memory_space<vmem>> -> memref<1x2048xf32, #tpu.memory_space<vmem>>
    %dma_wait3A_126 = tpu.memref_squeeze %dma_wait3A_125 : memref<1x2048xf32, #tpu.memory_space<vmem>> -> memref<2048xf32, #tpu.memory_space<vmem>>
    %dma_wait3A_127 = tpu.memref_slice %arg4[%dma_wait3A_123, %add3A_15] : memref<7x262144xf32, #tpu.memory_space<hbm>> -> memref<1x2048xf32, #tpu.memory_space<hbm>>
    %dma_wait3A_128 = tpu.memref_squeeze %dma_wait3A_127 : memref<1x2048xf32, #tpu.memory_space<hbm>> -> memref<2048xf32, #tpu.memory_space<hbm>>
    %dma_wait3A_129 = tpu.memref_slice %arg4[%dma_wait3A_123, %add3A_15] : memref<7x262144xf32, #tpu.memory_space<hbm>> -> memref<1x2048xf32, #tpu.memory_space<hbm>>
    %dma_wait3A_130 = tpu.memref_squeeze %dma_wait3A_129 : memref<1x2048xf32, #tpu.memory_space<hbm>> -> memref<2048xf32, #tpu.memory_space<hbm>>
    %dma_wait3A_131 = arith.constant 0 : i32
    %dma_wait3A_132 = tpu.memref_slice %arg7[%dma_wait3A_122, %dma_wait3A_131] : memref<7x2048xf32, #tpu.memory_space<vmem>> -> memref<1x2048xf32, #tpu.memory_space<vmem>>
    %dma_wait3A_133 = tpu.memref_squeeze %dma_wait3A_132 : memref<1x2048xf32, #tpu.memory_space<vmem>> -> memref<2048xf32, #tpu.memory_space<vmem>>
    tpu.wait_dma2 semaphore(%arg8 : memref<!tpu.dma_semaphore, #tpu.memory_space<semaphore_mem>>) src(%dma_wait3A_133 : memref<2048xf32, #tpu.memory_space<vmem>>) dst(%dma_wait3A_130 : memref<2048xf32, #tpu.memory_space<hbm>>)
    %dma_wait3A_134 = arith.constant 3 : i32
    %dma_wait3A_135 = arith.constant 3 : i32
    %dma_wait3A_136 = arith.constant 0 : i32
    %dma_wait3A_137 = tpu.memref_slice %arg7[%dma_wait3A_134, %dma_wait3A_136] : memref<7x2048xf32, #tpu.memory_space<vmem>> -> memref<1x2048xf32, #tpu.memory_space<vmem>>
    %dma_wait3A_138 = tpu.memref_squeeze %dma_wait3A_137 : memref<1x2048xf32, #tpu.memory_space<vmem>> -> memref<2048xf32, #tpu.memory_space<vmem>>
    %dma_wait3A_139 = tpu.memref_slice %arg4[%dma_wait3A_135, %add3A_15] : memref<7x262144xf32, #tpu.memory_space<hbm>> -> memref<1x2048xf32, #tpu.memory_space<hbm>>
    %dma_wait3A_140 = tpu.memref_squeeze %dma_wait3A_139 : memref<1x2048xf32, #tpu.memory_space<hbm>> -> memref<2048xf32, #tpu.memory_space<hbm>>
    %dma_wait3A_141 = tpu.memref_slice %arg4[%dma_wait3A_135, %add3A_15] : memref<7x262144xf32, #tpu.memory_space<hbm>> -> memref<1x2048xf32, #tpu.memory_space<hbm>>
    %dma_wait3A_142 = tpu.memref_squeeze %dma_wait3A_141 : memref<1x2048xf32, #tpu.memory_space<hbm>> -> memref<2048xf32, #tpu.memory_space<hbm>>
    %dma_wait3A_143 = arith.constant 0 : i32
    %dma_wait3A_144 = tpu.memref_slice %arg7[%dma_wait3A_134, %dma_wait3A_143] : memref<7x2048xf32, #tpu.memory_space<vmem>> -> memref<1x2048xf32, #tpu.memory_space<vmem>>
    %dma_wait3A_145 = tpu.memref_squeeze %dma_wait3A_144 : memref<1x2048xf32, #tpu.memory_space<vmem>> -> memref<2048xf32, #tpu.memory_space<vmem>>
    tpu.wait_dma2 semaphore(%arg8 : memref<!tpu.dma_semaphore, #tpu.memory_space<semaphore_mem>>) src(%dma_wait3A_145 : memref<2048xf32, #tpu.memory_space<vmem>>) dst(%dma_wait3A_142 : memref<2048xf32, #tpu.memory_space<hbm>>)
    %dma_wait3A_146 = arith.constant 4 : i32
    %dma_wait3A_147 = arith.constant 4 : i32
    %dma_wait3A_148 = arith.constant 0 : i32
    %dma_wait3A_149 = tpu.memref_slice %arg7[%dma_wait3A_146, %dma_wait3A_148] : memref<7x2048xf32, #tpu.memory_space<vmem>> -> memref<1x2048xf32, #tpu.memory_space<vmem>>
    %dma_wait3A_150 = tpu.memref_squeeze %dma_wait3A_149 : memref<1x2048xf32, #tpu.memory_space<vmem>> -> memref<2048xf32, #tpu.memory_space<vmem>>
    %dma_wait3A_151 = tpu.memref_slice %arg4[%dma_wait3A_147, %add3A_15] : memref<7x262144xf32, #tpu.memory_space<hbm>> -> memref<1x2048xf32, #tpu.memory_space<hbm>>
    %dma_wait3A_152 = tpu.memref_squeeze %dma_wait3A_151 : memref<1x2048xf32, #tpu.memory_space<hbm>> -> memref<2048xf32, #tpu.memory_space<hbm>>
    %dma_wait3A_153 = tpu.memref_slice %arg4[%dma_wait3A_147, %add3A_15] : memref<7x262144xf32, #tpu.memory_space<hbm>> -> memref<1x2048xf32, #tpu.memory_space<hbm>>
    %dma_wait3A_154 = tpu.memref_squeeze %dma_wait3A_153 : memref<1x2048xf32, #tpu.memory_space<hbm>> -> memref<2048xf32, #tpu.memory_space<hbm>>
    %dma_wait3A_155 = arith.constant 0 : i32
    %dma_wait3A_156 = tpu.memref_slice %arg7[%dma_wait3A_146, %dma_wait3A_155] : memref<7x2048xf32, #tpu.memory_space<vmem>> -> memref<1x2048xf32, #tpu.memory_space<vmem>>
    %dma_wait3A_157 = tpu.memref_squeeze %dma_wait3A_156 : memref<1x2048xf32, #tpu.memory_space<vmem>> -> memref<2048xf32, #tpu.memory_space<vmem>>
    tpu.wait_dma2 semaphore(%arg8 : memref<!tpu.dma_semaphore, #tpu.memory_space<semaphore_mem>>) src(%dma_wait3A_157 : memref<2048xf32, #tpu.memory_space<vmem>>) dst(%dma_wait3A_154 : memref<2048xf32, #tpu.memory_space<hbm>>)
    %dma_wait3A_158 = arith.constant 5 : i32
    %dma_wait3A_159 = arith.constant 5 : i32
    %dma_wait3A_160 = arith.constant 0 : i32
    %dma_wait3A_161 = tpu.memref_slice %arg7[%dma_wait3A_158, %dma_wait3A_160] : memref<7x2048xf32, #tpu.memory_space<vmem>> -> memref<1x2048xf32, #tpu.memory_space<vmem>>
    %dma_wait3A_162 = tpu.memref_squeeze %dma_wait3A_161 : memref<1x2048xf32, #tpu.memory_space<vmem>> -> memref<2048xf32, #tpu.memory_space<vmem>>
    %dma_wait3A_163 = tpu.memref_slice %arg4[%dma_wait3A_159, %add3A_15] : memref<7x262144xf32, #tpu.memory_space<hbm>> -> memref<1x2048xf32, #tpu.memory_space<hbm>>
    %dma_wait3A_164 = tpu.memref_squeeze %dma_wait3A_163 : memref<1x2048xf32, #tpu.memory_space<hbm>> -> memref<2048xf32, #tpu.memory_space<hbm>>
    %dma_wait3A_165 = tpu.memref_slice %arg4[%dma_wait3A_159, %add3A_15] : memref<7x262144xf32, #tpu.memory_space<hbm>> -> memref<1x2048xf32, #tpu.memory_space<hbm>>
    %dma_wait3A_166 = tpu.memref_squeeze %dma_wait3A_165 : memref<1x2048xf32, #tpu.memory_space<hbm>> -> memref<2048xf32, #tpu.memory_space<hbm>>
    %dma_wait3A_167 = arith.constant 0 : i32
    %dma_wait3A_168 = tpu.memref_slice %arg7[%dma_wait3A_158, %dma_wait3A_167] : memref<7x2048xf32, #tpu.memory_space<vmem>> -> memref<1x2048xf32, #tpu.memory_space<vmem>>
    %dma_wait3A_169 = tpu.memref_squeeze %dma_wait3A_168 : memref<1x2048xf32, #tpu.memory_space<vmem>> -> memref<2048xf32, #tpu.memory_space<vmem>>
    tpu.wait_dma2 semaphore(%arg8 : memref<!tpu.dma_semaphore, #tpu.memory_space<semaphore_mem>>) src(%dma_wait3A_169 : memref<2048xf32, #tpu.memory_space<vmem>>) dst(%dma_wait3A_166 : memref<2048xf32, #tpu.memory_space<hbm>>)
    %dma_wait3A_170 = arith.constant 6 : i32
    %dma_wait3A_171 = arith.constant 6 : i32
    %dma_wait3A_172 = arith.constant 0 : i32
    %dma_wait3A_173 = tpu.memref_slice %arg7[%dma_wait3A_170, %dma_wait3A_172] : memref<7x2048xf32, #tpu.memory_space<vmem>> -> memref<1x2048xf32, #tpu.memory_space<vmem>>
    %dma_wait3A_174 = tpu.memref_squeeze %dma_wait3A_173 : memref<1x2048xf32, #tpu.memory_space<vmem>> -> memref<2048xf32, #tpu.memory_space<vmem>>
    %dma_wait3A_175 = tpu.memref_slice %arg4[%dma_wait3A_171, %add3A_15] : memref<7x262144xf32, #tpu.memory_space<hbm>> -> memref<1x2048xf32, #tpu.memory_space<hbm>>
    %dma_wait3A_176 = tpu.memref_squeeze %dma_wait3A_175 : memref<1x2048xf32, #tpu.memory_space<hbm>> -> memref<2048xf32, #tpu.memory_space<hbm>>
    %dma_wait3A_177 = tpu.memref_slice %arg4[%dma_wait3A_171, %add3A_15] : memref<7x262144xf32, #tpu.memory_space<hbm>> -> memref<1x2048xf32, #tpu.memory_space<hbm>>
    %dma_wait3A_178 = tpu.memref_squeeze %dma_wait3A_177 : memref<1x2048xf32, #tpu.memory_space<hbm>> -> memref<2048xf32, #tpu.memory_space<hbm>>
    %dma_wait3A_179 = arith.constant 0 : i32
    %dma_wait3A_180 = tpu.memref_slice %arg7[%dma_wait3A_170, %dma_wait3A_179] : memref<7x2048xf32, #tpu.memory_space<vmem>> -> memref<1x2048xf32, #tpu.memory_space<vmem>>
    %dma_wait3A_181 = tpu.memref_squeeze %dma_wait3A_180 : memref<1x2048xf32, #tpu.memory_space<vmem>> -> memref<2048xf32, #tpu.memory_space<vmem>>
    tpu.wait_dma2 semaphore(%arg8 : memref<!tpu.dma_semaphore, #tpu.memory_space<semaphore_mem>>) src(%dma_wait3A_181 : memref<2048xf32, #tpu.memory_space<vmem>>) dst(%dma_wait3A_178 : memref<2048xf32, #tpu.memory_space<hbm>>)
    %scan3A_182 = arith.constant 0 : i32
    %scan3A_183 = arith.constant 0 : i32
    %scan3A_184 = arith.constant 4 : i32
    %scan3A_185 = arith.addi %scan3A_183, %scan3A_184 : i32
    %scan3A_186 = arith.constant 1 : i32
    scf.for %scan3A_734 = %scan3A_183 to %scan3A_185 step %scan3A_186  : i32 {
      %mul3A_735 = arith.constant 8 : i32
      %mul3A_736 = arith.muli %scan3A_734, %mul3A_735 : i32
      %add3A_737 = arith.constant 32 : i32
      %add3A_738 = arith.addi %add3A_737, %mul3A_736 : i32
      %add3A_739 = arith.constant 0 : i32
      %add3A_740 = arith.addi %add3A_738, %add3A_739 : i32
      %mul3A_741 = arith.constant 8 : i32
      %mul3A_742 = arith.muli %scan3A_734, %mul3A_741 : i32
      %add3A_743 = arith.constant 0 : i32
      %add3A_744 = arith.addi %mul3A_742, %add3A_743 : i32
      %mul3A_745 = arith.constant 128 : i32
      %mul3A_746 = arith.muli %add3A_744, %mul3A_745 : i32
      %dma_start3A_747 = arith.constant 0 : i32
      %dma_start3A_748 = tpu.memref_slice %arg6[%mul3A_746, %dma_start3A_747] : memref<4096x8xf32, #tpu.memory_space<vmem>> -> memref<128x8xf32, #tpu.memory_space<vmem>>
      %dma_start3A_749 = arith.constant 0 : i32
      %dma_start3A_750 = tpu.memref_slice %arg5[%add3A_740, %dma_start3A_749] : memref<128x128xi32, #tpu.memory_space<vmem>> -> memref<1x128xi32, #tpu.memory_space<vmem>>
      %dma_start3A_751 = tpu.memref_squeeze %dma_start3A_750 : memref<1x128xi32, #tpu.memory_space<vmem>> -> memref<128xi32, #tpu.memory_space<vmem>>
      %dma_start3A_752 = arith.constant 0 : i32
      %dma_start3A_753 = arith.constant 0 : i32
      %dma_start3A_754 = tpu.memref_slice %arg2[%dma_start3A_752, %dma_start3A_753] : memref<1000000x8xf32, #tpu.memory_space<hbm>> -> memref<1000000x8xf32, #tpu.memory_space<hbm>>
      tpu.enqueue_indirect_dma source(%dma_start3A_754 : memref<1000000x8xf32, #tpu.memory_space<hbm>>) target(%dma_start3A_748 : memref<128x8xf32, #tpu.memory_space<vmem>>) offsets(%dma_start3A_751 : memref<128xi32, #tpu.memory_space<vmem>>) semaphore(%arg8 : memref<!tpu.dma_semaphore, #tpu.memory_space<semaphore_mem>>)
      %mul3A_755 = arith.constant 8 : i32
      %mul3A_756 = arith.muli %scan3A_734, %mul3A_755 : i32
      %add3A_757 = arith.constant 32 : i32
      %add3A_758 = arith.addi %add3A_757, %mul3A_756 : i32
      %add3A_759 = arith.constant 1 : i32
      %add3A_760 = arith.addi %add3A_758, %add3A_759 : i32
      %mul3A_761 = arith.constant 8 : i32
      %mul3A_762 = arith.muli %scan3A_734, %mul3A_761 : i32
      %add3A_763 = arith.constant 1 : i32
      %add3A_764 = arith.addi %mul3A_762, %add3A_763 : i32
      %mul3A_765 = arith.constant 128 : i32
      %mul3A_766 = arith.muli %add3A_764, %mul3A_765 : i32
      %dma_start3A_767 = arith.constant 0 : i32
      %dma_start3A_768 = tpu.memref_slice %arg6[%mul3A_766, %dma_start3A_767] : memref<4096x8xf32, #tpu.memory_space<vmem>> -> memref<128x8xf32, #tpu.memory_space<vmem>>
      %dma_start3A_769 = arith.constant 0 : i32
      %dma_start3A_770 = tpu.memref_slice %arg5[%add3A_760, %dma_start3A_769] : memref<128x128xi32, #tpu.memory_space<vmem>> -> memref<1x128xi32, #tpu.memory_space<vmem>>
      %dma_start3A_771 = tpu.memref_squeeze %dma_start3A_770 : memref<1x128xi32, #tpu.memory_space<vmem>> -> memref<128xi32, #tpu.memory_space<vmem>>
      %dma_start3A_772 = arith.constant 0 : i32
      %dma_start3A_773 = arith.constant 0 : i32
      %dma_start3A_774 = tpu.memref_slice %arg2[%dma_start3A_772, %dma_start3A_773] : memref<1000000x8xf32, #tpu.memory_space<hbm>> -> memref<1000000x8xf32, #tpu.memory_space<hbm>>
      tpu.enqueue_indirect_dma source(%dma_start3A_774 : memref<1000000x8xf32, #tpu.memory_space<hbm>>) target(%dma_start3A_768 : memref<128x8xf32, #tpu.memory_space<vmem>>) offsets(%dma_start3A_771 : memref<128xi32, #tpu.memory_space<vmem>>) semaphore(%arg8 : memref<!tpu.dma_semaphore, #tpu.memory_space<semaphore_mem>>)
      %mul3A_775 = arith.constant 8 : i32
      %mul3A_776 = arith.muli %scan3A_734, %mul3A_775 : i32
      %add3A_777 = arith.constant 32 : i32
      %add3A_778 = arith.addi %add3A_777, %mul3A_776 : i32
      %add3A_779 = arith.constant 2 : i32
      %add3A_780 = arith.addi %add3A_778, %add3A_779 : i32
      %mul3A_781 = arith.constant 8 : i32
      %mul3A_782 = arith.muli %scan3A_734, %mul3A_781 : i32
      %add3A_783 = arith.constant 2 : i32
      %add3A_784 = arith.addi %mul3A_782, %add3A_783 : i32
      %mul3A_785 = arith.constant 128 : i32
      %mul3A_786 = arith.muli %add3A_784, %mul3A_785 : i32
      %dma_start3A_787 = arith.constant 0 : i32
      %dma_start3A_788 = tpu.memref_slice %arg6[%mul3A_786, %dma_start3A_787] : memref<4096x8xf32, #tpu.memory_space<vmem>> -> memref<128x8xf32, #tpu.memory_space<vmem>>
      %dma_start3A_789 = arith.constant 0 : i32
      %dma_start3A_790 = tpu.memref_slice %arg5[%add3A_780, %dma_start3A_789] : memref<128x128xi32, #tpu.memory_space<vmem>> -> memref<1x128xi32, #tpu.memory_space<vmem>>
      %dma_start3A_791 = tpu.memref_squeeze %dma_start3A_790 : memref<1x128xi32, #tpu.memory_space<vmem>> -> memref<128xi32, #tpu.memory_space<vmem>>
      %dma_start3A_792 = arith.constant 0 : i32
      %dma_start3A_793 = arith.constant 0 : i32
      %dma_start3A_794 = tpu.memref_slice %arg2[%dma_start3A_792, %dma_start3A_793] : memref<1000000x8xf32, #tpu.memory_space<hbm>> -> memref<1000000x8xf32, #tpu.memory_space<hbm>>
      tpu.enqueue_indirect_dma source(%dma_start3A_794 : memref<1000000x8xf32, #tpu.memory_space<hbm>>) target(%dma_start3A_788 : memref<128x8xf32, #tpu.memory_space<vmem>>) offsets(%dma_start3A_791 : memref<128xi32, #tpu.memory_space<vmem>>) semaphore(%arg8 : memref<!tpu.dma_semaphore, #tpu.memory_space<semaphore_mem>>)
      %mul3A_795 = arith.constant 8 : i32
      %mul3A_796 = arith.muli %scan3A_734, %mul3A_795 : i32
      %add3A_797 = arith.constant 32 : i32
      %add3A_798 = arith.addi %add3A_797, %mul3A_796 : i32
      %add3A_799 = arith.constant 3 : i32
      %add3A_800 = arith.addi %add3A_798, %add3A_799 : i32
      %mul3A_801 = arith.constant 8 : i32
      %mul3A_802 = arith.muli %scan3A_734, %mul3A_801 : i32
      %add3A_803 = arith.constant 3 : i32
      %add3A_804 = arith.addi %mul3A_802, %add3A_803 : i32
      %mul3A_805 = arith.constant 128 : i32
      %mul3A_806 = arith.muli %add3A_804, %mul3A_805 : i32
      %dma_start3A_807 = arith.constant 0 : i32
      %dma_start3A_808 = tpu.memref_slice %arg6[%mul3A_806, %dma_start3A_807] : memref<4096x8xf32, #tpu.memory_space<vmem>> -> memref<128x8xf32, #tpu.memory_space<vmem>>
      %dma_start3A_809 = arith.constant 0 : i32
      %dma_start3A_810 = tpu.memref_slice %arg5[%add3A_800, %dma_start3A_809] : memref<128x128xi32, #tpu.memory_space<vmem>> -> memref<1x128xi32, #tpu.memory_space<vmem>>
      %dma_start3A_811 = tpu.memref_squeeze %dma_start3A_810 : memref<1x128xi32, #tpu.memory_space<vmem>> -> memref<128xi32, #tpu.memory_space<vmem>>
      %dma_start3A_812 = arith.constant 0 : i32
      %dma_start3A_813 = arith.constant 0 : i32
      %dma_start3A_814 = tpu.memref_slice %arg2[%dma_start3A_812, %dma_start3A_813] : memref<1000000x8xf32, #tpu.memory_space<hbm>> -> memref<1000000x8xf32, #tpu.memory_space<hbm>>
      tpu.enqueue_indirect_dma source(%dma_start3A_814 : memref<1000000x8xf32, #tpu.memory_space<hbm>>) target(%dma_start3A_808 : memref<128x8xf32, #tpu.memory_space<vmem>>) offsets(%dma_start3A_811 : memref<128xi32, #tpu.memory_space<vmem>>) semaphore(%arg8 : memref<!tpu.dma_semaphore, #tpu.memory_space<semaphore_mem>>)
      %mul3A_815 = arith.constant 8 : i32
      %mul3A_816 = arith.muli %scan3A_734, %mul3A_815 : i32
      %add3A_817 = arith.constant 32 : i32
      %add3A_818 = arith.addi %add3A_817, %mul3A_816 : i32
      %add3A_819 = arith.constant 4 : i32
      %add3A_820 = arith.addi %add3A_818, %add3A_819 : i32
      %mul3A_821 = arith.constant 8 : i32
      %mul3A_822 = arith.muli %scan3A_734, %mul3A_821 : i32
      %add3A_823 = arith.constant 4 : i32
      %add3A_824 = arith.addi %mul3A_822, %add3A_823 : i32
      %mul3A_825 = arith.constant 128 : i32
      %mul3A_826 = arith.muli %add3A_824, %mul3A_825 : i32
      %dma_start3A_827 = arith.constant 0 : i32
      %dma_start3A_828 = tpu.memref_slice %arg6[%mul3A_826, %dma_start3A_827] : memref<4096x8xf32, #tpu.memory_space<vmem>> -> memref<128x8xf32, #tpu.memory_space<vmem>>
      %dma_start3A_829 = arith.constant 0 : i32
      %dma_start3A_830 = tpu.memref_slice %arg5[%add3A_820, %dma_start3A_829] : memref<128x128xi32, #tpu.memory_space<vmem>> -> memref<1x128xi32, #tpu.memory_space<vmem>>
      %dma_start3A_831 = tpu.memref_squeeze %dma_start3A_830 : memref<1x128xi32, #tpu.memory_space<vmem>> -> memref<128xi32, #tpu.memory_space<vmem>>
      %dma_start3A_832 = arith.constant 0 : i32
      %dma_start3A_833 = arith.constant 0 : i32
      %dma_start3A_834 = tpu.memref_slice %arg2[%dma_start3A_832, %dma_start3A_833] : memref<1000000x8xf32, #tpu.memory_space<hbm>> -> memref<1000000x8xf32, #tpu.memory_space<hbm>>
      tpu.enqueue_indirect_dma source(%dma_start3A_834 : memref<1000000x8xf32, #tpu.memory_space<hbm>>) target(%dma_start3A_828 : memref<128x8xf32, #tpu.memory_space<vmem>>) offsets(%dma_start3A_831 : memref<128xi32, #tpu.memory_space<vmem>>) semaphore(%arg8 : memref<!tpu.dma_semaphore, #tpu.memory_space<semaphore_mem>>)
      %mul3A_835 = arith.constant 8 : i32
      %mul3A_836 = arith.muli %scan3A_734, %mul3A_835 : i32
      %add3A_837 = arith.constant 32 : i32
      %add3A_838 = arith.addi %add3A_837, %mul3A_836 : i32
      %add3A_839 = arith.constant 5 : i32
      %add3A_840 = arith.addi %add3A_838, %add3A_839 : i32
      %mul3A_841 = arith.constant 8 : i32
      %mul3A_842 = arith.muli %scan3A_734, %mul3A_841 : i32
      %add3A_843 = arith.constant 5 : i32
      %add3A_844 = arith.addi %mul3A_842, %add3A_843 : i32
      %mul3A_845 = arith.constant 128 : i32
      %mul3A_846 = arith.muli %add3A_844, %mul3A_845 : i32
      %dma_start3A_847 = arith.constant 0 : i32
      %dma_start3A_848 = tpu.memref_slice %arg6[%mul3A_846, %dma_start3A_847] : memref<4096x8xf32, #tpu.memory_space<vmem>> -> memref<128x8xf32, #tpu.memory_space<vmem>>
      %dma_start3A_849 = arith.constant 0 : i32
      %dma_start3A_850 = tpu.memref_slice %arg5[%add3A_840, %dma_start3A_849] : memref<128x128xi32, #tpu.memory_space<vmem>> -> memref<1x128xi32, #tpu.memory_space<vmem>>
      %dma_start3A_851 = tpu.memref_squeeze %dma_start3A_850 : memref<1x128xi32, #tpu.memory_space<vmem>> -> memref<128xi32, #tpu.memory_space<vmem>>
      %dma_start3A_852 = arith.constant 0 : i32
      %dma_start3A_853 = arith.constant 0 : i32
      %dma_start3A_854 = tpu.memref_slice %arg2[%dma_start3A_852, %dma_start3A_853] : memref<1000000x8xf32, #tpu.memory_space<hbm>> -> memref<1000000x8xf32, #tpu.memory_space<hbm>>
      tpu.enqueue_indirect_dma source(%dma_start3A_854 : memref<1000000x8xf32, #tpu.memory_space<hbm>>) target(%dma_start3A_848 : memref<128x8xf32, #tpu.memory_space<vmem>>) offsets(%dma_start3A_851 : memref<128xi32, #tpu.memory_space<vmem>>) semaphore(%arg8 : memref<!tpu.dma_semaphore, #tpu.memory_space<semaphore_mem>>)
      %mul3A_855 = arith.constant 8 : i32
      %mul3A_856 = arith.muli %scan3A_734, %mul3A_855 : i32
      %add3A_857 = arith.constant 32 : i32
      %add3A_858 = arith.addi %add3A_857, %mul3A_856 : i32
      %add3A_859 = arith.constant 6 : i32
      %add3A_860 = arith.addi %add3A_858, %add3A_859 : i32
      %mul3A_861 = arith.constant 8 : i32
      %mul3A_862 = arith.muli %scan3A_734, %mul3A_861 : i32
      %add3A_863 = arith.constant 6 : i32
      %add3A_864 = arith.addi %mul3A_862, %add3A_863 : i32
      %mul3A_865 = arith.constant 128 : i32
      %mul3A_866 = arith.muli %add3A_864, %mul3A_865 : i32
      %dma_start3A_867 = arith.constant 0 : i32
      %dma_start3A_868 = tpu.memref_slice %arg6[%mul3A_866, %dma_start3A_867] : memref<4096x8xf32, #tpu.memory_space<vmem>> -> memref<128x8xf32, #tpu.memory_space<vmem>>
      %dma_start3A_869 = arith.constant 0 : i32
      %dma_start3A_870 = tpu.memref_slice %arg5[%add3A_860, %dma_start3A_869] : memref<128x128xi32, #tpu.memory_space<vmem>> -> memref<1x128xi32, #tpu.memory_space<vmem>>
      %dma_start3A_871 = tpu.memref_squeeze %dma_start3A_870 : memref<1x128xi32, #tpu.memory_space<vmem>> -> memref<128xi32, #tpu.memory_space<vmem>>
      %dma_start3A_872 = arith.constant 0 : i32
      %dma_start3A_873 = arith.constant 0 : i32
      %dma_start3A_874 = tpu.memref_slice %arg2[%dma_start3A_872, %dma_start3A_873] : memref<1000000x8xf32, #tpu.memory_space<hbm>> -> memref<1000000x8xf32, #tpu.memory_space<hbm>>
      tpu.enqueue_indirect_dma source(%dma_start3A_874 : memref<1000000x8xf32, #tpu.memory_space<hbm>>) target(%dma_start3A_868 : memref<128x8xf32, #tpu.memory_space<vmem>>) offsets(%dma_start3A_871 : memref<128xi32, #tpu.memory_space<vmem>>) semaphore(%arg8 : memref<!tpu.dma_semaphore, #tpu.memory_space<semaphore_mem>>)
      %mul3A_875 = arith.constant 8 : i32
      %mul3A_876 = arith.muli %scan3A_734, %mul3A_875 : i32
      %add3A_877 = arith.constant 32 : i32
      %add3A_878 = arith.addi %add3A_877, %mul3A_876 : i32
      %add3A_879 = arith.constant 7 : i32
      %add3A_880 = arith.addi %add3A_878, %add3A_879 : i32
      %mul3A_881 = arith.constant 8 : i32
      %mul3A_882 = arith.muli %scan3A_734, %mul3A_881 : i32
      %add3A_883 = arith.constant 7 : i32
      %add3A_884 = arith.addi %mul3A_882, %add3A_883 : i32
      %mul3A_885 = arith.constant 128 : i32
      %mul3A_886 = arith.muli %add3A_884, %mul3A_885 : i32
      %dma_start3A_887 = arith.constant 0 : i32
      %dma_start3A_888 = tpu.memref_slice %arg6[%mul3A_886, %dma_start3A_887] : memref<4096x8xf32, #tpu.memory_space<vmem>> -> memref<128x8xf32, #tpu.memory_space<vmem>>
      %dma_start3A_889 = arith.constant 0 : i32
      %dma_start3A_890 = tpu.memref_slice %arg5[%add3A_880, %dma_start3A_889] : memref<128x128xi32, #tpu.memory_space<vmem>> -> memref<1x128xi32, #tpu.memory_space<vmem>>
      %dma_start3A_891 = tpu.memref_squeeze %dma_start3A_890 : memref<1x128xi32, #tpu.memory_space<vmem>> -> memref<128xi32, #tpu.memory_space<vmem>>
      %dma_start3A_892 = arith.constant 0 : i32
      %dma_start3A_893 = arith.constant 0 : i32
      %dma_start3A_894 = tpu.memref_slice %arg2[%dma_start3A_892, %dma_start3A_893] : memref<1000000x8xf32, #tpu.memory_space<hbm>> -> memref<1000000x8xf32, #tpu.memory_space<hbm>>
      tpu.enqueue_indirect_dma source(%dma_start3A_894 : memref<1000000x8xf32, #tpu.memory_space<hbm>>) target(%dma_start3A_888 : memref<128x8xf32, #tpu.memory_space<vmem>>) offsets(%dma_start3A_891 : memref<128xi32, #tpu.memory_space<vmem>>) semaphore(%arg8 : memref<!tpu.dma_semaphore, #tpu.memory_space<semaphore_mem>>)
      %dma_wait3A_895 = arith.constant 0 : i32
      %dma_wait3A_896 = tpu.memref_slice %arg6[%mul3A_746, %dma_wait3A_895] : memref<4096x8xf32, #tpu.memory_space<vmem>> -> memref<128x8xf32, #tpu.memory_space<vmem>>
      %dma_wait3A_897 = arith.constant 0 : i32
      %dma_wait3A_898 = tpu.memref_slice %arg5[%add3A_740, %dma_wait3A_897] : memref<128x128xi32, #tpu.memory_space<vmem>> -> memref<1x128xi32, #tpu.memory_space<vmem>>
      %dma_wait3A_899 = tpu.memref_squeeze %dma_wait3A_898 : memref<1x128xi32, #tpu.memory_space<vmem>> -> memref<128xi32, #tpu.memory_space<vmem>>
      %dma_wait3A_900 = arith.constant 0 : i32
      %dma_wait3A_901 = arith.constant 0 : i32
      %dma_wait3A_902 = tpu.memref_slice %arg2[%dma_wait3A_900, %dma_wait3A_901] : memref<1000000x8xf32, #tpu.memory_space<hbm>> -> memref<1000000x8xf32, #tpu.memory_space<hbm>>
      tpu.wait_indirect_dma semaphore(%arg8 : memref<!tpu.dma_semaphore, #tpu.memory_space<semaphore_mem>>) src(%dma_wait3A_902 : memref<1000000x8xf32, #tpu.memory_space<hbm>>) dst(%dma_wait3A_896 : memref<128x8xf32, #tpu.memory_space<vmem>>)
      %dma_wait3A_903 = arith.constant 0 : i32
      %dma_wait3A_904 = tpu.memref_slice %arg6[%mul3A_766, %dma_wait3A_903] : memref<4096x8xf32, #tpu.memory_space<vmem>> -> memref<128x8xf32, #tpu.memory_space<vmem>>
      %dma_wait3A_905 = arith.constant 0 : i32
      %dma_wait3A_906 = tpu.memref_slice %arg5[%add3A_760, %dma_wait3A_905] : memref<128x128xi32, #tpu.memory_space<vmem>> -> memref<1x128xi32, #tpu.memory_space<vmem>>
      %dma_wait3A_907 = tpu.memref_squeeze %dma_wait3A_906 : memref<1x128xi32, #tpu.memory_space<vmem>> -> memref<128xi32, #tpu.memory_space<vmem>>
      %dma_wait3A_908 = arith.constant 0 : i32
      %dma_wait3A_909 = arith.constant 0 : i32
      %dma_wait3A_910 = tpu.memref_slice %arg2[%dma_wait3A_908, %dma_wait3A_909] : memref<1000000x8xf32, #tpu.memory_space<hbm>> -> memref<1000000x8xf32, #tpu.memory_space<hbm>>
      tpu.wait_indirect_dma semaphore(%arg8 : memref<!tpu.dma_semaphore, #tpu.memory_space<semaphore_mem>>) src(%dma_wait3A_910 : memref<1000000x8xf32, #tpu.memory_space<hbm>>) dst(%dma_wait3A_904 : memref<128x8xf32, #tpu.memory_space<vmem>>)
      %dma_wait3A_911 = arith.constant 0 : i32
      %dma_wait3A_912 = tpu.memref_slice %arg6[%mul3A_786, %dma_wait3A_911] : memref<4096x8xf32, #tpu.memory_space<vmem>> -> memref<128x8xf32, #tpu.memory_space<vmem>>
      %dma_wait3A_913 = arith.constant 0 : i32
      %dma_wait3A_914 = tpu.memref_slice %arg5[%add3A_780, %dma_wait3A_913] : memref<128x128xi32, #tpu.memory_space<vmem>> -> memref<1x128xi32, #tpu.memory_space<vmem>>
      %dma_wait3A_915 = tpu.memref_squeeze %dma_wait3A_914 : memref<1x128xi32, #tpu.memory_space<vmem>> -> memref<128xi32, #tpu.memory_space<vmem>>
      %dma_wait3A_916 = arith.constant 0 : i32
      %dma_wait3A_917 = arith.constant 0 : i32
      %dma_wait3A_918 = tpu.memref_slice %arg2[%dma_wait3A_916, %dma_wait3A_917] : memref<1000000x8xf32, #tpu.memory_space<hbm>> -> memref<1000000x8xf32, #tpu.memory_space<hbm>>
      tpu.wait_indirect_dma semaphore(%arg8 : memref<!tpu.dma_semaphore, #tpu.memory_space<semaphore_mem>>) src(%dma_wait3A_918 : memref<1000000x8xf32, #tpu.memory_space<hbm>>) dst(%dma_wait3A_912 : memref<128x8xf32, #tpu.memory_space<vmem>>)
      %dma_wait3A_919 = arith.constant 0 : i32
      %dma_wait3A_920 = tpu.memref_slice %arg6[%mul3A_806, %dma_wait3A_919] : memref<4096x8xf32, #tpu.memory_space<vmem>> -> memref<128x8xf32, #tpu.memory_space<vmem>>
      %dma_wait3A_921 = arith.constant 0 : i32
      %dma_wait3A_922 = tpu.memref_slice %arg5[%add3A_800, %dma_wait3A_921] : memref<128x128xi32, #tpu.memory_space<vmem>> -> memref<1x128xi32, #tpu.memory_space<vmem>>
      %dma_wait3A_923 = tpu.memref_squeeze %dma_wait3A_922 : memref<1x128xi32, #tpu.memory_space<vmem>> -> memref<128xi32, #tpu.memory_space<vmem>>
      %dma_wait3A_924 = arith.constant 0 : i32
      %dma_wait3A_925 = arith.constant 0 : i32
      %dma_wait3A_926 = tpu.memref_slice %arg2[%dma_wait3A_924, %dma_wait3A_925] : memref<1000000x8xf32, #tpu.memory_space<hbm>> -> memref<1000000x8xf32, #tpu.memory_space<hbm>>
      tpu.wait_indirect_dma semaphore(%arg8 : memref<!tpu.dma_semaphore, #tpu.memory_space<semaphore_mem>>) src(%dma_wait3A_926 : memref<1000000x8xf32, #tpu.memory_space<hbm>>) dst(%dma_wait3A_920 : memref<128x8xf32, #tpu.memory_space<vmem>>)
      %dma_wait3A_927 = arith.constant 0 : i32
      %dma_wait3A_928 = tpu.memref_slice %arg6[%mul3A_826, %dma_wait3A_927] : memref<4096x8xf32, #tpu.memory_space<vmem>> -> memref<128x8xf32, #tpu.memory_space<vmem>>
      %dma_wait3A_929 = arith.constant 0 : i32
      %dma_wait3A_930 = tpu.memref_slice %arg5[%add3A_820, %dma_wait3A_929] : memref<128x128xi32, #tpu.memory_space<vmem>> -> memref<1x128xi32, #tpu.memory_space<vmem>>
      %dma_wait3A_931 = tpu.memref_squeeze %dma_wait3A_930 : memref<1x128xi32, #tpu.memory_space<vmem>> -> memref<128xi32, #tpu.memory_space<vmem>>
      %dma_wait3A_932 = arith.constant 0 : i32
      %dma_wait3A_933 = arith.constant 0 : i32
      %dma_wait3A_934 = tpu.memref_slice %arg2[%dma_wait3A_932, %dma_wait3A_933] : memref<1000000x8xf32, #tpu.memory_space<hbm>> -> memref<1000000x8xf32, #tpu.memory_space<hbm>>
      tpu.wait_indirect_dma semaphore(%arg8 : memref<!tpu.dma_semaphore, #tpu.memory_space<semaphore_mem>>) src(%dma_wait3A_934 : memref<1000000x8xf32, #tpu.memory_space<hbm>>) dst(%dma_wait3A_928 : memref<128x8xf32, #tpu.memory_space<vmem>>)
      %dma_wait3A_935 = arith.constant 0 : i32
      %dma_wait3A_936 = tpu.memref_slice %arg6[%mul3A_846, %dma_wait3A_935] : memref<4096x8xf32, #tpu.memory_space<vmem>> -> memref<128x8xf32, #tpu.memory_space<vmem>>
      %dma_wait3A_937 = arith.constant 0 : i32
      %dma_wait3A_938 = tpu.memref_slice %arg5[%add3A_840, %dma_wait3A_937] : memref<128x128xi32, #tpu.memory_space<vmem>> -> memref<1x128xi32, #tpu.memory_space<vmem>>
      %dma_wait3A_939 = tpu.memref_squeeze %dma_wait3A_938 : memref<1x128xi32, #tpu.memory_space<vmem>> -> memref<128xi32, #tpu.memory_space<vmem>>
      %dma_wait3A_940 = arith.constant 0 : i32
      %dma_wait3A_941 = arith.constant 0 : i32
      %dma_wait3A_942 = tpu.memref_slice %arg2[%dma_wait3A_940, %dma_wait3A_941] : memref<1000000x8xf32, #tpu.memory_space<hbm>> -> memref<1000000x8xf32, #tpu.memory_space<hbm>>
      tpu.wait_indirect_dma semaphore(%arg8 : memref<!tpu.dma_semaphore, #tpu.memory_space<semaphore_mem>>) src(%dma_wait3A_942 : memref<1000000x8xf32, #tpu.memory_space<hbm>>) dst(%dma_wait3A_936 : memref<128x8xf32, #tpu.memory_space<vmem>>)
      %dma_wait3A_943 = arith.constant 0 : i32
      %dma_wait3A_944 = tpu.memref_slice %arg6[%mul3A_866, %dma_wait3A_943] : memref<4096x8xf32, #tpu.memory_space<vmem>> -> memref<128x8xf32, #tpu.memory_space<vmem>>
      %dma_wait3A_945 = arith.constant 0 : i32
      %dma_wait3A_946 = tpu.memref_slice %arg5[%add3A_860, %dma_wait3A_945] : memref<128x128xi32, #tpu.memory_space<vmem>> -> memref<1x128xi32, #tpu.memory_space<vmem>>
      %dma_wait3A_947 = tpu.memref_squeeze %dma_wait3A_946 : memref<1x128xi32, #tpu.memory_space<vmem>> -> memref<128xi32, #tpu.memory_space<vmem>>
      %dma_wait3A_948 = arith.constant 0 : i32
      %dma_wait3A_949 = arith.constant 0 : i32
      %dma_wait3A_950 = tpu.memref_slice %arg2[%dma_wait3A_948, %dma_wait3A_949] : memref<1000000x8xf32, #tpu.memory_space<hbm>> -> memref<1000000x8xf32, #tpu.memory_space<hbm>>
      tpu.wait_indirect_dma semaphore(%arg8 : memref<!tpu.dma_semaphore, #tpu.memory_space<semaphore_mem>>) src(%dma_wait3A_950 : memref<1000000x8xf32, #tpu.memory_space<hbm>>) dst(%dma_wait3A_944 : memref<128x8xf32, #tpu.memory_space<vmem>>)
      %dma_wait3A_951 = arith.constant 0 : i32
      %dma_wait3A_952 = tpu.memref_slice %arg6[%mul3A_886, %dma_wait3A_951] : memref<4096x8xf32, #tpu.memory_space<vmem>> -> memref<128x8xf32, #tpu.memory_space<vmem>>
      %dma_wait3A_953 = arith.constant 0 : i32
      %dma_wait3A_954 = tpu.memref_slice %arg5[%add3A_880, %dma_wait3A_953] : memref<128x128xi32, #tpu.memory_space<vmem>> -> memref<1x128xi32, #tpu.memory_space<vmem>>
      %dma_wait3A_955 = tpu.memref_squeeze %dma_wait3A_954 : memref<1x128xi32, #tpu.memory_space<vmem>> -> memref<128xi32, #tpu.memory_space<vmem>>
      %dma_wait3A_956 = arith.constant 0 : i32
      %dma_wait3A_957 = arith.constant 0 : i32
      %dma_wait3A_958 = tpu.memref_slice %arg2[%dma_wait3A_956, %dma_wait3A_957] : memref<1000000x8xf32, #tpu.memory_space<hbm>> -> memref<1000000x8xf32, #tpu.memory_space<hbm>>
      tpu.wait_indirect_dma semaphore(%arg8 : memref<!tpu.dma_semaphore, #tpu.memory_space<semaphore_mem>>) src(%dma_wait3A_958 : memref<1000000x8xf32, #tpu.memory_space<hbm>>) dst(%dma_wait3A_952 : memref<128x8xf32, #tpu.memory_space<vmem>>)
    }
    %scan3A_187 = arith.constant 4 : i32
    %scan3A_188 = arith.constant 0 : i32
    %scan3A_189 = arith.constant 0 : i32
    %scan3A_190 = arith.constant 128 : i32
    %scan3A_191 = arith.addi %scan3A_189, %scan3A_190 : i32
    %scan3A_192 = arith.constant 1 : i32
    scf.for %scan3A_734 = %scan3A_189 to %scan3A_191 step %scan3A_192  : i32 {
      %mul3A_735 = arith.constant 32 : i32
      %mul3A_736 = arith.muli %scan3A_734, %mul3A_735 : i32
      %mul3A_737 = arith.constant 2 : i32
      %mul3A_738 = vector.broadcast %mul3A_737 : i32 to vector<16xi32>
      %mul3A_739 = arith.muli %mul3A_738, %iota3A : vector<16xi32>
      %add3A_740 = vector.broadcast %mul3A_736 : i32 to vector<16xi32>
      %add3A_741 = arith.addi %add3A_740, %mul3A_739 : vector<16xi32>
      %add3A_742 = arith.constant 1 : i32
      %add3A_743 = vector.broadcast %add3A_742 : i32 to vector<16xi32>
      %add3A_744 = arith.addi %add3A_741, %add3A_743 : vector<16xi32>
      %broadcast_in_dim3A = arith.constant 0 : i32
      %broadcast_in_dim3A_745 = vector.broadcast %broadcast_in_dim3A : i32 to vector<16xi32>
      %gather3A = tpu.vector_load_idx %arg6[%add3A_741, %broadcast_in_dim3A_745] : memref<4096x8xf32, #tpu.memory_space<vmem>>[vector<16xi32>, vector<16xi32>], vector<16xf32>,
      %gather3A_746 = tpu.vector_load_idx %arg6[%add3A_744, %broadcast_in_dim3A_745] : memref<4096x8xf32, #tpu.memory_space<vmem>>[vector<16xi32>, vector<16xi32>], vector<16xf32>,
      %mul3A_747 = arith.mulf %gather3A, %gather3A_746 : vector<16xf32>
      %mul3A_748 = arith.constant 16 : i32
      %mul3A_749 = arith.muli %scan3A_734, %mul3A_748 : i32
      %swap3A = arith.constant 0 : i32
      %swap3A_750 = arith.index_cast %swap3A : i32 to index
      %swap3A_751 = arith.index_cast %mul3A_749 : i32 to index
      %swap3A_752 = tpu.vector_load %arg7[%swap3A_750, %swap3A_751] {strides = array<i32>} : memref<7x2048xf32, #tpu.memory_space<vmem>>, vector<16xf32>,
      tpu.vector_store %arg7[%swap3A_750, %swap3A_751], %mul3A_747 {strides = array<i32>} : memref<7x2048xf32, #tpu.memory_space<vmem>>, vector<16xf32>,
      %broadcast_in_dim3A_753 = arith.constant 1 : i32
      %broadcast_in_dim3A_754 = vector.broadcast %broadcast_in_dim3A_753 : i32 to vector<16xi32>
      %gather3A_755 = tpu.vector_load_idx %arg6[%add3A_741, %broadcast_in_dim3A_754] : memref<4096x8xf32, #tpu.memory_space<vmem>>[vector<16xi32>, vector<16xi32>], vector<16xf32>,
      %mul3A_756 = arith.constant 16 : i32
      %mul3A_757 = arith.muli %scan3A_734, %mul3A_756 : i32
      %swap3A_758 = arith.constant 1 : i32
      %swap3A_759 = arith.index_cast %swap3A_758 : i32 to index
      %swap3A_760 = arith.index_cast %mul3A_757 : i32 to index
      %swap3A_761 = tpu.vector_load %arg7[%swap3A_759, %swap3A_760] {strides = array<i32>} : memref<7x2048xf32, #tpu.memory_space<vmem>>, vector<16xf32>,
      tpu.vector_store %arg7[%swap3A_759, %swap3A_760], %gather3A_755 {strides = array<i32>} : memref<7x2048xf32, #tpu.memory_space<vmem>>, vector<16xf32>,
      %gather3A_762 = tpu.vector_load_idx %arg6[%add3A_744, %broadcast_in_dim3A_754] : memref<4096x8xf32, #tpu.memory_space<vmem>>[vector<16xi32>, vector<16xi32>], vector<16xf32>,
      %mul3A_763 = arith.constant 16 : i32
      %mul3A_764 = arith.muli %scan3A_734, %mul3A_763 : i32
      %swap3A_765 = arith.constant 4 : i32
      %swap3A_766 = arith.index_cast %swap3A_765 : i32 to index
      %swap3A_767 = arith.index_cast %mul3A_764 : i32 to index
      %swap3A_768 = tpu.vector_load %arg7[%swap3A_766, %swap3A_767] {strides = array<i32>} : memref<7x2048xf32, #tpu.memory_space<vmem>>, vector<16xf32>,
      tpu.vector_store %arg7[%swap3A_766, %swap3A_767], %gather3A_762 {strides = array<i32>} : memref<7x2048xf32, #tpu.memory_space<vmem>>, vector<16xf32>,
      %broadcast_in_dim3A_769 = arith.constant 2 : i32
      %broadcast_in_dim3A_770 = vector.broadcast %broadcast_in_dim3A_769 : i32 to vector<16xi32>
      %gather3A_771 = tpu.vector_load_idx %arg6[%add3A_741, %broadcast_in_dim3A_770] : memref<4096x8xf32, #tpu.memory_space<vmem>>[vector<16xi32>, vector<16xi32>], vector<16xf32>,
      %mul3A_772 = arith.constant 16 : i32
      %mul3A_773 = arith.muli %scan3A_734, %mul3A_772 : i32
      %swap3A_774 = arith.constant 2 : i32
      %swap3A_775 = arith.index_cast %swap3A_774 : i32 to index
      %swap3A_776 = arith.index_cast %mul3A_773 : i32 to index
      %swap3A_777 = tpu.vector_load %arg7[%swap3A_775, %swap3A_776] {strides = array<i32>} : memref<7x2048xf32, #tpu.memory_space<vmem>>, vector<16xf32>,
      tpu.vector_store %arg7[%swap3A_775, %swap3A_776], %gather3A_771 {strides = array<i32>} : memref<7x2048xf32, #tpu.memory_space<vmem>>, vector<16xf32>,
      %gather3A_778 = tpu.vector_load_idx %arg6[%add3A_744, %broadcast_in_dim3A_770] : memref<4096x8xf32, #tpu.memory_space<vmem>>[vector<16xi32>, vector<16xi32>], vector<16xf32>,
      %mul3A_779 = arith.constant 16 : i32
      %mul3A_780 = arith.muli %scan3A_734, %mul3A_779 : i32
      %swap3A_781 = arith.constant 5 : i32
      %swap3A_782 = arith.index_cast %swap3A_781 : i32 to index
      %swap3A_783 = arith.index_cast %mul3A_780 : i32 to index
      %swap3A_784 = tpu.vector_load %arg7[%swap3A_782, %swap3A_783] {strides = array<i32>} : memref<7x2048xf32, #tpu.memory_space<vmem>>, vector<16xf32>,
      tpu.vector_store %arg7[%swap3A_782, %swap3A_783], %gather3A_778 {strides = array<i32>} : memref<7x2048xf32, #tpu.memory_space<vmem>>, vector<16xf32>,
      %broadcast_in_dim3A_785 = arith.constant 3 : i32
      %broadcast_in_dim3A_786 = vector.broadcast %broadcast_in_dim3A_785 : i32 to vector<16xi32>
      %gather3A_787 = tpu.vector_load_idx %arg6[%add3A_741, %broadcast_in_dim3A_786] : memref<4096x8xf32, #tpu.memory_space<vmem>>[vector<16xi32>, vector<16xi32>], vector<16xf32>,
      %mul3A_788 = arith.constant 16 : i32
      %mul3A_789 = arith.muli %scan3A_734, %mul3A_788 : i32
      %swap3A_790 = arith.constant 3 : i32
      %swap3A_791 = arith.index_cast %swap3A_790 : i32 to index
      %swap3A_792 = arith.index_cast %mul3A_789 : i32 to index
      %swap3A_793 = tpu.vector_load %arg7[%swap3A_791, %swap3A_792] {strides = array<i32>} : memref<7x2048xf32, #tpu.memory_space<vmem>>, vector<16xf32>,
      tpu.vector_store %arg7[%swap3A_791, %swap3A_792], %gather3A_787 {strides = array<i32>} : memref<7x2048xf32, #tpu.memory_space<vmem>>, vector<16xf32>,
      %gather3A_794 = tpu.vector_load_idx %arg6[%add3A_744, %broadcast_in_dim3A_786] : memref<4096x8xf32, #tpu.memory_space<vmem>>[vector<16xi32>, vector<16xi32>], vector<16xf32>,
      %mul3A_795 = arith.constant 16 : i32
      %mul3A_796 = arith.muli %scan3A_734, %mul3A_795 : i32
      %swap3A_797 = arith.constant 6 : i32
      %swap3A_798 = arith.index_cast %swap3A_797 : i32 to index
      %swap3A_799 = arith.index_cast %mul3A_796 : i32 to index
      %swap3A_800 = tpu.vector_load %arg7[%swap3A_798, %swap3A_799] {strides = array<i32>} : memref<7x2048xf32, #tpu.memory_space<vmem>>, vector<16xf32>,
      tpu.vector_store %arg7[%swap3A_798, %swap3A_799], %gather3A_794 {strides = array<i32>} : memref<7x2048xf32, #tpu.memory_space<vmem>>, vector<16xf32>,
    }
    %scan3A_193 = arith.constant 128 : i32
    %mul3A_194 = arith.constant 8192 : i32
    %mul3A_195 = arith.muli %add3A, %mul3A_194 : i32
    %add3A_196 = arith.constant 2048 : i32
    %add3A_197 = arith.addi %mul3A_195, %add3A_196 : i32
    %dma_start3A_198 = arith.constant 0 : i32
    %dma_start3A_199 = arith.constant 0 : i32
    %dma_start3A_200 = arith.constant 0 : i32
    %dma_start3A_201 = tpu.memref_slice %arg7[%dma_start3A_198, %dma_start3A_200] : memref<7x2048xf32, #tpu.memory_space<vmem>> -> memref<1x2048xf32, #tpu.memory_space<vmem>>
    %dma_start3A_202 = tpu.memref_squeeze %dma_start3A_201 : memref<1x2048xf32, #tpu.memory_space<vmem>> -> memref<2048xf32, #tpu.memory_space<vmem>>
    %dma_start3A_203 = tpu.memref_slice %arg4[%dma_start3A_199, %add3A_197] : memref<7x262144xf32, #tpu.memory_space<hbm>> -> memref<1x2048xf32, #tpu.memory_space<hbm>>
    %dma_start3A_204 = tpu.memref_squeeze %dma_start3A_203 : memref<1x2048xf32, #tpu.memory_space<hbm>> -> memref<2048xf32, #tpu.memory_space<hbm>>
    %dma_start3A_205 = tpu.memref_slice %arg4[%dma_start3A_199, %add3A_197] : memref<7x262144xf32, #tpu.memory_space<hbm>> -> memref<1x2048xf32, #tpu.memory_space<hbm>>
    %dma_start3A_206 = tpu.memref_squeeze %dma_start3A_205 : memref<1x2048xf32, #tpu.memory_space<hbm>> -> memref<2048xf32, #tpu.memory_space<hbm>>
    %dma_start3A_207 = arith.constant 0 : i32
    %dma_start3A_208 = tpu.memref_slice %arg7[%dma_start3A_198, %dma_start3A_207] : memref<7x2048xf32, #tpu.memory_space<vmem>> -> memref<1x2048xf32, #tpu.memory_space<vmem>>
    %dma_start3A_209 = tpu.memref_squeeze %dma_start3A_208 : memref<1x2048xf32, #tpu.memory_space<vmem>> -> memref<2048xf32, #tpu.memory_space<vmem>>
    tpu.enqueue_dma source(%dma_start3A_209 : memref<2048xf32, #tpu.memory_space<vmem>>) target(%dma_start3A_206 : memref<2048xf32, #tpu.memory_space<hbm>>) target_semaphore(%arg8 : memref<!tpu.dma_semaphore, #tpu.memory_space<semaphore_mem>>)
    %dma_start3A_210 = arith.constant 1 : i32
    %dma_start3A_211 = arith.constant 1 : i32
    %dma_start3A_212 = arith.constant 0 : i32
    %dma_start3A_213 = tpu.memref_slice %arg7[%dma_start3A_210, %dma_start3A_212] : memref<7x2048xf32, #tpu.memory_space<vmem>> -> memref<1x2048xf32, #tpu.memory_space<vmem>>
    %dma_start3A_214 = tpu.memref_squeeze %dma_start3A_213 : memref<1x2048xf32, #tpu.memory_space<vmem>> -> memref<2048xf32, #tpu.memory_space<vmem>>
    %dma_start3A_215 = tpu.memref_slice %arg4[%dma_start3A_211, %add3A_197] : memref<7x262144xf32, #tpu.memory_space<hbm>> -> memref<1x2048xf32, #tpu.memory_space<hbm>>
    %dma_start3A_216 = tpu.memref_squeeze %dma_start3A_215 : memref<1x2048xf32, #tpu.memory_space<hbm>> -> memref<2048xf32, #tpu.memory_space<hbm>>
    %dma_start3A_217 = tpu.memref_slice %arg4[%dma_start3A_211, %add3A_197] : memref<7x262144xf32, #tpu.memory_space<hbm>> -> memref<1x2048xf32, #tpu.memory_space<hbm>>
    %dma_start3A_218 = tpu.memref_squeeze %dma_start3A_217 : memref<1x2048xf32, #tpu.memory_space<hbm>> -> memref<2048xf32, #tpu.memory_space<hbm>>
    %dma_start3A_219 = arith.constant 0 : i32
    %dma_start3A_220 = tpu.memref_slice %arg7[%dma_start3A_210, %dma_start3A_219] : memref<7x2048xf32, #tpu.memory_space<vmem>> -> memref<1x2048xf32, #tpu.memory_space<vmem>>
    %dma_start3A_221 = tpu.memref_squeeze %dma_start3A_220 : memref<1x2048xf32, #tpu.memory_space<vmem>> -> memref<2048xf32, #tpu.memory_space<vmem>>
    tpu.enqueue_dma source(%dma_start3A_221 : memref<2048xf32, #tpu.memory_space<vmem>>) target(%dma_start3A_218 : memref<2048xf32, #tpu.memory_space<hbm>>) target_semaphore(%arg8 : memref<!tpu.dma_semaphore, #tpu.memory_space<semaphore_mem>>)
    %dma_start3A_222 = arith.constant 2 : i32
    %dma_start3A_223 = arith.constant 2 : i32
    %dma_start3A_224 = arith.constant 0 : i32
    %dma_start3A_225 = tpu.memref_slice %arg7[%dma_start3A_222, %dma_start3A_224] : memref<7x2048xf32, #tpu.memory_space<vmem>> -> memref<1x2048xf32, #tpu.memory_space<vmem>>
    %dma_start3A_226 = tpu.memref_squeeze %dma_start3A_225 : memref<1x2048xf32, #tpu.memory_space<vmem>> -> memref<2048xf32, #tpu.memory_space<vmem>>
    %dma_start3A_227 = tpu.memref_slice %arg4[%dma_start3A_223, %add3A_197] : memref<7x262144xf32, #tpu.memory_space<hbm>> -> memref<1x2048xf32, #tpu.memory_space<hbm>>
    %dma_start3A_228 = tpu.memref_squeeze %dma_start3A_227 : memref<1x2048xf32, #tpu.memory_space<hbm>> -> memref<2048xf32, #tpu.memory_space<hbm>>
    %dma_start3A_229 = tpu.memref_slice %arg4[%dma_start3A_223, %add3A_197] : memref<7x262144xf32, #tpu.memory_space<hbm>> -> memref<1x2048xf32, #tpu.memory_space<hbm>>
    %dma_start3A_230 = tpu.memref_squeeze %dma_start3A_229 : memref<1x2048xf32, #tpu.memory_space<hbm>> -> memref<2048xf32, #tpu.memory_space<hbm>>
    %dma_start3A_231 = arith.constant 0 : i32
    %dma_start3A_232 = tpu.memref_slice %arg7[%dma_start3A_222, %dma_start3A_231] : memref<7x2048xf32, #tpu.memory_space<vmem>> -> memref<1x2048xf32, #tpu.memory_space<vmem>>
    %dma_start3A_233 = tpu.memref_squeeze %dma_start3A_232 : memref<1x2048xf32, #tpu.memory_space<vmem>> -> memref<2048xf32, #tpu.memory_space<vmem>>
    tpu.enqueue_dma source(%dma_start3A_233 : memref<2048xf32, #tpu.memory_space<vmem>>) target(%dma_start3A_230 : memref<2048xf32, #tpu.memory_space<hbm>>) target_semaphore(%arg8 : memref<!tpu.dma_semaphore, #tpu.memory_space<semaphore_mem>>)
    %dma_start3A_234 = arith.constant 3 : i32
    %dma_start3A_235 = arith.constant 3 : i32
    %dma_start3A_236 = arith.constant 0 : i32
    %dma_start3A_237 = tpu.memref_slice %arg7[%dma_start3A_234, %dma_start3A_236] : memref<7x2048xf32, #tpu.memory_space<vmem>> -> memref<1x2048xf32, #tpu.memory_space<vmem>>
    %dma_start3A_238 = tpu.memref_squeeze %dma_start3A_237 : memref<1x2048xf32, #tpu.memory_space<vmem>> -> memref<2048xf32, #tpu.memory_space<vmem>>
    %dma_start3A_239 = tpu.memref_slice %arg4[%dma_start3A_235, %add3A_197] : memref<7x262144xf32, #tpu.memory_space<hbm>> -> memref<1x2048xf32, #tpu.memory_space<hbm>>
    %dma_start3A_240 = tpu.memref_squeeze %dma_start3A_239 : memref<1x2048xf32, #tpu.memory_space<hbm>> -> memref<2048xf32, #tpu.memory_space<hbm>>
    %dma_start3A_241 = tpu.memref_slice %arg4[%dma_start3A_235, %add3A_197] : memref<7x262144xf32, #tpu.memory_space<hbm>> -> memref<1x2048xf32, #tpu.memory_space<hbm>>
    %dma_start3A_242 = tpu.memref_squeeze %dma_start3A_241 : memref<1x2048xf32, #tpu.memory_space<hbm>> -> memref<2048xf32, #tpu.memory_space<hbm>>
    %dma_start3A_243 = arith.constant 0 : i32
    %dma_start3A_244 = tpu.memref_slice %arg7[%dma_start3A_234, %dma_start3A_243] : memref<7x2048xf32, #tpu.memory_space<vmem>> -> memref<1x2048xf32, #tpu.memory_space<vmem>>
    %dma_start3A_245 = tpu.memref_squeeze %dma_start3A_244 : memref<1x2048xf32, #tpu.memory_space<vmem>> -> memref<2048xf32, #tpu.memory_space<vmem>>
    tpu.enqueue_dma source(%dma_start3A_245 : memref<2048xf32, #tpu.memory_space<vmem>>) target(%dma_start3A_242 : memref<2048xf32, #tpu.memory_space<hbm>>) target_semaphore(%arg8 : memref<!tpu.dma_semaphore, #tpu.memory_space<semaphore_mem>>)
    %dma_start3A_246 = arith.constant 4 : i32
    %dma_start3A_247 = arith.constant 4 : i32
    %dma_start3A_248 = arith.constant 0 : i32
    %dma_start3A_249 = tpu.memref_slice %arg7[%dma_start3A_246, %dma_start3A_248] : memref<7x2048xf32, #tpu.memory_space<vmem>> -> memref<1x2048xf32, #tpu.memory_space<vmem>>
    %dma_start3A_250 = tpu.memref_squeeze %dma_start3A_249 : memref<1x2048xf32, #tpu.memory_space<vmem>> -> memref<2048xf32, #tpu.memory_space<vmem>>
    %dma_start3A_251 = tpu.memref_slice %arg4[%dma_start3A_247, %add3A_197] : memref<7x262144xf32, #tpu.memory_space<hbm>> -> memref<1x2048xf32, #tpu.memory_space<hbm>>
    %dma_start3A_252 = tpu.memref_squeeze %dma_start3A_251 : memref<1x2048xf32, #tpu.memory_space<hbm>> -> memref<2048xf32, #tpu.memory_space<hbm>>
    %dma_start3A_253 = tpu.memref_slice %arg4[%dma_start3A_247, %add3A_197] : memref<7x262144xf32, #tpu.memory_space<hbm>> -> memref<1x2048xf32, #tpu.memory_space<hbm>>
    %dma_start3A_254 = tpu.memref_squeeze %dma_start3A_253 : memref<1x2048xf32, #tpu.memory_space<hbm>> -> memref<2048xf32, #tpu.memory_space<hbm>>
    %dma_start3A_255 = arith.constant 0 : i32
    %dma_start3A_256 = tpu.memref_slice %arg7[%dma_start3A_246, %dma_start3A_255] : memref<7x2048xf32, #tpu.memory_space<vmem>> -> memref<1x2048xf32, #tpu.memory_space<vmem>>
    %dma_start3A_257 = tpu.memref_squeeze %dma_start3A_256 : memref<1x2048xf32, #tpu.memory_space<vmem>> -> memref<2048xf32, #tpu.memory_space<vmem>>
    tpu.enqueue_dma source(%dma_start3A_257 : memref<2048xf32, #tpu.memory_space<vmem>>) target(%dma_start3A_254 : memref<2048xf32, #tpu.memory_space<hbm>>) target_semaphore(%arg8 : memref<!tpu.dma_semaphore, #tpu.memory_space<semaphore_mem>>)
    %dma_start3A_258 = arith.constant 5 : i32
    %dma_start3A_259 = arith.constant 5 : i32
    %dma_start3A_260 = arith.constant 0 : i32
    %dma_start3A_261 = tpu.memref_slice %arg7[%dma_start3A_258, %dma_start3A_260] : memref<7x2048xf32, #tpu.memory_space<vmem>> -> memref<1x2048xf32, #tpu.memory_space<vmem>>
    %dma_start3A_262 = tpu.memref_squeeze %dma_start3A_261 : memref<1x2048xf32, #tpu.memory_space<vmem>> -> memref<2048xf32, #tpu.memory_space<vmem>>
    %dma_start3A_263 = tpu.memref_slice %arg4[%dma_start3A_259, %add3A_197] : memref<7x262144xf32, #tpu.memory_space<hbm>> -> memref<1x2048xf32, #tpu.memory_space<hbm>>
    %dma_start3A_264 = tpu.memref_squeeze %dma_start3A_263 : memref<1x2048xf32, #tpu.memory_space<hbm>> -> memref<2048xf32, #tpu.memory_space<hbm>>
    %dma_start3A_265 = tpu.memref_slice %arg4[%dma_start3A_259, %add3A_197] : memref<7x262144xf32, #tpu.memory_space<hbm>> -> memref<1x2048xf32, #tpu.memory_space<hbm>>
    %dma_start3A_266 = tpu.memref_squeeze %dma_start3A_265 : memref<1x2048xf32, #tpu.memory_space<hbm>> -> memref<2048xf32, #tpu.memory_space<hbm>>
    %dma_start3A_267 = arith.constant 0 : i32
    %dma_start3A_268 = tpu.memref_slice %arg7[%dma_start3A_258, %dma_start3A_267] : memref<7x2048xf32, #tpu.memory_space<vmem>> -> memref<1x2048xf32, #tpu.memory_space<vmem>>
    %dma_start3A_269 = tpu.memref_squeeze %dma_start3A_268 : memref<1x2048xf32, #tpu.memory_space<vmem>> -> memref<2048xf32, #tpu.memory_space<vmem>>
    tpu.enqueue_dma source(%dma_start3A_269 : memref<2048xf32, #tpu.memory_space<vmem>>) target(%dma_start3A_266 : memref<2048xf32, #tpu.memory_space<hbm>>) target_semaphore(%arg8 : memref<!tpu.dma_semaphore, #tpu.memory_space<semaphore_mem>>)
    %dma_start3A_270 = arith.constant 6 : i32
    %dma_start3A_271 = arith.constant 6 : i32
    %dma_start3A_272 = arith.constant 0 : i32
    %dma_start3A_273 = tpu.memref_slice %arg7[%dma_start3A_270, %dma_start3A_272] : memref<7x2048xf32, #tpu.memory_space<vmem>> -> memref<1x2048xf32, #tpu.memory_space<vmem>>
    %dma_start3A_274 = tpu.memref_squeeze %dma_start3A_273 : memref<1x2048xf32, #tpu.memory_space<vmem>> -> memref<2048xf32, #tpu.memory_space<vmem>>
    %dma_start3A_275 = tpu.memref_slice %arg4[%dma_start3A_271, %add3A_197] : memref<7x262144xf32, #tpu.memory_space<hbm>> -> memref<1x2048xf32, #tpu.memory_space<hbm>>
    %dma_start3A_276 = tpu.memref_squeeze %dma_start3A_275 : memref<1x2048xf32, #tpu.memory_space<hbm>> -> memref<2048xf32, #tpu.memory_space<hbm>>
    %dma_start3A_277 = tpu.memref_slice %arg4[%dma_start3A_271, %add3A_197] : memref<7x262144xf32, #tpu.memory_space<hbm>> -> memref<1x2048xf32, #tpu.memory_space<hbm>>
    %dma_start3A_278 = tpu.memref_squeeze %dma_start3A_277 : memref<1x2048xf32, #tpu.memory_space<hbm>> -> memref<2048xf32, #tpu.memory_space<hbm>>
    %dma_start3A_279 = arith.constant 0 : i32
    %dma_start3A_280 = tpu.memref_slice %arg7[%dma_start3A_270, %dma_start3A_279] : memref<7x2048xf32, #tpu.memory_space<vmem>> -> memref<1x2048xf32, #tpu.memory_space<vmem>>
    %dma_start3A_281 = tpu.memref_squeeze %dma_start3A_280 : memref<1x2048xf32, #tpu.memory_space<vmem>> -> memref<2048xf32, #tpu.memory_space<vmem>>
    tpu.enqueue_dma source(%dma_start3A_281 : memref<2048xf32, #tpu.memory_space<vmem>>) target(%dma_start3A_278 : memref<2048xf32, #tpu.memory_space<hbm>>) target_semaphore(%arg8 : memref<!tpu.dma_semaphore, #tpu.memory_space<semaphore_mem>>)
    %dma_wait3A_282 = arith.constant 0 : i32
    %dma_wait3A_283 = arith.constant 0 : i32
    %dma_wait3A_284 = arith.constant 0 : i32
    %dma_wait3A_285 = tpu.memref_slice %arg7[%dma_wait3A_282, %dma_wait3A_284] : memref<7x2048xf32, #tpu.memory_space<vmem>> -> memref<1x2048xf32, #tpu.memory_space<vmem>>
    %dma_wait3A_286 = tpu.memref_squeeze %dma_wait3A_285 : memref<1x2048xf32, #tpu.memory_space<vmem>> -> memref<2048xf32, #tpu.memory_space<vmem>>
    %dma_wait3A_287 = tpu.memref_slice %arg4[%dma_wait3A_283, %add3A_197] : memref<7x262144xf32, #tpu.memory_space<hbm>> -> memref<1x2048xf32, #tpu.memory_space<hbm>>
    %dma_wait3A_288 = tpu.memref_squeeze %dma_wait3A_287 : memref<1x2048xf32, #tpu.memory_space<hbm>> -> memref<2048xf32, #tpu.memory_space<hbm>>
    %dma_wait3A_289 = tpu.memref_slice %arg4[%dma_wait3A_283, %add3A_197] : memref<7x262144xf32, #tpu.memory_space<hbm>> -> memref<1x2048xf32, #tpu.memory_space<hbm>>
    %dma_wait3A_290 = tpu.memref_squeeze %dma_wait3A_289 : memref<1x2048xf32, #tpu.memory_space<hbm>> -> memref<2048xf32, #tpu.memory_space<hbm>>
    %dma_wait3A_291 = arith.constant 0 : i32
    %dma_wait3A_292 = tpu.memref_slice %arg7[%dma_wait3A_282, %dma_wait3A_291] : memref<7x2048xf32, #tpu.memory_space<vmem>> -> memref<1x2048xf32, #tpu.memory_space<vmem>>
    %dma_wait3A_293 = tpu.memref_squeeze %dma_wait3A_292 : memref<1x2048xf32, #tpu.memory_space<vmem>> -> memref<2048xf32, #tpu.memory_space<vmem>>
    tpu.wait_dma2 semaphore(%arg8 : memref<!tpu.dma_semaphore, #tpu.memory_space<semaphore_mem>>) src(%dma_wait3A_293 : memref<2048xf32, #tpu.memory_space<vmem>>) dst(%dma_wait3A_290 : memref<2048xf32, #tpu.memory_space<hbm>>)
    %dma_wait3A_294 = arith.constant 1 : i32
    %dma_wait3A_295 = arith.constant 1 : i32
    %dma_wait3A_296 = arith.constant 0 : i32
    %dma_wait3A_297 = tpu.memref_slice %arg7[%dma_wait3A_294, %dma_wait3A_296] : memref<7x2048xf32, #tpu.memory_space<vmem>> -> memref<1x2048xf32, #tpu.memory_space<vmem>>
    %dma_wait3A_298 = tpu.memref_squeeze %dma_wait3A_297 : memref<1x2048xf32, #tpu.memory_space<vmem>> -> memref<2048xf32, #tpu.memory_space<vmem>>
    %dma_wait3A_299 = tpu.memref_slice %arg4[%dma_wait3A_295, %add3A_197] : memref<7x262144xf32, #tpu.memory_space<hbm>> -> memref<1x2048xf32, #tpu.memory_space<hbm>>
    %dma_wait3A_300 = tpu.memref_squeeze %dma_wait3A_299 : memref<1x2048xf32, #tpu.memory_space<hbm>> -> memref<2048xf32, #tpu.memory_space<hbm>>
    %dma_wait3A_301 = tpu.memref_slice %arg4[%dma_wait3A_295, %add3A_197] : memref<7x262144xf32, #tpu.memory_space<hbm>> -> memref<1x2048xf32, #tpu.memory_space<hbm>>
    %dma_wait3A_302 = tpu.memref_squeeze %dma_wait3A_301 : memref<1x2048xf32, #tpu.memory_space<hbm>> -> memref<2048xf32, #tpu.memory_space<hbm>>
    %dma_wait3A_303 = arith.constant 0 : i32
    %dma_wait3A_304 = tpu.memref_slice %arg7[%dma_wait3A_294, %dma_wait3A_303] : memref<7x2048xf32, #tpu.memory_space<vmem>> -> memref<1x2048xf32, #tpu.memory_space<vmem>>
    %dma_wait3A_305 = tpu.memref_squeeze %dma_wait3A_304 : memref<1x2048xf32, #tpu.memory_space<vmem>> -> memref<2048xf32, #tpu.memory_space<vmem>>
    tpu.wait_dma2 semaphore(%arg8 : memref<!tpu.dma_semaphore, #tpu.memory_space<semaphore_mem>>) src(%dma_wait3A_305 : memref<2048xf32, #tpu.memory_space<vmem>>) dst(%dma_wait3A_302 : memref<2048xf32, #tpu.memory_space<hbm>>)
    %dma_wait3A_306 = arith.constant 2 : i32
    %dma_wait3A_307 = arith.constant 2 : i32
    %dma_wait3A_308 = arith.constant 0 : i32
    %dma_wait3A_309 = tpu.memref_slice %arg7[%dma_wait3A_306, %dma_wait3A_308] : memref<7x2048xf32, #tpu.memory_space<vmem>> -> memref<1x2048xf32, #tpu.memory_space<vmem>>
    %dma_wait3A_310 = tpu.memref_squeeze %dma_wait3A_309 : memref<1x2048xf32, #tpu.memory_space<vmem>> -> memref<2048xf32, #tpu.memory_space<vmem>>
    %dma_wait3A_311 = tpu.memref_slice %arg4[%dma_wait3A_307, %add3A_197] : memref<7x262144xf32, #tpu.memory_space<hbm>> -> memref<1x2048xf32, #tpu.memory_space<hbm>>
    %dma_wait3A_312 = tpu.memref_squeeze %dma_wait3A_311 : memref<1x2048xf32, #tpu.memory_space<hbm>> -> memref<2048xf32, #tpu.memory_space<hbm>>
    %dma_wait3A_313 = tpu.memref_slice %arg4[%dma_wait3A_307, %add3A_197] : memref<7x262144xf32, #tpu.memory_space<hbm>> -> memref<1x2048xf32, #tpu.memory_space<hbm>>
    %dma_wait3A_314 = tpu.memref_squeeze %dma_wait3A_313 : memref<1x2048xf32, #tpu.memory_space<hbm>> -> memref<2048xf32, #tpu.memory_space<hbm>>
    %dma_wait3A_315 = arith.constant 0 : i32
    %dma_wait3A_316 = tpu.memref_slice %arg7[%dma_wait3A_306, %dma_wait3A_315] : memref<7x2048xf32, #tpu.memory_space<vmem>> -> memref<1x2048xf32, #tpu.memory_space<vmem>>
    %dma_wait3A_317 = tpu.memref_squeeze %dma_wait3A_316 : memref<1x2048xf32, #tpu.memory_space<vmem>> -> memref<2048xf32, #tpu.memory_space<vmem>>
    tpu.wait_dma2 semaphore(%arg8 : memref<!tpu.dma_semaphore, #tpu.memory_space<semaphore_mem>>) src(%dma_wait3A_317 : memref<2048xf32, #tpu.memory_space<vmem>>) dst(%dma_wait3A_314 : memref<2048xf32, #tpu.memory_space<hbm>>)
    %dma_wait3A_318 = arith.constant 3 : i32
    %dma_wait3A_319 = arith.constant 3 : i32
    %dma_wait3A_320 = arith.constant 0 : i32
    %dma_wait3A_321 = tpu.memref_slice %arg7[%dma_wait3A_318, %dma_wait3A_320] : memref<7x2048xf32, #tpu.memory_space<vmem>> -> memref<1x2048xf32, #tpu.memory_space<vmem>>
    %dma_wait3A_322 = tpu.memref_squeeze %dma_wait3A_321 : memref<1x2048xf32, #tpu.memory_space<vmem>> -> memref<2048xf32, #tpu.memory_space<vmem>>
    %dma_wait3A_323 = tpu.memref_slice %arg4[%dma_wait3A_319, %add3A_197] : memref<7x262144xf32, #tpu.memory_space<hbm>> -> memref<1x2048xf32, #tpu.memory_space<hbm>>
    %dma_wait3A_324 = tpu.memref_squeeze %dma_wait3A_323 : memref<1x2048xf32, #tpu.memory_space<hbm>> -> memref<2048xf32, #tpu.memory_space<hbm>>
    %dma_wait3A_325 = tpu.memref_slice %arg4[%dma_wait3A_319, %add3A_197] : memref<7x262144xf32, #tpu.memory_space<hbm>> -> memref<1x2048xf32, #tpu.memory_space<hbm>>
    %dma_wait3A_326 = tpu.memref_squeeze %dma_wait3A_325 : memref<1x2048xf32, #tpu.memory_space<hbm>> -> memref<2048xf32, #tpu.memory_space<hbm>>
    %dma_wait3A_327 = arith.constant 0 : i32
    %dma_wait3A_328 = tpu.memref_slice %arg7[%dma_wait3A_318, %dma_wait3A_327] : memref<7x2048xf32, #tpu.memory_space<vmem>> -> memref<1x2048xf32, #tpu.memory_space<vmem>>
    %dma_wait3A_329 = tpu.memref_squeeze %dma_wait3A_328 : memref<1x2048xf32, #tpu.memory_space<vmem>> -> memref<2048xf32, #tpu.memory_space<vmem>>
    tpu.wait_dma2 semaphore(%arg8 : memref<!tpu.dma_semaphore, #tpu.memory_space<semaphore_mem>>) src(%dma_wait3A_329 : memref<2048xf32, #tpu.memory_space<vmem>>) dst(%dma_wait3A_326 : memref<2048xf32, #tpu.memory_space<hbm>>)
    %dma_wait3A_330 = arith.constant 4 : i32
    %dma_wait3A_331 = arith.constant 4 : i32
    %dma_wait3A_332 = arith.constant 0 : i32
    %dma_wait3A_333 = tpu.memref_slice %arg7[%dma_wait3A_330, %dma_wait3A_332] : memref<7x2048xf32, #tpu.memory_space<vmem>> -> memref<1x2048xf32, #tpu.memory_space<vmem>>
    %dma_wait3A_334 = tpu.memref_squeeze %dma_wait3A_333 : memref<1x2048xf32, #tpu.memory_space<vmem>> -> memref<2048xf32, #tpu.memory_space<vmem>>
    %dma_wait3A_335 = tpu.memref_slice %arg4[%dma_wait3A_331, %add3A_197] : memref<7x262144xf32, #tpu.memory_space<hbm>> -> memref<1x2048xf32, #tpu.memory_space<hbm>>
    %dma_wait3A_336 = tpu.memref_squeeze %dma_wait3A_335 : memref<1x2048xf32, #tpu.memory_space<hbm>> -> memref<2048xf32, #tpu.memory_space<hbm>>
    %dma_wait3A_337 = tpu.memref_slice %arg4[%dma_wait3A_331, %add3A_197] : memref<7x262144xf32, #tpu.memory_space<hbm>> -> memref<1x2048xf32, #tpu.memory_space<hbm>>
    %dma_wait3A_338 = tpu.memref_squeeze %dma_wait3A_337 : memref<1x2048xf32, #tpu.memory_space<hbm>> -> memref<2048xf32, #tpu.memory_space<hbm>>
    %dma_wait3A_339 = arith.constant 0 : i32
    %dma_wait3A_340 = tpu.memref_slice %arg7[%dma_wait3A_330, %dma_wait3A_339] : memref<7x2048xf32, #tpu.memory_space<vmem>> -> memref<1x2048xf32, #tpu.memory_space<vmem>>
    %dma_wait3A_341 = tpu.memref_squeeze %dma_wait3A_340 : memref<1x2048xf32, #tpu.memory_space<vmem>> -> memref<2048xf32, #tpu.memory_space<vmem>>
    tpu.wait_dma2 semaphore(%arg8 : memref<!tpu.dma_semaphore, #tpu.memory_space<semaphore_mem>>) src(%dma_wait3A_341 : memref<2048xf32, #tpu.memory_space<vmem>>) dst(%dma_wait3A_338 : memref<2048xf32, #tpu.memory_space<hbm>>)
    %dma_wait3A_342 = arith.constant 5 : i32
    %dma_wait3A_343 = arith.constant 5 : i32
    %dma_wait3A_344 = arith.constant 0 : i32
    %dma_wait3A_345 = tpu.memref_slice %arg7[%dma_wait3A_342, %dma_wait3A_344] : memref<7x2048xf32, #tpu.memory_space<vmem>> -> memref<1x2048xf32, #tpu.memory_space<vmem>>
    %dma_wait3A_346 = tpu.memref_squeeze %dma_wait3A_345 : memref<1x2048xf32, #tpu.memory_space<vmem>> -> memref<2048xf32, #tpu.memory_space<vmem>>
    %dma_wait3A_347 = tpu.memref_slice %arg4[%dma_wait3A_343, %add3A_197] : memref<7x262144xf32, #tpu.memory_space<hbm>> -> memref<1x2048xf32, #tpu.memory_space<hbm>>
    %dma_wait3A_348 = tpu.memref_squeeze %dma_wait3A_347 : memref<1x2048xf32, #tpu.memory_space<hbm>> -> memref<2048xf32, #tpu.memory_space<hbm>>
    %dma_wait3A_349 = tpu.memref_slice %arg4[%dma_wait3A_343, %add3A_197] : memref<7x262144xf32, #tpu.memory_space<hbm>> -> memref<1x2048xf32, #tpu.memory_space<hbm>>
    %dma_wait3A_350 = tpu.memref_squeeze %dma_wait3A_349 : memref<1x2048xf32, #tpu.memory_space<hbm>> -> memref<2048xf32, #tpu.memory_space<hbm>>
    %dma_wait3A_351 = arith.constant 0 : i32
    %dma_wait3A_352 = tpu.memref_slice %arg7[%dma_wait3A_342, %dma_wait3A_351] : memref<7x2048xf32, #tpu.memory_space<vmem>> -> memref<1x2048xf32, #tpu.memory_space<vmem>>
    %dma_wait3A_353 = tpu.memref_squeeze %dma_wait3A_352 : memref<1x2048xf32, #tpu.memory_space<vmem>> -> memref<2048xf32, #tpu.memory_space<vmem>>
    tpu.wait_dma2 semaphore(%arg8 : memref<!tpu.dma_semaphore, #tpu.memory_space<semaphore_mem>>) src(%dma_wait3A_353 : memref<2048xf32, #tpu.memory_space<vmem>>) dst(%dma_wait3A_350 : memref<2048xf32, #tpu.memory_space<hbm>>)
    %dma_wait3A_354 = arith.constant 6 : i32
    %dma_wait3A_355 = arith.constant 6 : i32
    %dma_wait3A_356 = arith.constant 0 : i32
    %dma_wait3A_357 = tpu.memref_slice %arg7[%dma_wait3A_354, %dma_wait3A_356] : memref<7x2048xf32, #tpu.memory_space<vmem>> -> memref<1x2048xf32, #tpu.memory_space<vmem>>
    %dma_wait3A_358 = tpu.memref_squeeze %dma_wait3A_357 : memref<1x2048xf32, #tpu.memory_space<vmem>> -> memref<2048xf32, #tpu.memory_space<vmem>>
    %dma_wait3A_359 = tpu.memref_slice %arg4[%dma_wait3A_355, %add3A_197] : memref<7x262144xf32, #tpu.memory_space<hbm>> -> memref<1x2048xf32, #tpu.memory_space<hbm>>
    %dma_wait3A_360 = tpu.memref_squeeze %dma_wait3A_359 : memref<1x2048xf32, #tpu.memory_space<hbm>> -> memref<2048xf32, #tpu.memory_space<hbm>>
    %dma_wait3A_361 = tpu.memref_slice %arg4[%dma_wait3A_355, %add3A_197] : memref<7x262144xf32, #tpu.memory_space<hbm>> -> memref<1x2048xf32, #tpu.memory_space<hbm>>
    %dma_wait3A_362 = tpu.memref_squeeze %dma_wait3A_361 : memref<1x2048xf32, #tpu.memory_space<hbm>> -> memref<2048xf32, #tpu.memory_space<hbm>>
    %dma_wait3A_363 = arith.constant 0 : i32
    %dma_wait3A_364 = tpu.memref_slice %arg7[%dma_wait3A_354, %dma_wait3A_363] : memref<7x2048xf32, #tpu.memory_space<vmem>> -> memref<1x2048xf32, #tpu.memory_space<vmem>>
    %dma_wait3A_365 = tpu.memref_squeeze %dma_wait3A_364 : memref<1x2048xf32, #tpu.memory_space<vmem>> -> memref<2048xf32, #tpu.memory_space<vmem>>
    tpu.wait_dma2 semaphore(%arg8 : memref<!tpu.dma_semaphore, #tpu.memory_space<semaphore_mem>>) src(%dma_wait3A_365 : memref<2048xf32, #tpu.memory_space<vmem>>) dst(%dma_wait3A_362 : memref<2048xf32, #tpu.memory_space<hbm>>)
    %scan3A_366 = arith.constant 0 : i32
    %scan3A_367 = arith.constant 0 : i32
    %scan3A_368 = arith.constant 4 : i32
    %scan3A_369 = arith.addi %scan3A_367, %scan3A_368 : i32
    %scan3A_370 = arith.constant 1 : i32
    scf.for %scan3A_734 = %scan3A_367 to %scan3A_369 step %scan3A_370  : i32 {
      %mul3A_735 = arith.constant 8 : i32
      %mul3A_736 = arith.muli %scan3A_734, %mul3A_735 : i32
      %add3A_737 = arith.constant 64 : i32
      %add3A_738 = arith.addi %add3A_737, %mul3A_736 : i32
      %add3A_739 = arith.constant 0 : i32
      %add3A_740 = arith.addi %add3A_738, %add3A_739 : i32
      %mul3A_741 = arith.constant 8 : i32
      %mul3A_742 = arith.muli %scan3A_734, %mul3A_741 : i32
      %add3A_743 = arith.constant 0 : i32
      %add3A_744 = arith.addi %mul3A_742, %add3A_743 : i32
      %mul3A_745 = arith.constant 128 : i32
      %mul3A_746 = arith.muli %add3A_744, %mul3A_745 : i32
      %dma_start3A_747 = arith.constant 0 : i32
      %dma_start3A_748 = tpu.memref_slice %arg6[%mul3A_746, %dma_start3A_747] : memref<4096x8xf32, #tpu.memory_space<vmem>> -> memref<128x8xf32, #tpu.memory_space<vmem>>
      %dma_start3A_749 = arith.constant 0 : i32
      %dma_start3A_750 = tpu.memref_slice %arg5[%add3A_740, %dma_start3A_749] : memref<128x128xi32, #tpu.memory_space<vmem>> -> memref<1x128xi32, #tpu.memory_space<vmem>>
      %dma_start3A_751 = tpu.memref_squeeze %dma_start3A_750 : memref<1x128xi32, #tpu.memory_space<vmem>> -> memref<128xi32, #tpu.memory_space<vmem>>
      %dma_start3A_752 = arith.constant 0 : i32
      %dma_start3A_753 = arith.constant 0 : i32
      %dma_start3A_754 = tpu.memref_slice %arg2[%dma_start3A_752, %dma_start3A_753] : memref<1000000x8xf32, #tpu.memory_space<hbm>> -> memref<1000000x8xf32, #tpu.memory_space<hbm>>
      tpu.enqueue_indirect_dma source(%dma_start3A_754 : memref<1000000x8xf32, #tpu.memory_space<hbm>>) target(%dma_start3A_748 : memref<128x8xf32, #tpu.memory_space<vmem>>) offsets(%dma_start3A_751 : memref<128xi32, #tpu.memory_space<vmem>>) semaphore(%arg8 : memref<!tpu.dma_semaphore, #tpu.memory_space<semaphore_mem>>)
      %mul3A_755 = arith.constant 8 : i32
      %mul3A_756 = arith.muli %scan3A_734, %mul3A_755 : i32
      %add3A_757 = arith.constant 64 : i32
      %add3A_758 = arith.addi %add3A_757, %mul3A_756 : i32
      %add3A_759 = arith.constant 1 : i32
      %add3A_760 = arith.addi %add3A_758, %add3A_759 : i32
      %mul3A_761 = arith.constant 8 : i32
      %mul3A_762 = arith.muli %scan3A_734, %mul3A_761 : i32
      %add3A_763 = arith.constant 1 : i32
      %add3A_764 = arith.addi %mul3A_762, %add3A_763 : i32
      %mul3A_765 = arith.constant 128 : i32
      %mul3A_766 = arith.muli %add3A_764, %mul3A_765 : i32
      %dma_start3A_767 = arith.constant 0 : i32
      %dma_start3A_768 = tpu.memref_slice %arg6[%mul3A_766, %dma_start3A_767] : memref<4096x8xf32, #tpu.memory_space<vmem>> -> memref<128x8xf32, #tpu.memory_space<vmem>>
      %dma_start3A_769 = arith.constant 0 : i32
      %dma_start3A_770 = tpu.memref_slice %arg5[%add3A_760, %dma_start3A_769] : memref<128x128xi32, #tpu.memory_space<vmem>> -> memref<1x128xi32, #tpu.memory_space<vmem>>
      %dma_start3A_771 = tpu.memref_squeeze %dma_start3A_770 : memref<1x128xi32, #tpu.memory_space<vmem>> -> memref<128xi32, #tpu.memory_space<vmem>>
      %dma_start3A_772 = arith.constant 0 : i32
      %dma_start3A_773 = arith.constant 0 : i32
      %dma_start3A_774 = tpu.memref_slice %arg2[%dma_start3A_772, %dma_start3A_773] : memref<1000000x8xf32, #tpu.memory_space<hbm>> -> memref<1000000x8xf32, #tpu.memory_space<hbm>>
      tpu.enqueue_indirect_dma source(%dma_start3A_774 : memref<1000000x8xf32, #tpu.memory_space<hbm>>) target(%dma_start3A_768 : memref<128x8xf32, #tpu.memory_space<vmem>>) offsets(%dma_start3A_771 : memref<128xi32, #tpu.memory_space<vmem>>) semaphore(%arg8 : memref<!tpu.dma_semaphore, #tpu.memory_space<semaphore_mem>>)
      %mul3A_775 = arith.constant 8 : i32
      %mul3A_776 = arith.muli %scan3A_734, %mul3A_775 : i32
      %add3A_777 = arith.constant 64 : i32
      %add3A_778 = arith.addi %add3A_777, %mul3A_776 : i32
      %add3A_779 = arith.constant 2 : i32
      %add3A_780 = arith.addi %add3A_778, %add3A_779 : i32
      %mul3A_781 = arith.constant 8 : i32
      %mul3A_782 = arith.muli %scan3A_734, %mul3A_781 : i32
      %add3A_783 = arith.constant 2 : i32
      %add3A_784 = arith.addi %mul3A_782, %add3A_783 : i32
      %mul3A_785 = arith.constant 128 : i32
      %mul3A_786 = arith.muli %add3A_784, %mul3A_785 : i32
      %dma_start3A_787 = arith.constant 0 : i32
      %dma_start3A_788 = tpu.memref_slice %arg6[%mul3A_786, %dma_start3A_787] : memref<4096x8xf32, #tpu.memory_space<vmem>> -> memref<128x8xf32, #tpu.memory_space<vmem>>
      %dma_start3A_789 = arith.constant 0 : i32
      %dma_start3A_790 = tpu.memref_slice %arg5[%add3A_780, %dma_start3A_789] : memref<128x128xi32, #tpu.memory_space<vmem>> -> memref<1x128xi32, #tpu.memory_space<vmem>>
      %dma_start3A_791 = tpu.memref_squeeze %dma_start3A_790 : memref<1x128xi32, #tpu.memory_space<vmem>> -> memref<128xi32, #tpu.memory_space<vmem>>
      %dma_start3A_792 = arith.constant 0 : i32
      %dma_start3A_793 = arith.constant 0 : i32
      %dma_start3A_794 = tpu.memref_slice %arg2[%dma_start3A_792, %dma_start3A_793] : memref<1000000x8xf32, #tpu.memory_space<hbm>> -> memref<1000000x8xf32, #tpu.memory_space<hbm>>
      tpu.enqueue_indirect_dma source(%dma_start3A_794 : memref<1000000x8xf32, #tpu.memory_space<hbm>>) target(%dma_start3A_788 : memref<128x8xf32, #tpu.memory_space<vmem>>) offsets(%dma_start3A_791 : memref<128xi32, #tpu.memory_space<vmem>>) semaphore(%arg8 : memref<!tpu.dma_semaphore, #tpu.memory_space<semaphore_mem>>)
      %mul3A_795 = arith.constant 8 : i32
      %mul3A_796 = arith.muli %scan3A_734, %mul3A_795 : i32
      %add3A_797 = arith.constant 64 : i32
      %add3A_798 = arith.addi %add3A_797, %mul3A_796 : i32
      %add3A_799 = arith.constant 3 : i32
      %add3A_800 = arith.addi %add3A_798, %add3A_799 : i32
      %mul3A_801 = arith.constant 8 : i32
      %mul3A_802 = arith.muli %scan3A_734, %mul3A_801 : i32
      %add3A_803 = arith.constant 3 : i32
      %add3A_804 = arith.addi %mul3A_802, %add3A_803 : i32
      %mul3A_805 = arith.constant 128 : i32
      %mul3A_806 = arith.muli %add3A_804, %mul3A_805 : i32
      %dma_start3A_807 = arith.constant 0 : i32
      %dma_start3A_808 = tpu.memref_slice %arg6[%mul3A_806, %dma_start3A_807] : memref<4096x8xf32, #tpu.memory_space<vmem>> -> memref<128x8xf32, #tpu.memory_space<vmem>>
      %dma_start3A_809 = arith.constant 0 : i32
      %dma_start3A_810 = tpu.memref_slice %arg5[%add3A_800, %dma_start3A_809] : memref<128x128xi32, #tpu.memory_space<vmem>> -> memref<1x128xi32, #tpu.memory_space<vmem>>
      %dma_start3A_811 = tpu.memref_squeeze %dma_start3A_810 : memref<1x128xi32, #tpu.memory_space<vmem>> -> memref<128xi32, #tpu.memory_space<vmem>>
      %dma_start3A_812 = arith.constant 0 : i32
      %dma_start3A_813 = arith.constant 0 : i32
      %dma_start3A_814 = tpu.memref_slice %arg2[%dma_start3A_812, %dma_start3A_813] : memref<1000000x8xf32, #tpu.memory_space<hbm>> -> memref<1000000x8xf32, #tpu.memory_space<hbm>>
      tpu.enqueue_indirect_dma source(%dma_start3A_814 : memref<1000000x8xf32, #tpu.memory_space<hbm>>) target(%dma_start3A_808 : memref<128x8xf32, #tpu.memory_space<vmem>>) offsets(%dma_start3A_811 : memref<128xi32, #tpu.memory_space<vmem>>) semaphore(%arg8 : memref<!tpu.dma_semaphore, #tpu.memory_space<semaphore_mem>>)
      %mul3A_815 = arith.constant 8 : i32
      %mul3A_816 = arith.muli %scan3A_734, %mul3A_815 : i32
      %add3A_817 = arith.constant 64 : i32
      %add3A_818 = arith.addi %add3A_817, %mul3A_816 : i32
      %add3A_819 = arith.constant 4 : i32
      %add3A_820 = arith.addi %add3A_818, %add3A_819 : i32
      %mul3A_821 = arith.constant 8 : i32
      %mul3A_822 = arith.muli %scan3A_734, %mul3A_821 : i32
      %add3A_823 = arith.constant 4 : i32
      %add3A_824 = arith.addi %mul3A_822, %add3A_823 : i32
      %mul3A_825 = arith.constant 128 : i32
      %mul3A_826 = arith.muli %add3A_824, %mul3A_825 : i32
      %dma_start3A_827 = arith.constant 0 : i32
      %dma_start3A_828 = tpu.memref_slice %arg6[%mul3A_826, %dma_start3A_827] : memref<4096x8xf32, #tpu.memory_space<vmem>> -> memref<128x8xf32, #tpu.memory_space<vmem>>
      %dma_start3A_829 = arith.constant 0 : i32
      %dma_start3A_830 = tpu.memref_slice %arg5[%add3A_820, %dma_start3A_829] : memref<128x128xi32, #tpu.memory_space<vmem>> -> memref<1x128xi32, #tpu.memory_space<vmem>>
      %dma_start3A_831 = tpu.memref_squeeze %dma_start3A_830 : memref<1x128xi32, #tpu.memory_space<vmem>> -> memref<128xi32, #tpu.memory_space<vmem>>
      %dma_start3A_832 = arith.constant 0 : i32
      %dma_start3A_833 = arith.constant 0 : i32
      %dma_start3A_834 = tpu.memref_slice %arg2[%dma_start3A_832, %dma_start3A_833] : memref<1000000x8xf32, #tpu.memory_space<hbm>> -> memref<1000000x8xf32, #tpu.memory_space<hbm>>
      tpu.enqueue_indirect_dma source(%dma_start3A_834 : memref<1000000x8xf32, #tpu.memory_space<hbm>>) target(%dma_start3A_828 : memref<128x8xf32, #tpu.memory_space<vmem>>) offsets(%dma_start3A_831 : memref<128xi32, #tpu.memory_space<vmem>>) semaphore(%arg8 : memref<!tpu.dma_semaphore, #tpu.memory_space<semaphore_mem>>)
      %mul3A_835 = arith.constant 8 : i32
      %mul3A_836 = arith.muli %scan3A_734, %mul3A_835 : i32
      %add3A_837 = arith.constant 64 : i32
      %add3A_838 = arith.addi %add3A_837, %mul3A_836 : i32
      %add3A_839 = arith.constant 5 : i32
      %add3A_840 = arith.addi %add3A_838, %add3A_839 : i32
      %mul3A_841 = arith.constant 8 : i32
      %mul3A_842 = arith.muli %scan3A_734, %mul3A_841 : i32
      %add3A_843 = arith.constant 5 : i32
      %add3A_844 = arith.addi %mul3A_842, %add3A_843 : i32
      %mul3A_845 = arith.constant 128 : i32
      %mul3A_846 = arith.muli %add3A_844, %mul3A_845 : i32
      %dma_start3A_847 = arith.constant 0 : i32
      %dma_start3A_848 = tpu.memref_slice %arg6[%mul3A_846, %dma_start3A_847] : memref<4096x8xf32, #tpu.memory_space<vmem>> -> memref<128x8xf32, #tpu.memory_space<vmem>>
      %dma_start3A_849 = arith.constant 0 : i32
      %dma_start3A_850 = tpu.memref_slice %arg5[%add3A_840, %dma_start3A_849] : memref<128x128xi32, #tpu.memory_space<vmem>> -> memref<1x128xi32, #tpu.memory_space<vmem>>
      %dma_start3A_851 = tpu.memref_squeeze %dma_start3A_850 : memref<1x128xi32, #tpu.memory_space<vmem>> -> memref<128xi32, #tpu.memory_space<vmem>>
      %dma_start3A_852 = arith.constant 0 : i32
      %dma_start3A_853 = arith.constant 0 : i32
      %dma_start3A_854 = tpu.memref_slice %arg2[%dma_start3A_852, %dma_start3A_853] : memref<1000000x8xf32, #tpu.memory_space<hbm>> -> memref<1000000x8xf32, #tpu.memory_space<hbm>>
      tpu.enqueue_indirect_dma source(%dma_start3A_854 : memref<1000000x8xf32, #tpu.memory_space<hbm>>) target(%dma_start3A_848 : memref<128x8xf32, #tpu.memory_space<vmem>>) offsets(%dma_start3A_851 : memref<128xi32, #tpu.memory_space<vmem>>) semaphore(%arg8 : memref<!tpu.dma_semaphore, #tpu.memory_space<semaphore_mem>>)
      %mul3A_855 = arith.constant 8 : i32
      %mul3A_856 = arith.muli %scan3A_734, %mul3A_855 : i32
      %add3A_857 = arith.constant 64 : i32
      %add3A_858 = arith.addi %add3A_857, %mul3A_856 : i32
      %add3A_859 = arith.constant 6 : i32
      %add3A_860 = arith.addi %add3A_858, %add3A_859 : i32
      %mul3A_861 = arith.constant 8 : i32
      %mul3A_862 = arith.muli %scan3A_734, %mul3A_861 : i32
      %add3A_863 = arith.constant 6 : i32
      %add3A_864 = arith.addi %mul3A_862, %add3A_863 : i32
      %mul3A_865 = arith.constant 128 : i32
      %mul3A_866 = arith.muli %add3A_864, %mul3A_865 : i32
      %dma_start3A_867 = arith.constant 0 : i32
      %dma_start3A_868 = tpu.memref_slice %arg6[%mul3A_866, %dma_start3A_867] : memref<4096x8xf32, #tpu.memory_space<vmem>> -> memref<128x8xf32, #tpu.memory_space<vmem>>
      %dma_start3A_869 = arith.constant 0 : i32
      %dma_start3A_870 = tpu.memref_slice %arg5[%add3A_860, %dma_start3A_869] : memref<128x128xi32, #tpu.memory_space<vmem>> -> memref<1x128xi32, #tpu.memory_space<vmem>>
      %dma_start3A_871 = tpu.memref_squeeze %dma_start3A_870 : memref<1x128xi32, #tpu.memory_space<vmem>> -> memref<128xi32, #tpu.memory_space<vmem>>
      %dma_start3A_872 = arith.constant 0 : i32
      %dma_start3A_873 = arith.constant 0 : i32
      %dma_start3A_874 = tpu.memref_slice %arg2[%dma_start3A_872, %dma_start3A_873] : memref<1000000x8xf32, #tpu.memory_space<hbm>> -> memref<1000000x8xf32, #tpu.memory_space<hbm>>
      tpu.enqueue_indirect_dma source(%dma_start3A_874 : memref<1000000x8xf32, #tpu.memory_space<hbm>>) target(%dma_start3A_868 : memref<128x8xf32, #tpu.memory_space<vmem>>) offsets(%dma_start3A_871 : memref<128xi32, #tpu.memory_space<vmem>>) semaphore(%arg8 : memref<!tpu.dma_semaphore, #tpu.memory_space<semaphore_mem>>)
      %mul3A_875 = arith.constant 8 : i32
      %mul3A_876 = arith.muli %scan3A_734, %mul3A_875 : i32
      %add3A_877 = arith.constant 64 : i32
      %add3A_878 = arith.addi %add3A_877, %mul3A_876 : i32
      %add3A_879 = arith.constant 7 : i32
      %add3A_880 = arith.addi %add3A_878, %add3A_879 : i32
      %mul3A_881 = arith.constant 8 : i32
      %mul3A_882 = arith.muli %scan3A_734, %mul3A_881 : i32
      %add3A_883 = arith.constant 7 : i32
      %add3A_884 = arith.addi %mul3A_882, %add3A_883 : i32
      %mul3A_885 = arith.constant 128 : i32
      %mul3A_886 = arith.muli %add3A_884, %mul3A_885 : i32
      %dma_start3A_887 = arith.constant 0 : i32
      %dma_start3A_888 = tpu.memref_slice %arg6[%mul3A_886, %dma_start3A_887] : memref<4096x8xf32, #tpu.memory_space<vmem>> -> memref<128x8xf32, #tpu.memory_space<vmem>>
      %dma_start3A_889 = arith.constant 0 : i32
      %dma_start3A_890 = tpu.memref_slice %arg5[%add3A_880, %dma_start3A_889] : memref<128x128xi32, #tpu.memory_space<vmem>> -> memref<1x128xi32, #tpu.memory_space<vmem>>
      %dma_start3A_891 = tpu.memref_squeeze %dma_start3A_890 : memref<1x128xi32, #tpu.memory_space<vmem>> -> memref<128xi32, #tpu.memory_space<vmem>>
      %dma_start3A_892 = arith.constant 0 : i32
      %dma_start3A_893 = arith.constant 0 : i32
      %dma_start3A_894 = tpu.memref_slice %arg2[%dma_start3A_892, %dma_start3A_893] : memref<1000000x8xf32, #tpu.memory_space<hbm>> -> memref<1000000x8xf32, #tpu.memory_space<hbm>>
      tpu.enqueue_indirect_dma source(%dma_start3A_894 : memref<1000000x8xf32, #tpu.memory_space<hbm>>) target(%dma_start3A_888 : memref<128x8xf32, #tpu.memory_space<vmem>>) offsets(%dma_start3A_891 : memref<128xi32, #tpu.memory_space<vmem>>) semaphore(%arg8 : memref<!tpu.dma_semaphore, #tpu.memory_space<semaphore_mem>>)
      %dma_wait3A_895 = arith.constant 0 : i32
      %dma_wait3A_896 = tpu.memref_slice %arg6[%mul3A_746, %dma_wait3A_895] : memref<4096x8xf32, #tpu.memory_space<vmem>> -> memref<128x8xf32, #tpu.memory_space<vmem>>
      %dma_wait3A_897 = arith.constant 0 : i32
      %dma_wait3A_898 = tpu.memref_slice %arg5[%add3A_740, %dma_wait3A_897] : memref<128x128xi32, #tpu.memory_space<vmem>> -> memref<1x128xi32, #tpu.memory_space<vmem>>
      %dma_wait3A_899 = tpu.memref_squeeze %dma_wait3A_898 : memref<1x128xi32, #tpu.memory_space<vmem>> -> memref<128xi32, #tpu.memory_space<vmem>>
      %dma_wait3A_900 = arith.constant 0 : i32
      %dma_wait3A_901 = arith.constant 0 : i32
      %dma_wait3A_902 = tpu.memref_slice %arg2[%dma_wait3A_900, %dma_wait3A_901] : memref<1000000x8xf32, #tpu.memory_space<hbm>> -> memref<1000000x8xf32, #tpu.memory_space<hbm>>
      tpu.wait_indirect_dma semaphore(%arg8 : memref<!tpu.dma_semaphore, #tpu.memory_space<semaphore_mem>>) src(%dma_wait3A_902 : memref<1000000x8xf32, #tpu.memory_space<hbm>>) dst(%dma_wait3A_896 : memref<128x8xf32, #tpu.memory_space<vmem>>)
      %dma_wait3A_903 = arith.constant 0 : i32
      %dma_wait3A_904 = tpu.memref_slice %arg6[%mul3A_766, %dma_wait3A_903] : memref<4096x8xf32, #tpu.memory_space<vmem>> -> memref<128x8xf32, #tpu.memory_space<vmem>>
      %dma_wait3A_905 = arith.constant 0 : i32
      %dma_wait3A_906 = tpu.memref_slice %arg5[%add3A_760, %dma_wait3A_905] : memref<128x128xi32, #tpu.memory_space<vmem>> -> memref<1x128xi32, #tpu.memory_space<vmem>>
      %dma_wait3A_907 = tpu.memref_squeeze %dma_wait3A_906 : memref<1x128xi32, #tpu.memory_space<vmem>> -> memref<128xi32, #tpu.memory_space<vmem>>
      %dma_wait3A_908 = arith.constant 0 : i32
      %dma_wait3A_909 = arith.constant 0 : i32
      %dma_wait3A_910 = tpu.memref_slice %arg2[%dma_wait3A_908, %dma_wait3A_909] : memref<1000000x8xf32, #tpu.memory_space<hbm>> -> memref<1000000x8xf32, #tpu.memory_space<hbm>>
      tpu.wait_indirect_dma semaphore(%arg8 : memref<!tpu.dma_semaphore, #tpu.memory_space<semaphore_mem>>) src(%dma_wait3A_910 : memref<1000000x8xf32, #tpu.memory_space<hbm>>) dst(%dma_wait3A_904 : memref<128x8xf32, #tpu.memory_space<vmem>>)
      %dma_wait3A_911 = arith.constant 0 : i32
      %dma_wait3A_912 = tpu.memref_slice %arg6[%mul3A_786, %dma_wait3A_911] : memref<4096x8xf32, #tpu.memory_space<vmem>> -> memref<128x8xf32, #tpu.memory_space<vmem>>
      %dma_wait3A_913 = arith.constant 0 : i32
      %dma_wait3A_914 = tpu.memref_slice %arg5[%add3A_780, %dma_wait3A_913] : memref<128x128xi32, #tpu.memory_space<vmem>> -> memref<1x128xi32, #tpu.memory_space<vmem>>
      %dma_wait3A_915 = tpu.memref_squeeze %dma_wait3A_914 : memref<1x128xi32, #tpu.memory_space<vmem>> -> memref<128xi32, #tpu.memory_space<vmem>>
      %dma_wait3A_916 = arith.constant 0 : i32
      %dma_wait3A_917 = arith.constant 0 : i32
      %dma_wait3A_918 = tpu.memref_slice %arg2[%dma_wait3A_916, %dma_wait3A_917] : memref<1000000x8xf32, #tpu.memory_space<hbm>> -> memref<1000000x8xf32, #tpu.memory_space<hbm>>
      tpu.wait_indirect_dma semaphore(%arg8 : memref<!tpu.dma_semaphore, #tpu.memory_space<semaphore_mem>>) src(%dma_wait3A_918 : memref<1000000x8xf32, #tpu.memory_space<hbm>>) dst(%dma_wait3A_912 : memref<128x8xf32, #tpu.memory_space<vmem>>)
      %dma_wait3A_919 = arith.constant 0 : i32
      %dma_wait3A_920 = tpu.memref_slice %arg6[%mul3A_806, %dma_wait3A_919] : memref<4096x8xf32, #tpu.memory_space<vmem>> -> memref<128x8xf32, #tpu.memory_space<vmem>>
      %dma_wait3A_921 = arith.constant 0 : i32
      %dma_wait3A_922 = tpu.memref_slice %arg5[%add3A_800, %dma_wait3A_921] : memref<128x128xi32, #tpu.memory_space<vmem>> -> memref<1x128xi32, #tpu.memory_space<vmem>>
      %dma_wait3A_923 = tpu.memref_squeeze %dma_wait3A_922 : memref<1x128xi32, #tpu.memory_space<vmem>> -> memref<128xi32, #tpu.memory_space<vmem>>
      %dma_wait3A_924 = arith.constant 0 : i32
      %dma_wait3A_925 = arith.constant 0 : i32
      %dma_wait3A_926 = tpu.memref_slice %arg2[%dma_wait3A_924, %dma_wait3A_925] : memref<1000000x8xf32, #tpu.memory_space<hbm>> -> memref<1000000x8xf32, #tpu.memory_space<hbm>>
      tpu.wait_indirect_dma semaphore(%arg8 : memref<!tpu.dma_semaphore, #tpu.memory_space<semaphore_mem>>) src(%dma_wait3A_926 : memref<1000000x8xf32, #tpu.memory_space<hbm>>) dst(%dma_wait3A_920 : memref<128x8xf32, #tpu.memory_space<vmem>>)
      %dma_wait3A_927 = arith.constant 0 : i32
      %dma_wait3A_928 = tpu.memref_slice %arg6[%mul3A_826, %dma_wait3A_927] : memref<4096x8xf32, #tpu.memory_space<vmem>> -> memref<128x8xf32, #tpu.memory_space<vmem>>
      %dma_wait3A_929 = arith.constant 0 : i32
      %dma_wait3A_930 = tpu.memref_slice %arg5[%add3A_820, %dma_wait3A_929] : memref<128x128xi32, #tpu.memory_space<vmem>> -> memref<1x128xi32, #tpu.memory_space<vmem>>
      %dma_wait3A_931 = tpu.memref_squeeze %dma_wait3A_930 : memref<1x128xi32, #tpu.memory_space<vmem>> -> memref<128xi32, #tpu.memory_space<vmem>>
      %dma_wait3A_932 = arith.constant 0 : i32
      %dma_wait3A_933 = arith.constant 0 : i32
      %dma_wait3A_934 = tpu.memref_slice %arg2[%dma_wait3A_932, %dma_wait3A_933] : memref<1000000x8xf32, #tpu.memory_space<hbm>> -> memref<1000000x8xf32, #tpu.memory_space<hbm>>
      tpu.wait_indirect_dma semaphore(%arg8 : memref<!tpu.dma_semaphore, #tpu.memory_space<semaphore_mem>>) src(%dma_wait3A_934 : memref<1000000x8xf32, #tpu.memory_space<hbm>>) dst(%dma_wait3A_928 : memref<128x8xf32, #tpu.memory_space<vmem>>)
      %dma_wait3A_935 = arith.constant 0 : i32
      %dma_wait3A_936 = tpu.memref_slice %arg6[%mul3A_846, %dma_wait3A_935] : memref<4096x8xf32, #tpu.memory_space<vmem>> -> memref<128x8xf32, #tpu.memory_space<vmem>>
      %dma_wait3A_937 = arith.constant 0 : i32
      %dma_wait3A_938 = tpu.memref_slice %arg5[%add3A_840, %dma_wait3A_937] : memref<128x128xi32, #tpu.memory_space<vmem>> -> memref<1x128xi32, #tpu.memory_space<vmem>>
      %dma_wait3A_939 = tpu.memref_squeeze %dma_wait3A_938 : memref<1x128xi32, #tpu.memory_space<vmem>> -> memref<128xi32, #tpu.memory_space<vmem>>
      %dma_wait3A_940 = arith.constant 0 : i32
      %dma_wait3A_941 = arith.constant 0 : i32
      %dma_wait3A_942 = tpu.memref_slice %arg2[%dma_wait3A_940, %dma_wait3A_941] : memref<1000000x8xf32, #tpu.memory_space<hbm>> -> memref<1000000x8xf32, #tpu.memory_space<hbm>>
      tpu.wait_indirect_dma semaphore(%arg8 : memref<!tpu.dma_semaphore, #tpu.memory_space<semaphore_mem>>) src(%dma_wait3A_942 : memref<1000000x8xf32, #tpu.memory_space<hbm>>) dst(%dma_wait3A_936 : memref<128x8xf32, #tpu.memory_space<vmem>>)
      %dma_wait3A_943 = arith.constant 0 : i32
      %dma_wait3A_944 = tpu.memref_slice %arg6[%mul3A_866, %dma_wait3A_943] : memref<4096x8xf32, #tpu.memory_space<vmem>> -> memref<128x8xf32, #tpu.memory_space<vmem>>
      %dma_wait3A_945 = arith.constant 0 : i32
      %dma_wait3A_946 = tpu.memref_slice %arg5[%add3A_860, %dma_wait3A_945] : memref<128x128xi32, #tpu.memory_space<vmem>> -> memref<1x128xi32, #tpu.memory_space<vmem>>
      %dma_wait3A_947 = tpu.memref_squeeze %dma_wait3A_946 : memref<1x128xi32, #tpu.memory_space<vmem>> -> memref<128xi32, #tpu.memory_space<vmem>>
      %dma_wait3A_948 = arith.constant 0 : i32
      %dma_wait3A_949 = arith.constant 0 : i32
      %dma_wait3A_950 = tpu.memref_slice %arg2[%dma_wait3A_948, %dma_wait3A_949] : memref<1000000x8xf32, #tpu.memory_space<hbm>> -> memref<1000000x8xf32, #tpu.memory_space<hbm>>
      tpu.wait_indirect_dma semaphore(%arg8 : memref<!tpu.dma_semaphore, #tpu.memory_space<semaphore_mem>>) src(%dma_wait3A_950 : memref<1000000x8xf32, #tpu.memory_space<hbm>>) dst(%dma_wait3A_944 : memref<128x8xf32, #tpu.memory_space<vmem>>)
      %dma_wait3A_951 = arith.constant 0 : i32
      %dma_wait3A_952 = tpu.memref_slice %arg6[%mul3A_886, %dma_wait3A_951] : memref<4096x8xf32, #tpu.memory_space<vmem>> -> memref<128x8xf32, #tpu.memory_space<vmem>>
      %dma_wait3A_953 = arith.constant 0 : i32
      %dma_wait3A_954 = tpu.memref_slice %arg5[%add3A_880, %dma_wait3A_953] : memref<128x128xi32, #tpu.memory_space<vmem>> -> memref<1x128xi32, #tpu.memory_space<vmem>>
      %dma_wait3A_955 = tpu.memref_squeeze %dma_wait3A_954 : memref<1x128xi32, #tpu.memory_space<vmem>> -> memref<128xi32, #tpu.memory_space<vmem>>
      %dma_wait3A_956 = arith.constant 0 : i32
      %dma_wait3A_957 = arith.constant 0 : i32
      %dma_wait3A_958 = tpu.memref_slice %arg2[%dma_wait3A_956, %dma_wait3A_957] : memref<1000000x8xf32, #tpu.memory_space<hbm>> -> memref<1000000x8xf32, #tpu.memory_space<hbm>>
      tpu.wait_indirect_dma semaphore(%arg8 : memref<!tpu.dma_semaphore, #tpu.memory_space<semaphore_mem>>) src(%dma_wait3A_958 : memref<1000000x8xf32, #tpu.memory_space<hbm>>) dst(%dma_wait3A_952 : memref<128x8xf32, #tpu.memory_space<vmem>>)
    }
    %scan3A_371 = arith.constant 4 : i32
    %scan3A_372 = arith.constant 0 : i32
    %scan3A_373 = arith.constant 0 : i32
    %scan3A_374 = arith.constant 128 : i32
    %scan3A_375 = arith.addi %scan3A_373, %scan3A_374 : i32
    %scan3A_376 = arith.constant 1 : i32
    scf.for %scan3A_734 = %scan3A_373 to %scan3A_375 step %scan3A_376  : i32 {
      %mul3A_735 = arith.constant 32 : i32
      %mul3A_736 = arith.muli %scan3A_734, %mul3A_735 : i32
      %mul3A_737 = arith.constant 2 : i32
      %mul3A_738 = vector.broadcast %mul3A_737 : i32 to vector<16xi32>
      %mul3A_739 = arith.muli %mul3A_738, %iota3A : vector<16xi32>
      %add3A_740 = vector.broadcast %mul3A_736 : i32 to vector<16xi32>
      %add3A_741 = arith.addi %add3A_740, %mul3A_739 : vector<16xi32>
      %add3A_742 = arith.constant 1 : i32
      %add3A_743 = vector.broadcast %add3A_742 : i32 to vector<16xi32>
      %add3A_744 = arith.addi %add3A_741, %add3A_743 : vector<16xi32>
      %broadcast_in_dim3A = arith.constant 0 : i32
      %broadcast_in_dim3A_745 = vector.broadcast %broadcast_in_dim3A : i32 to vector<16xi32>
      %gather3A = tpu.vector_load_idx %arg6[%add3A_741, %broadcast_in_dim3A_745] : memref<4096x8xf32, #tpu.memory_space<vmem>>[vector<16xi32>, vector<16xi32>], vector<16xf32>,
      %gather3A_746 = tpu.vector_load_idx %arg6[%add3A_744, %broadcast_in_dim3A_745] : memref<4096x8xf32, #tpu.memory_space<vmem>>[vector<16xi32>, vector<16xi32>], vector<16xf32>,
      %mul3A_747 = arith.mulf %gather3A, %gather3A_746 : vector<16xf32>
      %mul3A_748 = arith.constant 16 : i32
      %mul3A_749 = arith.muli %scan3A_734, %mul3A_748 : i32
      %swap3A = arith.constant 0 : i32
      %swap3A_750 = arith.index_cast %swap3A : i32 to index
      %swap3A_751 = arith.index_cast %mul3A_749 : i32 to index
      %swap3A_752 = tpu.vector_load %arg7[%swap3A_750, %swap3A_751] {strides = array<i32>} : memref<7x2048xf32, #tpu.memory_space<vmem>>, vector<16xf32>,
      tpu.vector_store %arg7[%swap3A_750, %swap3A_751], %mul3A_747 {strides = array<i32>} : memref<7x2048xf32, #tpu.memory_space<vmem>>, vector<16xf32>,
      %broadcast_in_dim3A_753 = arith.constant 1 : i32
      %broadcast_in_dim3A_754 = vector.broadcast %broadcast_in_dim3A_753 : i32 to vector<16xi32>
      %gather3A_755 = tpu.vector_load_idx %arg6[%add3A_741, %broadcast_in_dim3A_754] : memref<4096x8xf32, #tpu.memory_space<vmem>>[vector<16xi32>, vector<16xi32>], vector<16xf32>,
      %mul3A_756 = arith.constant 16 : i32
      %mul3A_757 = arith.muli %scan3A_734, %mul3A_756 : i32
      %swap3A_758 = arith.constant 1 : i32
      %swap3A_759 = arith.index_cast %swap3A_758 : i32 to index
      %swap3A_760 = arith.index_cast %mul3A_757 : i32 to index
      %swap3A_761 = tpu.vector_load %arg7[%swap3A_759, %swap3A_760] {strides = array<i32>} : memref<7x2048xf32, #tpu.memory_space<vmem>>, vector<16xf32>,
      tpu.vector_store %arg7[%swap3A_759, %swap3A_760], %gather3A_755 {strides = array<i32>} : memref<7x2048xf32, #tpu.memory_space<vmem>>, vector<16xf32>,
      %gather3A_762 = tpu.vector_load_idx %arg6[%add3A_744, %broadcast_in_dim3A_754] : memref<4096x8xf32, #tpu.memory_space<vmem>>[vector<16xi32>, vector<16xi32>], vector<16xf32>,
      %mul3A_763 = arith.constant 16 : i32
      %mul3A_764 = arith.muli %scan3A_734, %mul3A_763 : i32
      %swap3A_765 = arith.constant 4 : i32
      %swap3A_766 = arith.index_cast %swap3A_765 : i32 to index
      %swap3A_767 = arith.index_cast %mul3A_764 : i32 to index
      %swap3A_768 = tpu.vector_load %arg7[%swap3A_766, %swap3A_767] {strides = array<i32>} : memref<7x2048xf32, #tpu.memory_space<vmem>>, vector<16xf32>,
      tpu.vector_store %arg7[%swap3A_766, %swap3A_767], %gather3A_762 {strides = array<i32>} : memref<7x2048xf32, #tpu.memory_space<vmem>>, vector<16xf32>,
      %broadcast_in_dim3A_769 = arith.constant 2 : i32
      %broadcast_in_dim3A_770 = vector.broadcast %broadcast_in_dim3A_769 : i32 to vector<16xi32>
      %gather3A_771 = tpu.vector_load_idx %arg6[%add3A_741, %broadcast_in_dim3A_770] : memref<4096x8xf32, #tpu.memory_space<vmem>>[vector<16xi32>, vector<16xi32>], vector<16xf32>,
      %mul3A_772 = arith.constant 16 : i32
      %mul3A_773 = arith.muli %scan3A_734, %mul3A_772 : i32
      %swap3A_774 = arith.constant 2 : i32
      %swap3A_775 = arith.index_cast %swap3A_774 : i32 to index
      %swap3A_776 = arith.index_cast %mul3A_773 : i32 to index
      %swap3A_777 = tpu.vector_load %arg7[%swap3A_775, %swap3A_776] {strides = array<i32>} : memref<7x2048xf32, #tpu.memory_space<vmem>>, vector<16xf32>,
      tpu.vector_store %arg7[%swap3A_775, %swap3A_776], %gather3A_771 {strides = array<i32>} : memref<7x2048xf32, #tpu.memory_space<vmem>>, vector<16xf32>,
      %gather3A_778 = tpu.vector_load_idx %arg6[%add3A_744, %broadcast_in_dim3A_770] : memref<4096x8xf32, #tpu.memory_space<vmem>>[vector<16xi32>, vector<16xi32>], vector<16xf32>,
      %mul3A_779 = arith.constant 16 : i32
      %mul3A_780 = arith.muli %scan3A_734, %mul3A_779 : i32
      %swap3A_781 = arith.constant 5 : i32
      %swap3A_782 = arith.index_cast %swap3A_781 : i32 to index
      %swap3A_783 = arith.index_cast %mul3A_780 : i32 to index
      %swap3A_784 = tpu.vector_load %arg7[%swap3A_782, %swap3A_783] {strides = array<i32>} : memref<7x2048xf32, #tpu.memory_space<vmem>>, vector<16xf32>,
      tpu.vector_store %arg7[%swap3A_782, %swap3A_783], %gather3A_778 {strides = array<i32>} : memref<7x2048xf32, #tpu.memory_space<vmem>>, vector<16xf32>,
      %broadcast_in_dim3A_785 = arith.constant 3 : i32
      %broadcast_in_dim3A_786 = vector.broadcast %broadcast_in_dim3A_785 : i32 to vector<16xi32>
      %gather3A_787 = tpu.vector_load_idx %arg6[%add3A_741, %broadcast_in_dim3A_786] : memref<4096x8xf32, #tpu.memory_space<vmem>>[vector<16xi32>, vector<16xi32>], vector<16xf32>,
      %mul3A_788 = arith.constant 16 : i32
      %mul3A_789 = arith.muli %scan3A_734, %mul3A_788 : i32
      %swap3A_790 = arith.constant 3 : i32
      %swap3A_791 = arith.index_cast %swap3A_790 : i32 to index
      %swap3A_792 = arith.index_cast %mul3A_789 : i32 to index
      %swap3A_793 = tpu.vector_load %arg7[%swap3A_791, %swap3A_792] {strides = array<i32>} : memref<7x2048xf32, #tpu.memory_space<vmem>>, vector<16xf32>,
      tpu.vector_store %arg7[%swap3A_791, %swap3A_792], %gather3A_787 {strides = array<i32>} : memref<7x2048xf32, #tpu.memory_space<vmem>>, vector<16xf32>,
      %gather3A_794 = tpu.vector_load_idx %arg6[%add3A_744, %broadcast_in_dim3A_786] : memref<4096x8xf32, #tpu.memory_space<vmem>>[vector<16xi32>, vector<16xi32>], vector<16xf32>,
      %mul3A_795 = arith.constant 16 : i32
      %mul3A_796 = arith.muli %scan3A_734, %mul3A_795 : i32
      %swap3A_797 = arith.constant 6 : i32
      %swap3A_798 = arith.index_cast %swap3A_797 : i32 to index
      %swap3A_799 = arith.index_cast %mul3A_796 : i32 to index
      %swap3A_800 = tpu.vector_load %arg7[%swap3A_798, %swap3A_799] {strides = array<i32>} : memref<7x2048xf32, #tpu.memory_space<vmem>>, vector<16xf32>,
      tpu.vector_store %arg7[%swap3A_798, %swap3A_799], %gather3A_794 {strides = array<i32>} : memref<7x2048xf32, #tpu.memory_space<vmem>>, vector<16xf32>,
    }
    %scan3A_377 = arith.constant 128 : i32
    %mul3A_378 = arith.constant 8192 : i32
    %mul3A_379 = arith.muli %add3A, %mul3A_378 : i32
    %add3A_380 = arith.constant 4096 : i32
    %add3A_381 = arith.addi %mul3A_379, %add3A_380 : i32
    %dma_start3A_382 = arith.constant 0 : i32
    %dma_start3A_383 = arith.constant 0 : i32
    %dma_start3A_384 = arith.constant 0 : i32
    %dma_start3A_385 = tpu.memref_slice %arg7[%dma_start3A_382, %dma_start3A_384] : memref<7x2048xf32, #tpu.memory_space<vmem>> -> memref<1x2048xf32, #tpu.memory_space<vmem>>
    %dma_start3A_386 = tpu.memref_squeeze %dma_start3A_385 : memref<1x2048xf32, #tpu.memory_space<vmem>> -> memref<2048xf32, #tpu.memory_space<vmem>>
    %dma_start3A_387 = tpu.memref_slice %arg4[%dma_start3A_383, %add3A_381] : memref<7x262144xf32, #tpu.memory_space<hbm>> -> memref<1x2048xf32, #tpu.memory_space<hbm>>
    %dma_start3A_388 = tpu.memref_squeeze %dma_start3A_387 : memref<1x2048xf32, #tpu.memory_space<hbm>> -> memref<2048xf32, #tpu.memory_space<hbm>>
    %dma_start3A_389 = tpu.memref_slice %arg4[%dma_start3A_383, %add3A_381] : memref<7x262144xf32, #tpu.memory_space<hbm>> -> memref<1x2048xf32, #tpu.memory_space<hbm>>
    %dma_start3A_390 = tpu.memref_squeeze %dma_start3A_389 : memref<1x2048xf32, #tpu.memory_space<hbm>> -> memref<2048xf32, #tpu.memory_space<hbm>>
    %dma_start3A_391 = arith.constant 0 : i32
    %dma_start3A_392 = tpu.memref_slice %arg7[%dma_start3A_382, %dma_start3A_391] : memref<7x2048xf32, #tpu.memory_space<vmem>> -> memref<1x2048xf32, #tpu.memory_space<vmem>>
    %dma_start3A_393 = tpu.memref_squeeze %dma_start3A_392 : memref<1x2048xf32, #tpu.memory_space<vmem>> -> memref<2048xf32, #tpu.memory_space<vmem>>
    tpu.enqueue_dma source(%dma_start3A_393 : memref<2048xf32, #tpu.memory_space<vmem>>) target(%dma_start3A_390 : memref<2048xf32, #tpu.memory_space<hbm>>) target_semaphore(%arg8 : memref<!tpu.dma_semaphore, #tpu.memory_space<semaphore_mem>>)
    %dma_start3A_394 = arith.constant 1 : i32
    %dma_start3A_395 = arith.constant 1 : i32
    %dma_start3A_396 = arith.constant 0 : i32
    %dma_start3A_397 = tpu.memref_slice %arg7[%dma_start3A_394, %dma_start3A_396] : memref<7x2048xf32, #tpu.memory_space<vmem>> -> memref<1x2048xf32, #tpu.memory_space<vmem>>
    %dma_start3A_398 = tpu.memref_squeeze %dma_start3A_397 : memref<1x2048xf32, #tpu.memory_space<vmem>> -> memref<2048xf32, #tpu.memory_space<vmem>>
    %dma_start3A_399 = tpu.memref_slice %arg4[%dma_start3A_395, %add3A_381] : memref<7x262144xf32, #tpu.memory_space<hbm>> -> memref<1x2048xf32, #tpu.memory_space<hbm>>
    %dma_start3A_400 = tpu.memref_squeeze %dma_start3A_399 : memref<1x2048xf32, #tpu.memory_space<hbm>> -> memref<2048xf32, #tpu.memory_space<hbm>>
    %dma_start3A_401 = tpu.memref_slice %arg4[%dma_start3A_395, %add3A_381] : memref<7x262144xf32, #tpu.memory_space<hbm>> -> memref<1x2048xf32, #tpu.memory_space<hbm>>
    %dma_start3A_402 = tpu.memref_squeeze %dma_start3A_401 : memref<1x2048xf32, #tpu.memory_space<hbm>> -> memref<2048xf32, #tpu.memory_space<hbm>>
    %dma_start3A_403 = arith.constant 0 : i32
    %dma_start3A_404 = tpu.memref_slice %arg7[%dma_start3A_394, %dma_start3A_403] : memref<7x2048xf32, #tpu.memory_space<vmem>> -> memref<1x2048xf32, #tpu.memory_space<vmem>>
    %dma_start3A_405 = tpu.memref_squeeze %dma_start3A_404 : memref<1x2048xf32, #tpu.memory_space<vmem>> -> memref<2048xf32, #tpu.memory_space<vmem>>
    tpu.enqueue_dma source(%dma_start3A_405 : memref<2048xf32, #tpu.memory_space<vmem>>) target(%dma_start3A_402 : memref<2048xf32, #tpu.memory_space<hbm>>) target_semaphore(%arg8 : memref<!tpu.dma_semaphore, #tpu.memory_space<semaphore_mem>>)
    %dma_start3A_406 = arith.constant 2 : i32
    %dma_start3A_407 = arith.constant 2 : i32
    %dma_start3A_408 = arith.constant 0 : i32
    %dma_start3A_409 = tpu.memref_slice %arg7[%dma_start3A_406, %dma_start3A_408] : memref<7x2048xf32, #tpu.memory_space<vmem>> -> memref<1x2048xf32, #tpu.memory_space<vmem>>
    %dma_start3A_410 = tpu.memref_squeeze %dma_start3A_409 : memref<1x2048xf32, #tpu.memory_space<vmem>> -> memref<2048xf32, #tpu.memory_space<vmem>>
    %dma_start3A_411 = tpu.memref_slice %arg4[%dma_start3A_407, %add3A_381] : memref<7x262144xf32, #tpu.memory_space<hbm>> -> memref<1x2048xf32, #tpu.memory_space<hbm>>
    %dma_start3A_412 = tpu.memref_squeeze %dma_start3A_411 : memref<1x2048xf32, #tpu.memory_space<hbm>> -> memref<2048xf32, #tpu.memory_space<hbm>>
    %dma_start3A_413 = tpu.memref_slice %arg4[%dma_start3A_407, %add3A_381] : memref<7x262144xf32, #tpu.memory_space<hbm>> -> memref<1x2048xf32, #tpu.memory_space<hbm>>
    %dma_start3A_414 = tpu.memref_squeeze %dma_start3A_413 : memref<1x2048xf32, #tpu.memory_space<hbm>> -> memref<2048xf32, #tpu.memory_space<hbm>>
    %dma_start3A_415 = arith.constant 0 : i32
    %dma_start3A_416 = tpu.memref_slice %arg7[%dma_start3A_406, %dma_start3A_415] : memref<7x2048xf32, #tpu.memory_space<vmem>> -> memref<1x2048xf32, #tpu.memory_space<vmem>>
    %dma_start3A_417 = tpu.memref_squeeze %dma_start3A_416 : memref<1x2048xf32, #tpu.memory_space<vmem>> -> memref<2048xf32, #tpu.memory_space<vmem>>
    tpu.enqueue_dma source(%dma_start3A_417 : memref<2048xf32, #tpu.memory_space<vmem>>) target(%dma_start3A_414 : memref<2048xf32, #tpu.memory_space<hbm>>) target_semaphore(%arg8 : memref<!tpu.dma_semaphore, #tpu.memory_space<semaphore_mem>>)
    %dma_start3A_418 = arith.constant 3 : i32
    %dma_start3A_419 = arith.constant 3 : i32
    %dma_start3A_420 = arith.constant 0 : i32
    %dma_start3A_421 = tpu.memref_slice %arg7[%dma_start3A_418, %dma_start3A_420] : memref<7x2048xf32, #tpu.memory_space<vmem>> -> memref<1x2048xf32, #tpu.memory_space<vmem>>
    %dma_start3A_422 = tpu.memref_squeeze %dma_start3A_421 : memref<1x2048xf32, #tpu.memory_space<vmem>> -> memref<2048xf32, #tpu.memory_space<vmem>>
    %dma_start3A_423 = tpu.memref_slice %arg4[%dma_start3A_419, %add3A_381] : memref<7x262144xf32, #tpu.memory_space<hbm>> -> memref<1x2048xf32, #tpu.memory_space<hbm>>
    %dma_start3A_424 = tpu.memref_squeeze %dma_start3A_423 : memref<1x2048xf32, #tpu.memory_space<hbm>> -> memref<2048xf32, #tpu.memory_space<hbm>>
    %dma_start3A_425 = tpu.memref_slice %arg4[%dma_start3A_419, %add3A_381] : memref<7x262144xf32, #tpu.memory_space<hbm>> -> memref<1x2048xf32, #tpu.memory_space<hbm>>
    %dma_start3A_426 = tpu.memref_squeeze %dma_start3A_425 : memref<1x2048xf32, #tpu.memory_space<hbm>> -> memref<2048xf32, #tpu.memory_space<hbm>>
    %dma_start3A_427 = arith.constant 0 : i32
    %dma_start3A_428 = tpu.memref_slice %arg7[%dma_start3A_418, %dma_start3A_427] : memref<7x2048xf32, #tpu.memory_space<vmem>> -> memref<1x2048xf32, #tpu.memory_space<vmem>>
    %dma_start3A_429 = tpu.memref_squeeze %dma_start3A_428 : memref<1x2048xf32, #tpu.memory_space<vmem>> -> memref<2048xf32, #tpu.memory_space<vmem>>
    tpu.enqueue_dma source(%dma_start3A_429 : memref<2048xf32, #tpu.memory_space<vmem>>) target(%dma_start3A_426 : memref<2048xf32, #tpu.memory_space<hbm>>) target_semaphore(%arg8 : memref<!tpu.dma_semaphore, #tpu.memory_space<semaphore_mem>>)
    %dma_start3A_430 = arith.constant 4 : i32
    %dma_start3A_431 = arith.constant 4 : i32
    %dma_start3A_432 = arith.constant 0 : i32
    %dma_start3A_433 = tpu.memref_slice %arg7[%dma_start3A_430, %dma_start3A_432] : memref<7x2048xf32, #tpu.memory_space<vmem>> -> memref<1x2048xf32, #tpu.memory_space<vmem>>
    %dma_start3A_434 = tpu.memref_squeeze %dma_start3A_433 : memref<1x2048xf32, #tpu.memory_space<vmem>> -> memref<2048xf32, #tpu.memory_space<vmem>>
    %dma_start3A_435 = tpu.memref_slice %arg4[%dma_start3A_431, %add3A_381] : memref<7x262144xf32, #tpu.memory_space<hbm>> -> memref<1x2048xf32, #tpu.memory_space<hbm>>
    %dma_start3A_436 = tpu.memref_squeeze %dma_start3A_435 : memref<1x2048xf32, #tpu.memory_space<hbm>> -> memref<2048xf32, #tpu.memory_space<hbm>>
    %dma_start3A_437 = tpu.memref_slice %arg4[%dma_start3A_431, %add3A_381] : memref<7x262144xf32, #tpu.memory_space<hbm>> -> memref<1x2048xf32, #tpu.memory_space<hbm>>
    %dma_start3A_438 = tpu.memref_squeeze %dma_start3A_437 : memref<1x2048xf32, #tpu.memory_space<hbm>> -> memref<2048xf32, #tpu.memory_space<hbm>>
    %dma_start3A_439 = arith.constant 0 : i32
    %dma_start3A_440 = tpu.memref_slice %arg7[%dma_start3A_430, %dma_start3A_439] : memref<7x2048xf32, #tpu.memory_space<vmem>> -> memref<1x2048xf32, #tpu.memory_space<vmem>>
    %dma_start3A_441 = tpu.memref_squeeze %dma_start3A_440 : memref<1x2048xf32, #tpu.memory_space<vmem>> -> memref<2048xf32, #tpu.memory_space<vmem>>
    tpu.enqueue_dma source(%dma_start3A_441 : memref<2048xf32, #tpu.memory_space<vmem>>) target(%dma_start3A_438 : memref<2048xf32, #tpu.memory_space<hbm>>) target_semaphore(%arg8 : memref<!tpu.dma_semaphore, #tpu.memory_space<semaphore_mem>>)
    %dma_start3A_442 = arith.constant 5 : i32
    %dma_start3A_443 = arith.constant 5 : i32
    %dma_start3A_444 = arith.constant 0 : i32
    %dma_start3A_445 = tpu.memref_slice %arg7[%dma_start3A_442, %dma_start3A_444] : memref<7x2048xf32, #tpu.memory_space<vmem>> -> memref<1x2048xf32, #tpu.memory_space<vmem>>
    %dma_start3A_446 = tpu.memref_squeeze %dma_start3A_445 : memref<1x2048xf32, #tpu.memory_space<vmem>> -> memref<2048xf32, #tpu.memory_space<vmem>>
    %dma_start3A_447 = tpu.memref_slice %arg4[%dma_start3A_443, %add3A_381] : memref<7x262144xf32, #tpu.memory_space<hbm>> -> memref<1x2048xf32, #tpu.memory_space<hbm>>
    %dma_start3A_448 = tpu.memref_squeeze %dma_start3A_447 : memref<1x2048xf32, #tpu.memory_space<hbm>> -> memref<2048xf32, #tpu.memory_space<hbm>>
    %dma_start3A_449 = tpu.memref_slice %arg4[%dma_start3A_443, %add3A_381] : memref<7x262144xf32, #tpu.memory_space<hbm>> -> memref<1x2048xf32, #tpu.memory_space<hbm>>
    %dma_start3A_450 = tpu.memref_squeeze %dma_start3A_449 : memref<1x2048xf32, #tpu.memory_space<hbm>> -> memref<2048xf32, #tpu.memory_space<hbm>>
    %dma_start3A_451 = arith.constant 0 : i32
    %dma_start3A_452 = tpu.memref_slice %arg7[%dma_start3A_442, %dma_start3A_451] : memref<7x2048xf32, #tpu.memory_space<vmem>> -> memref<1x2048xf32, #tpu.memory_space<vmem>>
    %dma_start3A_453 = tpu.memref_squeeze %dma_start3A_452 : memref<1x2048xf32, #tpu.memory_space<vmem>> -> memref<2048xf32, #tpu.memory_space<vmem>>
    tpu.enqueue_dma source(%dma_start3A_453 : memref<2048xf32, #tpu.memory_space<vmem>>) target(%dma_start3A_450 : memref<2048xf32, #tpu.memory_space<hbm>>) target_semaphore(%arg8 : memref<!tpu.dma_semaphore, #tpu.memory_space<semaphore_mem>>)
    %dma_start3A_454 = arith.constant 6 : i32
    %dma_start3A_455 = arith.constant 6 : i32
    %dma_start3A_456 = arith.constant 0 : i32
    %dma_start3A_457 = tpu.memref_slice %arg7[%dma_start3A_454, %dma_start3A_456] : memref<7x2048xf32, #tpu.memory_space<vmem>> -> memref<1x2048xf32, #tpu.memory_space<vmem>>
    %dma_start3A_458 = tpu.memref_squeeze %dma_start3A_457 : memref<1x2048xf32, #tpu.memory_space<vmem>> -> memref<2048xf32, #tpu.memory_space<vmem>>
    %dma_start3A_459 = tpu.memref_slice %arg4[%dma_start3A_455, %add3A_381] : memref<7x262144xf32, #tpu.memory_space<hbm>> -> memref<1x2048xf32, #tpu.memory_space<hbm>>
    %dma_start3A_460 = tpu.memref_squeeze %dma_start3A_459 : memref<1x2048xf32, #tpu.memory_space<hbm>> -> memref<2048xf32, #tpu.memory_space<hbm>>
    %dma_start3A_461 = tpu.memref_slice %arg4[%dma_start3A_455, %add3A_381] : memref<7x262144xf32, #tpu.memory_space<hbm>> -> memref<1x2048xf32, #tpu.memory_space<hbm>>
    %dma_start3A_462 = tpu.memref_squeeze %dma_start3A_461 : memref<1x2048xf32, #tpu.memory_space<hbm>> -> memref<2048xf32, #tpu.memory_space<hbm>>
    %dma_start3A_463 = arith.constant 0 : i32
    %dma_start3A_464 = tpu.memref_slice %arg7[%dma_start3A_454, %dma_start3A_463] : memref<7x2048xf32, #tpu.memory_space<vmem>> -> memref<1x2048xf32, #tpu.memory_space<vmem>>
    %dma_start3A_465 = tpu.memref_squeeze %dma_start3A_464 : memref<1x2048xf32, #tpu.memory_space<vmem>> -> memref<2048xf32, #tpu.memory_space<vmem>>
    tpu.enqueue_dma source(%dma_start3A_465 : memref<2048xf32, #tpu.memory_space<vmem>>) target(%dma_start3A_462 : memref<2048xf32, #tpu.memory_space<hbm>>) target_semaphore(%arg8 : memref<!tpu.dma_semaphore, #tpu.memory_space<semaphore_mem>>)
    %dma_wait3A_466 = arith.constant 0 : i32
    %dma_wait3A_467 = arith.constant 0 : i32
    %dma_wait3A_468 = arith.constant 0 : i32
    %dma_wait3A_469 = tpu.memref_slice %arg7[%dma_wait3A_466, %dma_wait3A_468] : memref<7x2048xf32, #tpu.memory_space<vmem>> -> memref<1x2048xf32, #tpu.memory_space<vmem>>
    %dma_wait3A_470 = tpu.memref_squeeze %dma_wait3A_469 : memref<1x2048xf32, #tpu.memory_space<vmem>> -> memref<2048xf32, #tpu.memory_space<vmem>>
    %dma_wait3A_471 = tpu.memref_slice %arg4[%dma_wait3A_467, %add3A_381] : memref<7x262144xf32, #tpu.memory_space<hbm>> -> memref<1x2048xf32, #tpu.memory_space<hbm>>
    %dma_wait3A_472 = tpu.memref_squeeze %dma_wait3A_471 : memref<1x2048xf32, #tpu.memory_space<hbm>> -> memref<2048xf32, #tpu.memory_space<hbm>>
    %dma_wait3A_473 = tpu.memref_slice %arg4[%dma_wait3A_467, %add3A_381] : memref<7x262144xf32, #tpu.memory_space<hbm>> -> memref<1x2048xf32, #tpu.memory_space<hbm>>
    %dma_wait3A_474 = tpu.memref_squeeze %dma_wait3A_473 : memref<1x2048xf32, #tpu.memory_space<hbm>> -> memref<2048xf32, #tpu.memory_space<hbm>>
    %dma_wait3A_475 = arith.constant 0 : i32
    %dma_wait3A_476 = tpu.memref_slice %arg7[%dma_wait3A_466, %dma_wait3A_475] : memref<7x2048xf32, #tpu.memory_space<vmem>> -> memref<1x2048xf32, #tpu.memory_space<vmem>>
    %dma_wait3A_477 = tpu.memref_squeeze %dma_wait3A_476 : memref<1x2048xf32, #tpu.memory_space<vmem>> -> memref<2048xf32, #tpu.memory_space<vmem>>
    tpu.wait_dma2 semaphore(%arg8 : memref<!tpu.dma_semaphore, #tpu.memory_space<semaphore_mem>>) src(%dma_wait3A_477 : memref<2048xf32, #tpu.memory_space<vmem>>) dst(%dma_wait3A_474 : memref<2048xf32, #tpu.memory_space<hbm>>)
    %dma_wait3A_478 = arith.constant 1 : i32
    %dma_wait3A_479 = arith.constant 1 : i32
    %dma_wait3A_480 = arith.constant 0 : i32
    %dma_wait3A_481 = tpu.memref_slice %arg7[%dma_wait3A_478, %dma_wait3A_480] : memref<7x2048xf32, #tpu.memory_space<vmem>> -> memref<1x2048xf32, #tpu.memory_space<vmem>>
    %dma_wait3A_482 = tpu.memref_squeeze %dma_wait3A_481 : memref<1x2048xf32, #tpu.memory_space<vmem>> -> memref<2048xf32, #tpu.memory_space<vmem>>
    %dma_wait3A_483 = tpu.memref_slice %arg4[%dma_wait3A_479, %add3A_381] : memref<7x262144xf32, #tpu.memory_space<hbm>> -> memref<1x2048xf32, #tpu.memory_space<hbm>>
    %dma_wait3A_484 = tpu.memref_squeeze %dma_wait3A_483 : memref<1x2048xf32, #tpu.memory_space<hbm>> -> memref<2048xf32, #tpu.memory_space<hbm>>
    %dma_wait3A_485 = tpu.memref_slice %arg4[%dma_wait3A_479, %add3A_381] : memref<7x262144xf32, #tpu.memory_space<hbm>> -> memref<1x2048xf32, #tpu.memory_space<hbm>>
    %dma_wait3A_486 = tpu.memref_squeeze %dma_wait3A_485 : memref<1x2048xf32, #tpu.memory_space<hbm>> -> memref<2048xf32, #tpu.memory_space<hbm>>
    %dma_wait3A_487 = arith.constant 0 : i32
    %dma_wait3A_488 = tpu.memref_slice %arg7[%dma_wait3A_478, %dma_wait3A_487] : memref<7x2048xf32, #tpu.memory_space<vmem>> -> memref<1x2048xf32, #tpu.memory_space<vmem>>
    %dma_wait3A_489 = tpu.memref_squeeze %dma_wait3A_488 : memref<1x2048xf32, #tpu.memory_space<vmem>> -> memref<2048xf32, #tpu.memory_space<vmem>>
    tpu.wait_dma2 semaphore(%arg8 : memref<!tpu.dma_semaphore, #tpu.memory_space<semaphore_mem>>) src(%dma_wait3A_489 : memref<2048xf32, #tpu.memory_space<vmem>>) dst(%dma_wait3A_486 : memref<2048xf32, #tpu.memory_space<hbm>>)
    %dma_wait3A_490 = arith.constant 2 : i32
    %dma_wait3A_491 = arith.constant 2 : i32
    %dma_wait3A_492 = arith.constant 0 : i32
    %dma_wait3A_493 = tpu.memref_slice %arg7[%dma_wait3A_490, %dma_wait3A_492] : memref<7x2048xf32, #tpu.memory_space<vmem>> -> memref<1x2048xf32, #tpu.memory_space<vmem>>
    %dma_wait3A_494 = tpu.memref_squeeze %dma_wait3A_493 : memref<1x2048xf32, #tpu.memory_space<vmem>> -> memref<2048xf32, #tpu.memory_space<vmem>>
    %dma_wait3A_495 = tpu.memref_slice %arg4[%dma_wait3A_491, %add3A_381] : memref<7x262144xf32, #tpu.memory_space<hbm>> -> memref<1x2048xf32, #tpu.memory_space<hbm>>
    %dma_wait3A_496 = tpu.memref_squeeze %dma_wait3A_495 : memref<1x2048xf32, #tpu.memory_space<hbm>> -> memref<2048xf32, #tpu.memory_space<hbm>>
    %dma_wait3A_497 = tpu.memref_slice %arg4[%dma_wait3A_491, %add3A_381] : memref<7x262144xf32, #tpu.memory_space<hbm>> -> memref<1x2048xf32, #tpu.memory_space<hbm>>
    %dma_wait3A_498 = tpu.memref_squeeze %dma_wait3A_497 : memref<1x2048xf32, #tpu.memory_space<hbm>> -> memref<2048xf32, #tpu.memory_space<hbm>>
    %dma_wait3A_499 = arith.constant 0 : i32
    %dma_wait3A_500 = tpu.memref_slice %arg7[%dma_wait3A_490, %dma_wait3A_499] : memref<7x2048xf32, #tpu.memory_space<vmem>> -> memref<1x2048xf32, #tpu.memory_space<vmem>>
    %dma_wait3A_501 = tpu.memref_squeeze %dma_wait3A_500 : memref<1x2048xf32, #tpu.memory_space<vmem>> -> memref<2048xf32, #tpu.memory_space<vmem>>
    tpu.wait_dma2 semaphore(%arg8 : memref<!tpu.dma_semaphore, #tpu.memory_space<semaphore_mem>>) src(%dma_wait3A_501 : memref<2048xf32, #tpu.memory_space<vmem>>) dst(%dma_wait3A_498 : memref<2048xf32, #tpu.memory_space<hbm>>)
    %dma_wait3A_502 = arith.constant 3 : i32
    %dma_wait3A_503 = arith.constant 3 : i32
    %dma_wait3A_504 = arith.constant 0 : i32
    %dma_wait3A_505 = tpu.memref_slice %arg7[%dma_wait3A_502, %dma_wait3A_504] : memref<7x2048xf32, #tpu.memory_space<vmem>> -> memref<1x2048xf32, #tpu.memory_space<vmem>>
    %dma_wait3A_506 = tpu.memref_squeeze %dma_wait3A_505 : memref<1x2048xf32, #tpu.memory_space<vmem>> -> memref<2048xf32, #tpu.memory_space<vmem>>
    %dma_wait3A_507 = tpu.memref_slice %arg4[%dma_wait3A_503, %add3A_381] : memref<7x262144xf32, #tpu.memory_space<hbm>> -> memref<1x2048xf32, #tpu.memory_space<hbm>>
    %dma_wait3A_508 = tpu.memref_squeeze %dma_wait3A_507 : memref<1x2048xf32, #tpu.memory_space<hbm>> -> memref<2048xf32, #tpu.memory_space<hbm>>
    %dma_wait3A_509 = tpu.memref_slice %arg4[%dma_wait3A_503, %add3A_381] : memref<7x262144xf32, #tpu.memory_space<hbm>> -> memref<1x2048xf32, #tpu.memory_space<hbm>>
    %dma_wait3A_510 = tpu.memref_squeeze %dma_wait3A_509 : memref<1x2048xf32, #tpu.memory_space<hbm>> -> memref<2048xf32, #tpu.memory_space<hbm>>
    %dma_wait3A_511 = arith.constant 0 : i32
    %dma_wait3A_512 = tpu.memref_slice %arg7[%dma_wait3A_502, %dma_wait3A_511] : memref<7x2048xf32, #tpu.memory_space<vmem>> -> memref<1x2048xf32, #tpu.memory_space<vmem>>
    %dma_wait3A_513 = tpu.memref_squeeze %dma_wait3A_512 : memref<1x2048xf32, #tpu.memory_space<vmem>> -> memref<2048xf32, #tpu.memory_space<vmem>>
    tpu.wait_dma2 semaphore(%arg8 : memref<!tpu.dma_semaphore, #tpu.memory_space<semaphore_mem>>) src(%dma_wait3A_513 : memref<2048xf32, #tpu.memory_space<vmem>>) dst(%dma_wait3A_510 : memref<2048xf32, #tpu.memory_space<hbm>>)
    %dma_wait3A_514 = arith.constant 4 : i32
    %dma_wait3A_515 = arith.constant 4 : i32
    %dma_wait3A_516 = arith.constant 0 : i32
    %dma_wait3A_517 = tpu.memref_slice %arg7[%dma_wait3A_514, %dma_wait3A_516] : memref<7x2048xf32, #tpu.memory_space<vmem>> -> memref<1x2048xf32, #tpu.memory_space<vmem>>
    %dma_wait3A_518 = tpu.memref_squeeze %dma_wait3A_517 : memref<1x2048xf32, #tpu.memory_space<vmem>> -> memref<2048xf32, #tpu.memory_space<vmem>>
    %dma_wait3A_519 = tpu.memref_slice %arg4[%dma_wait3A_515, %add3A_381] : memref<7x262144xf32, #tpu.memory_space<hbm>> -> memref<1x2048xf32, #tpu.memory_space<hbm>>
    %dma_wait3A_520 = tpu.memref_squeeze %dma_wait3A_519 : memref<1x2048xf32, #tpu.memory_space<hbm>> -> memref<2048xf32, #tpu.memory_space<hbm>>
    %dma_wait3A_521 = tpu.memref_slice %arg4[%dma_wait3A_515, %add3A_381] : memref<7x262144xf32, #tpu.memory_space<hbm>> -> memref<1x2048xf32, #tpu.memory_space<hbm>>
    %dma_wait3A_522 = tpu.memref_squeeze %dma_wait3A_521 : memref<1x2048xf32, #tpu.memory_space<hbm>> -> memref<2048xf32, #tpu.memory_space<hbm>>
    %dma_wait3A_523 = arith.constant 0 : i32
    %dma_wait3A_524 = tpu.memref_slice %arg7[%dma_wait3A_514, %dma_wait3A_523] : memref<7x2048xf32, #tpu.memory_space<vmem>> -> memref<1x2048xf32, #tpu.memory_space<vmem>>
    %dma_wait3A_525 = tpu.memref_squeeze %dma_wait3A_524 : memref<1x2048xf32, #tpu.memory_space<vmem>> -> memref<2048xf32, #tpu.memory_space<vmem>>
    tpu.wait_dma2 semaphore(%arg8 : memref<!tpu.dma_semaphore, #tpu.memory_space<semaphore_mem>>) src(%dma_wait3A_525 : memref<2048xf32, #tpu.memory_space<vmem>>) dst(%dma_wait3A_522 : memref<2048xf32, #tpu.memory_space<hbm>>)
    %dma_wait3A_526 = arith.constant 5 : i32
    %dma_wait3A_527 = arith.constant 5 : i32
    %dma_wait3A_528 = arith.constant 0 : i32
    %dma_wait3A_529 = tpu.memref_slice %arg7[%dma_wait3A_526, %dma_wait3A_528] : memref<7x2048xf32, #tpu.memory_space<vmem>> -> memref<1x2048xf32, #tpu.memory_space<vmem>>
    %dma_wait3A_530 = tpu.memref_squeeze %dma_wait3A_529 : memref<1x2048xf32, #tpu.memory_space<vmem>> -> memref<2048xf32, #tpu.memory_space<vmem>>
    %dma_wait3A_531 = tpu.memref_slice %arg4[%dma_wait3A_527, %add3A_381] : memref<7x262144xf32, #tpu.memory_space<hbm>> -> memref<1x2048xf32, #tpu.memory_space<hbm>>
    %dma_wait3A_532 = tpu.memref_squeeze %dma_wait3A_531 : memref<1x2048xf32, #tpu.memory_space<hbm>> -> memref<2048xf32, #tpu.memory_space<hbm>>
    %dma_wait3A_533 = tpu.memref_slice %arg4[%dma_wait3A_527, %add3A_381] : memref<7x262144xf32, #tpu.memory_space<hbm>> -> memref<1x2048xf32, #tpu.memory_space<hbm>>
    %dma_wait3A_534 = tpu.memref_squeeze %dma_wait3A_533 : memref<1x2048xf32, #tpu.memory_space<hbm>> -> memref<2048xf32, #tpu.memory_space<hbm>>
    %dma_wait3A_535 = arith.constant 0 : i32
    %dma_wait3A_536 = tpu.memref_slice %arg7[%dma_wait3A_526, %dma_wait3A_535] : memref<7x2048xf32, #tpu.memory_space<vmem>> -> memref<1x2048xf32, #tpu.memory_space<vmem>>
    %dma_wait3A_537 = tpu.memref_squeeze %dma_wait3A_536 : memref<1x2048xf32, #tpu.memory_space<vmem>> -> memref<2048xf32, #tpu.memory_space<vmem>>
    tpu.wait_dma2 semaphore(%arg8 : memref<!tpu.dma_semaphore, #tpu.memory_space<semaphore_mem>>) src(%dma_wait3A_537 : memref<2048xf32, #tpu.memory_space<vmem>>) dst(%dma_wait3A_534 : memref<2048xf32, #tpu.memory_space<hbm>>)
    %dma_wait3A_538 = arith.constant 6 : i32
    %dma_wait3A_539 = arith.constant 6 : i32
    %dma_wait3A_540 = arith.constant 0 : i32
    %dma_wait3A_541 = tpu.memref_slice %arg7[%dma_wait3A_538, %dma_wait3A_540] : memref<7x2048xf32, #tpu.memory_space<vmem>> -> memref<1x2048xf32, #tpu.memory_space<vmem>>
    %dma_wait3A_542 = tpu.memref_squeeze %dma_wait3A_541 : memref<1x2048xf32, #tpu.memory_space<vmem>> -> memref<2048xf32, #tpu.memory_space<vmem>>
    %dma_wait3A_543 = tpu.memref_slice %arg4[%dma_wait3A_539, %add3A_381] : memref<7x262144xf32, #tpu.memory_space<hbm>> -> memref<1x2048xf32, #tpu.memory_space<hbm>>
    %dma_wait3A_544 = tpu.memref_squeeze %dma_wait3A_543 : memref<1x2048xf32, #tpu.memory_space<hbm>> -> memref<2048xf32, #tpu.memory_space<hbm>>
    %dma_wait3A_545 = tpu.memref_slice %arg4[%dma_wait3A_539, %add3A_381] : memref<7x262144xf32, #tpu.memory_space<hbm>> -> memref<1x2048xf32, #tpu.memory_space<hbm>>
    %dma_wait3A_546 = tpu.memref_squeeze %dma_wait3A_545 : memref<1x2048xf32, #tpu.memory_space<hbm>> -> memref<2048xf32, #tpu.memory_space<hbm>>
    %dma_wait3A_547 = arith.constant 0 : i32
    %dma_wait3A_548 = tpu.memref_slice %arg7[%dma_wait3A_538, %dma_wait3A_547] : memref<7x2048xf32, #tpu.memory_space<vmem>> -> memref<1x2048xf32, #tpu.memory_space<vmem>>
    %dma_wait3A_549 = tpu.memref_squeeze %dma_wait3A_548 : memref<1x2048xf32, #tpu.memory_space<vmem>> -> memref<2048xf32, #tpu.memory_space<vmem>>
    tpu.wait_dma2 semaphore(%arg8 : memref<!tpu.dma_semaphore, #tpu.memory_space<semaphore_mem>>) src(%dma_wait3A_549 : memref<2048xf32, #tpu.memory_space<vmem>>) dst(%dma_wait3A_546 : memref<2048xf32, #tpu.memory_space<hbm>>)
    %scan3A_550 = arith.constant 0 : i32
    %scan3A_551 = arith.constant 0 : i32
    %scan3A_552 = arith.constant 4 : i32
    %scan3A_553 = arith.addi %scan3A_551, %scan3A_552 : i32
    %scan3A_554 = arith.constant 1 : i32
    scf.for %scan3A_734 = %scan3A_551 to %scan3A_553 step %scan3A_554  : i32 {
      %mul3A_735 = arith.constant 8 : i32
      %mul3A_736 = arith.muli %scan3A_734, %mul3A_735 : i32
      %add3A_737 = arith.constant 96 : i32
      %add3A_738 = arith.addi %add3A_737, %mul3A_736 : i32
      %add3A_739 = arith.constant 0 : i32
      %add3A_740 = arith.addi %add3A_738, %add3A_739 : i32
      %mul3A_741 = arith.constant 8 : i32
      %mul3A_742 = arith.muli %scan3A_734, %mul3A_741 : i32
      %add3A_743 = arith.constant 0 : i32
      %add3A_744 = arith.addi %mul3A_742, %add3A_743 : i32
      %mul3A_745 = arith.constant 128 : i32
      %mul3A_746 = arith.muli %add3A_744, %mul3A_745 : i32
      %dma_start3A_747 = arith.constant 0 : i32
      %dma_start3A_748 = tpu.memref_slice %arg6[%mul3A_746, %dma_start3A_747] : memref<4096x8xf32, #tpu.memory_space<vmem>> -> memref<128x8xf32, #tpu.memory_space<vmem>>
      %dma_start3A_749 = arith.constant 0 : i32
      %dma_start3A_750 = tpu.memref_slice %arg5[%add3A_740, %dma_start3A_749] : memref<128x128xi32, #tpu.memory_space<vmem>> -> memref<1x128xi32, #tpu.memory_space<vmem>>
      %dma_start3A_751 = tpu.memref_squeeze %dma_start3A_750 : memref<1x128xi32, #tpu.memory_space<vmem>> -> memref<128xi32, #tpu.memory_space<vmem>>
      %dma_start3A_752 = arith.constant 0 : i32
      %dma_start3A_753 = arith.constant 0 : i32
      %dma_start3A_754 = tpu.memref_slice %arg2[%dma_start3A_752, %dma_start3A_753] : memref<1000000x8xf32, #tpu.memory_space<hbm>> -> memref<1000000x8xf32, #tpu.memory_space<hbm>>
      tpu.enqueue_indirect_dma source(%dma_start3A_754 : memref<1000000x8xf32, #tpu.memory_space<hbm>>) target(%dma_start3A_748 : memref<128x8xf32, #tpu.memory_space<vmem>>) offsets(%dma_start3A_751 : memref<128xi32, #tpu.memory_space<vmem>>) semaphore(%arg8 : memref<!tpu.dma_semaphore, #tpu.memory_space<semaphore_mem>>)
      %mul3A_755 = arith.constant 8 : i32
      %mul3A_756 = arith.muli %scan3A_734, %mul3A_755 : i32
      %add3A_757 = arith.constant 96 : i32
      %add3A_758 = arith.addi %add3A_757, %mul3A_756 : i32
      %add3A_759 = arith.constant 1 : i32
      %add3A_760 = arith.addi %add3A_758, %add3A_759 : i32
      %mul3A_761 = arith.constant 8 : i32
      %mul3A_762 = arith.muli %scan3A_734, %mul3A_761 : i32
      %add3A_763 = arith.constant 1 : i32
      %add3A_764 = arith.addi %mul3A_762, %add3A_763 : i32
      %mul3A_765 = arith.constant 128 : i32
      %mul3A_766 = arith.muli %add3A_764, %mul3A_765 : i32
      %dma_start3A_767 = arith.constant 0 : i32
      %dma_start3A_768 = tpu.memref_slice %arg6[%mul3A_766, %dma_start3A_767] : memref<4096x8xf32, #tpu.memory_space<vmem>> -> memref<128x8xf32, #tpu.memory_space<vmem>>
      %dma_start3A_769 = arith.constant 0 : i32
      %dma_start3A_770 = tpu.memref_slice %arg5[%add3A_760, %dma_start3A_769] : memref<128x128xi32, #tpu.memory_space<vmem>> -> memref<1x128xi32, #tpu.memory_space<vmem>>
      %dma_start3A_771 = tpu.memref_squeeze %dma_start3A_770 : memref<1x128xi32, #tpu.memory_space<vmem>> -> memref<128xi32, #tpu.memory_space<vmem>>
      %dma_start3A_772 = arith.constant 0 : i32
      %dma_start3A_773 = arith.constant 0 : i32
      %dma_start3A_774 = tpu.memref_slice %arg2[%dma_start3A_772, %dma_start3A_773] : memref<1000000x8xf32, #tpu.memory_space<hbm>> -> memref<1000000x8xf32, #tpu.memory_space<hbm>>
      tpu.enqueue_indirect_dma source(%dma_start3A_774 : memref<1000000x8xf32, #tpu.memory_space<hbm>>) target(%dma_start3A_768 : memref<128x8xf32, #tpu.memory_space<vmem>>) offsets(%dma_start3A_771 : memref<128xi32, #tpu.memory_space<vmem>>) semaphore(%arg8 : memref<!tpu.dma_semaphore, #tpu.memory_space<semaphore_mem>>)
      %mul3A_775 = arith.constant 8 : i32
      %mul3A_776 = arith.muli %scan3A_734, %mul3A_775 : i32
      %add3A_777 = arith.constant 96 : i32
      %add3A_778 = arith.addi %add3A_777, %mul3A_776 : i32
      %add3A_779 = arith.constant 2 : i32
      %add3A_780 = arith.addi %add3A_778, %add3A_779 : i32
      %mul3A_781 = arith.constant 8 : i32
      %mul3A_782 = arith.muli %scan3A_734, %mul3A_781 : i32
      %add3A_783 = arith.constant 2 : i32
      %add3A_784 = arith.addi %mul3A_782, %add3A_783 : i32
      %mul3A_785 = arith.constant 128 : i32
      %mul3A_786 = arith.muli %add3A_784, %mul3A_785 : i32
      %dma_start3A_787 = arith.constant 0 : i32
      %dma_start3A_788 = tpu.memref_slice %arg6[%mul3A_786, %dma_start3A_787] : memref<4096x8xf32, #tpu.memory_space<vmem>> -> memref<128x8xf32, #tpu.memory_space<vmem>>
      %dma_start3A_789 = arith.constant 0 : i32
      %dma_start3A_790 = tpu.memref_slice %arg5[%add3A_780, %dma_start3A_789] : memref<128x128xi32, #tpu.memory_space<vmem>> -> memref<1x128xi32, #tpu.memory_space<vmem>>
      %dma_start3A_791 = tpu.memref_squeeze %dma_start3A_790 : memref<1x128xi32, #tpu.memory_space<vmem>> -> memref<128xi32, #tpu.memory_space<vmem>>
      %dma_start3A_792 = arith.constant 0 : i32
      %dma_start3A_793 = arith.constant 0 : i32
      %dma_start3A_794 = tpu.memref_slice %arg2[%dma_start3A_792, %dma_start3A_793] : memref<1000000x8xf32, #tpu.memory_space<hbm>> -> memref<1000000x8xf32, #tpu.memory_space<hbm>>
      tpu.enqueue_indirect_dma source(%dma_start3A_794 : memref<1000000x8xf32, #tpu.memory_space<hbm>>) target(%dma_start3A_788 : memref<128x8xf32, #tpu.memory_space<vmem>>) offsets(%dma_start3A_791 : memref<128xi32, #tpu.memory_space<vmem>>) semaphore(%arg8 : memref<!tpu.dma_semaphore, #tpu.memory_space<semaphore_mem>>)
      %mul3A_795 = arith.constant 8 : i32
      %mul3A_796 = arith.muli %scan3A_734, %mul3A_795 : i32
      %add3A_797 = arith.constant 96 : i32
      %add3A_798 = arith.addi %add3A_797, %mul3A_796 : i32
      %add3A_799 = arith.constant 3 : i32
      %add3A_800 = arith.addi %add3A_798, %add3A_799 : i32
      %mul3A_801 = arith.constant 8 : i32
      %mul3A_802 = arith.muli %scan3A_734, %mul3A_801 : i32
      %add3A_803 = arith.constant 3 : i32
      %add3A_804 = arith.addi %mul3A_802, %add3A_803 : i32
      %mul3A_805 = arith.constant 128 : i32
      %mul3A_806 = arith.muli %add3A_804, %mul3A_805 : i32
      %dma_start3A_807 = arith.constant 0 : i32
      %dma_start3A_808 = tpu.memref_slice %arg6[%mul3A_806, %dma_start3A_807] : memref<4096x8xf32, #tpu.memory_space<vmem>> -> memref<128x8xf32, #tpu.memory_space<vmem>>
      %dma_start3A_809 = arith.constant 0 : i32
      %dma_start3A_810 = tpu.memref_slice %arg5[%add3A_800, %dma_start3A_809] : memref<128x128xi32, #tpu.memory_space<vmem>> -> memref<1x128xi32, #tpu.memory_space<vmem>>
      %dma_start3A_811 = tpu.memref_squeeze %dma_start3A_810 : memref<1x128xi32, #tpu.memory_space<vmem>> -> memref<128xi32, #tpu.memory_space<vmem>>
      %dma_start3A_812 = arith.constant 0 : i32
      %dma_start3A_813 = arith.constant 0 : i32
      %dma_start3A_814 = tpu.memref_slice %arg2[%dma_start3A_812, %dma_start3A_813] : memref<1000000x8xf32, #tpu.memory_space<hbm>> -> memref<1000000x8xf32, #tpu.memory_space<hbm>>
      tpu.enqueue_indirect_dma source(%dma_start3A_814 : memref<1000000x8xf32, #tpu.memory_space<hbm>>) target(%dma_start3A_808 : memref<128x8xf32, #tpu.memory_space<vmem>>) offsets(%dma_start3A_811 : memref<128xi32, #tpu.memory_space<vmem>>) semaphore(%arg8 : memref<!tpu.dma_semaphore, #tpu.memory_space<semaphore_mem>>)
      %mul3A_815 = arith.constant 8 : i32
      %mul3A_816 = arith.muli %scan3A_734, %mul3A_815 : i32
      %add3A_817 = arith.constant 96 : i32
      %add3A_818 = arith.addi %add3A_817, %mul3A_816 : i32
      %add3A_819 = arith.constant 4 : i32
      %add3A_820 = arith.addi %add3A_818, %add3A_819 : i32
      %mul3A_821 = arith.constant 8 : i32
      %mul3A_822 = arith.muli %scan3A_734, %mul3A_821 : i32
      %add3A_823 = arith.constant 4 : i32
      %add3A_824 = arith.addi %mul3A_822, %add3A_823 : i32
      %mul3A_825 = arith.constant 128 : i32
      %mul3A_826 = arith.muli %add3A_824, %mul3A_825 : i32
      %dma_start3A_827 = arith.constant 0 : i32
      %dma_start3A_828 = tpu.memref_slice %arg6[%mul3A_826, %dma_start3A_827] : memref<4096x8xf32, #tpu.memory_space<vmem>> -> memref<128x8xf32, #tpu.memory_space<vmem>>
      %dma_start3A_829 = arith.constant 0 : i32
      %dma_start3A_830 = tpu.memref_slice %arg5[%add3A_820, %dma_start3A_829] : memref<128x128xi32, #tpu.memory_space<vmem>> -> memref<1x128xi32, #tpu.memory_space<vmem>>
      %dma_start3A_831 = tpu.memref_squeeze %dma_start3A_830 : memref<1x128xi32, #tpu.memory_space<vmem>> -> memref<128xi32, #tpu.memory_space<vmem>>
      %dma_start3A_832 = arith.constant 0 : i32
      %dma_start3A_833 = arith.constant 0 : i32
      %dma_start3A_834 = tpu.memref_slice %arg2[%dma_start3A_832, %dma_start3A_833] : memref<1000000x8xf32, #tpu.memory_space<hbm>> -> memref<1000000x8xf32, #tpu.memory_space<hbm>>
      tpu.enqueue_indirect_dma source(%dma_start3A_834 : memref<1000000x8xf32, #tpu.memory_space<hbm>>) target(%dma_start3A_828 : memref<128x8xf32, #tpu.memory_space<vmem>>) offsets(%dma_start3A_831 : memref<128xi32, #tpu.memory_space<vmem>>) semaphore(%arg8 : memref<!tpu.dma_semaphore, #tpu.memory_space<semaphore_mem>>)
      %mul3A_835 = arith.constant 8 : i32
      %mul3A_836 = arith.muli %scan3A_734, %mul3A_835 : i32
      %add3A_837 = arith.constant 96 : i32
      %add3A_838 = arith.addi %add3A_837, %mul3A_836 : i32
      %add3A_839 = arith.constant 5 : i32
      %add3A_840 = arith.addi %add3A_838, %add3A_839 : i32
      %mul3A_841 = arith.constant 8 : i32
      %mul3A_842 = arith.muli %scan3A_734, %mul3A_841 : i32
      %add3A_843 = arith.constant 5 : i32
      %add3A_844 = arith.addi %mul3A_842, %add3A_843 : i32
      %mul3A_845 = arith.constant 128 : i32
      %mul3A_846 = arith.muli %add3A_844, %mul3A_845 : i32
      %dma_start3A_847 = arith.constant 0 : i32
      %dma_start3A_848 = tpu.memref_slice %arg6[%mul3A_846, %dma_start3A_847] : memref<4096x8xf32, #tpu.memory_space<vmem>> -> memref<128x8xf32, #tpu.memory_space<vmem>>
      %dma_start3A_849 = arith.constant 0 : i32
      %dma_start3A_850 = tpu.memref_slice %arg5[%add3A_840, %dma_start3A_849] : memref<128x128xi32, #tpu.memory_space<vmem>> -> memref<1x128xi32, #tpu.memory_space<vmem>>
      %dma_start3A_851 = tpu.memref_squeeze %dma_start3A_850 : memref<1x128xi32, #tpu.memory_space<vmem>> -> memref<128xi32, #tpu.memory_space<vmem>>
      %dma_start3A_852 = arith.constant 0 : i32
      %dma_start3A_853 = arith.constant 0 : i32
      %dma_start3A_854 = tpu.memref_slice %arg2[%dma_start3A_852, %dma_start3A_853] : memref<1000000x8xf32, #tpu.memory_space<hbm>> -> memref<1000000x8xf32, #tpu.memory_space<hbm>>
      tpu.enqueue_indirect_dma source(%dma_start3A_854 : memref<1000000x8xf32, #tpu.memory_space<hbm>>) target(%dma_start3A_848 : memref<128x8xf32, #tpu.memory_space<vmem>>) offsets(%dma_start3A_851 : memref<128xi32, #tpu.memory_space<vmem>>) semaphore(%arg8 : memref<!tpu.dma_semaphore, #tpu.memory_space<semaphore_mem>>)
      %mul3A_855 = arith.constant 8 : i32
      %mul3A_856 = arith.muli %scan3A_734, %mul3A_855 : i32
      %add3A_857 = arith.constant 96 : i32
      %add3A_858 = arith.addi %add3A_857, %mul3A_856 : i32
      %add3A_859 = arith.constant 6 : i32
      %add3A_860 = arith.addi %add3A_858, %add3A_859 : i32
      %mul3A_861 = arith.constant 8 : i32
      %mul3A_862 = arith.muli %scan3A_734, %mul3A_861 : i32
      %add3A_863 = arith.constant 6 : i32
      %add3A_864 = arith.addi %mul3A_862, %add3A_863 : i32
      %mul3A_865 = arith.constant 128 : i32
      %mul3A_866 = arith.muli %add3A_864, %mul3A_865 : i32
      %dma_start3A_867 = arith.constant 0 : i32
      %dma_start3A_868 = tpu.memref_slice %arg6[%mul3A_866, %dma_start3A_867] : memref<4096x8xf32, #tpu.memory_space<vmem>> -> memref<128x8xf32, #tpu.memory_space<vmem>>
      %dma_start3A_869 = arith.constant 0 : i32
      %dma_start3A_870 = tpu.memref_slice %arg5[%add3A_860, %dma_start3A_869] : memref<128x128xi32, #tpu.memory_space<vmem>> -> memref<1x128xi32, #tpu.memory_space<vmem>>
      %dma_start3A_871 = tpu.memref_squeeze %dma_start3A_870 : memref<1x128xi32, #tpu.memory_space<vmem>> -> memref<128xi32, #tpu.memory_space<vmem>>
      %dma_start3A_872 = arith.constant 0 : i32
      %dma_start3A_873 = arith.constant 0 : i32
      %dma_start3A_874 = tpu.memref_slice %arg2[%dma_start3A_872, %dma_start3A_873] : memref<1000000x8xf32, #tpu.memory_space<hbm>> -> memref<1000000x8xf32, #tpu.memory_space<hbm>>
      tpu.enqueue_indirect_dma source(%dma_start3A_874 : memref<1000000x8xf32, #tpu.memory_space<hbm>>) target(%dma_start3A_868 : memref<128x8xf32, #tpu.memory_space<vmem>>) offsets(%dma_start3A_871 : memref<128xi32, #tpu.memory_space<vmem>>) semaphore(%arg8 : memref<!tpu.dma_semaphore, #tpu.memory_space<semaphore_mem>>)
      %mul3A_875 = arith.constant 8 : i32
      %mul3A_876 = arith.muli %scan3A_734, %mul3A_875 : i32
      %add3A_877 = arith.constant 96 : i32
      %add3A_878 = arith.addi %add3A_877, %mul3A_876 : i32
      %add3A_879 = arith.constant 7 : i32
      %add3A_880 = arith.addi %add3A_878, %add3A_879 : i32
      %mul3A_881 = arith.constant 8 : i32
      %mul3A_882 = arith.muli %scan3A_734, %mul3A_881 : i32
      %add3A_883 = arith.constant 7 : i32
      %add3A_884 = arith.addi %mul3A_882, %add3A_883 : i32
      %mul3A_885 = arith.constant 128 : i32
      %mul3A_886 = arith.muli %add3A_884, %mul3A_885 : i32
      %dma_start3A_887 = arith.constant 0 : i32
      %dma_start3A_888 = tpu.memref_slice %arg6[%mul3A_886, %dma_start3A_887] : memref<4096x8xf32, #tpu.memory_space<vmem>> -> memref<128x8xf32, #tpu.memory_space<vmem>>
      %dma_start3A_889 = arith.constant 0 : i32
      %dma_start3A_890 = tpu.memref_slice %arg5[%add3A_880, %dma_start3A_889] : memref<128x128xi32, #tpu.memory_space<vmem>> -> memref<1x128xi32, #tpu.memory_space<vmem>>
      %dma_start3A_891 = tpu.memref_squeeze %dma_start3A_890 : memref<1x128xi32, #tpu.memory_space<vmem>> -> memref<128xi32, #tpu.memory_space<vmem>>
      %dma_start3A_892 = arith.constant 0 : i32
      %dma_start3A_893 = arith.constant 0 : i32
      %dma_start3A_894 = tpu.memref_slice %arg2[%dma_start3A_892, %dma_start3A_893] : memref<1000000x8xf32, #tpu.memory_space<hbm>> -> memref<1000000x8xf32, #tpu.memory_space<hbm>>
      tpu.enqueue_indirect_dma source(%dma_start3A_894 : memref<1000000x8xf32, #tpu.memory_space<hbm>>) target(%dma_start3A_888 : memref<128x8xf32, #tpu.memory_space<vmem>>) offsets(%dma_start3A_891 : memref<128xi32, #tpu.memory_space<vmem>>) semaphore(%arg8 : memref<!tpu.dma_semaphore, #tpu.memory_space<semaphore_mem>>)
      %dma_wait3A_895 = arith.constant 0 : i32
      %dma_wait3A_896 = tpu.memref_slice %arg6[%mul3A_746, %dma_wait3A_895] : memref<4096x8xf32, #tpu.memory_space<vmem>> -> memref<128x8xf32, #tpu.memory_space<vmem>>
      %dma_wait3A_897 = arith.constant 0 : i32
      %dma_wait3A_898 = tpu.memref_slice %arg5[%add3A_740, %dma_wait3A_897] : memref<128x128xi32, #tpu.memory_space<vmem>> -> memref<1x128xi32, #tpu.memory_space<vmem>>
      %dma_wait3A_899 = tpu.memref_squeeze %dma_wait3A_898 : memref<1x128xi32, #tpu.memory_space<vmem>> -> memref<128xi32, #tpu.memory_space<vmem>>
      %dma_wait3A_900 = arith.constant 0 : i32
      %dma_wait3A_901 = arith.constant 0 : i32
      %dma_wait3A_902 = tpu.memref_slice %arg2[%dma_wait3A_900, %dma_wait3A_901] : memref<1000000x8xf32, #tpu.memory_space<hbm>> -> memref<1000000x8xf32, #tpu.memory_space<hbm>>
      tpu.wait_indirect_dma semaphore(%arg8 : memref<!tpu.dma_semaphore, #tpu.memory_space<semaphore_mem>>) src(%dma_wait3A_902 : memref<1000000x8xf32, #tpu.memory_space<hbm>>) dst(%dma_wait3A_896 : memref<128x8xf32, #tpu.memory_space<vmem>>)
      %dma_wait3A_903 = arith.constant 0 : i32
      %dma_wait3A_904 = tpu.memref_slice %arg6[%mul3A_766, %dma_wait3A_903] : memref<4096x8xf32, #tpu.memory_space<vmem>> -> memref<128x8xf32, #tpu.memory_space<vmem>>
      %dma_wait3A_905 = arith.constant 0 : i32
      %dma_wait3A_906 = tpu.memref_slice %arg5[%add3A_760, %dma_wait3A_905] : memref<128x128xi32, #tpu.memory_space<vmem>> -> memref<1x128xi32, #tpu.memory_space<vmem>>
      %dma_wait3A_907 = tpu.memref_squeeze %dma_wait3A_906 : memref<1x128xi32, #tpu.memory_space<vmem>> -> memref<128xi32, #tpu.memory_space<vmem>>
      %dma_wait3A_908 = arith.constant 0 : i32
      %dma_wait3A_909 = arith.constant 0 : i32
      %dma_wait3A_910 = tpu.memref_slice %arg2[%dma_wait3A_908, %dma_wait3A_909] : memref<1000000x8xf32, #tpu.memory_space<hbm>> -> memref<1000000x8xf32, #tpu.memory_space<hbm>>
      tpu.wait_indirect_dma semaphore(%arg8 : memref<!tpu.dma_semaphore, #tpu.memory_space<semaphore_mem>>) src(%dma_wait3A_910 : memref<1000000x8xf32, #tpu.memory_space<hbm>>) dst(%dma_wait3A_904 : memref<128x8xf32, #tpu.memory_space<vmem>>)
      %dma_wait3A_911 = arith.constant 0 : i32
      %dma_wait3A_912 = tpu.memref_slice %arg6[%mul3A_786, %dma_wait3A_911] : memref<4096x8xf32, #tpu.memory_space<vmem>> -> memref<128x8xf32, #tpu.memory_space<vmem>>
      %dma_wait3A_913 = arith.constant 0 : i32
      %dma_wait3A_914 = tpu.memref_slice %arg5[%add3A_780, %dma_wait3A_913] : memref<128x128xi32, #tpu.memory_space<vmem>> -> memref<1x128xi32, #tpu.memory_space<vmem>>
      %dma_wait3A_915 = tpu.memref_squeeze %dma_wait3A_914 : memref<1x128xi32, #tpu.memory_space<vmem>> -> memref<128xi32, #tpu.memory_space<vmem>>
      %dma_wait3A_916 = arith.constant 0 : i32
      %dma_wait3A_917 = arith.constant 0 : i32
      %dma_wait3A_918 = tpu.memref_slice %arg2[%dma_wait3A_916, %dma_wait3A_917] : memref<1000000x8xf32, #tpu.memory_space<hbm>> -> memref<1000000x8xf32, #tpu.memory_space<hbm>>
      tpu.wait_indirect_dma semaphore(%arg8 : memref<!tpu.dma_semaphore, #tpu.memory_space<semaphore_mem>>) src(%dma_wait3A_918 : memref<1000000x8xf32, #tpu.memory_space<hbm>>) dst(%dma_wait3A_912 : memref<128x8xf32, #tpu.memory_space<vmem>>)
      %dma_wait3A_919 = arith.constant 0 : i32
      %dma_wait3A_920 = tpu.memref_slice %arg6[%mul3A_806, %dma_wait3A_919] : memref<4096x8xf32, #tpu.memory_space<vmem>> -> memref<128x8xf32, #tpu.memory_space<vmem>>
      %dma_wait3A_921 = arith.constant 0 : i32
      %dma_wait3A_922 = tpu.memref_slice %arg5[%add3A_800, %dma_wait3A_921] : memref<128x128xi32, #tpu.memory_space<vmem>> -> memref<1x128xi32, #tpu.memory_space<vmem>>
      %dma_wait3A_923 = tpu.memref_squeeze %dma_wait3A_922 : memref<1x128xi32, #tpu.memory_space<vmem>> -> memref<128xi32, #tpu.memory_space<vmem>>
      %dma_wait3A_924 = arith.constant 0 : i32
      %dma_wait3A_925 = arith.constant 0 : i32
      %dma_wait3A_926 = tpu.memref_slice %arg2[%dma_wait3A_924, %dma_wait3A_925] : memref<1000000x8xf32, #tpu.memory_space<hbm>> -> memref<1000000x8xf32, #tpu.memory_space<hbm>>
      tpu.wait_indirect_dma semaphore(%arg8 : memref<!tpu.dma_semaphore, #tpu.memory_space<semaphore_mem>>) src(%dma_wait3A_926 : memref<1000000x8xf32, #tpu.memory_space<hbm>>) dst(%dma_wait3A_920 : memref<128x8xf32, #tpu.memory_space<vmem>>)
      %dma_wait3A_927 = arith.constant 0 : i32
      %dma_wait3A_928 = tpu.memref_slice %arg6[%mul3A_826, %dma_wait3A_927] : memref<4096x8xf32, #tpu.memory_space<vmem>> -> memref<128x8xf32, #tpu.memory_space<vmem>>
      %dma_wait3A_929 = arith.constant 0 : i32
      %dma_wait3A_930 = tpu.memref_slice %arg5[%add3A_820, %dma_wait3A_929] : memref<128x128xi32, #tpu.memory_space<vmem>> -> memref<1x128xi32, #tpu.memory_space<vmem>>
      %dma_wait3A_931 = tpu.memref_squeeze %dma_wait3A_930 : memref<1x128xi32, #tpu.memory_space<vmem>> -> memref<128xi32, #tpu.memory_space<vmem>>
      %dma_wait3A_932 = arith.constant 0 : i32
      %dma_wait3A_933 = arith.constant 0 : i32
      %dma_wait3A_934 = tpu.memref_slice %arg2[%dma_wait3A_932, %dma_wait3A_933] : memref<1000000x8xf32, #tpu.memory_space<hbm>> -> memref<1000000x8xf32, #tpu.memory_space<hbm>>
      tpu.wait_indirect_dma semaphore(%arg8 : memref<!tpu.dma_semaphore, #tpu.memory_space<semaphore_mem>>) src(%dma_wait3A_934 : memref<1000000x8xf32, #tpu.memory_space<hbm>>) dst(%dma_wait3A_928 : memref<128x8xf32, #tpu.memory_space<vmem>>)
      %dma_wait3A_935 = arith.constant 0 : i32
      %dma_wait3A_936 = tpu.memref_slice %arg6[%mul3A_846, %dma_wait3A_935] : memref<4096x8xf32, #tpu.memory_space<vmem>> -> memref<128x8xf32, #tpu.memory_space<vmem>>
      %dma_wait3A_937 = arith.constant 0 : i32
      %dma_wait3A_938 = tpu.memref_slice %arg5[%add3A_840, %dma_wait3A_937] : memref<128x128xi32, #tpu.memory_space<vmem>> -> memref<1x128xi32, #tpu.memory_space<vmem>>
      %dma_wait3A_939 = tpu.memref_squeeze %dma_wait3A_938 : memref<1x128xi32, #tpu.memory_space<vmem>> -> memref<128xi32, #tpu.memory_space<vmem>>
      %dma_wait3A_940 = arith.constant 0 : i32
      %dma_wait3A_941 = arith.constant 0 : i32
      %dma_wait3A_942 = tpu.memref_slice %arg2[%dma_wait3A_940, %dma_wait3A_941] : memref<1000000x8xf32, #tpu.memory_space<hbm>> -> memref<1000000x8xf32, #tpu.memory_space<hbm>>
      tpu.wait_indirect_dma semaphore(%arg8 : memref<!tpu.dma_semaphore, #tpu.memory_space<semaphore_mem>>) src(%dma_wait3A_942 : memref<1000000x8xf32, #tpu.memory_space<hbm>>) dst(%dma_wait3A_936 : memref<128x8xf32, #tpu.memory_space<vmem>>)
      %dma_wait3A_943 = arith.constant 0 : i32
      %dma_wait3A_944 = tpu.memref_slice %arg6[%mul3A_866, %dma_wait3A_943] : memref<4096x8xf32, #tpu.memory_space<vmem>> -> memref<128x8xf32, #tpu.memory_space<vmem>>
      %dma_wait3A_945 = arith.constant 0 : i32
      %dma_wait3A_946 = tpu.memref_slice %arg5[%add3A_860, %dma_wait3A_945] : memref<128x128xi32, #tpu.memory_space<vmem>> -> memref<1x128xi32, #tpu.memory_space<vmem>>
      %dma_wait3A_947 = tpu.memref_squeeze %dma_wait3A_946 : memref<1x128xi32, #tpu.memory_space<vmem>> -> memref<128xi32, #tpu.memory_space<vmem>>
      %dma_wait3A_948 = arith.constant 0 : i32
      %dma_wait3A_949 = arith.constant 0 : i32
      %dma_wait3A_950 = tpu.memref_slice %arg2[%dma_wait3A_948, %dma_wait3A_949] : memref<1000000x8xf32, #tpu.memory_space<hbm>> -> memref<1000000x8xf32, #tpu.memory_space<hbm>>
      tpu.wait_indirect_dma semaphore(%arg8 : memref<!tpu.dma_semaphore, #tpu.memory_space<semaphore_mem>>) src(%dma_wait3A_950 : memref<1000000x8xf32, #tpu.memory_space<hbm>>) dst(%dma_wait3A_944 : memref<128x8xf32, #tpu.memory_space<vmem>>)
      %dma_wait3A_951 = arith.constant 0 : i32
      %dma_wait3A_952 = tpu.memref_slice %arg6[%mul3A_886, %dma_wait3A_951] : memref<4096x8xf32, #tpu.memory_space<vmem>> -> memref<128x8xf32, #tpu.memory_space<vmem>>
      %dma_wait3A_953 = arith.constant 0 : i32
      %dma_wait3A_954 = tpu.memref_slice %arg5[%add3A_880, %dma_wait3A_953] : memref<128x128xi32, #tpu.memory_space<vmem>> -> memref<1x128xi32, #tpu.memory_space<vmem>>
      %dma_wait3A_955 = tpu.memref_squeeze %dma_wait3A_954 : memref<1x128xi32, #tpu.memory_space<vmem>> -> memref<128xi32, #tpu.memory_space<vmem>>
      %dma_wait3A_956 = arith.constant 0 : i32
      %dma_wait3A_957 = arith.constant 0 : i32
      %dma_wait3A_958 = tpu.memref_slice %arg2[%dma_wait3A_956, %dma_wait3A_957] : memref<1000000x8xf32, #tpu.memory_space<hbm>> -> memref<1000000x8xf32, #tpu.memory_space<hbm>>
      tpu.wait_indirect_dma semaphore(%arg8 : memref<!tpu.dma_semaphore, #tpu.memory_space<semaphore_mem>>) src(%dma_wait3A_958 : memref<1000000x8xf32, #tpu.memory_space<hbm>>) dst(%dma_wait3A_952 : memref<128x8xf32, #tpu.memory_space<vmem>>)
    }
    %scan3A_555 = arith.constant 4 : i32
    %scan3A_556 = arith.constant 0 : i32
    %scan3A_557 = arith.constant 0 : i32
    %scan3A_558 = arith.constant 128 : i32
    %scan3A_559 = arith.addi %scan3A_557, %scan3A_558 : i32
    %scan3A_560 = arith.constant 1 : i32
    scf.for %scan3A_734 = %scan3A_557 to %scan3A_559 step %scan3A_560  : i32 {
      %mul3A_735 = arith.constant 32 : i32
      %mul3A_736 = arith.muli %scan3A_734, %mul3A_735 : i32
      %mul3A_737 = arith.constant 2 : i32
      %mul3A_738 = vector.broadcast %mul3A_737 : i32 to vector<16xi32>
      %mul3A_739 = arith.muli %mul3A_738, %iota3A : vector<16xi32>
      %add3A_740 = vector.broadcast %mul3A_736 : i32 to vector<16xi32>
      %add3A_741 = arith.addi %add3A_740, %mul3A_739 : vector<16xi32>
      %add3A_742 = arith.constant 1 : i32
      %add3A_743 = vector.broadcast %add3A_742 : i32 to vector<16xi32>
      %add3A_744 = arith.addi %add3A_741, %add3A_743 : vector<16xi32>
      %broadcast_in_dim3A = arith.constant 0 : i32
      %broadcast_in_dim3A_745 = vector.broadcast %broadcast_in_dim3A : i32 to vector<16xi32>
      %gather3A = tpu.vector_load_idx %arg6[%add3A_741, %broadcast_in_dim3A_745] : memref<4096x8xf32, #tpu.memory_space<vmem>>[vector<16xi32>, vector<16xi32>], vector<16xf32>,
      %gather3A_746 = tpu.vector_load_idx %arg6[%add3A_744, %broadcast_in_dim3A_745] : memref<4096x8xf32, #tpu.memory_space<vmem>>[vector<16xi32>, vector<16xi32>], vector<16xf32>,
      %mul3A_747 = arith.mulf %gather3A, %gather3A_746 : vector<16xf32>
      %mul3A_748 = arith.constant 16 : i32
      %mul3A_749 = arith.muli %scan3A_734, %mul3A_748 : i32
      %swap3A = arith.constant 0 : i32
      %swap3A_750 = arith.index_cast %swap3A : i32 to index
      %swap3A_751 = arith.index_cast %mul3A_749 : i32 to index
      %swap3A_752 = tpu.vector_load %arg7[%swap3A_750, %swap3A_751] {strides = array<i32>} : memref<7x2048xf32, #tpu.memory_space<vmem>>, vector<16xf32>,
      tpu.vector_store %arg7[%swap3A_750, %swap3A_751], %mul3A_747 {strides = array<i32>} : memref<7x2048xf32, #tpu.memory_space<vmem>>, vector<16xf32>,
      %broadcast_in_dim3A_753 = arith.constant 1 : i32
      %broadcast_in_dim3A_754 = vector.broadcast %broadcast_in_dim3A_753 : i32 to vector<16xi32>
      %gather3A_755 = tpu.vector_load_idx %arg6[%add3A_741, %broadcast_in_dim3A_754] : memref<4096x8xf32, #tpu.memory_space<vmem>>[vector<16xi32>, vector<16xi32>], vector<16xf32>,
      %mul3A_756 = arith.constant 16 : i32
      %mul3A_757 = arith.muli %scan3A_734, %mul3A_756 : i32
      %swap3A_758 = arith.constant 1 : i32
      %swap3A_759 = arith.index_cast %swap3A_758 : i32 to index
      %swap3A_760 = arith.index_cast %mul3A_757 : i32 to index
      %swap3A_761 = tpu.vector_load %arg7[%swap3A_759, %swap3A_760] {strides = array<i32>} : memref<7x2048xf32, #tpu.memory_space<vmem>>, vector<16xf32>,
      tpu.vector_store %arg7[%swap3A_759, %swap3A_760], %gather3A_755 {strides = array<i32>} : memref<7x2048xf32, #tpu.memory_space<vmem>>, vector<16xf32>,
      %gather3A_762 = tpu.vector_load_idx %arg6[%add3A_744, %broadcast_in_dim3A_754] : memref<4096x8xf32, #tpu.memory_space<vmem>>[vector<16xi32>, vector<16xi32>], vector<16xf32>,
      %mul3A_763 = arith.constant 16 : i32
      %mul3A_764 = arith.muli %scan3A_734, %mul3A_763 : i32
      %swap3A_765 = arith.constant 4 : i32
      %swap3A_766 = arith.index_cast %swap3A_765 : i32 to index
      %swap3A_767 = arith.index_cast %mul3A_764 : i32 to index
      %swap3A_768 = tpu.vector_load %arg7[%swap3A_766, %swap3A_767] {strides = array<i32>} : memref<7x2048xf32, #tpu.memory_space<vmem>>, vector<16xf32>,
      tpu.vector_store %arg7[%swap3A_766, %swap3A_767], %gather3A_762 {strides = array<i32>} : memref<7x2048xf32, #tpu.memory_space<vmem>>, vector<16xf32>,
      %broadcast_in_dim3A_769 = arith.constant 2 : i32
      %broadcast_in_dim3A_770 = vector.broadcast %broadcast_in_dim3A_769 : i32 to vector<16xi32>
      %gather3A_771 = tpu.vector_load_idx %arg6[%add3A_741, %broadcast_in_dim3A_770] : memref<4096x8xf32, #tpu.memory_space<vmem>>[vector<16xi32>, vector<16xi32>], vector<16xf32>,
      %mul3A_772 = arith.constant 16 : i32
      %mul3A_773 = arith.muli %scan3A_734, %mul3A_772 : i32
      %swap3A_774 = arith.constant 2 : i32
      %swap3A_775 = arith.index_cast %swap3A_774 : i32 to index
      %swap3A_776 = arith.index_cast %mul3A_773 : i32 to index
      %swap3A_777 = tpu.vector_load %arg7[%swap3A_775, %swap3A_776] {strides = array<i32>} : memref<7x2048xf32, #tpu.memory_space<vmem>>, vector<16xf32>,
      tpu.vector_store %arg7[%swap3A_775, %swap3A_776], %gather3A_771 {strides = array<i32>} : memref<7x2048xf32, #tpu.memory_space<vmem>>, vector<16xf32>,
      %gather3A_778 = tpu.vector_load_idx %arg6[%add3A_744, %broadcast_in_dim3A_770] : memref<4096x8xf32, #tpu.memory_space<vmem>>[vector<16xi32>, vector<16xi32>], vector<16xf32>,
      %mul3A_779 = arith.constant 16 : i32
      %mul3A_780 = arith.muli %scan3A_734, %mul3A_779 : i32
      %swap3A_781 = arith.constant 5 : i32
      %swap3A_782 = arith.index_cast %swap3A_781 : i32 to index
      %swap3A_783 = arith.index_cast %mul3A_780 : i32 to index
      %swap3A_784 = tpu.vector_load %arg7[%swap3A_782, %swap3A_783] {strides = array<i32>} : memref<7x2048xf32, #tpu.memory_space<vmem>>, vector<16xf32>,
      tpu.vector_store %arg7[%swap3A_782, %swap3A_783], %gather3A_778 {strides = array<i32>} : memref<7x2048xf32, #tpu.memory_space<vmem>>, vector<16xf32>,
      %broadcast_in_dim3A_785 = arith.constant 3 : i32
      %broadcast_in_dim3A_786 = vector.broadcast %broadcast_in_dim3A_785 : i32 to vector<16xi32>
      %gather3A_787 = tpu.vector_load_idx %arg6[%add3A_741, %broadcast_in_dim3A_786] : memref<4096x8xf32, #tpu.memory_space<vmem>>[vector<16xi32>, vector<16xi32>], vector<16xf32>,
      %mul3A_788 = arith.constant 16 : i32
      %mul3A_789 = arith.muli %scan3A_734, %mul3A_788 : i32
      %swap3A_790 = arith.constant 3 : i32
      %swap3A_791 = arith.index_cast %swap3A_790 : i32 to index
      %swap3A_792 = arith.index_cast %mul3A_789 : i32 to index
      %swap3A_793 = tpu.vector_load %arg7[%swap3A_791, %swap3A_792] {strides = array<i32>} : memref<7x2048xf32, #tpu.memory_space<vmem>>, vector<16xf32>,
      tpu.vector_store %arg7[%swap3A_791, %swap3A_792], %gather3A_787 {strides = array<i32>} : memref<7x2048xf32, #tpu.memory_space<vmem>>, vector<16xf32>,
      %gather3A_794 = tpu.vector_load_idx %arg6[%add3A_744, %broadcast_in_dim3A_786] : memref<4096x8xf32, #tpu.memory_space<vmem>>[vector<16xi32>, vector<16xi32>], vector<16xf32>,
      %mul3A_795 = arith.constant 16 : i32
      %mul3A_796 = arith.muli %scan3A_734, %mul3A_795 : i32
      %swap3A_797 = arith.constant 6 : i32
      %swap3A_798 = arith.index_cast %swap3A_797 : i32 to index
      %swap3A_799 = arith.index_cast %mul3A_796 : i32 to index
      %swap3A_800 = tpu.vector_load %arg7[%swap3A_798, %swap3A_799] {strides = array<i32>} : memref<7x2048xf32, #tpu.memory_space<vmem>>, vector<16xf32>,
      tpu.vector_store %arg7[%swap3A_798, %swap3A_799], %gather3A_794 {strides = array<i32>} : memref<7x2048xf32, #tpu.memory_space<vmem>>, vector<16xf32>,
    }
    %scan3A_561 = arith.constant 128 : i32
    %mul3A_562 = arith.constant 8192 : i32
    %mul3A_563 = arith.muli %add3A, %mul3A_562 : i32
    %add3A_564 = arith.constant 6144 : i32
    %add3A_565 = arith.addi %mul3A_563, %add3A_564 : i32
    %dma_start3A_566 = arith.constant 0 : i32
    %dma_start3A_567 = arith.constant 0 : i32
    %dma_start3A_568 = arith.constant 0 : i32
    %dma_start3A_569 = tpu.memref_slice %arg7[%dma_start3A_566, %dma_start3A_568] : memref<7x2048xf32, #tpu.memory_space<vmem>> -> memref<1x2048xf32, #tpu.memory_space<vmem>>
    %dma_start3A_570 = tpu.memref_squeeze %dma_start3A_569 : memref<1x2048xf32, #tpu.memory_space<vmem>> -> memref<2048xf32, #tpu.memory_space<vmem>>
    %dma_start3A_571 = tpu.memref_slice %arg4[%dma_start3A_567, %add3A_565] : memref<7x262144xf32, #tpu.memory_space<hbm>> -> memref<1x2048xf32, #tpu.memory_space<hbm>>
    %dma_start3A_572 = tpu.memref_squeeze %dma_start3A_571 : memref<1x2048xf32, #tpu.memory_space<hbm>> -> memref<2048xf32, #tpu.memory_space<hbm>>
    %dma_start3A_573 = tpu.memref_slice %arg4[%dma_start3A_567, %add3A_565] : memref<7x262144xf32, #tpu.memory_space<hbm>> -> memref<1x2048xf32, #tpu.memory_space<hbm>>
    %dma_start3A_574 = tpu.memref_squeeze %dma_start3A_573 : memref<1x2048xf32, #tpu.memory_space<hbm>> -> memref<2048xf32, #tpu.memory_space<hbm>>
    %dma_start3A_575 = arith.constant 0 : i32
    %dma_start3A_576 = tpu.memref_slice %arg7[%dma_start3A_566, %dma_start3A_575] : memref<7x2048xf32, #tpu.memory_space<vmem>> -> memref<1x2048xf32, #tpu.memory_space<vmem>>
    %dma_start3A_577 = tpu.memref_squeeze %dma_start3A_576 : memref<1x2048xf32, #tpu.memory_space<vmem>> -> memref<2048xf32, #tpu.memory_space<vmem>>
    tpu.enqueue_dma source(%dma_start3A_577 : memref<2048xf32, #tpu.memory_space<vmem>>) target(%dma_start3A_574 : memref<2048xf32, #tpu.memory_space<hbm>>) target_semaphore(%arg8 : memref<!tpu.dma_semaphore, #tpu.memory_space<semaphore_mem>>)
    %dma_start3A_578 = arith.constant 1 : i32
    %dma_start3A_579 = arith.constant 1 : i32
    %dma_start3A_580 = arith.constant 0 : i32
    %dma_start3A_581 = tpu.memref_slice %arg7[%dma_start3A_578, %dma_start3A_580] : memref<7x2048xf32, #tpu.memory_space<vmem>> -> memref<1x2048xf32, #tpu.memory_space<vmem>>
    %dma_start3A_582 = tpu.memref_squeeze %dma_start3A_581 : memref<1x2048xf32, #tpu.memory_space<vmem>> -> memref<2048xf32, #tpu.memory_space<vmem>>
    %dma_start3A_583 = tpu.memref_slice %arg4[%dma_start3A_579, %add3A_565] : memref<7x262144xf32, #tpu.memory_space<hbm>> -> memref<1x2048xf32, #tpu.memory_space<hbm>>
    %dma_start3A_584 = tpu.memref_squeeze %dma_start3A_583 : memref<1x2048xf32, #tpu.memory_space<hbm>> -> memref<2048xf32, #tpu.memory_space<hbm>>
    %dma_start3A_585 = tpu.memref_slice %arg4[%dma_start3A_579, %add3A_565] : memref<7x262144xf32, #tpu.memory_space<hbm>> -> memref<1x2048xf32, #tpu.memory_space<hbm>>
    %dma_start3A_586 = tpu.memref_squeeze %dma_start3A_585 : memref<1x2048xf32, #tpu.memory_space<hbm>> -> memref<2048xf32, #tpu.memory_space<hbm>>
    %dma_start3A_587 = arith.constant 0 : i32
    %dma_start3A_588 = tpu.memref_slice %arg7[%dma_start3A_578, %dma_start3A_587] : memref<7x2048xf32, #tpu.memory_space<vmem>> -> memref<1x2048xf32, #tpu.memory_space<vmem>>
    %dma_start3A_589 = tpu.memref_squeeze %dma_start3A_588 : memref<1x2048xf32, #tpu.memory_space<vmem>> -> memref<2048xf32, #tpu.memory_space<vmem>>
    tpu.enqueue_dma source(%dma_start3A_589 : memref<2048xf32, #tpu.memory_space<vmem>>) target(%dma_start3A_586 : memref<2048xf32, #tpu.memory_space<hbm>>) target_semaphore(%arg8 : memref<!tpu.dma_semaphore, #tpu.memory_space<semaphore_mem>>)
    %dma_start3A_590 = arith.constant 2 : i32
    %dma_start3A_591 = arith.constant 2 : i32
    %dma_start3A_592 = arith.constant 0 : i32
    %dma_start3A_593 = tpu.memref_slice %arg7[%dma_start3A_590, %dma_start3A_592] : memref<7x2048xf32, #tpu.memory_space<vmem>> -> memref<1x2048xf32, #tpu.memory_space<vmem>>
    %dma_start3A_594 = tpu.memref_squeeze %dma_start3A_593 : memref<1x2048xf32, #tpu.memory_space<vmem>> -> memref<2048xf32, #tpu.memory_space<vmem>>
    %dma_start3A_595 = tpu.memref_slice %arg4[%dma_start3A_591, %add3A_565] : memref<7x262144xf32, #tpu.memory_space<hbm>> -> memref<1x2048xf32, #tpu.memory_space<hbm>>
    %dma_start3A_596 = tpu.memref_squeeze %dma_start3A_595 : memref<1x2048xf32, #tpu.memory_space<hbm>> -> memref<2048xf32, #tpu.memory_space<hbm>>
    %dma_start3A_597 = tpu.memref_slice %arg4[%dma_start3A_591, %add3A_565] : memref<7x262144xf32, #tpu.memory_space<hbm>> -> memref<1x2048xf32, #tpu.memory_space<hbm>>
    %dma_start3A_598 = tpu.memref_squeeze %dma_start3A_597 : memref<1x2048xf32, #tpu.memory_space<hbm>> -> memref<2048xf32, #tpu.memory_space<hbm>>
    %dma_start3A_599 = arith.constant 0 : i32
    %dma_start3A_600 = tpu.memref_slice %arg7[%dma_start3A_590, %dma_start3A_599] : memref<7x2048xf32, #tpu.memory_space<vmem>> -> memref<1x2048xf32, #tpu.memory_space<vmem>>
    %dma_start3A_601 = tpu.memref_squeeze %dma_start3A_600 : memref<1x2048xf32, #tpu.memory_space<vmem>> -> memref<2048xf32, #tpu.memory_space<vmem>>
    tpu.enqueue_dma source(%dma_start3A_601 : memref<2048xf32, #tpu.memory_space<vmem>>) target(%dma_start3A_598 : memref<2048xf32, #tpu.memory_space<hbm>>) target_semaphore(%arg8 : memref<!tpu.dma_semaphore, #tpu.memory_space<semaphore_mem>>)
    %dma_start3A_602 = arith.constant 3 : i32
    %dma_start3A_603 = arith.constant 3 : i32
    %dma_start3A_604 = arith.constant 0 : i32
    %dma_start3A_605 = tpu.memref_slice %arg7[%dma_start3A_602, %dma_start3A_604] : memref<7x2048xf32, #tpu.memory_space<vmem>> -> memref<1x2048xf32, #tpu.memory_space<vmem>>
    %dma_start3A_606 = tpu.memref_squeeze %dma_start3A_605 : memref<1x2048xf32, #tpu.memory_space<vmem>> -> memref<2048xf32, #tpu.memory_space<vmem>>
    %dma_start3A_607 = tpu.memref_slice %arg4[%dma_start3A_603, %add3A_565] : memref<7x262144xf32, #tpu.memory_space<hbm>> -> memref<1x2048xf32, #tpu.memory_space<hbm>>
    %dma_start3A_608 = tpu.memref_squeeze %dma_start3A_607 : memref<1x2048xf32, #tpu.memory_space<hbm>> -> memref<2048xf32, #tpu.memory_space<hbm>>
    %dma_start3A_609 = tpu.memref_slice %arg4[%dma_start3A_603, %add3A_565] : memref<7x262144xf32, #tpu.memory_space<hbm>> -> memref<1x2048xf32, #tpu.memory_space<hbm>>
    %dma_start3A_610 = tpu.memref_squeeze %dma_start3A_609 : memref<1x2048xf32, #tpu.memory_space<hbm>> -> memref<2048xf32, #tpu.memory_space<hbm>>
    %dma_start3A_611 = arith.constant 0 : i32
    %dma_start3A_612 = tpu.memref_slice %arg7[%dma_start3A_602, %dma_start3A_611] : memref<7x2048xf32, #tpu.memory_space<vmem>> -> memref<1x2048xf32, #tpu.memory_space<vmem>>
    %dma_start3A_613 = tpu.memref_squeeze %dma_start3A_612 : memref<1x2048xf32, #tpu.memory_space<vmem>> -> memref<2048xf32, #tpu.memory_space<vmem>>
    tpu.enqueue_dma source(%dma_start3A_613 : memref<2048xf32, #tpu.memory_space<vmem>>) target(%dma_start3A_610 : memref<2048xf32, #tpu.memory_space<hbm>>) target_semaphore(%arg8 : memref<!tpu.dma_semaphore, #tpu.memory_space<semaphore_mem>>)
    %dma_start3A_614 = arith.constant 4 : i32
    %dma_start3A_615 = arith.constant 4 : i32
    %dma_start3A_616 = arith.constant 0 : i32
    %dma_start3A_617 = tpu.memref_slice %arg7[%dma_start3A_614, %dma_start3A_616] : memref<7x2048xf32, #tpu.memory_space<vmem>> -> memref<1x2048xf32, #tpu.memory_space<vmem>>
    %dma_start3A_618 = tpu.memref_squeeze %dma_start3A_617 : memref<1x2048xf32, #tpu.memory_space<vmem>> -> memref<2048xf32, #tpu.memory_space<vmem>>
    %dma_start3A_619 = tpu.memref_slice %arg4[%dma_start3A_615, %add3A_565] : memref<7x262144xf32, #tpu.memory_space<hbm>> -> memref<1x2048xf32, #tpu.memory_space<hbm>>
    %dma_start3A_620 = tpu.memref_squeeze %dma_start3A_619 : memref<1x2048xf32, #tpu.memory_space<hbm>> -> memref<2048xf32, #tpu.memory_space<hbm>>
    %dma_start3A_621 = tpu.memref_slice %arg4[%dma_start3A_615, %add3A_565] : memref<7x262144xf32, #tpu.memory_space<hbm>> -> memref<1x2048xf32, #tpu.memory_space<hbm>>
    %dma_start3A_622 = tpu.memref_squeeze %dma_start3A_621 : memref<1x2048xf32, #tpu.memory_space<hbm>> -> memref<2048xf32, #tpu.memory_space<hbm>>
    %dma_start3A_623 = arith.constant 0 : i32
    %dma_start3A_624 = tpu.memref_slice %arg7[%dma_start3A_614, %dma_start3A_623] : memref<7x2048xf32, #tpu.memory_space<vmem>> -> memref<1x2048xf32, #tpu.memory_space<vmem>>
    %dma_start3A_625 = tpu.memref_squeeze %dma_start3A_624 : memref<1x2048xf32, #tpu.memory_space<vmem>> -> memref<2048xf32, #tpu.memory_space<vmem>>
    tpu.enqueue_dma source(%dma_start3A_625 : memref<2048xf32, #tpu.memory_space<vmem>>) target(%dma_start3A_622 : memref<2048xf32, #tpu.memory_space<hbm>>) target_semaphore(%arg8 : memref<!tpu.dma_semaphore, #tpu.memory_space<semaphore_mem>>)
    %dma_start3A_626 = arith.constant 5 : i32
    %dma_start3A_627 = arith.constant 5 : i32
    %dma_start3A_628 = arith.constant 0 : i32
    %dma_start3A_629 = tpu.memref_slice %arg7[%dma_start3A_626, %dma_start3A_628] : memref<7x2048xf32, #tpu.memory_space<vmem>> -> memref<1x2048xf32, #tpu.memory_space<vmem>>
    %dma_start3A_630 = tpu.memref_squeeze %dma_start3A_629 : memref<1x2048xf32, #tpu.memory_space<vmem>> -> memref<2048xf32, #tpu.memory_space<vmem>>
    %dma_start3A_631 = tpu.memref_slice %arg4[%dma_start3A_627, %add3A_565] : memref<7x262144xf32, #tpu.memory_space<hbm>> -> memref<1x2048xf32, #tpu.memory_space<hbm>>
    %dma_start3A_632 = tpu.memref_squeeze %dma_start3A_631 : memref<1x2048xf32, #tpu.memory_space<hbm>> -> memref<2048xf32, #tpu.memory_space<hbm>>
    %dma_start3A_633 = tpu.memref_slice %arg4[%dma_start3A_627, %add3A_565] : memref<7x262144xf32, #tpu.memory_space<hbm>> -> memref<1x2048xf32, #tpu.memory_space<hbm>>
    %dma_start3A_634 = tpu.memref_squeeze %dma_start3A_633 : memref<1x2048xf32, #tpu.memory_space<hbm>> -> memref<2048xf32, #tpu.memory_space<hbm>>
    %dma_start3A_635 = arith.constant 0 : i32
    %dma_start3A_636 = tpu.memref_slice %arg7[%dma_start3A_626, %dma_start3A_635] : memref<7x2048xf32, #tpu.memory_space<vmem>> -> memref<1x2048xf32, #tpu.memory_space<vmem>>
    %dma_start3A_637 = tpu.memref_squeeze %dma_start3A_636 : memref<1x2048xf32, #tpu.memory_space<vmem>> -> memref<2048xf32, #tpu.memory_space<vmem>>
    tpu.enqueue_dma source(%dma_start3A_637 : memref<2048xf32, #tpu.memory_space<vmem>>) target(%dma_start3A_634 : memref<2048xf32, #tpu.memory_space<hbm>>) target_semaphore(%arg8 : memref<!tpu.dma_semaphore, #tpu.memory_space<semaphore_mem>>)
    %dma_start3A_638 = arith.constant 6 : i32
    %dma_start3A_639 = arith.constant 6 : i32
    %dma_start3A_640 = arith.constant 0 : i32
    %dma_start3A_641 = tpu.memref_slice %arg7[%dma_start3A_638, %dma_start3A_640] : memref<7x2048xf32, #tpu.memory_space<vmem>> -> memref<1x2048xf32, #tpu.memory_space<vmem>>
    %dma_start3A_642 = tpu.memref_squeeze %dma_start3A_641 : memref<1x2048xf32, #tpu.memory_space<vmem>> -> memref<2048xf32, #tpu.memory_space<vmem>>
    %dma_start3A_643 = tpu.memref_slice %arg4[%dma_start3A_639, %add3A_565] : memref<7x262144xf32, #tpu.memory_space<hbm>> -> memref<1x2048xf32, #tpu.memory_space<hbm>>
    %dma_start3A_644 = tpu.memref_squeeze %dma_start3A_643 : memref<1x2048xf32, #tpu.memory_space<hbm>> -> memref<2048xf32, #tpu.memory_space<hbm>>
    %dma_start3A_645 = tpu.memref_slice %arg4[%dma_start3A_639, %add3A_565] : memref<7x262144xf32, #tpu.memory_space<hbm>> -> memref<1x2048xf32, #tpu.memory_space<hbm>>
    %dma_start3A_646 = tpu.memref_squeeze %dma_start3A_645 : memref<1x2048xf32, #tpu.memory_space<hbm>> -> memref<2048xf32, #tpu.memory_space<hbm>>
    %dma_start3A_647 = arith.constant 0 : i32
    %dma_start3A_648 = tpu.memref_slice %arg7[%dma_start3A_638, %dma_start3A_647] : memref<7x2048xf32, #tpu.memory_space<vmem>> -> memref<1x2048xf32, #tpu.memory_space<vmem>>
    %dma_start3A_649 = tpu.memref_squeeze %dma_start3A_648 : memref<1x2048xf32, #tpu.memory_space<vmem>> -> memref<2048xf32, #tpu.memory_space<vmem>>
    tpu.enqueue_dma source(%dma_start3A_649 : memref<2048xf32, #tpu.memory_space<vmem>>) target(%dma_start3A_646 : memref<2048xf32, #tpu.memory_space<hbm>>) target_semaphore(%arg8 : memref<!tpu.dma_semaphore, #tpu.memory_space<semaphore_mem>>)
    %dma_wait3A_650 = arith.constant 0 : i32
    %dma_wait3A_651 = arith.constant 0 : i32
    %dma_wait3A_652 = arith.constant 0 : i32
    %dma_wait3A_653 = tpu.memref_slice %arg7[%dma_wait3A_650, %dma_wait3A_652] : memref<7x2048xf32, #tpu.memory_space<vmem>> -> memref<1x2048xf32, #tpu.memory_space<vmem>>
    %dma_wait3A_654 = tpu.memref_squeeze %dma_wait3A_653 : memref<1x2048xf32, #tpu.memory_space<vmem>> -> memref<2048xf32, #tpu.memory_space<vmem>>
    %dma_wait3A_655 = tpu.memref_slice %arg4[%dma_wait3A_651, %add3A_565] : memref<7x262144xf32, #tpu.memory_space<hbm>> -> memref<1x2048xf32, #tpu.memory_space<hbm>>
    %dma_wait3A_656 = tpu.memref_squeeze %dma_wait3A_655 : memref<1x2048xf32, #tpu.memory_space<hbm>> -> memref<2048xf32, #tpu.memory_space<hbm>>
    %dma_wait3A_657 = tpu.memref_slice %arg4[%dma_wait3A_651, %add3A_565] : memref<7x262144xf32, #tpu.memory_space<hbm>> -> memref<1x2048xf32, #tpu.memory_space<hbm>>
    %dma_wait3A_658 = tpu.memref_squeeze %dma_wait3A_657 : memref<1x2048xf32, #tpu.memory_space<hbm>> -> memref<2048xf32, #tpu.memory_space<hbm>>
    %dma_wait3A_659 = arith.constant 0 : i32
    %dma_wait3A_660 = tpu.memref_slice %arg7[%dma_wait3A_650, %dma_wait3A_659] : memref<7x2048xf32, #tpu.memory_space<vmem>> -> memref<1x2048xf32, #tpu.memory_space<vmem>>
    %dma_wait3A_661 = tpu.memref_squeeze %dma_wait3A_660 : memref<1x2048xf32, #tpu.memory_space<vmem>> -> memref<2048xf32, #tpu.memory_space<vmem>>
    tpu.wait_dma2 semaphore(%arg8 : memref<!tpu.dma_semaphore, #tpu.memory_space<semaphore_mem>>) src(%dma_wait3A_661 : memref<2048xf32, #tpu.memory_space<vmem>>) dst(%dma_wait3A_658 : memref<2048xf32, #tpu.memory_space<hbm>>)
    %dma_wait3A_662 = arith.constant 1 : i32
    %dma_wait3A_663 = arith.constant 1 : i32
    %dma_wait3A_664 = arith.constant 0 : i32
    %dma_wait3A_665 = tpu.memref_slice %arg7[%dma_wait3A_662, %dma_wait3A_664] : memref<7x2048xf32, #tpu.memory_space<vmem>> -> memref<1x2048xf32, #tpu.memory_space<vmem>>
    %dma_wait3A_666 = tpu.memref_squeeze %dma_wait3A_665 : memref<1x2048xf32, #tpu.memory_space<vmem>> -> memref<2048xf32, #tpu.memory_space<vmem>>
    %dma_wait3A_667 = tpu.memref_slice %arg4[%dma_wait3A_663, %add3A_565] : memref<7x262144xf32, #tpu.memory_space<hbm>> -> memref<1x2048xf32, #tpu.memory_space<hbm>>
    %dma_wait3A_668 = tpu.memref_squeeze %dma_wait3A_667 : memref<1x2048xf32, #tpu.memory_space<hbm>> -> memref<2048xf32, #tpu.memory_space<hbm>>
    %dma_wait3A_669 = tpu.memref_slice %arg4[%dma_wait3A_663, %add3A_565] : memref<7x262144xf32, #tpu.memory_space<hbm>> -> memref<1x2048xf32, #tpu.memory_space<hbm>>
    %dma_wait3A_670 = tpu.memref_squeeze %dma_wait3A_669 : memref<1x2048xf32, #tpu.memory_space<hbm>> -> memref<2048xf32, #tpu.memory_space<hbm>>
    %dma_wait3A_671 = arith.constant 0 : i32
    %dma_wait3A_672 = tpu.memref_slice %arg7[%dma_wait3A_662, %dma_wait3A_671] : memref<7x2048xf32, #tpu.memory_space<vmem>> -> memref<1x2048xf32, #tpu.memory_space<vmem>>
    %dma_wait3A_673 = tpu.memref_squeeze %dma_wait3A_672 : memref<1x2048xf32, #tpu.memory_space<vmem>> -> memref<2048xf32, #tpu.memory_space<vmem>>
    tpu.wait_dma2 semaphore(%arg8 : memref<!tpu.dma_semaphore, #tpu.memory_space<semaphore_mem>>) src(%dma_wait3A_673 : memref<2048xf32, #tpu.memory_space<vmem>>) dst(%dma_wait3A_670 : memref<2048xf32, #tpu.memory_space<hbm>>)
    %dma_wait3A_674 = arith.constant 2 : i32
    %dma_wait3A_675 = arith.constant 2 : i32
    %dma_wait3A_676 = arith.constant 0 : i32
    %dma_wait3A_677 = tpu.memref_slice %arg7[%dma_wait3A_674, %dma_wait3A_676] : memref<7x2048xf32, #tpu.memory_space<vmem>> -> memref<1x2048xf32, #tpu.memory_space<vmem>>
    %dma_wait3A_678 = tpu.memref_squeeze %dma_wait3A_677 : memref<1x2048xf32, #tpu.memory_space<vmem>> -> memref<2048xf32, #tpu.memory_space<vmem>>
    %dma_wait3A_679 = tpu.memref_slice %arg4[%dma_wait3A_675, %add3A_565] : memref<7x262144xf32, #tpu.memory_space<hbm>> -> memref<1x2048xf32, #tpu.memory_space<hbm>>
    %dma_wait3A_680 = tpu.memref_squeeze %dma_wait3A_679 : memref<1x2048xf32, #tpu.memory_space<hbm>> -> memref<2048xf32, #tpu.memory_space<hbm>>
    %dma_wait3A_681 = tpu.memref_slice %arg4[%dma_wait3A_675, %add3A_565] : memref<7x262144xf32, #tpu.memory_space<hbm>> -> memref<1x2048xf32, #tpu.memory_space<hbm>>
    %dma_wait3A_682 = tpu.memref_squeeze %dma_wait3A_681 : memref<1x2048xf32, #tpu.memory_space<hbm>> -> memref<2048xf32, #tpu.memory_space<hbm>>
    %dma_wait3A_683 = arith.constant 0 : i32
    %dma_wait3A_684 = tpu.memref_slice %arg7[%dma_wait3A_674, %dma_wait3A_683] : memref<7x2048xf32, #tpu.memory_space<vmem>> -> memref<1x2048xf32, #tpu.memory_space<vmem>>
    %dma_wait3A_685 = tpu.memref_squeeze %dma_wait3A_684 : memref<1x2048xf32, #tpu.memory_space<vmem>> -> memref<2048xf32, #tpu.memory_space<vmem>>
    tpu.wait_dma2 semaphore(%arg8 : memref<!tpu.dma_semaphore, #tpu.memory_space<semaphore_mem>>) src(%dma_wait3A_685 : memref<2048xf32, #tpu.memory_space<vmem>>) dst(%dma_wait3A_682 : memref<2048xf32, #tpu.memory_space<hbm>>)
    %dma_wait3A_686 = arith.constant 3 : i32
    %dma_wait3A_687 = arith.constant 3 : i32
    %dma_wait3A_688 = arith.constant 0 : i32
    %dma_wait3A_689 = tpu.memref_slice %arg7[%dma_wait3A_686, %dma_wait3A_688] : memref<7x2048xf32, #tpu.memory_space<vmem>> -> memref<1x2048xf32, #tpu.memory_space<vmem>>
    %dma_wait3A_690 = tpu.memref_squeeze %dma_wait3A_689 : memref<1x2048xf32, #tpu.memory_space<vmem>> -> memref<2048xf32, #tpu.memory_space<vmem>>
    %dma_wait3A_691 = tpu.memref_slice %arg4[%dma_wait3A_687, %add3A_565] : memref<7x262144xf32, #tpu.memory_space<hbm>> -> memref<1x2048xf32, #tpu.memory_space<hbm>>
    %dma_wait3A_692 = tpu.memref_squeeze %dma_wait3A_691 : memref<1x2048xf32, #tpu.memory_space<hbm>> -> memref<2048xf32, #tpu.memory_space<hbm>>
    %dma_wait3A_693 = tpu.memref_slice %arg4[%dma_wait3A_687, %add3A_565] : memref<7x262144xf32, #tpu.memory_space<hbm>> -> memref<1x2048xf32, #tpu.memory_space<hbm>>
    %dma_wait3A_694 = tpu.memref_squeeze %dma_wait3A_693 : memref<1x2048xf32, #tpu.memory_space<hbm>> -> memref<2048xf32, #tpu.memory_space<hbm>>
    %dma_wait3A_695 = arith.constant 0 : i32
    %dma_wait3A_696 = tpu.memref_slice %arg7[%dma_wait3A_686, %dma_wait3A_695] : memref<7x2048xf32, #tpu.memory_space<vmem>> -> memref<1x2048xf32, #tpu.memory_space<vmem>>
    %dma_wait3A_697 = tpu.memref_squeeze %dma_wait3A_696 : memref<1x2048xf32, #tpu.memory_space<vmem>> -> memref<2048xf32, #tpu.memory_space<vmem>>
    tpu.wait_dma2 semaphore(%arg8 : memref<!tpu.dma_semaphore, #tpu.memory_space<semaphore_mem>>) src(%dma_wait3A_697 : memref<2048xf32, #tpu.memory_space<vmem>>) dst(%dma_wait3A_694 : memref<2048xf32, #tpu.memory_space<hbm>>)
    %dma_wait3A_698 = arith.constant 4 : i32
    %dma_wait3A_699 = arith.constant 4 : i32
    %dma_wait3A_700 = arith.constant 0 : i32
    %dma_wait3A_701 = tpu.memref_slice %arg7[%dma_wait3A_698, %dma_wait3A_700] : memref<7x2048xf32, #tpu.memory_space<vmem>> -> memref<1x2048xf32, #tpu.memory_space<vmem>>
    %dma_wait3A_702 = tpu.memref_squeeze %dma_wait3A_701 : memref<1x2048xf32, #tpu.memory_space<vmem>> -> memref<2048xf32, #tpu.memory_space<vmem>>
    %dma_wait3A_703 = tpu.memref_slice %arg4[%dma_wait3A_699, %add3A_565] : memref<7x262144xf32, #tpu.memory_space<hbm>> -> memref<1x2048xf32, #tpu.memory_space<hbm>>
    %dma_wait3A_704 = tpu.memref_squeeze %dma_wait3A_703 : memref<1x2048xf32, #tpu.memory_space<hbm>> -> memref<2048xf32, #tpu.memory_space<hbm>>
    %dma_wait3A_705 = tpu.memref_slice %arg4[%dma_wait3A_699, %add3A_565] : memref<7x262144xf32, #tpu.memory_space<hbm>> -> memref<1x2048xf32, #tpu.memory_space<hbm>>
    %dma_wait3A_706 = tpu.memref_squeeze %dma_wait3A_705 : memref<1x2048xf32, #tpu.memory_space<hbm>> -> memref<2048xf32, #tpu.memory_space<hbm>>
    %dma_wait3A_707 = arith.constant 0 : i32
    %dma_wait3A_708 = tpu.memref_slice %arg7[%dma_wait3A_698, %dma_wait3A_707] : memref<7x2048xf32, #tpu.memory_space<vmem>> -> memref<1x2048xf32, #tpu.memory_space<vmem>>
    %dma_wait3A_709 = tpu.memref_squeeze %dma_wait3A_708 : memref<1x2048xf32, #tpu.memory_space<vmem>> -> memref<2048xf32, #tpu.memory_space<vmem>>
    tpu.wait_dma2 semaphore(%arg8 : memref<!tpu.dma_semaphore, #tpu.memory_space<semaphore_mem>>) src(%dma_wait3A_709 : memref<2048xf32, #tpu.memory_space<vmem>>) dst(%dma_wait3A_706 : memref<2048xf32, #tpu.memory_space<hbm>>)
    %dma_wait3A_710 = arith.constant 5 : i32
    %dma_wait3A_711 = arith.constant 5 : i32
    %dma_wait3A_712 = arith.constant 0 : i32
    %dma_wait3A_713 = tpu.memref_slice %arg7[%dma_wait3A_710, %dma_wait3A_712] : memref<7x2048xf32, #tpu.memory_space<vmem>> -> memref<1x2048xf32, #tpu.memory_space<vmem>>
    %dma_wait3A_714 = tpu.memref_squeeze %dma_wait3A_713 : memref<1x2048xf32, #tpu.memory_space<vmem>> -> memref<2048xf32, #tpu.memory_space<vmem>>
    %dma_wait3A_715 = tpu.memref_slice %arg4[%dma_wait3A_711, %add3A_565] : memref<7x262144xf32, #tpu.memory_space<hbm>> -> memref<1x2048xf32, #tpu.memory_space<hbm>>
    %dma_wait3A_716 = tpu.memref_squeeze %dma_wait3A_715 : memref<1x2048xf32, #tpu.memory_space<hbm>> -> memref<2048xf32, #tpu.memory_space<hbm>>
    %dma_wait3A_717 = tpu.memref_slice %arg4[%dma_wait3A_711, %add3A_565] : memref<7x262144xf32, #tpu.memory_space<hbm>> -> memref<1x2048xf32, #tpu.memory_space<hbm>>
    %dma_wait3A_718 = tpu.memref_squeeze %dma_wait3A_717 : memref<1x2048xf32, #tpu.memory_space<hbm>> -> memref<2048xf32, #tpu.memory_space<hbm>>
    %dma_wait3A_719 = arith.constant 0 : i32
    %dma_wait3A_720 = tpu.memref_slice %arg7[%dma_wait3A_710, %dma_wait3A_719] : memref<7x2048xf32, #tpu.memory_space<vmem>> -> memref<1x2048xf32, #tpu.memory_space<vmem>>
    %dma_wait3A_721 = tpu.memref_squeeze %dma_wait3A_720 : memref<1x2048xf32, #tpu.memory_space<vmem>> -> memref<2048xf32, #tpu.memory_space<vmem>>
    tpu.wait_dma2 semaphore(%arg8 : memref<!tpu.dma_semaphore, #tpu.memory_space<semaphore_mem>>) src(%dma_wait3A_721 : memref<2048xf32, #tpu.memory_space<vmem>>) dst(%dma_wait3A_718 : memref<2048xf32, #tpu.memory_space<hbm>>)
    %dma_wait3A_722 = arith.constant 6 : i32
    %dma_wait3A_723 = arith.constant 6 : i32
    %dma_wait3A_724 = arith.constant 0 : i32
    %dma_wait3A_725 = tpu.memref_slice %arg7[%dma_wait3A_722, %dma_wait3A_724] : memref<7x2048xf32, #tpu.memory_space<vmem>> -> memref<1x2048xf32, #tpu.memory_space<vmem>>
    %dma_wait3A_726 = tpu.memref_squeeze %dma_wait3A_725 : memref<1x2048xf32, #tpu.memory_space<vmem>> -> memref<2048xf32, #tpu.memory_space<vmem>>
    %dma_wait3A_727 = tpu.memref_slice %arg4[%dma_wait3A_723, %add3A_565] : memref<7x262144xf32, #tpu.memory_space<hbm>> -> memref<1x2048xf32, #tpu.memory_space<hbm>>
    %dma_wait3A_728 = tpu.memref_squeeze %dma_wait3A_727 : memref<1x2048xf32, #tpu.memory_space<hbm>> -> memref<2048xf32, #tpu.memory_space<hbm>>
    %dma_wait3A_729 = tpu.memref_slice %arg4[%dma_wait3A_723, %add3A_565] : memref<7x262144xf32, #tpu.memory_space<hbm>> -> memref<1x2048xf32, #tpu.memory_space<hbm>>
    %dma_wait3A_730 = tpu.memref_squeeze %dma_wait3A_729 : memref<1x2048xf32, #tpu.memory_space<hbm>> -> memref<2048xf32, #tpu.memory_space<hbm>>
    %dma_wait3A_731 = arith.constant 0 : i32
    %dma_wait3A_732 = tpu.memref_slice %arg7[%dma_wait3A_722, %dma_wait3A_731] : memref<7x2048xf32, #tpu.memory_space<vmem>> -> memref<1x2048xf32, #tpu.memory_space<vmem>>
    %dma_wait3A_733 = tpu.memref_squeeze %dma_wait3A_732 : memref<1x2048xf32, #tpu.memory_space<vmem>> -> memref<2048xf32, #tpu.memory_space<vmem>>
    tpu.wait_dma2 semaphore(%arg8 : memref<!tpu.dma_semaphore, #tpu.memory_space<semaphore_mem>>) src(%dma_wait3A_733 : memref<2048xf32, #tpu.memory_space<vmem>>) dst(%dma_wait3A_730 : memref<2048xf32, #tpu.memory_space<hbm>>)
    return
  }
}

module attributes {stable_mosaic.version = 14 : i64} {
  func.func @_tc_body(%arg0: i32, %arg1: memref<7x512x64xf32, #tpu.memory_space<vmem>>, %arg2: memref<512x16xf32, #tpu.memory_space<vmem>>, %arg3: memref<8x22xf32, #tpu.memory_space<vmem>>, %arg4: memref<3x8xf32, #tpu.memory_space<vmem>>, %arg5: memref<512x64xf32, #tpu.memory_space<vmem>>, %arg6: memref<512x3xf32, #tpu.memory_space<vmem>>) attributes {dimension_semantics = [#tpu.dimension_semantics<arbitrary>], iteration_bounds = array<i64: 8>, scalar_prefetch = 0 : i64, scratch_operands = 0 : i64, tpu.core_type = #tpu.core_type<tc>, window_params = [{transform_indices = @transform_0, window_bounds = array<i64: 7, 512, 64>}, {transform_indices = @transform_1, window_bounds = array<i64: 512, 16>}, {pipeline_mode = #tpu.pipeline_mode<synchronous>, transform_indices = @transform_2, window_bounds = array<i64: 8, 22>}, {pipeline_mode = #tpu.pipeline_mode<synchronous>, transform_indices = @transform_3, window_bounds = array<i64: 3, 8>}, {transform_indices = @transform_4, window_bounds = array<i64: 512, 64>}, {transform_indices = @transform_5, window_bounds = array<i64: 512, 3>}]} {
    %get3A = arith.constant 0 : index
    %get3A_0 = arith.constant 0 : index
    %get3A_1 = arith.constant 0 : index
    %get3A_2 = vector.load %arg1[%get3A, %get3A_0, %get3A_1] : memref<7x512x64xf32, #tpu.memory_space<vmem>>, vector<7x512x64xf32>
    %get3A_3 = arith.constant 0 : index
    %get3A_4 = arith.constant 0 : index
    %get3A_5 = vector.load %arg3[%get3A_3, %get3A_4] : memref<8x22xf32, #tpu.memory_space<vmem>>, vector<8x22xf32>
    %get3A_6 = arith.constant 0 : index
    %get3A_7 = arith.constant 0 : index
    %get3A_8 = vector.load %arg4[%get3A_6, %get3A_7] : memref<3x8xf32, #tpu.memory_space<vmem>>, vector<3x8xf32>
    %slice3A = vector.extract_strided_slice %get3A_2 {offsets = [0, 0, 0], sizes = [1, 512, 64], strides = [1, 1, 1]} : vector<7x512x64xf32> to vector<1x512x64xf32>
    %squeeze3A = vector.shape_cast %slice3A : vector<1x512x64xf32> to vector<512x64xf32>
    %neg3A = arith.constant 0.000000e+00 : f32
    %neg3A_9 = vector.broadcast %neg3A : f32 to vector<512x64xf32>
    %neg3A_10 = arith.subf %neg3A_9, %squeeze3A : vector<512x64xf32>
    %exp3A = math.exp %neg3A_10 : vector<512x64xf32>
    %add3A = arith.constant 1.000000e+00 : f32
    %add3A_11 = vector.broadcast %add3A : f32 to vector<512x64xf32>
    %add3A_12 = arith.addf %add3A_11, %exp3A : vector<512x64xf32>
    %div3A = arith.constant 1.000000e+00 : f32
    %div3A_13 = vector.broadcast %div3A : f32 to vector<512x64xf32>
    %div3A_14 = arith.divf %div3A_13, %add3A_12 : vector<512x64xf32>
    %swap3A = arith.constant 0 : index
    %swap3A_15 = arith.constant 0 : index
    %swap3A_16 = vector.load %arg5[%swap3A, %swap3A_15] : memref<512x64xf32, #tpu.memory_space<vmem>>, vector<512x64xf32>
    tpu.vector_store %arg5[%swap3A, %swap3A_15], %div3A_14 {strides = array<i32>} : memref<512x64xf32, #tpu.memory_space<vmem>>, vector<512x64xf32>,
    %get3A_17 = arith.constant 0 : index
    %get3A_18 = arith.constant 0 : index
    %get3A_19 = vector.load %arg2[%get3A_17, %get3A_18] : memref<512x16xf32, #tpu.memory_space<vmem>>, vector<512x16xf32>
    %slice3A_20 = vector.extract_strided_slice %get3A_5 {offsets = [0, 0], sizes = [8, 16], strides = [1, 1]} : vector<8x22xf32> to vector<8x16xf32>
    %dot_general3A = arith.constant dense<0.000000e+00> : vector<512x8xf32>
    %dot_general3A_21 = tpu.matmul %get3A_19, %slice3A_20, %dot_general3A {dimension_numbers = #tpu.dot_dimension_numbers<[1], [1], [0], [0], [0, 0, 1, 0], [], []>, transpose_lhs_hint = false} : vector<512x16xf32>, vector<8x16xf32>, vector<512x8xf32> -> vector<512x8xf32>
    %slice3A_22 = vector.extract_strided_slice %dot_general3A_21 {offsets = [0, 0], sizes = [512, 1], strides = [1, 1]} : vector<512x8xf32> to vector<512x1xf32>
    %squeeze3A_23 = vector.shape_cast %slice3A_22 : vector<512x1xf32> to vector<512xf32>
    %broadcast_in_dim3A = vector.shape_cast %squeeze3A_23 : vector<512xf32> to vector<512x1xf32>
    %slice3A_24 = vector.extract_strided_slice %get3A_2 {offsets = [1, 0, 0], sizes = [1, 512, 64], strides = [1, 1, 1]} : vector<7x512x64xf32> to vector<1x512x64xf32>
    %squeeze3A_25 = vector.shape_cast %slice3A_24 : vector<1x512x64xf32> to vector<512x64xf32>
    %slice3A_26 = vector.extract_strided_slice %get3A_5 {offsets = [0, 16], sizes = [1, 1], strides = [1, 1]} : vector<8x22xf32> to vector<1x1xf32>
    %squeeze3A_27 = vector.extract %slice3A_26[0, 0] : f32 from vector<1x1xf32>
    %mul3A = vector.broadcast %squeeze3A_27 : f32 to vector<512x64xf32>
    %mul3A_28 = arith.mulf %squeeze3A_25, %mul3A : vector<512x64xf32>
    %add3A_29 = vector.broadcast %broadcast_in_dim3A : vector<512x1xf32> to vector<512x64xf32>
    %add3A_30 = arith.addf %add3A_29, %mul3A_28 : vector<512x64xf32>
    %slice3A_31 = vector.extract_strided_slice %get3A_2 {offsets = [2, 0, 0], sizes = [1, 512, 64], strides = [1, 1, 1]} : vector<7x512x64xf32> to vector<1x512x64xf32>
    %squeeze3A_32 = vector.shape_cast %slice3A_31 : vector<1x512x64xf32> to vector<512x64xf32>
    %slice3A_33 = vector.extract_strided_slice %get3A_5 {offsets = [0, 17], sizes = [1, 1], strides = [1, 1]} : vector<8x22xf32> to vector<1x1xf32>
    %squeeze3A_34 = vector.extract %slice3A_33[0, 0] : f32 from vector<1x1xf32>
    %mul3A_35 = vector.broadcast %squeeze3A_34 : f32 to vector<512x64xf32>
    %mul3A_36 = arith.mulf %squeeze3A_32, %mul3A_35 : vector<512x64xf32>
    %add3A_37 = arith.addf %add3A_30, %mul3A_36 : vector<512x64xf32>
    %slice3A_38 = vector.extract_strided_slice %get3A_2 {offsets = [3, 0, 0], sizes = [1, 512, 64], strides = [1, 1, 1]} : vector<7x512x64xf32> to vector<1x512x64xf32>
    %squeeze3A_39 = vector.shape_cast %slice3A_38 : vector<1x512x64xf32> to vector<512x64xf32>
    %slice3A_40 = vector.extract_strided_slice %get3A_5 {offsets = [0, 18], sizes = [1, 1], strides = [1, 1]} : vector<8x22xf32> to vector<1x1xf32>
    %squeeze3A_41 = vector.extract %slice3A_40[0, 0] : f32 from vector<1x1xf32>
    %mul3A_42 = vector.broadcast %squeeze3A_41 : f32 to vector<512x64xf32>
    %mul3A_43 = arith.mulf %squeeze3A_39, %mul3A_42 : vector<512x64xf32>
    %add3A_44 = arith.addf %add3A_37, %mul3A_43 : vector<512x64xf32>
    %slice3A_45 = vector.extract_strided_slice %get3A_2 {offsets = [4, 0, 0], sizes = [1, 512, 64], strides = [1, 1, 1]} : vector<7x512x64xf32> to vector<1x512x64xf32>
    %squeeze3A_46 = vector.shape_cast %slice3A_45 : vector<1x512x64xf32> to vector<512x64xf32>
    %slice3A_47 = vector.extract_strided_slice %get3A_5 {offsets = [0, 19], sizes = [1, 1], strides = [1, 1]} : vector<8x22xf32> to vector<1x1xf32>
    %squeeze3A_48 = vector.extract %slice3A_47[0, 0] : f32 from vector<1x1xf32>
    %mul3A_49 = vector.broadcast %squeeze3A_48 : f32 to vector<512x64xf32>
    %mul3A_50 = arith.mulf %squeeze3A_46, %mul3A_49 : vector<512x64xf32>
    %add3A_51 = arith.addf %add3A_44, %mul3A_50 : vector<512x64xf32>
    %slice3A_52 = vector.extract_strided_slice %get3A_2 {offsets = [5, 0, 0], sizes = [1, 512, 64], strides = [1, 1, 1]} : vector<7x512x64xf32> to vector<1x512x64xf32>
    %squeeze3A_53 = vector.shape_cast %slice3A_52 : vector<1x512x64xf32> to vector<512x64xf32>
    %slice3A_54 = vector.extract_strided_slice %get3A_5 {offsets = [0, 20], sizes = [1, 1], strides = [1, 1]} : vector<8x22xf32> to vector<1x1xf32>
    %squeeze3A_55 = vector.extract %slice3A_54[0, 0] : f32 from vector<1x1xf32>
    %mul3A_56 = vector.broadcast %squeeze3A_55 : f32 to vector<512x64xf32>
    %mul3A_57 = arith.mulf %squeeze3A_53, %mul3A_56 : vector<512x64xf32>
    %add3A_58 = arith.addf %add3A_51, %mul3A_57 : vector<512x64xf32>
    %slice3A_59 = vector.extract_strided_slice %get3A_2 {offsets = [6, 0, 0], sizes = [1, 512, 64], strides = [1, 1, 1]} : vector<7x512x64xf32> to vector<1x512x64xf32>
    %squeeze3A_60 = vector.shape_cast %slice3A_59 : vector<1x512x64xf32> to vector<512x64xf32>
    %slice3A_61 = vector.extract_strided_slice %get3A_5 {offsets = [0, 21], sizes = [1, 1], strides = [1, 1]} : vector<8x22xf32> to vector<1x1xf32>
    %squeeze3A_62 = vector.extract %slice3A_61[0, 0] : f32 from vector<1x1xf32>
    %mul3A_63 = vector.broadcast %squeeze3A_62 : f32 to vector<512x64xf32>
    %mul3A_64 = arith.mulf %squeeze3A_60, %mul3A_63 : vector<512x64xf32>
    %add3A_65 = arith.addf %add3A_58, %mul3A_64 : vector<512x64xf32>
    %max3A = arith.constant 0.000000e+00 : f32
    %max3A_66 = vector.broadcast %max3A : f32 to vector<512x64xf32>
    %max3A_67 = arith.maximumf %add3A_65, %max3A_66 : vector<512x64xf32>
    %slice3A_68 = vector.extract_strided_slice %dot_general3A_21 {offsets = [0, 1], sizes = [512, 1], strides = [1, 1]} : vector<512x8xf32> to vector<512x1xf32>
    %squeeze3A_69 = vector.shape_cast %slice3A_68 : vector<512x1xf32> to vector<512xf32>
    %broadcast_in_dim3A_70 = vector.shape_cast %squeeze3A_69 : vector<512xf32> to vector<512x1xf32>
    %slice3A_71 = vector.extract_strided_slice %get3A_2 {offsets = [1, 0, 0], sizes = [1, 512, 64], strides = [1, 1, 1]} : vector<7x512x64xf32> to vector<1x512x64xf32>
    %squeeze3A_72 = vector.shape_cast %slice3A_71 : vector<1x512x64xf32> to vector<512x64xf32>
    %slice3A_73 = vector.extract_strided_slice %get3A_5 {offsets = [1, 16], sizes = [1, 1], strides = [1, 1]} : vector<8x22xf32> to vector<1x1xf32>
    %squeeze3A_74 = vector.extract %slice3A_73[0, 0] : f32 from vector<1x1xf32>
    %mul3A_75 = vector.broadcast %squeeze3A_74 : f32 to vector<512x64xf32>
    %mul3A_76 = arith.mulf %squeeze3A_72, %mul3A_75 : vector<512x64xf32>
    %add3A_77 = vector.broadcast %broadcast_in_dim3A_70 : vector<512x1xf32> to vector<512x64xf32>
    %add3A_78 = arith.addf %add3A_77, %mul3A_76 : vector<512x64xf32>
    %slice3A_79 = vector.extract_strided_slice %get3A_2 {offsets = [2, 0, 0], sizes = [1, 512, 64], strides = [1, 1, 1]} : vector<7x512x64xf32> to vector<1x512x64xf32>
    %squeeze3A_80 = vector.shape_cast %slice3A_79 : vector<1x512x64xf32> to vector<512x64xf32>
    %slice3A_81 = vector.extract_strided_slice %get3A_5 {offsets = [1, 17], sizes = [1, 1], strides = [1, 1]} : vector<8x22xf32> to vector<1x1xf32>
    %squeeze3A_82 = vector.extract %slice3A_81[0, 0] : f32 from vector<1x1xf32>
    %mul3A_83 = vector.broadcast %squeeze3A_82 : f32 to vector<512x64xf32>
    %mul3A_84 = arith.mulf %squeeze3A_80, %mul3A_83 : vector<512x64xf32>
    %add3A_85 = arith.addf %add3A_78, %mul3A_84 : vector<512x64xf32>
    %slice3A_86 = vector.extract_strided_slice %get3A_2 {offsets = [3, 0, 0], sizes = [1, 512, 64], strides = [1, 1, 1]} : vector<7x512x64xf32> to vector<1x512x64xf32>
    %squeeze3A_87 = vector.shape_cast %slice3A_86 : vector<1x512x64xf32> to vector<512x64xf32>
    %slice3A_88 = vector.extract_strided_slice %get3A_5 {offsets = [1, 18], sizes = [1, 1], strides = [1, 1]} : vector<8x22xf32> to vector<1x1xf32>
    %squeeze3A_89 = vector.extract %slice3A_88[0, 0] : f32 from vector<1x1xf32>
    %mul3A_90 = vector.broadcast %squeeze3A_89 : f32 to vector<512x64xf32>
    %mul3A_91 = arith.mulf %squeeze3A_87, %mul3A_90 : vector<512x64xf32>
    %add3A_92 = arith.addf %add3A_85, %mul3A_91 : vector<512x64xf32>
    %slice3A_93 = vector.extract_strided_slice %get3A_2 {offsets = [4, 0, 0], sizes = [1, 512, 64], strides = [1, 1, 1]} : vector<7x512x64xf32> to vector<1x512x64xf32>
    %squeeze3A_94 = vector.shape_cast %slice3A_93 : vector<1x512x64xf32> to vector<512x64xf32>
    %slice3A_95 = vector.extract_strided_slice %get3A_5 {offsets = [1, 19], sizes = [1, 1], strides = [1, 1]} : vector<8x22xf32> to vector<1x1xf32>
    %squeeze3A_96 = vector.extract %slice3A_95[0, 0] : f32 from vector<1x1xf32>
    %mul3A_97 = vector.broadcast %squeeze3A_96 : f32 to vector<512x64xf32>
    %mul3A_98 = arith.mulf %squeeze3A_94, %mul3A_97 : vector<512x64xf32>
    %add3A_99 = arith.addf %add3A_92, %mul3A_98 : vector<512x64xf32>
    %slice3A_100 = vector.extract_strided_slice %get3A_2 {offsets = [5, 0, 0], sizes = [1, 512, 64], strides = [1, 1, 1]} : vector<7x512x64xf32> to vector<1x512x64xf32>
    %squeeze3A_101 = vector.shape_cast %slice3A_100 : vector<1x512x64xf32> to vector<512x64xf32>
    %slice3A_102 = vector.extract_strided_slice %get3A_5 {offsets = [1, 20], sizes = [1, 1], strides = [1, 1]} : vector<8x22xf32> to vector<1x1xf32>
    %squeeze3A_103 = vector.extract %slice3A_102[0, 0] : f32 from vector<1x1xf32>
    %mul3A_104 = vector.broadcast %squeeze3A_103 : f32 to vector<512x64xf32>
    %mul3A_105 = arith.mulf %squeeze3A_101, %mul3A_104 : vector<512x64xf32>
    %add3A_106 = arith.addf %add3A_99, %mul3A_105 : vector<512x64xf32>
    %slice3A_107 = vector.extract_strided_slice %get3A_2 {offsets = [6, 0, 0], sizes = [1, 512, 64], strides = [1, 1, 1]} : vector<7x512x64xf32> to vector<1x512x64xf32>
    %squeeze3A_108 = vector.shape_cast %slice3A_107 : vector<1x512x64xf32> to vector<512x64xf32>
    %slice3A_109 = vector.extract_strided_slice %get3A_5 {offsets = [1, 21], sizes = [1, 1], strides = [1, 1]} : vector<8x22xf32> to vector<1x1xf32>
    %squeeze3A_110 = vector.extract %slice3A_109[0, 0] : f32 from vector<1x1xf32>
    %mul3A_111 = vector.broadcast %squeeze3A_110 : f32 to vector<512x64xf32>
    %mul3A_112 = arith.mulf %squeeze3A_108, %mul3A_111 : vector<512x64xf32>
    %add3A_113 = arith.addf %add3A_106, %mul3A_112 : vector<512x64xf32>
    %max3A_114 = arith.constant 0.000000e+00 : f32
    %max3A_115 = vector.broadcast %max3A_114 : f32 to vector<512x64xf32>
    %max3A_116 = arith.maximumf %add3A_113, %max3A_115 : vector<512x64xf32>
    %slice3A_117 = vector.extract_strided_slice %dot_general3A_21 {offsets = [0, 2], sizes = [512, 1], strides = [1, 1]} : vector<512x8xf32> to vector<512x1xf32>
    %squeeze3A_118 = vector.shape_cast %slice3A_117 : vector<512x1xf32> to vector<512xf32>
    %broadcast_in_dim3A_119 = vector.shape_cast %squeeze3A_118 : vector<512xf32> to vector<512x1xf32>
    %slice3A_120 = vector.extract_strided_slice %get3A_2 {offsets = [1, 0, 0], sizes = [1, 512, 64], strides = [1, 1, 1]} : vector<7x512x64xf32> to vector<1x512x64xf32>
    %squeeze3A_121 = vector.shape_cast %slice3A_120 : vector<1x512x64xf32> to vector<512x64xf32>
    %slice3A_122 = vector.extract_strided_slice %get3A_5 {offsets = [2, 16], sizes = [1, 1], strides = [1, 1]} : vector<8x22xf32> to vector<1x1xf32>
    %squeeze3A_123 = vector.extract %slice3A_122[0, 0] : f32 from vector<1x1xf32>
    %mul3A_124 = vector.broadcast %squeeze3A_123 : f32 to vector<512x64xf32>
    %mul3A_125 = arith.mulf %squeeze3A_121, %mul3A_124 : vector<512x64xf32>
    %add3A_126 = vector.broadcast %broadcast_in_dim3A_119 : vector<512x1xf32> to vector<512x64xf32>
    %add3A_127 = arith.addf %add3A_126, %mul3A_125 : vector<512x64xf32>
    %slice3A_128 = vector.extract_strided_slice %get3A_2 {offsets = [2, 0, 0], sizes = [1, 512, 64], strides = [1, 1, 1]} : vector<7x512x64xf32> to vector<1x512x64xf32>
    %squeeze3A_129 = vector.shape_cast %slice3A_128 : vector<1x512x64xf32> to vector<512x64xf32>
    %slice3A_130 = vector.extract_strided_slice %get3A_5 {offsets = [2, 17], sizes = [1, 1], strides = [1, 1]} : vector<8x22xf32> to vector<1x1xf32>
    %squeeze3A_131 = vector.extract %slice3A_130[0, 0] : f32 from vector<1x1xf32>
    %mul3A_132 = vector.broadcast %squeeze3A_131 : f32 to vector<512x64xf32>
    %mul3A_133 = arith.mulf %squeeze3A_129, %mul3A_132 : vector<512x64xf32>
    %add3A_134 = arith.addf %add3A_127, %mul3A_133 : vector<512x64xf32>
    %slice3A_135 = vector.extract_strided_slice %get3A_2 {offsets = [3, 0, 0], sizes = [1, 512, 64], strides = [1, 1, 1]} : vector<7x512x64xf32> to vector<1x512x64xf32>
    %squeeze3A_136 = vector.shape_cast %slice3A_135 : vector<1x512x64xf32> to vector<512x64xf32>
    %slice3A_137 = vector.extract_strided_slice %get3A_5 {offsets = [2, 18], sizes = [1, 1], strides = [1, 1]} : vector<8x22xf32> to vector<1x1xf32>
    %squeeze3A_138 = vector.extract %slice3A_137[0, 0] : f32 from vector<1x1xf32>
    %mul3A_139 = vector.broadcast %squeeze3A_138 : f32 to vector<512x64xf32>
    %mul3A_140 = arith.mulf %squeeze3A_136, %mul3A_139 : vector<512x64xf32>
    %add3A_141 = arith.addf %add3A_134, %mul3A_140 : vector<512x64xf32>
    %slice3A_142 = vector.extract_strided_slice %get3A_2 {offsets = [4, 0, 0], sizes = [1, 512, 64], strides = [1, 1, 1]} : vector<7x512x64xf32> to vector<1x512x64xf32>
    %squeeze3A_143 = vector.shape_cast %slice3A_142 : vector<1x512x64xf32> to vector<512x64xf32>
    %slice3A_144 = vector.extract_strided_slice %get3A_5 {offsets = [2, 19], sizes = [1, 1], strides = [1, 1]} : vector<8x22xf32> to vector<1x1xf32>
    %squeeze3A_145 = vector.extract %slice3A_144[0, 0] : f32 from vector<1x1xf32>
    %mul3A_146 = vector.broadcast %squeeze3A_145 : f32 to vector<512x64xf32>
    %mul3A_147 = arith.mulf %squeeze3A_143, %mul3A_146 : vector<512x64xf32>
    %add3A_148 = arith.addf %add3A_141, %mul3A_147 : vector<512x64xf32>
    %slice3A_149 = vector.extract_strided_slice %get3A_2 {offsets = [5, 0, 0], sizes = [1, 512, 64], strides = [1, 1, 1]} : vector<7x512x64xf32> to vector<1x512x64xf32>
    %squeeze3A_150 = vector.shape_cast %slice3A_149 : vector<1x512x64xf32> to vector<512x64xf32>
    %slice3A_151 = vector.extract_strided_slice %get3A_5 {offsets = [2, 20], sizes = [1, 1], strides = [1, 1]} : vector<8x22xf32> to vector<1x1xf32>
    %squeeze3A_152 = vector.extract %slice3A_151[0, 0] : f32 from vector<1x1xf32>
    %mul3A_153 = vector.broadcast %squeeze3A_152 : f32 to vector<512x64xf32>
    %mul3A_154 = arith.mulf %squeeze3A_150, %mul3A_153 : vector<512x64xf32>
    %add3A_155 = arith.addf %add3A_148, %mul3A_154 : vector<512x64xf32>
    %slice3A_156 = vector.extract_strided_slice %get3A_2 {offsets = [6, 0, 0], sizes = [1, 512, 64], strides = [1, 1, 1]} : vector<7x512x64xf32> to vector<1x512x64xf32>
    %squeeze3A_157 = vector.shape_cast %slice3A_156 : vector<1x512x64xf32> to vector<512x64xf32>
    %slice3A_158 = vector.extract_strided_slice %get3A_5 {offsets = [2, 21], sizes = [1, 1], strides = [1, 1]} : vector<8x22xf32> to vector<1x1xf32>
    %squeeze3A_159 = vector.extract %slice3A_158[0, 0] : f32 from vector<1x1xf32>
    %mul3A_160 = vector.broadcast %squeeze3A_159 : f32 to vector<512x64xf32>
    %mul3A_161 = arith.mulf %squeeze3A_157, %mul3A_160 : vector<512x64xf32>
    %add3A_162 = arith.addf %add3A_155, %mul3A_161 : vector<512x64xf32>
    %max3A_163 = arith.constant 0.000000e+00 : f32
    %max3A_164 = vector.broadcast %max3A_163 : f32 to vector<512x64xf32>
    %max3A_165 = arith.maximumf %add3A_162, %max3A_164 : vector<512x64xf32>
    %slice3A_166 = vector.extract_strided_slice %dot_general3A_21 {offsets = [0, 3], sizes = [512, 1], strides = [1, 1]} : vector<512x8xf32> to vector<512x1xf32>
    %squeeze3A_167 = vector.shape_cast %slice3A_166 : vector<512x1xf32> to vector<512xf32>
    %broadcast_in_dim3A_168 = vector.shape_cast %squeeze3A_167 : vector<512xf32> to vector<512x1xf32>
    %slice3A_169 = vector.extract_strided_slice %get3A_2 {offsets = [1, 0, 0], sizes = [1, 512, 64], strides = [1, 1, 1]} : vector<7x512x64xf32> to vector<1x512x64xf32>
    %squeeze3A_170 = vector.shape_cast %slice3A_169 : vector<1x512x64xf32> to vector<512x64xf32>
    %slice3A_171 = vector.extract_strided_slice %get3A_5 {offsets = [3, 16], sizes = [1, 1], strides = [1, 1]} : vector<8x22xf32> to vector<1x1xf32>
    %squeeze3A_172 = vector.extract %slice3A_171[0, 0] : f32 from vector<1x1xf32>
    %mul3A_173 = vector.broadcast %squeeze3A_172 : f32 to vector<512x64xf32>
    %mul3A_174 = arith.mulf %squeeze3A_170, %mul3A_173 : vector<512x64xf32>
    %add3A_175 = vector.broadcast %broadcast_in_dim3A_168 : vector<512x1xf32> to vector<512x64xf32>
    %add3A_176 = arith.addf %add3A_175, %mul3A_174 : vector<512x64xf32>
    %slice3A_177 = vector.extract_strided_slice %get3A_2 {offsets = [2, 0, 0], sizes = [1, 512, 64], strides = [1, 1, 1]} : vector<7x512x64xf32> to vector<1x512x64xf32>
    %squeeze3A_178 = vector.shape_cast %slice3A_177 : vector<1x512x64xf32> to vector<512x64xf32>
    %slice3A_179 = vector.extract_strided_slice %get3A_5 {offsets = [3, 17], sizes = [1, 1], strides = [1, 1]} : vector<8x22xf32> to vector<1x1xf32>
    %squeeze3A_180 = vector.extract %slice3A_179[0, 0] : f32 from vector<1x1xf32>
    %mul3A_181 = vector.broadcast %squeeze3A_180 : f32 to vector<512x64xf32>
    %mul3A_182 = arith.mulf %squeeze3A_178, %mul3A_181 : vector<512x64xf32>
    %add3A_183 = arith.addf %add3A_176, %mul3A_182 : vector<512x64xf32>
    %slice3A_184 = vector.extract_strided_slice %get3A_2 {offsets = [3, 0, 0], sizes = [1, 512, 64], strides = [1, 1, 1]} : vector<7x512x64xf32> to vector<1x512x64xf32>
    %squeeze3A_185 = vector.shape_cast %slice3A_184 : vector<1x512x64xf32> to vector<512x64xf32>
    %slice3A_186 = vector.extract_strided_slice %get3A_5 {offsets = [3, 18], sizes = [1, 1], strides = [1, 1]} : vector<8x22xf32> to vector<1x1xf32>
    %squeeze3A_187 = vector.extract %slice3A_186[0, 0] : f32 from vector<1x1xf32>
    %mul3A_188 = vector.broadcast %squeeze3A_187 : f32 to vector<512x64xf32>
    %mul3A_189 = arith.mulf %squeeze3A_185, %mul3A_188 : vector<512x64xf32>
    %add3A_190 = arith.addf %add3A_183, %mul3A_189 : vector<512x64xf32>
    %slice3A_191 = vector.extract_strided_slice %get3A_2 {offsets = [4, 0, 0], sizes = [1, 512, 64], strides = [1, 1, 1]} : vector<7x512x64xf32> to vector<1x512x64xf32>
    %squeeze3A_192 = vector.shape_cast %slice3A_191 : vector<1x512x64xf32> to vector<512x64xf32>
    %slice3A_193 = vector.extract_strided_slice %get3A_5 {offsets = [3, 19], sizes = [1, 1], strides = [1, 1]} : vector<8x22xf32> to vector<1x1xf32>
    %squeeze3A_194 = vector.extract %slice3A_193[0, 0] : f32 from vector<1x1xf32>
    %mul3A_195 = vector.broadcast %squeeze3A_194 : f32 to vector<512x64xf32>
    %mul3A_196 = arith.mulf %squeeze3A_192, %mul3A_195 : vector<512x64xf32>
    %add3A_197 = arith.addf %add3A_190, %mul3A_196 : vector<512x64xf32>
    %slice3A_198 = vector.extract_strided_slice %get3A_2 {offsets = [5, 0, 0], sizes = [1, 512, 64], strides = [1, 1, 1]} : vector<7x512x64xf32> to vector<1x512x64xf32>
    %squeeze3A_199 = vector.shape_cast %slice3A_198 : vector<1x512x64xf32> to vector<512x64xf32>
    %slice3A_200 = vector.extract_strided_slice %get3A_5 {offsets = [3, 20], sizes = [1, 1], strides = [1, 1]} : vector<8x22xf32> to vector<1x1xf32>
    %squeeze3A_201 = vector.extract %slice3A_200[0, 0] : f32 from vector<1x1xf32>
    %mul3A_202 = vector.broadcast %squeeze3A_201 : f32 to vector<512x64xf32>
    %mul3A_203 = arith.mulf %squeeze3A_199, %mul3A_202 : vector<512x64xf32>
    %add3A_204 = arith.addf %add3A_197, %mul3A_203 : vector<512x64xf32>
    %slice3A_205 = vector.extract_strided_slice %get3A_2 {offsets = [6, 0, 0], sizes = [1, 512, 64], strides = [1, 1, 1]} : vector<7x512x64xf32> to vector<1x512x64xf32>
    %squeeze3A_206 = vector.shape_cast %slice3A_205 : vector<1x512x64xf32> to vector<512x64xf32>
    %slice3A_207 = vector.extract_strided_slice %get3A_5 {offsets = [3, 21], sizes = [1, 1], strides = [1, 1]} : vector<8x22xf32> to vector<1x1xf32>
    %squeeze3A_208 = vector.extract %slice3A_207[0, 0] : f32 from vector<1x1xf32>
    %mul3A_209 = vector.broadcast %squeeze3A_208 : f32 to vector<512x64xf32>
    %mul3A_210 = arith.mulf %squeeze3A_206, %mul3A_209 : vector<512x64xf32>
    %add3A_211 = arith.addf %add3A_204, %mul3A_210 : vector<512x64xf32>
    %max3A_212 = arith.constant 0.000000e+00 : f32
    %max3A_213 = vector.broadcast %max3A_212 : f32 to vector<512x64xf32>
    %max3A_214 = arith.maximumf %add3A_211, %max3A_213 : vector<512x64xf32>
    %slice3A_215 = vector.extract_strided_slice %dot_general3A_21 {offsets = [0, 4], sizes = [512, 1], strides = [1, 1]} : vector<512x8xf32> to vector<512x1xf32>
    %squeeze3A_216 = vector.shape_cast %slice3A_215 : vector<512x1xf32> to vector<512xf32>
    %broadcast_in_dim3A_217 = vector.shape_cast %squeeze3A_216 : vector<512xf32> to vector<512x1xf32>
    %slice3A_218 = vector.extract_strided_slice %get3A_2 {offsets = [1, 0, 0], sizes = [1, 512, 64], strides = [1, 1, 1]} : vector<7x512x64xf32> to vector<1x512x64xf32>
    %squeeze3A_219 = vector.shape_cast %slice3A_218 : vector<1x512x64xf32> to vector<512x64xf32>
    %slice3A_220 = vector.extract_strided_slice %get3A_5 {offsets = [4, 16], sizes = [1, 1], strides = [1, 1]} : vector<8x22xf32> to vector<1x1xf32>
    %squeeze3A_221 = vector.extract %slice3A_220[0, 0] : f32 from vector<1x1xf32>
    %mul3A_222 = vector.broadcast %squeeze3A_221 : f32 to vector<512x64xf32>
    %mul3A_223 = arith.mulf %squeeze3A_219, %mul3A_222 : vector<512x64xf32>
    %add3A_224 = vector.broadcast %broadcast_in_dim3A_217 : vector<512x1xf32> to vector<512x64xf32>
    %add3A_225 = arith.addf %add3A_224, %mul3A_223 : vector<512x64xf32>
    %slice3A_226 = vector.extract_strided_slice %get3A_2 {offsets = [2, 0, 0], sizes = [1, 512, 64], strides = [1, 1, 1]} : vector<7x512x64xf32> to vector<1x512x64xf32>
    %squeeze3A_227 = vector.shape_cast %slice3A_226 : vector<1x512x64xf32> to vector<512x64xf32>
    %slice3A_228 = vector.extract_strided_slice %get3A_5 {offsets = [4, 17], sizes = [1, 1], strides = [1, 1]} : vector<8x22xf32> to vector<1x1xf32>
    %squeeze3A_229 = vector.extract %slice3A_228[0, 0] : f32 from vector<1x1xf32>
    %mul3A_230 = vector.broadcast %squeeze3A_229 : f32 to vector<512x64xf32>
    %mul3A_231 = arith.mulf %squeeze3A_227, %mul3A_230 : vector<512x64xf32>
    %add3A_232 = arith.addf %add3A_225, %mul3A_231 : vector<512x64xf32>
    %slice3A_233 = vector.extract_strided_slice %get3A_2 {offsets = [3, 0, 0], sizes = [1, 512, 64], strides = [1, 1, 1]} : vector<7x512x64xf32> to vector<1x512x64xf32>
    %squeeze3A_234 = vector.shape_cast %slice3A_233 : vector<1x512x64xf32> to vector<512x64xf32>
    %slice3A_235 = vector.extract_strided_slice %get3A_5 {offsets = [4, 18], sizes = [1, 1], strides = [1, 1]} : vector<8x22xf32> to vector<1x1xf32>
    %squeeze3A_236 = vector.extract %slice3A_235[0, 0] : f32 from vector<1x1xf32>
    %mul3A_237 = vector.broadcast %squeeze3A_236 : f32 to vector<512x64xf32>
    %mul3A_238 = arith.mulf %squeeze3A_234, %mul3A_237 : vector<512x64xf32>
    %add3A_239 = arith.addf %add3A_232, %mul3A_238 : vector<512x64xf32>
    %slice3A_240 = vector.extract_strided_slice %get3A_2 {offsets = [4, 0, 0], sizes = [1, 512, 64], strides = [1, 1, 1]} : vector<7x512x64xf32> to vector<1x512x64xf32>
    %squeeze3A_241 = vector.shape_cast %slice3A_240 : vector<1x512x64xf32> to vector<512x64xf32>
    %slice3A_242 = vector.extract_strided_slice %get3A_5 {offsets = [4, 19], sizes = [1, 1], strides = [1, 1]} : vector<8x22xf32> to vector<1x1xf32>
    %squeeze3A_243 = vector.extract %slice3A_242[0, 0] : f32 from vector<1x1xf32>
    %mul3A_244 = vector.broadcast %squeeze3A_243 : f32 to vector<512x64xf32>
    %mul3A_245 = arith.mulf %squeeze3A_241, %mul3A_244 : vector<512x64xf32>
    %add3A_246 = arith.addf %add3A_239, %mul3A_245 : vector<512x64xf32>
    %slice3A_247 = vector.extract_strided_slice %get3A_2 {offsets = [5, 0, 0], sizes = [1, 512, 64], strides = [1, 1, 1]} : vector<7x512x64xf32> to vector<1x512x64xf32>
    %squeeze3A_248 = vector.shape_cast %slice3A_247 : vector<1x512x64xf32> to vector<512x64xf32>
    %slice3A_249 = vector.extract_strided_slice %get3A_5 {offsets = [4, 20], sizes = [1, 1], strides = [1, 1]} : vector<8x22xf32> to vector<1x1xf32>
    %squeeze3A_250 = vector.extract %slice3A_249[0, 0] : f32 from vector<1x1xf32>
    %mul3A_251 = vector.broadcast %squeeze3A_250 : f32 to vector<512x64xf32>
    %mul3A_252 = arith.mulf %squeeze3A_248, %mul3A_251 : vector<512x64xf32>
    %add3A_253 = arith.addf %add3A_246, %mul3A_252 : vector<512x64xf32>
    %slice3A_254 = vector.extract_strided_slice %get3A_2 {offsets = [6, 0, 0], sizes = [1, 512, 64], strides = [1, 1, 1]} : vector<7x512x64xf32> to vector<1x512x64xf32>
    %squeeze3A_255 = vector.shape_cast %slice3A_254 : vector<1x512x64xf32> to vector<512x64xf32>
    %slice3A_256 = vector.extract_strided_slice %get3A_5 {offsets = [4, 21], sizes = [1, 1], strides = [1, 1]} : vector<8x22xf32> to vector<1x1xf32>
    %squeeze3A_257 = vector.extract %slice3A_256[0, 0] : f32 from vector<1x1xf32>
    %mul3A_258 = vector.broadcast %squeeze3A_257 : f32 to vector<512x64xf32>
    %mul3A_259 = arith.mulf %squeeze3A_255, %mul3A_258 : vector<512x64xf32>
    %add3A_260 = arith.addf %add3A_253, %mul3A_259 : vector<512x64xf32>
    %max3A_261 = arith.constant 0.000000e+00 : f32
    %max3A_262 = vector.broadcast %max3A_261 : f32 to vector<512x64xf32>
    %max3A_263 = arith.maximumf %add3A_260, %max3A_262 : vector<512x64xf32>
    %slice3A_264 = vector.extract_strided_slice %dot_general3A_21 {offsets = [0, 5], sizes = [512, 1], strides = [1, 1]} : vector<512x8xf32> to vector<512x1xf32>
    %squeeze3A_265 = vector.shape_cast %slice3A_264 : vector<512x1xf32> to vector<512xf32>
    %broadcast_in_dim3A_266 = vector.shape_cast %squeeze3A_265 : vector<512xf32> to vector<512x1xf32>
    %slice3A_267 = vector.extract_strided_slice %get3A_2 {offsets = [1, 0, 0], sizes = [1, 512, 64], strides = [1, 1, 1]} : vector<7x512x64xf32> to vector<1x512x64xf32>
    %squeeze3A_268 = vector.shape_cast %slice3A_267 : vector<1x512x64xf32> to vector<512x64xf32>
    %slice3A_269 = vector.extract_strided_slice %get3A_5 {offsets = [5, 16], sizes = [1, 1], strides = [1, 1]} : vector<8x22xf32> to vector<1x1xf32>
    %squeeze3A_270 = vector.extract %slice3A_269[0, 0] : f32 from vector<1x1xf32>
    %mul3A_271 = vector.broadcast %squeeze3A_270 : f32 to vector<512x64xf32>
    %mul3A_272 = arith.mulf %squeeze3A_268, %mul3A_271 : vector<512x64xf32>
    %add3A_273 = vector.broadcast %broadcast_in_dim3A_266 : vector<512x1xf32> to vector<512x64xf32>
    %add3A_274 = arith.addf %add3A_273, %mul3A_272 : vector<512x64xf32>
    %slice3A_275 = vector.extract_strided_slice %get3A_2 {offsets = [2, 0, 0], sizes = [1, 512, 64], strides = [1, 1, 1]} : vector<7x512x64xf32> to vector<1x512x64xf32>
    %squeeze3A_276 = vector.shape_cast %slice3A_275 : vector<1x512x64xf32> to vector<512x64xf32>
    %slice3A_277 = vector.extract_strided_slice %get3A_5 {offsets = [5, 17], sizes = [1, 1], strides = [1, 1]} : vector<8x22xf32> to vector<1x1xf32>
    %squeeze3A_278 = vector.extract %slice3A_277[0, 0] : f32 from vector<1x1xf32>
    %mul3A_279 = vector.broadcast %squeeze3A_278 : f32 to vector<512x64xf32>
    %mul3A_280 = arith.mulf %squeeze3A_276, %mul3A_279 : vector<512x64xf32>
    %add3A_281 = arith.addf %add3A_274, %mul3A_280 : vector<512x64xf32>
    %slice3A_282 = vector.extract_strided_slice %get3A_2 {offsets = [3, 0, 0], sizes = [1, 512, 64], strides = [1, 1, 1]} : vector<7x512x64xf32> to vector<1x512x64xf32>
    %squeeze3A_283 = vector.shape_cast %slice3A_282 : vector<1x512x64xf32> to vector<512x64xf32>
    %slice3A_284 = vector.extract_strided_slice %get3A_5 {offsets = [5, 18], sizes = [1, 1], strides = [1, 1]} : vector<8x22xf32> to vector<1x1xf32>
    %squeeze3A_285 = vector.extract %slice3A_284[0, 0] : f32 from vector<1x1xf32>
    %mul3A_286 = vector.broadcast %squeeze3A_285 : f32 to vector<512x64xf32>
    %mul3A_287 = arith.mulf %squeeze3A_283, %mul3A_286 : vector<512x64xf32>
    %add3A_288 = arith.addf %add3A_281, %mul3A_287 : vector<512x64xf32>
    %slice3A_289 = vector.extract_strided_slice %get3A_2 {offsets = [4, 0, 0], sizes = [1, 512, 64], strides = [1, 1, 1]} : vector<7x512x64xf32> to vector<1x512x64xf32>
    %squeeze3A_290 = vector.shape_cast %slice3A_289 : vector<1x512x64xf32> to vector<512x64xf32>
    %slice3A_291 = vector.extract_strided_slice %get3A_5 {offsets = [5, 19], sizes = [1, 1], strides = [1, 1]} : vector<8x22xf32> to vector<1x1xf32>
    %squeeze3A_292 = vector.extract %slice3A_291[0, 0] : f32 from vector<1x1xf32>
    %mul3A_293 = vector.broadcast %squeeze3A_292 : f32 to vector<512x64xf32>
    %mul3A_294 = arith.mulf %squeeze3A_290, %mul3A_293 : vector<512x64xf32>
    %add3A_295 = arith.addf %add3A_288, %mul3A_294 : vector<512x64xf32>
    %slice3A_296 = vector.extract_strided_slice %get3A_2 {offsets = [5, 0, 0], sizes = [1, 512, 64], strides = [1, 1, 1]} : vector<7x512x64xf32> to vector<1x512x64xf32>
    %squeeze3A_297 = vector.shape_cast %slice3A_296 : vector<1x512x64xf32> to vector<512x64xf32>
    %slice3A_298 = vector.extract_strided_slice %get3A_5 {offsets = [5, 20], sizes = [1, 1], strides = [1, 1]} : vector<8x22xf32> to vector<1x1xf32>
    %squeeze3A_299 = vector.extract %slice3A_298[0, 0] : f32 from vector<1x1xf32>
    %mul3A_300 = vector.broadcast %squeeze3A_299 : f32 to vector<512x64xf32>
    %mul3A_301 = arith.mulf %squeeze3A_297, %mul3A_300 : vector<512x64xf32>
    %add3A_302 = arith.addf %add3A_295, %mul3A_301 : vector<512x64xf32>
    %slice3A_303 = vector.extract_strided_slice %get3A_2 {offsets = [6, 0, 0], sizes = [1, 512, 64], strides = [1, 1, 1]} : vector<7x512x64xf32> to vector<1x512x64xf32>
    %squeeze3A_304 = vector.shape_cast %slice3A_303 : vector<1x512x64xf32> to vector<512x64xf32>
    %slice3A_305 = vector.extract_strided_slice %get3A_5 {offsets = [5, 21], sizes = [1, 1], strides = [1, 1]} : vector<8x22xf32> to vector<1x1xf32>
    %squeeze3A_306 = vector.extract %slice3A_305[0, 0] : f32 from vector<1x1xf32>
    %mul3A_307 = vector.broadcast %squeeze3A_306 : f32 to vector<512x64xf32>
    %mul3A_308 = arith.mulf %squeeze3A_304, %mul3A_307 : vector<512x64xf32>
    %add3A_309 = arith.addf %add3A_302, %mul3A_308 : vector<512x64xf32>
    %max3A_310 = arith.constant 0.000000e+00 : f32
    %max3A_311 = vector.broadcast %max3A_310 : f32 to vector<512x64xf32>
    %max3A_312 = arith.maximumf %add3A_309, %max3A_311 : vector<512x64xf32>
    %slice3A_313 = vector.extract_strided_slice %dot_general3A_21 {offsets = [0, 6], sizes = [512, 1], strides = [1, 1]} : vector<512x8xf32> to vector<512x1xf32>
    %squeeze3A_314 = vector.shape_cast %slice3A_313 : vector<512x1xf32> to vector<512xf32>
    %broadcast_in_dim3A_315 = vector.shape_cast %squeeze3A_314 : vector<512xf32> to vector<512x1xf32>
    %slice3A_316 = vector.extract_strided_slice %get3A_2 {offsets = [1, 0, 0], sizes = [1, 512, 64], strides = [1, 1, 1]} : vector<7x512x64xf32> to vector<1x512x64xf32>
    %squeeze3A_317 = vector.shape_cast %slice3A_316 : vector<1x512x64xf32> to vector<512x64xf32>
    %slice3A_318 = vector.extract_strided_slice %get3A_5 {offsets = [6, 16], sizes = [1, 1], strides = [1, 1]} : vector<8x22xf32> to vector<1x1xf32>
    %squeeze3A_319 = vector.extract %slice3A_318[0, 0] : f32 from vector<1x1xf32>
    %mul3A_320 = vector.broadcast %squeeze3A_319 : f32 to vector<512x64xf32>
    %mul3A_321 = arith.mulf %squeeze3A_317, %mul3A_320 : vector<512x64xf32>
    %add3A_322 = vector.broadcast %broadcast_in_dim3A_315 : vector<512x1xf32> to vector<512x64xf32>
    %add3A_323 = arith.addf %add3A_322, %mul3A_321 : vector<512x64xf32>
    %slice3A_324 = vector.extract_strided_slice %get3A_2 {offsets = [2, 0, 0], sizes = [1, 512, 64], strides = [1, 1, 1]} : vector<7x512x64xf32> to vector<1x512x64xf32>
    %squeeze3A_325 = vector.shape_cast %slice3A_324 : vector<1x512x64xf32> to vector<512x64xf32>
    %slice3A_326 = vector.extract_strided_slice %get3A_5 {offsets = [6, 17], sizes = [1, 1], strides = [1, 1]} : vector<8x22xf32> to vector<1x1xf32>
    %squeeze3A_327 = vector.extract %slice3A_326[0, 0] : f32 from vector<1x1xf32>
    %mul3A_328 = vector.broadcast %squeeze3A_327 : f32 to vector<512x64xf32>
    %mul3A_329 = arith.mulf %squeeze3A_325, %mul3A_328 : vector<512x64xf32>
    %add3A_330 = arith.addf %add3A_323, %mul3A_329 : vector<512x64xf32>
    %slice3A_331 = vector.extract_strided_slice %get3A_2 {offsets = [3, 0, 0], sizes = [1, 512, 64], strides = [1, 1, 1]} : vector<7x512x64xf32> to vector<1x512x64xf32>
    %squeeze3A_332 = vector.shape_cast %slice3A_331 : vector<1x512x64xf32> to vector<512x64xf32>
    %slice3A_333 = vector.extract_strided_slice %get3A_5 {offsets = [6, 18], sizes = [1, 1], strides = [1, 1]} : vector<8x22xf32> to vector<1x1xf32>
    %squeeze3A_334 = vector.extract %slice3A_333[0, 0] : f32 from vector<1x1xf32>
    %mul3A_335 = vector.broadcast %squeeze3A_334 : f32 to vector<512x64xf32>
    %mul3A_336 = arith.mulf %squeeze3A_332, %mul3A_335 : vector<512x64xf32>
    %add3A_337 = arith.addf %add3A_330, %mul3A_336 : vector<512x64xf32>
    %slice3A_338 = vector.extract_strided_slice %get3A_2 {offsets = [4, 0, 0], sizes = [1, 512, 64], strides = [1, 1, 1]} : vector<7x512x64xf32> to vector<1x512x64xf32>
    %squeeze3A_339 = vector.shape_cast %slice3A_338 : vector<1x512x64xf32> to vector<512x64xf32>
    %slice3A_340 = vector.extract_strided_slice %get3A_5 {offsets = [6, 19], sizes = [1, 1], strides = [1, 1]} : vector<8x22xf32> to vector<1x1xf32>
    %squeeze3A_341 = vector.extract %slice3A_340[0, 0] : f32 from vector<1x1xf32>
    %mul3A_342 = vector.broadcast %squeeze3A_341 : f32 to vector<512x64xf32>
    %mul3A_343 = arith.mulf %squeeze3A_339, %mul3A_342 : vector<512x64xf32>
    %add3A_344 = arith.addf %add3A_337, %mul3A_343 : vector<512x64xf32>
    %slice3A_345 = vector.extract_strided_slice %get3A_2 {offsets = [5, 0, 0], sizes = [1, 512, 64], strides = [1, 1, 1]} : vector<7x512x64xf32> to vector<1x512x64xf32>
    %squeeze3A_346 = vector.shape_cast %slice3A_345 : vector<1x512x64xf32> to vector<512x64xf32>
    %slice3A_347 = vector.extract_strided_slice %get3A_5 {offsets = [6, 20], sizes = [1, 1], strides = [1, 1]} : vector<8x22xf32> to vector<1x1xf32>
    %squeeze3A_348 = vector.extract %slice3A_347[0, 0] : f32 from vector<1x1xf32>
    %mul3A_349 = vector.broadcast %squeeze3A_348 : f32 to vector<512x64xf32>
    %mul3A_350 = arith.mulf %squeeze3A_346, %mul3A_349 : vector<512x64xf32>
    %add3A_351 = arith.addf %add3A_344, %mul3A_350 : vector<512x64xf32>
    %slice3A_352 = vector.extract_strided_slice %get3A_2 {offsets = [6, 0, 0], sizes = [1, 512, 64], strides = [1, 1, 1]} : vector<7x512x64xf32> to vector<1x512x64xf32>
    %squeeze3A_353 = vector.shape_cast %slice3A_352 : vector<1x512x64xf32> to vector<512x64xf32>
    %slice3A_354 = vector.extract_strided_slice %get3A_5 {offsets = [6, 21], sizes = [1, 1], strides = [1, 1]} : vector<8x22xf32> to vector<1x1xf32>
    %squeeze3A_355 = vector.extract %slice3A_354[0, 0] : f32 from vector<1x1xf32>
    %mul3A_356 = vector.broadcast %squeeze3A_355 : f32 to vector<512x64xf32>
    %mul3A_357 = arith.mulf %squeeze3A_353, %mul3A_356 : vector<512x64xf32>
    %add3A_358 = arith.addf %add3A_351, %mul3A_357 : vector<512x64xf32>
    %max3A_359 = arith.constant 0.000000e+00 : f32
    %max3A_360 = vector.broadcast %max3A_359 : f32 to vector<512x64xf32>
    %max3A_361 = arith.maximumf %add3A_358, %max3A_360 : vector<512x64xf32>
    %slice3A_362 = vector.extract_strided_slice %dot_general3A_21 {offsets = [0, 7], sizes = [512, 1], strides = [1, 1]} : vector<512x8xf32> to vector<512x1xf32>
    %squeeze3A_363 = vector.shape_cast %slice3A_362 : vector<512x1xf32> to vector<512xf32>
    %broadcast_in_dim3A_364 = vector.shape_cast %squeeze3A_363 : vector<512xf32> to vector<512x1xf32>
    %slice3A_365 = vector.extract_strided_slice %get3A_2 {offsets = [1, 0, 0], sizes = [1, 512, 64], strides = [1, 1, 1]} : vector<7x512x64xf32> to vector<1x512x64xf32>
    %squeeze3A_366 = vector.shape_cast %slice3A_365 : vector<1x512x64xf32> to vector<512x64xf32>
    %slice3A_367 = vector.extract_strided_slice %get3A_5 {offsets = [7, 16], sizes = [1, 1], strides = [1, 1]} : vector<8x22xf32> to vector<1x1xf32>
    %squeeze3A_368 = vector.extract %slice3A_367[0, 0] : f32 from vector<1x1xf32>
    %mul3A_369 = vector.broadcast %squeeze3A_368 : f32 to vector<512x64xf32>
    %mul3A_370 = arith.mulf %squeeze3A_366, %mul3A_369 : vector<512x64xf32>
    %add3A_371 = vector.broadcast %broadcast_in_dim3A_364 : vector<512x1xf32> to vector<512x64xf32>
    %add3A_372 = arith.addf %add3A_371, %mul3A_370 : vector<512x64xf32>
    %slice3A_373 = vector.extract_strided_slice %get3A_2 {offsets = [2, 0, 0], sizes = [1, 512, 64], strides = [1, 1, 1]} : vector<7x512x64xf32> to vector<1x512x64xf32>
    %squeeze3A_374 = vector.shape_cast %slice3A_373 : vector<1x512x64xf32> to vector<512x64xf32>
    %slice3A_375 = vector.extract_strided_slice %get3A_5 {offsets = [7, 17], sizes = [1, 1], strides = [1, 1]} : vector<8x22xf32> to vector<1x1xf32>
    %squeeze3A_376 = vector.extract %slice3A_375[0, 0] : f32 from vector<1x1xf32>
    %mul3A_377 = vector.broadcast %squeeze3A_376 : f32 to vector<512x64xf32>
    %mul3A_378 = arith.mulf %squeeze3A_374, %mul3A_377 : vector<512x64xf32>
    %add3A_379 = arith.addf %add3A_372, %mul3A_378 : vector<512x64xf32>
    %slice3A_380 = vector.extract_strided_slice %get3A_2 {offsets = [3, 0, 0], sizes = [1, 512, 64], strides = [1, 1, 1]} : vector<7x512x64xf32> to vector<1x512x64xf32>
    %squeeze3A_381 = vector.shape_cast %slice3A_380 : vector<1x512x64xf32> to vector<512x64xf32>
    %slice3A_382 = vector.extract_strided_slice %get3A_5 {offsets = [7, 18], sizes = [1, 1], strides = [1, 1]} : vector<8x22xf32> to vector<1x1xf32>
    %squeeze3A_383 = vector.extract %slice3A_382[0, 0] : f32 from vector<1x1xf32>
    %mul3A_384 = vector.broadcast %squeeze3A_383 : f32 to vector<512x64xf32>
    %mul3A_385 = arith.mulf %squeeze3A_381, %mul3A_384 : vector<512x64xf32>
    %add3A_386 = arith.addf %add3A_379, %mul3A_385 : vector<512x64xf32>
    %slice3A_387 = vector.extract_strided_slice %get3A_2 {offsets = [4, 0, 0], sizes = [1, 512, 64], strides = [1, 1, 1]} : vector<7x512x64xf32> to vector<1x512x64xf32>
    %squeeze3A_388 = vector.shape_cast %slice3A_387 : vector<1x512x64xf32> to vector<512x64xf32>
    %slice3A_389 = vector.extract_strided_slice %get3A_5 {offsets = [7, 19], sizes = [1, 1], strides = [1, 1]} : vector<8x22xf32> to vector<1x1xf32>
    %squeeze3A_390 = vector.extract %slice3A_389[0, 0] : f32 from vector<1x1xf32>
    %mul3A_391 = vector.broadcast %squeeze3A_390 : f32 to vector<512x64xf32>
    %mul3A_392 = arith.mulf %squeeze3A_388, %mul3A_391 : vector<512x64xf32>
    %add3A_393 = arith.addf %add3A_386, %mul3A_392 : vector<512x64xf32>
    %slice3A_394 = vector.extract_strided_slice %get3A_2 {offsets = [5, 0, 0], sizes = [1, 512, 64], strides = [1, 1, 1]} : vector<7x512x64xf32> to vector<1x512x64xf32>
    %squeeze3A_395 = vector.shape_cast %slice3A_394 : vector<1x512x64xf32> to vector<512x64xf32>
    %slice3A_396 = vector.extract_strided_slice %get3A_5 {offsets = [7, 20], sizes = [1, 1], strides = [1, 1]} : vector<8x22xf32> to vector<1x1xf32>
    %squeeze3A_397 = vector.extract %slice3A_396[0, 0] : f32 from vector<1x1xf32>
    %mul3A_398 = vector.broadcast %squeeze3A_397 : f32 to vector<512x64xf32>
    %mul3A_399 = arith.mulf %squeeze3A_395, %mul3A_398 : vector<512x64xf32>
    %add3A_400 = arith.addf %add3A_393, %mul3A_399 : vector<512x64xf32>
    %slice3A_401 = vector.extract_strided_slice %get3A_2 {offsets = [6, 0, 0], sizes = [1, 512, 64], strides = [1, 1, 1]} : vector<7x512x64xf32> to vector<1x512x64xf32>
    %squeeze3A_402 = vector.shape_cast %slice3A_401 : vector<1x512x64xf32> to vector<512x64xf32>
    %slice3A_403 = vector.extract_strided_slice %get3A_5 {offsets = [7, 21], sizes = [1, 1], strides = [1, 1]} : vector<8x22xf32> to vector<1x1xf32>
    %squeeze3A_404 = vector.extract %slice3A_403[0, 0] : f32 from vector<1x1xf32>
    %mul3A_405 = vector.broadcast %squeeze3A_404 : f32 to vector<512x64xf32>
    %mul3A_406 = arith.mulf %squeeze3A_402, %mul3A_405 : vector<512x64xf32>
    %add3A_407 = arith.addf %add3A_400, %mul3A_406 : vector<512x64xf32>
    %max3A_408 = arith.constant 0.000000e+00 : f32
    %max3A_409 = vector.broadcast %max3A_408 : f32 to vector<512x64xf32>
    %max3A_410 = arith.maximumf %add3A_407, %max3A_409 : vector<512x64xf32>
    %slice3A_411 = vector.extract_strided_slice %get3A_8 {offsets = [0, 0], sizes = [1, 1], strides = [1, 1]} : vector<3x8xf32> to vector<1x1xf32>
    %squeeze3A_412 = vector.extract %slice3A_411[0, 0] : f32 from vector<1x1xf32>
    %mul3A_413 = vector.broadcast %squeeze3A_412 : f32 to vector<512x64xf32>
    %mul3A_414 = arith.mulf %max3A_67, %mul3A_413 : vector<512x64xf32>
    %slice3A_415 = vector.extract_strided_slice %get3A_8 {offsets = [0, 1], sizes = [1, 1], strides = [1, 1]} : vector<3x8xf32> to vector<1x1xf32>
    %squeeze3A_416 = vector.extract %slice3A_415[0, 0] : f32 from vector<1x1xf32>
    %mul3A_417 = vector.broadcast %squeeze3A_416 : f32 to vector<512x64xf32>
    %mul3A_418 = arith.mulf %max3A_116, %mul3A_417 : vector<512x64xf32>
    %add3A_419 = arith.addf %mul3A_414, %mul3A_418 : vector<512x64xf32>
    %slice3A_420 = vector.extract_strided_slice %get3A_8 {offsets = [0, 2], sizes = [1, 1], strides = [1, 1]} : vector<3x8xf32> to vector<1x1xf32>
    %squeeze3A_421 = vector.extract %slice3A_420[0, 0] : f32 from vector<1x1xf32>
    %mul3A_422 = vector.broadcast %squeeze3A_421 : f32 to vector<512x64xf32>
    %mul3A_423 = arith.mulf %max3A_165, %mul3A_422 : vector<512x64xf32>
    %add3A_424 = arith.addf %add3A_419, %mul3A_423 : vector<512x64xf32>
    %slice3A_425 = vector.extract_strided_slice %get3A_8 {offsets = [0, 3], sizes = [1, 1], strides = [1, 1]} : vector<3x8xf32> to vector<1x1xf32>
    %squeeze3A_426 = vector.extract %slice3A_425[0, 0] : f32 from vector<1x1xf32>
    %mul3A_427 = vector.broadcast %squeeze3A_426 : f32 to vector<512x64xf32>
    %mul3A_428 = arith.mulf %max3A_214, %mul3A_427 : vector<512x64xf32>
    %add3A_429 = arith.addf %add3A_424, %mul3A_428 : vector<512x64xf32>
    %slice3A_430 = vector.extract_strided_slice %get3A_8 {offsets = [0, 4], sizes = [1, 1], strides = [1, 1]} : vector<3x8xf32> to vector<1x1xf32>
    %squeeze3A_431 = vector.extract %slice3A_430[0, 0] : f32 from vector<1x1xf32>
    %mul3A_432 = vector.broadcast %squeeze3A_431 : f32 to vector<512x64xf32>
    %mul3A_433 = arith.mulf %max3A_263, %mul3A_432 : vector<512x64xf32>
    %add3A_434 = arith.addf %add3A_429, %mul3A_433 : vector<512x64xf32>
    %slice3A_435 = vector.extract_strided_slice %get3A_8 {offsets = [0, 5], sizes = [1, 1], strides = [1, 1]} : vector<3x8xf32> to vector<1x1xf32>
    %squeeze3A_436 = vector.extract %slice3A_435[0, 0] : f32 from vector<1x1xf32>
    %mul3A_437 = vector.broadcast %squeeze3A_436 : f32 to vector<512x64xf32>
    %mul3A_438 = arith.mulf %max3A_312, %mul3A_437 : vector<512x64xf32>
    %add3A_439 = arith.addf %add3A_434, %mul3A_438 : vector<512x64xf32>
    %slice3A_440 = vector.extract_strided_slice %get3A_8 {offsets = [0, 6], sizes = [1, 1], strides = [1, 1]} : vector<3x8xf32> to vector<1x1xf32>
    %squeeze3A_441 = vector.extract %slice3A_440[0, 0] : f32 from vector<1x1xf32>
    %mul3A_442 = vector.broadcast %squeeze3A_441 : f32 to vector<512x64xf32>
    %mul3A_443 = arith.mulf %max3A_361, %mul3A_442 : vector<512x64xf32>
    %add3A_444 = arith.addf %add3A_439, %mul3A_443 : vector<512x64xf32>
    %slice3A_445 = vector.extract_strided_slice %get3A_8 {offsets = [0, 7], sizes = [1, 1], strides = [1, 1]} : vector<3x8xf32> to vector<1x1xf32>
    %squeeze3A_446 = vector.extract %slice3A_445[0, 0] : f32 from vector<1x1xf32>
    %mul3A_447 = vector.broadcast %squeeze3A_446 : f32 to vector<512x64xf32>
    %mul3A_448 = arith.mulf %max3A_410, %mul3A_447 : vector<512x64xf32>
    %add3A_449 = arith.addf %add3A_444, %mul3A_448 : vector<512x64xf32>
    %neg3A_450 = arith.constant 0.000000e+00 : f32
    %neg3A_451 = vector.broadcast %neg3A_450 : f32 to vector<512x64xf32>
    %neg3A_452 = arith.subf %neg3A_451, %add3A_449 : vector<512x64xf32>
    %exp3A_453 = math.exp %neg3A_452 : vector<512x64xf32>
    %add3A_454 = arith.constant 1.000000e+00 : f32
    %add3A_455 = vector.broadcast %add3A_454 : f32 to vector<512x64xf32>
    %add3A_456 = arith.addf %add3A_455, %exp3A_453 : vector<512x64xf32>
    %div3A_457 = arith.constant 1.000000e+00 : f32
    %div3A_458 = vector.broadcast %div3A_457 : f32 to vector<512x64xf32>
    %div3A_459 = arith.divf %div3A_458, %add3A_456 : vector<512x64xf32>
    %slice3A_460 = vector.extract_strided_slice %get3A_8 {offsets = [1, 0], sizes = [1, 1], strides = [1, 1]} : vector<3x8xf32> to vector<1x1xf32>
    %squeeze3A_461 = vector.extract %slice3A_460[0, 0] : f32 from vector<1x1xf32>
    %mul3A_462 = vector.broadcast %squeeze3A_461 : f32 to vector<512x64xf32>
    %mul3A_463 = arith.mulf %max3A_67, %mul3A_462 : vector<512x64xf32>
    %slice3A_464 = vector.extract_strided_slice %get3A_8 {offsets = [1, 1], sizes = [1, 1], strides = [1, 1]} : vector<3x8xf32> to vector<1x1xf32>
    %squeeze3A_465 = vector.extract %slice3A_464[0, 0] : f32 from vector<1x1xf32>
    %mul3A_466 = vector.broadcast %squeeze3A_465 : f32 to vector<512x64xf32>
    %mul3A_467 = arith.mulf %max3A_116, %mul3A_466 : vector<512x64xf32>
    %add3A_468 = arith.addf %mul3A_463, %mul3A_467 : vector<512x64xf32>
    %slice3A_469 = vector.extract_strided_slice %get3A_8 {offsets = [1, 2], sizes = [1, 1], strides = [1, 1]} : vector<3x8xf32> to vector<1x1xf32>
    %squeeze3A_470 = vector.extract %slice3A_469[0, 0] : f32 from vector<1x1xf32>
    %mul3A_471 = vector.broadcast %squeeze3A_470 : f32 to vector<512x64xf32>
    %mul3A_472 = arith.mulf %max3A_165, %mul3A_471 : vector<512x64xf32>
    %add3A_473 = arith.addf %add3A_468, %mul3A_472 : vector<512x64xf32>
    %slice3A_474 = vector.extract_strided_slice %get3A_8 {offsets = [1, 3], sizes = [1, 1], strides = [1, 1]} : vector<3x8xf32> to vector<1x1xf32>
    %squeeze3A_475 = vector.extract %slice3A_474[0, 0] : f32 from vector<1x1xf32>
    %mul3A_476 = vector.broadcast %squeeze3A_475 : f32 to vector<512x64xf32>
    %mul3A_477 = arith.mulf %max3A_214, %mul3A_476 : vector<512x64xf32>
    %add3A_478 = arith.addf %add3A_473, %mul3A_477 : vector<512x64xf32>
    %slice3A_479 = vector.extract_strided_slice %get3A_8 {offsets = [1, 4], sizes = [1, 1], strides = [1, 1]} : vector<3x8xf32> to vector<1x1xf32>
    %squeeze3A_480 = vector.extract %slice3A_479[0, 0] : f32 from vector<1x1xf32>
    %mul3A_481 = vector.broadcast %squeeze3A_480 : f32 to vector<512x64xf32>
    %mul3A_482 = arith.mulf %max3A_263, %mul3A_481 : vector<512x64xf32>
    %add3A_483 = arith.addf %add3A_478, %mul3A_482 : vector<512x64xf32>
    %slice3A_484 = vector.extract_strided_slice %get3A_8 {offsets = [1, 5], sizes = [1, 1], strides = [1, 1]} : vector<3x8xf32> to vector<1x1xf32>
    %squeeze3A_485 = vector.extract %slice3A_484[0, 0] : f32 from vector<1x1xf32>
    %mul3A_486 = vector.broadcast %squeeze3A_485 : f32 to vector<512x64xf32>
    %mul3A_487 = arith.mulf %max3A_312, %mul3A_486 : vector<512x64xf32>
    %add3A_488 = arith.addf %add3A_483, %mul3A_487 : vector<512x64xf32>
    %slice3A_489 = vector.extract_strided_slice %get3A_8 {offsets = [1, 6], sizes = [1, 1], strides = [1, 1]} : vector<3x8xf32> to vector<1x1xf32>
    %squeeze3A_490 = vector.extract %slice3A_489[0, 0] : f32 from vector<1x1xf32>
    %mul3A_491 = vector.broadcast %squeeze3A_490 : f32 to vector<512x64xf32>
    %mul3A_492 = arith.mulf %max3A_361, %mul3A_491 : vector<512x64xf32>
    %add3A_493 = arith.addf %add3A_488, %mul3A_492 : vector<512x64xf32>
    %slice3A_494 = vector.extract_strided_slice %get3A_8 {offsets = [1, 7], sizes = [1, 1], strides = [1, 1]} : vector<3x8xf32> to vector<1x1xf32>
    %squeeze3A_495 = vector.extract %slice3A_494[0, 0] : f32 from vector<1x1xf32>
    %mul3A_496 = vector.broadcast %squeeze3A_495 : f32 to vector<512x64xf32>
    %mul3A_497 = arith.mulf %max3A_410, %mul3A_496 : vector<512x64xf32>
    %add3A_498 = arith.addf %add3A_493, %mul3A_497 : vector<512x64xf32>
    %neg3A_499 = arith.constant 0.000000e+00 : f32
    %neg3A_500 = vector.broadcast %neg3A_499 : f32 to vector<512x64xf32>
    %neg3A_501 = arith.subf %neg3A_500, %add3A_498 : vector<512x64xf32>
    %exp3A_502 = math.exp %neg3A_501 : vector<512x64xf32>
    %add3A_503 = arith.constant 1.000000e+00 : f32
    %add3A_504 = vector.broadcast %add3A_503 : f32 to vector<512x64xf32>
    %add3A_505 = arith.addf %add3A_504, %exp3A_502 : vector<512x64xf32>
    %div3A_506 = arith.constant 1.000000e+00 : f32
    %div3A_507 = vector.broadcast %div3A_506 : f32 to vector<512x64xf32>
    %div3A_508 = arith.divf %div3A_507, %add3A_505 : vector<512x64xf32>
    %slice3A_509 = vector.extract_strided_slice %get3A_8 {offsets = [2, 0], sizes = [1, 1], strides = [1, 1]} : vector<3x8xf32> to vector<1x1xf32>
    %squeeze3A_510 = vector.extract %slice3A_509[0, 0] : f32 from vector<1x1xf32>
    %mul3A_511 = vector.broadcast %squeeze3A_510 : f32 to vector<512x64xf32>
    %mul3A_512 = arith.mulf %max3A_67, %mul3A_511 : vector<512x64xf32>
    %slice3A_513 = vector.extract_strided_slice %get3A_8 {offsets = [2, 1], sizes = [1, 1], strides = [1, 1]} : vector<3x8xf32> to vector<1x1xf32>
    %squeeze3A_514 = vector.extract %slice3A_513[0, 0] : f32 from vector<1x1xf32>
    %mul3A_515 = vector.broadcast %squeeze3A_514 : f32 to vector<512x64xf32>
    %mul3A_516 = arith.mulf %max3A_116, %mul3A_515 : vector<512x64xf32>
    %add3A_517 = arith.addf %mul3A_512, %mul3A_516 : vector<512x64xf32>
    %slice3A_518 = vector.extract_strided_slice %get3A_8 {offsets = [2, 2], sizes = [1, 1], strides = [1, 1]} : vector<3x8xf32> to vector<1x1xf32>
    %squeeze3A_519 = vector.extract %slice3A_518[0, 0] : f32 from vector<1x1xf32>
    %mul3A_520 = vector.broadcast %squeeze3A_519 : f32 to vector<512x64xf32>
    %mul3A_521 = arith.mulf %max3A_165, %mul3A_520 : vector<512x64xf32>
    %add3A_522 = arith.addf %add3A_517, %mul3A_521 : vector<512x64xf32>
    %slice3A_523 = vector.extract_strided_slice %get3A_8 {offsets = [2, 3], sizes = [1, 1], strides = [1, 1]} : vector<3x8xf32> to vector<1x1xf32>
    %squeeze3A_524 = vector.extract %slice3A_523[0, 0] : f32 from vector<1x1xf32>
    %mul3A_525 = vector.broadcast %squeeze3A_524 : f32 to vector<512x64xf32>
    %mul3A_526 = arith.mulf %max3A_214, %mul3A_525 : vector<512x64xf32>
    %add3A_527 = arith.addf %add3A_522, %mul3A_526 : vector<512x64xf32>
    %slice3A_528 = vector.extract_strided_slice %get3A_8 {offsets = [2, 4], sizes = [1, 1], strides = [1, 1]} : vector<3x8xf32> to vector<1x1xf32>
    %squeeze3A_529 = vector.extract %slice3A_528[0, 0] : f32 from vector<1x1xf32>
    %mul3A_530 = vector.broadcast %squeeze3A_529 : f32 to vector<512x64xf32>
    %mul3A_531 = arith.mulf %max3A_263, %mul3A_530 : vector<512x64xf32>
    %add3A_532 = arith.addf %add3A_527, %mul3A_531 : vector<512x64xf32>
    %slice3A_533 = vector.extract_strided_slice %get3A_8 {offsets = [2, 5], sizes = [1, 1], strides = [1, 1]} : vector<3x8xf32> to vector<1x1xf32>
    %squeeze3A_534 = vector.extract %slice3A_533[0, 0] : f32 from vector<1x1xf32>
    %mul3A_535 = vector.broadcast %squeeze3A_534 : f32 to vector<512x64xf32>
    %mul3A_536 = arith.mulf %max3A_312, %mul3A_535 : vector<512x64xf32>
    %add3A_537 = arith.addf %add3A_532, %mul3A_536 : vector<512x64xf32>
    %slice3A_538 = vector.extract_strided_slice %get3A_8 {offsets = [2, 6], sizes = [1, 1], strides = [1, 1]} : vector<3x8xf32> to vector<1x1xf32>
    %squeeze3A_539 = vector.extract %slice3A_538[0, 0] : f32 from vector<1x1xf32>
    %mul3A_540 = vector.broadcast %squeeze3A_539 : f32 to vector<512x64xf32>
    %mul3A_541 = arith.mulf %max3A_361, %mul3A_540 : vector<512x64xf32>
    %add3A_542 = arith.addf %add3A_537, %mul3A_541 : vector<512x64xf32>
    %slice3A_543 = vector.extract_strided_slice %get3A_8 {offsets = [2, 7], sizes = [1, 1], strides = [1, 1]} : vector<3x8xf32> to vector<1x1xf32>
    %squeeze3A_544 = vector.extract %slice3A_543[0, 0] : f32 from vector<1x1xf32>
    %mul3A_545 = vector.broadcast %squeeze3A_544 : f32 to vector<512x64xf32>
    %mul3A_546 = arith.mulf %max3A_410, %mul3A_545 : vector<512x64xf32>
    %add3A_547 = arith.addf %add3A_542, %mul3A_546 : vector<512x64xf32>
    %neg3A_548 = arith.constant 0.000000e+00 : f32
    %neg3A_549 = vector.broadcast %neg3A_548 : f32 to vector<512x64xf32>
    %neg3A_550 = arith.subf %neg3A_549, %add3A_547 : vector<512x64xf32>
    %exp3A_551 = math.exp %neg3A_550 : vector<512x64xf32>
    %add3A_552 = arith.constant 1.000000e+00 : f32
    %add3A_553 = vector.broadcast %add3A_552 : f32 to vector<512x64xf32>
    %add3A_554 = arith.addf %add3A_553, %exp3A_551 : vector<512x64xf32>
    %div3A_555 = arith.constant 1.000000e+00 : f32
    %div3A_556 = vector.broadcast %div3A_555 : f32 to vector<512x64xf32>
    %div3A_557 = arith.divf %div3A_556, %add3A_554 : vector<512x64xf32>
    %sub3A = arith.constant 1.000000e+00 : f32
    %sub3A_558 = vector.broadcast %sub3A : f32 to vector<512x64xf32>
    %sub3A_559 = arith.subf %sub3A_558, %div3A_14 : vector<512x64xf32>
    %broadcast_in_dim3A_560 = arith.constant 1.000000e+00 : f32
    %broadcast_in_dim3A_561 = vector.broadcast %broadcast_in_dim3A_560 : f32 to vector<512x1xf32>
    %slice3A_562 = vector.extract_strided_slice %sub3A_559 {offsets = [0, 0], sizes = [512, 63], strides = [1, 1]} : vector<512x64xf32> to vector<512x63xf32>
    %concatenate3A = tpu.concatenate %broadcast_in_dim3A_561, %slice3A_562 in 1 : vector<512x1xf32>, vector<512x63xf32> -> vector<512x64xf32>
    %mul3A_563 = arith.mulf %sub3A_559, %concatenate3A : vector<512x64xf32>
    %broadcast_in_dim3A_564 = arith.constant 1.000000e+00 : f32
    %broadcast_in_dim3A_565 = vector.broadcast %broadcast_in_dim3A_564 : f32 to vector<512x2xf32>
    %slice3A_566 = vector.extract_strided_slice %mul3A_563 {offsets = [0, 0], sizes = [512, 62], strides = [1, 1]} : vector<512x64xf32> to vector<512x62xf32>
    %concatenate3A_567 = tpu.concatenate %broadcast_in_dim3A_565, %slice3A_566 in 1 : vector<512x2xf32>, vector<512x62xf32> -> vector<512x64xf32>
    %mul3A_568 = arith.mulf %mul3A_563, %concatenate3A_567 : vector<512x64xf32>
    %broadcast_in_dim3A_569 = arith.constant 1.000000e+00 : f32
    %broadcast_in_dim3A_570 = vector.broadcast %broadcast_in_dim3A_569 : f32 to vector<512x4xf32>
    %slice3A_571 = vector.extract_strided_slice %mul3A_568 {offsets = [0, 0], sizes = [512, 60], strides = [1, 1]} : vector<512x64xf32> to vector<512x60xf32>
    %concatenate3A_572 = tpu.concatenate %broadcast_in_dim3A_570, %slice3A_571 in 1 : vector<512x4xf32>, vector<512x60xf32> -> vector<512x64xf32>
    %mul3A_573 = arith.mulf %mul3A_568, %concatenate3A_572 : vector<512x64xf32>
    %broadcast_in_dim3A_574 = arith.constant 1.000000e+00 : f32
    %broadcast_in_dim3A_575 = vector.broadcast %broadcast_in_dim3A_574 : f32 to vector<512x8xf32>
    %slice3A_576 = vector.extract_strided_slice %mul3A_573 {offsets = [0, 0], sizes = [512, 56], strides = [1, 1]} : vector<512x64xf32> to vector<512x56xf32>
    %concatenate3A_577 = tpu.concatenate %broadcast_in_dim3A_575, %slice3A_576 in 1 : vector<512x8xf32>, vector<512x56xf32> -> vector<512x64xf32>
    %mul3A_578 = arith.mulf %mul3A_573, %concatenate3A_577 : vector<512x64xf32>
    %broadcast_in_dim3A_579 = arith.constant 1.000000e+00 : f32
    %broadcast_in_dim3A_580 = vector.broadcast %broadcast_in_dim3A_579 : f32 to vector<512x16xf32>
    %slice3A_581 = vector.extract_strided_slice %mul3A_578 {offsets = [0, 0], sizes = [512, 48], strides = [1, 1]} : vector<512x64xf32> to vector<512x48xf32>
    %concatenate3A_582 = tpu.concatenate %broadcast_in_dim3A_580, %slice3A_581 in 1 : vector<512x16xf32>, vector<512x48xf32> -> vector<512x64xf32>
    %mul3A_583 = arith.mulf %mul3A_578, %concatenate3A_582 : vector<512x64xf32>
    %broadcast_in_dim3A_584 = arith.constant 1.000000e+00 : f32
    %broadcast_in_dim3A_585 = vector.broadcast %broadcast_in_dim3A_584 : f32 to vector<512x32xf32>
    %slice3A_586 = vector.extract_strided_slice %mul3A_583 {offsets = [0, 0], sizes = [512, 32], strides = [1, 1]} : vector<512x64xf32> to vector<512x32xf32>
    %concatenate3A_587 = tpu.concatenate %broadcast_in_dim3A_585, %slice3A_586 in 1 : vector<512x32xf32>, vector<512x32xf32> -> vector<512x64xf32>
    %mul3A_588 = arith.mulf %mul3A_583, %concatenate3A_587 : vector<512x64xf32>
    %broadcast_in_dim3A_589 = arith.constant 1.000000e+00 : f32
    %broadcast_in_dim3A_590 = vector.broadcast %broadcast_in_dim3A_589 : f32 to vector<512x1xf32>
    %slice3A_591 = vector.extract_strided_slice %mul3A_588 {offsets = [0, 0], sizes = [512, 63], strides = [1, 1]} : vector<512x64xf32> to vector<512x63xf32>
    %concatenate3A_592 = tpu.concatenate %broadcast_in_dim3A_590, %slice3A_591 in 1 : vector<512x1xf32>, vector<512x63xf32> -> vector<512x64xf32>
    %mul3A_593 = arith.mulf %concatenate3A_592, %div3A_14 : vector<512x64xf32>
    %mul3A_594 = arith.mulf %mul3A_593, %div3A_459 : vector<512x64xf32>
    %reduce_sum3A = arith.constant dense<0.000000e+00> : vector<512xf32>
    %reduce_sum3A_595 = vector.multi_reduction <add>, %mul3A_594, %reduce_sum3A [1] : vector<512x64xf32> to vector<512xf32>
    %mul3A_596 = arith.mulf %mul3A_593, %div3A_508 : vector<512x64xf32>
    %reduce_sum3A_597 = arith.constant dense<0.000000e+00> : vector<512xf32>
    %reduce_sum3A_598 = vector.multi_reduction <add>, %mul3A_596, %reduce_sum3A_597 [1] : vector<512x64xf32> to vector<512xf32>
    %mul3A_599 = arith.mulf %mul3A_593, %div3A_557 : vector<512x64xf32>
    %reduce_sum3A_600 = arith.constant dense<0.000000e+00> : vector<512xf32>
    %reduce_sum3A_601 = vector.multi_reduction <add>, %mul3A_599, %reduce_sum3A_600 [1] : vector<512x64xf32> to vector<512xf32>
    %stack3A = vector.shape_cast %reduce_sum3A_595 : vector<512xf32> to vector<512x1xf32>
    %stack3A_602 = vector.shape_cast %reduce_sum3A_598 : vector<512xf32> to vector<512x1xf32>
    %stack3A_603 = vector.shape_cast %reduce_sum3A_601 : vector<512xf32> to vector<512x1xf32>
    %stack3A_604 = tpu.concatenate %stack3A, %stack3A_602, %stack3A_603 in 1 : vector<512x1xf32>, vector<512x1xf32>, vector<512x1xf32> -> vector<512x3xf32>
    %swap3A_605 = arith.constant 0 : index
    %swap3A_606 = arith.constant 0 : index
    %swap3A_607 = vector.load %arg6[%swap3A_605, %swap3A_606] : memref<512x3xf32, #tpu.memory_space<vmem>>, vector<512x3xf32>
    tpu.vector_store %arg6[%swap3A_605, %swap3A_606], %stack3A_604 {strides = array<i32>} : memref<512x3xf32, #tpu.memory_space<vmem>>, vector<512x3xf32>,
    return
  }
  func.func @transform_0(%arg0: i32) -> (i32, i32, i32) {
    %c0_i32 = arith.constant 0 : i32
    %c0_i32_0 = arith.constant 0 : i32
    %c0_i32_1 = arith.constant 0 : i32
    return %c0_i32, %arg0, %c0_i32_0 : i32, i32, i32
  }
  func.func @transform_1(%arg0: i32) -> (i32, i32) {
    %c0_i32 = arith.constant 0 : i32
    %c0_i32_0 = arith.constant 0 : i32
    return %arg0, %c0_i32 : i32, i32
  }
  func.func @transform_2(%arg0: i32) -> (i32, i32) {
    %c0_i32 = arith.constant 0 : i32
    %c0_i32_0 = arith.constant 0 : i32
    %c0_i32_1 = arith.constant 0 : i32
    return %c0_i32, %c0_i32_0 : i32, i32
  }
  func.func @transform_3(%arg0: i32) -> (i32, i32) {
    %c0_i32 = arith.constant 0 : i32
    %c0_i32_0 = arith.constant 0 : i32
    %c0_i32_1 = arith.constant 0 : i32
    return %c0_i32, %c0_i32_0 : i32, i32
  }
  func.func @transform_4(%arg0: i32) -> (i32, i32) {
    %c0_i32 = arith.constant 0 : i32
    %c0_i32_0 = arith.constant 0 : i32
    return %arg0, %c0_i32 : i32, i32
  }
  func.func @transform_5(%arg0: i32) -> (i32, i32) {
    %c0_i32 = arith.constant 0 : i32
    %c0_i32_0 = arith.constant 0 : i32
    return %arg0, %c0_i32 : i32, i32
  }
}

</mosaic_0001>

<sc_bundles>
// kernel: kernel.5.cloned.1.call-start
scs
__scs_entry_jumppad:
0x0: {  	(pc) =	sbr.rel $0x88, $3  }
0x1: {  	(tag) =	ssettag $0x0;
	lr =	simm.s32 $0x1  }
0x2: {  	[smem:$0x3F9C] =	sst lr;
	_ =	strace $0xD0000000  }
0x3: {  	_ = 	snop  }
0x4: {  	_ = 	snop  }
0x5: {  	_ = 	snop  }
0x6: {  	_ = 	snop  }
0x7: {  	_ = 	snop  }
__scs_overlays_trampoline_lowered:
0x8: {  	[smem:$0x3FAB] =	sst s0  }
0x9: {  	[smem:$0x3FAC] =	sst s1  }
0xa: {  	[smem:$0x3FAD] =	sst s2  }
0xb: {  	[smem:$0x3FAE] =	sst s3  }
0xc: {  	[smem:$0x3FAF] =	sst s4  }
0xd: {  	[smem:$0x3FB0] =	sst s5  }
0xe: {  	[smem:$0x3FB1] =	sst s6  }
0xf: {  	[smem:$0x3FB2] =	sst s7  }
0x10: {  	[smem:$0x3FB3] =	sst s8  }
0x11: {  	[smem:$0x3FB4] =	sst s9;
	s0 =	simm.s32 @!p0 $0x0  }
0x12: {  	s1 =	sld [smem:$0x3F9A];
	s0 =	simm.s32 @p0 $0x1  }
0x13: {  	[smem:$0x3FB5] =	sst s0;
	s0 =	simm.s32 @!p1 $0x0  }
0x14: {  	s2 =	sld [smem:$0x3F99];
	s0 =	simm.s32 @p1 $0x1  }
0x15: {  	[smem:$0x3FB6] =	sst s0;
	s0 =	simm.s32 @!p2 $0x0  }
0x16: {  	s3 =	sld [smem:$0x3FDB];
	s0 =	simm.s32 @p2 $0x1  }
0x17: {  	s4 =	simm.s32 $0x1BF5;
	[smem:$0x3FB8] =	sst s0  }
0x18: {  	s0 =	sld [smem:$0x3F9B];
	_ =	swait.ge [sflag:s4], $0x0  }
0x19: {  	s7 =	sld [smem:$0x3F9C]  }
0x1a: {  	s8 =	sadd.s32 $0xFFFFE003, lr  }
0x1b: {  	s9 =	sadd.s32 $0xFFFFFEF7, lr;
	s5 =	simm.s32 $0xFFFFFFFF;
	p2 =	slt.u32 s8, $0xFFFFF086  }
0x1c: {  	p1 =	slt.u32 s9, $0xF7A;
	s5 =	simm.s32 @!p2 $0x0  }
0x1d: {  	s5 =	simm.s32 @p1 $0x1;
	p0 =	seq.s32 s7, s2  }
0x1e: {  	s7 =	smul.u32 @!p0 $0xF7A, s2;
	p2 =	seq.s32 @!p0 s5, $0x0  }
0x1f: {  	s9 =	smul.u32 $0xF7A, s1;
	s8 =	simm.s32 @!p0 $0x1BF5;
	p2 =	por !p2, p0  }
0x20: {  	[sflag:s8] =	ssyncset.s32 @!p0 $0xFFFFF086;
	s6 =	sadd.s32 @!p0 s3, s7;
	s7 =	simm.s32 @!p0 $0x108  }
0x21: {  	s3 =	sadd.s32 s3, s9;
	s6 =	sadd.s32 @!p0 $0x88, s6;
	s7 =	simm.s32 @p2 $0x1082  }
0x22: {  	[simem:s7], [sflag:s8] =	dma.local @!p0 [hbm:s6], $0xF7A  }
0x23: {  	s9 =	sor.u32 $0xD0000000, s2;
	s6 =	simm.s32 $0x108;
	_ =	swait.ge @!p0 [sflag:s8], $0x0  }
0x24: {  	s3 =	sadd.s32 $0x88, s3;
	s6 =	simm.s32 @!p1 $0x1082;
	[sflag:s4] =	ssyncset.s32 $0xFFFFF086  }
0x25: {  	[simem:s6], [sflag:s4] =	dma.local [hbm:s3], $0xF7A  }
0x26: {  	[smem:$0x3F9C] =	sst s1;
	(tag) =	ssettag s2;
	_ =	strace s9  }
0x27: {  	s1 =	sld [smem:$0x3FAC]  }
0x28: {  	s2 =	sld [smem:$0x3FAD]  }
0x29: {  	s4 =	sld [smem:$0x3FAF]  }
0x2a: {  	p0 =	seq.s32 s5, $0x0;
	s5 =	sld [smem:$0x3FB0]  }
0x2b: {  	s6 =	sld [smem:$0x3FB1]  }
0x2c: {  	s7 =	sld [smem:$0x3FB2]  }
0x2d: {  	s3 =	simm.s32 $0x108;
	s8 =	sld [smem:$0x3FB3]  }
0x2e: {  	s3 =	simm.s32 @!p0 $0x1082;
	s9 =	sld [smem:$0x3FB4]  }
0x2f: {  	lr =	sadd.s32 s0, s3;
	s0 =	sld [smem:$0x3FAB]  }
0x30: {  	s3 =	sld [smem:$0x3FAE]  }
0x31: {  	[smem:$0x3FB7] =	sst s10  }
0x32: {  	s10 =	sld [smem:$0x3FB5];
	_ =	sdelay $0x3  }
0x33: {  	p0 =	seq.s32 s10, $0x1;
	s10 =	sld [smem:$0x3FB7];
	_ =	sdelay $0x3  }
0x34: {  	[smem:$0x3FB7] =	sst s10  }
0x35: {  	s10 =	sld [smem:$0x3FB6];
	_ =	sdelay $0x3  }
0x36: {  	p1 =	seq.s32 s10, $0x1;
	s10 =	sld [smem:$0x3FB7];
	_ =	sdelay $0x3  }
0x37: {  	[smem:$0x3FB7] =	sst s10  }
0x38: {  	s10 =	sld [smem:$0x3FB8]  }
0x39: {  	_ = 	snop;
	(pc) =	sbr.ind lr, $3  }
0x3a: {  	_ = 	snop  }
0x3b: {  	_ = 	snop  }
0x3c: {  	p2 =	seq.s32 s10, $0x1;
	s10 =	sld [smem:$0x3FB7]  }
0x3d: {  	_ =	shalt  }
0x3e: {  	_ =	shalt  }
0x3f: {  	_ =	shalt  }
0x40: {  	_ =	shalt  }
0x41: {  	_ =	shalt  }
0x42: {  	_ =	shalt  }
0x43: {  	_ =	shalt  }
0x44: {  	_ =	shalt  }
0x45: {  	_ =	shalt  }
0x46: {  	_ =	shalt  }
0x47: {  	_ =	shalt  }
0x48: {  	_ =	shalt  }
0x49: {  	_ =	shalt  }
0x4a: {  	_ =	shalt  }
0x4b: {  	_ =	shalt  }
0x4c: {  	_ =	shalt  }
0x4d: {  	_ =	shalt  }
0x4e: {  	_ =	shalt  }
0x4f: {  	_ =	shalt  }
0x50: {  	_ =	shalt  }
0x51: {  	_ =	shalt  }
0x52: {  	_ =	shalt  }
0x53: {  	_ =	shalt  }
0x54: {  	_ =	shalt  }
0x55: {  	_ =	shalt  }
0x56: {  	_ =	shalt  }
0x57: {  	_ =	shalt  }
0x58: {  	_ =	shalt  }
0x59: {  	_ =	shalt  }
0x5a: {  	_ =	shalt  }
0x5b: {  	_ =	shalt  }
0x5c: {  	_ =	shalt  }
0x5d: {  	_ =	shalt  }
0x5e: {  	_ =	shalt  }
0x5f: {  	_ =	shalt  }
0x60: {  	_ =	shalt  }
0x61: {  	_ =	shalt  }
0x62: {  	_ =	shalt  }
0x63: {  	_ =	shalt  }
0x64: {  	_ =	shalt  }
0x65: {  	_ =	shalt  }
0x66: {  	_ =	shalt  }
0x67: {  	_ =	shalt  }
0x68: {  	_ =	shalt  }
0x69: {  	_ =	shalt  }
0x6a: {  	_ =	shalt  }
0x6b: {  	_ =	shalt  }
0x6c: {  	_ =	shalt  }
0x6d: {  	_ =	shalt  }
0x6e: {  	_ =	shalt  }
0x6f: {  	_ =	shalt  }
0x70: {  	_ =	shalt  }
0x71: {  	_ =	shalt  }
0x72: {  	_ =	shalt  }
0x73: {  	_ =	shalt  }
0x74: {  	_ =	shalt  }
0x75: {  	_ =	shalt  }
0x76: {  	_ =	shalt  }
0x77: {  	_ =	shalt  }
0x78: {  	_ =	shalt  }
0x79: {  	_ =	shalt  }
0x7a: {  	_ =	shalt  }
0x7b: {  	_ =	shalt  }
0x7c: {  	_ =	shalt  }
0x7d: {  	_ =	shalt  }
0x7e: {  	_ =	shalt  }
0x7f: {  	_ =	shalt  }
0x80: {  	_ =	shalt  }
0x81: {  	_ =	shalt  }
0x82: {  	_ =	shalt  }
0x83: {  	_ =	shalt  }
0x84: {  	_ =	shalt  }
0x85: {  	_ =	shalt  }
0x86: {  	_ =	shalt  }
0x87: {  	_ =	shalt  }
.Lfunc_end0:
.L_simem_size_0:
called_computation_lowered:
.L_overlay_start_0:
0x88: {  	s2 =	sld [smem:$0x3FD9]  }
0x89: {  	s3 =	sld [smem:$0x3FFE];
	_ =	sdelay $0x1  }
0x8a: {  	s1 =	srdreg.scid  }
0x8b: {  	s0 =	sand.u32 $0x1, s1  }
0x8c: {  	s16 =	sshll.u32 s0, $0xA;
	s2 =	sadd.s32 s3, s2  }
0x8d: {  	s2 =	sadd.s32 s2, s16  }
0x8e: {  	[smem:$0x3FC3] =	sst s2  }
0x8f: {  	_ = 	snop  }
0x90: {  	(tm) =	ssettm $0x1  }
0x91: {  	s17 =	sld [smem:$0x3FFB];
	_ =	sdelay $0x3  }
0x92: {  	_ =	strace s17  }
0x93: {  	s2 =	sld [smem:$0x3FFC];
	_ =	sdelay $0x3  }
0x94: {  	_ =	strace s2  }
0x95: {  	s2 =	sld [smem:$0x3FFD];
	_ =	sdelay $0x3  }
0x96: {  	_ =	strace s2  }
0x97: {  	_ =	strace $0x8FFFFFFF  }
0x98: {  	s18 =	sld [smem:$0x3FDB];
	_ =	sdelay $0x1  }
0x99: {  	s19 =	simm.s32 $_scs_section_size  }
0x9a: {  	s4 =	simm.s32 $_size__tile_overlayer_lowered;
	s5 =	simm.s32 $_tile_overlayer_lowered  }
0x9b: {  	s22 =	simm.s32 $0x1BFF;
	s21 =	sshll.u32 s5, $0x1;
	s2 =	sadd.s32 s19, s18  }
0x9c: {  	s6 =	simm.s32 $0x0;
	s20 =	sshll.u32 s4, $0x1;
	s4 =	sadd.s32 s21, s2  }
0x9d: {  	[timem:s6], [sflag:s22] =	dma.local [hbm:s4], s20  }
0x9e: {  	_ =	swait.ge [sflag:s22], s20  }
0x9f: {  	s3 =	ssub.s32 $0x0, s20;
	[sflag:s22] =	ssyncset.done $0x0  }
0xa0: {  	[sflag:s22] =	ssyncadd.s32 s3;
	_ =	sdelay $0x1  }
0xa1: {  	s23 =	simm.s32 $0x1B8B  }
0xa2: {  	_ =	swait.ge [sflag:s23], $0x1  }
0xa3: {  	[sflag:s23] =	ssyncset.done $0x0  }
0xa4: {  	s25 =	simm.s32 $0x1B8E;
	s24 =	sld [smem:$0x3FFE];
	[sflag:s23] =	ssyncadd.s32 $0xFFFFFFFF  }
0xa5: {  	s26 =	simm.s32 $execute0_lowered;
	[smem:$0x3FD2] =	sst s25  }
0xa6: {  	s4 =	sshll.u32 s26, $0x1;
	_ =	strace $0x80000046;
	[dreg:$0x1] =	wrdreg $0xFFFFFFFF  }
0xa7: {  	s28 =	simm.s32 $_size_execute0_lowered;
	s2 =	sadd.s32 s2, s4;
	[dreg:$0x0] =	wrdreg $0x0  }
0xa8: {  	s4 =	sshll.u32 s28, $0x1;
	[dreg:$0x2] =	wrdreg s2  }
0xa9: {  	[dreg:$0x3] =	wrdreg s4  }
0xaa: {  	[dreg:$0x4] =	wrdreg $0xC0  }
0xab: {  	_ =	task [dreg:s6], $0x5FFFF  }
0xac: {  	[dreg:$0x1] =	wrdreg $0xFFFFFFFF  }
0xad: {  	[dreg:$0x0] =	wrdreg $0x60  }
0xae: {  	[dreg:$0x2] =	wrdreg s24  }
0xaf: {  	[dreg:$0x3] =	wrdreg $0x9  }
0xb0: {  	_ =	task.clear_ibuf [dreg:s6], $0x4FFFF;
	_ =	strace $0x90000046  }
0xb1: {  	s29 =	simm.s32 $0x9;
	_ =	strace $0x80000048  }
0xb2: {  	_ =	swait.ge [sflag:s29], $0x1  }
0xb3: {  	[sflag:s29] =	ssyncadd.s32 $0xFFFFFFFF  }
0xb4: {  	_ =	strace $0x90000048  }
0xb5: {  	_ =	sfence  }
0xb6: {  	s30 =	sld [smem:$0x0];
	_ =	sdelay $0x2  }
0xb7: {  	s31 =	sshll.u32 s1, $0xD;
	s1 =	sshrl.u32 s1, $0x2  }
0xb8: {  	s3 =	sand.u32 $0x4000, s31;
	s1 =	sadd.s32 s1, s30  }
0xb9: {  	s0 =	sor.u32 s3, s0;
	s1 =	sshll.u32 s1, $0x11  }
0xba: {  	s0 =	sor.u32 s1, s0  }
0xbb: {  	s0 =	sadd.s32 $0x8F2B, s0  }
0xbc: {  	[sflag:s0] =	ssyncadd.remote.s32 $0x1  }
0xbd: {  	_ =	sfence.sel $0xFFFF  }
0xbe: {  	[dreg:$0x0] =	wrdreg $0xFFFFFFFF;
	(pc) =	sbr.abs _section_cstart, $3  }
0xbf: {  	[dreg:$0x1] =	wrdreg $0xFFFFFFFF  }
0xc0: {  	_ =	task.clear_ibuf [dreg:s6], $0x2FFFF;
	_ =	strace $0x9FFFFFFF  }
0xc1: {  	(tm) =	ssettm $0x7FFFFFFF  }
tec
execute0_lowered:
.L_overlay_start_1:
0x0: {  	(tag) =	ssettag $0x1  }
0x1: {  	s1 =	srdreg.scid;
	s0 =	stileid.u32  }
0x2: {  	s3 =	rddreg [dreg:$0x0];
	s4 =	sand.u32 $0x1, s1;
	s5 =	sshll.u32 s0, $0x1  }
0x3: {  	s2 =	simm.s32 $0x0;
	s1 =	rddreg [dreg:$0x1];
	s5 =	sor.u32 s4, s5  }
0x4: {  	[smem:$0x7FF] =	sst s2;
	s6 =	smul.u32 $0x7A12, s5  }
0x5: {  	s21 =	sadd.s32 $0x1200, s3;
	s4 =	ssub.s32 $0x2, s4;
	s18 =	smul.u32 $0x3D090, s5  }
0x6: {  	s22 =	sadd.s32 $0xF5600, s3;
	_ =	strace $0x80000047;
	s30 =	sshrl.u32 s4, $0x1  }
0x7: {  	s23 =	ssub.s32 s4, s30;
	s3 =	sadd.s32 s21, s6;
	s5 =	sadd.s32 $0x61A8, s18  }
0x8: {  	s4 =	sadd.s32 s22, s6;
	s19 =	sshrl.u32 s18, $0x3;
	s9 =	sadd.s32 $0x124F8, s18  }
0x9: {  	s11 =	sadd.s32 $0x1E848, s18;
	s17 =	sadd.s32 $0x2AB98, s18;
	s25 =	sadd.s32 $0x36EE8, s18  }
0xa: {  	s23 =	smax.u32 s23, $0x1;
	s31 =	sshrl.u32 s5, $0x3;
	s8 =	sadd.s32 $0x186A, s19  }
0xb: {  	s10 =	sshrl.u32 s9, $0x3;
	s12 =	sadd.s32 $0x30D4, s19;
	s14 =	sshrl.u32 s11, $0x3  }
0xc: {  	s16 =	sadd.s32 $0x493E, s19;
	s20 =	sshrl.u32 s17, $0x3;
	s24 =	sadd.s32 $0x61A8, s19  }
0xd: {  	s25 =	sshrl.u32 s25, $0x3;
	s5 =	sadd.s32 s21, s31;
	s6 =	sadd.s32 s22, s31  }
0xe: {  	s7 =	sadd.s32 s21, s8;
	s8 =	sadd.s32 s22, s8;
	s9 =	sadd.s32 s21, s10  }
0xf: {  	s10 =	sadd.s32 s22, s10;
	s11 =	sadd.s32 s21, s12;
	s12 =	sadd.s32 s22, s12  }
0x10: {  	s13 =	sadd.s32 s21, s14;
	s14 =	sadd.s32 s22, s14;
	s15 =	sadd.s32 s21, s16  }
0x11: {  	s16 =	sadd.s32 s22, s16;
	s17 =	sadd.s32 s21, s20;
	s18 =	sadd.s32 s22, s20  }
0x12: {  	s19 =	sadd.s32 s21, s24;
	s20 =	sadd.s32 s22, s24;
	s21 =	sadd.s32 s21, s25  }
0x13: {  	s22 =	sadd.s32 s22, s25;
	s24 =	simm.s32 $0x1;
	s25 =	simm.s32 $0x0  }
.LBB2_1:
0x14: {  	[tilespmem:s2], [sflag:$0x1] =	stream.linear.gather [hbm4b:s3+s2], $0x61A8, $0x38;
	[tilespmem:$0x61A8] =	vst v63  }
0x15: {  	_ =	swait.ge [sflag:s24], $0x61A8  }
0x16: {  	s26 =	simm.s32 $0x1;
	s30 =	sadd.s32 $0x0, s4;
	[sflag:s24] =	ssyncset.done $0x0  }
0x17: {  	s28 =	simm.s32 $0x8;
	s29 =	simm.s32 $0x0;
	[sflag:s24] =	ssyncadd.s32 $0xFFFF9E58  }
.LBB2_2:
0x18: {  	[hbm4b:s30+s2] =	stream.linear.scatter [tilespmem:s29], [sflag:$0x1], $0x4, $0x38;
	[tilespmem:$0x61A8] =	vst v63  }
0x19: {  	s30 =	smov.u32 s26;
	s29 =	smov.u32 s28;
	p0 =	sne.s32 s26, $0xC34  }
.Ltmp0:
0x1a: {  	s26 =	sadd.s32 $0x1, s26;
	(pc) =	sbr.rel @p0 .LBB2_2-.Ltmp0, $2  }
0x1b: {  	_ =	sdelay $0x2  }
0x1c: {  	s28 =	sadd.s32 $0x8, s28;
	s30 =	sadd.s32 s30, s4  }
0x1d: {  	[hbm4b:s30+s2] =	stream.linear.scatter [tilespmem:s29], [sflag:$0x1], $0x4, $0x38;
	[tilespmem:$0x61A8] =	vst v63  }
0x1e: {  	_ =	swait.ge [sflag:s24], $0x30D4  }
0x1f: {  	[sflag:s24] =	ssyncset.done $0x0  }
0x20: {  	s26 =	simm.s32 $0x0;
	[sflag:s24] =	ssyncadd.s32 $0xFFFFCF2C  }
0x21: {  	[tilespmem:s26], [sflag:$0x1] =	stream.linear.gather [hbm4b:s5+s26], $0x61A8, $0x38;
	[tilespmem:$0x61A8] =	vst v63  }
0x22: {  	_ =	swait.ge [sflag:s24], $0x61A8  }
0x23: {  	s28 =	simm.s32 $0x1;
	[sflag:s24] =	ssyncset.done $0x0  }
0x24: {  	s30 =	sadd.s32 $0x0, s6;
	s29 =	simm.s32 $0x8;
	[sflag:s24] =	ssyncadd.s32 $0xFFFF9E58  }
.LBB2_4:
0x25: {  	[hbm4b:s30+s2] =	stream.linear.scatter [tilespmem:s26], [sflag:$0x1], $0x4, $0x38;
	[tilespmem:$0x61A8] =	vst v63  }
0x26: {  	s30 =	smov.u32 s28;
	s26 =	smov.u32 s29;
	p0 =	sne.s32 s28, $0xC34  }
.Ltmp1:
0x27: {  	s28 =	sadd.s32 $0x1, s28;
	(pc) =	sbr.rel @p0 .LBB2_4-.Ltmp1, $2  }
0x28: {  	_ =	sdelay $0x2  }
0x29: {  	s29 =	sadd.s32 $0x8, s29;
	s30 =	sadd.s32 s30, s6  }
0x2a: {  	[hbm4b:s30+s2] =	stream.linear.scatter [tilespmem:s26], [sflag:$0x1], $0x4, $0x38;
	[tilespmem:$0x61A8] =	vst v63  }
0x2b: {  	_ =	swait.ge [sflag:s24], $0x30D4  }
0x2c: {  	[sflag:s24] =	ssyncset.done $0x0  }
0x2d: {  	s26 =	simm.s32 $0x0;
	[sflag:s24] =	ssyncadd.s32 $0xFFFFCF2C  }
0x2e: {  	[tilespmem:s26], [sflag:$0x1] =	stream.linear.gather [hbm4b:s7+s26], $0x61A8, $0x38;
	[tilespmem:$0x61A8] =	vst v63  }
0x2f: {  	_ =	swait.ge [sflag:s24], $0x61A8  }
0x30: {  	s28 =	simm.s32 $0x1;
	[sflag:s24] =	ssyncset.done $0x0  }
0x31: {  	s30 =	sadd.s32 $0x0, s8;
	s29 =	simm.s32 $0x8;
	[sflag:s24] =	ssyncadd.s32 $0xFFFF9E58  }
.LBB2_6:
0x32: {  	[hbm4b:s30+s2] =	stream.linear.scatter [tilespmem:s26], [sflag:$0x1], $0x4, $0x38;
	[tilespmem:$0x61A8] =	vst v63  }
0x33: {  	s30 =	smov.u32 s28;
	s26 =	smov.u32 s29;
	p0 =	sne.s32 s28, $0xC34  }
.Ltmp2:
0x34: {  	s28 =	sadd.s32 $0x1, s28;
	(pc) =	sbr.rel @p0 .LBB2_6-.Ltmp2, $2  }
0x35: {  	_ =	sdelay $0x2  }
0x36: {  	s29 =	sadd.s32 $0x8, s29;
	s30 =	sadd.s32 s30, s8  }
0x37: {  	[hbm4b:s30+s2] =	stream.linear.scatter [tilespmem:s26], [sflag:$0x1], $0x4, $0x38;
	[tilespmem:$0x61A8] =	vst v63  }
0x38: {  	_ =	swait.ge [sflag:s24], $0x30D4  }
0x39: {  	[sflag:s24] =	ssyncset.done $0x0  }
0x3a: {  	s26 =	simm.s32 $0x0;
	[sflag:s24] =	ssyncadd.s32 $0xFFFFCF2C  }
0x3b: {  	[tilespmem:s26], [sflag:$0x1] =	stream.linear.gather [hbm4b:s9+s26], $0x61A8, $0x38;
	[tilespmem:$0x61A8] =	vst v63  }
0x3c: {  	_ =	swait.ge [sflag:s24], $0x61A8  }
0x3d: {  	s28 =	simm.s32 $0x1;
	[sflag:s24] =	ssyncset.done $0x0  }
0x3e: {  	s30 =	sadd.s32 $0x0, s10;
	s29 =	simm.s32 $0x8;
	[sflag:s24] =	ssyncadd.s32 $0xFFFF9E58  }
.LBB2_8:
0x3f: {  	[hbm4b:s30+s2] =	stream.linear.scatter [tilespmem:s26], [sflag:$0x1], $0x4, $0x38;
	[tilespmem:$0x61A8] =	vst v63  }
0x40: {  	s30 =	smov.u32 s28;
	s26 =	smov.u32 s29;
	p0 =	sne.s32 s28, $0xC34  }
.Ltmp3:
0x41: {  	s28 =	sadd.s32 $0x1, s28;
	(pc) =	sbr.rel @p0 .LBB2_8-.Ltmp3, $2  }
0x42: {  	_ =	sdelay $0x2  }
0x43: {  	s29 =	sadd.s32 $0x8, s29;
	s30 =	sadd.s32 s30, s10  }
0x44: {  	[hbm4b:s30+s2] =	stream.linear.scatter [tilespmem:s26], [sflag:$0x1], $0x4, $0x38;
	[tilespmem:$0x61A8] =	vst v63  }
0x45: {  	_ =	swait.ge [sflag:s24], $0x30D4  }
0x46: {  	[sflag:s24] =	ssyncset.done $0x0  }
0x47: {  	s26 =	simm.s32 $0x0;
	[sflag:s24] =	ssyncadd.s32 $0xFFFFCF2C  }
0x48: {  	[tilespmem:s26], [sflag:$0x1] =	stream.linear.gather [hbm4b:s11+s26], $0x61A8, $0x38;
	[tilespmem:$0x61A8] =	vst v63  }
0x49: {  	_ =	swait.ge [sflag:s24], $0x61A8  }
0x4a: {  	s28 =	simm.s32 $0x1;
	[sflag:s24] =	ssyncset.done $0x0  }
0x4b: {  	s30 =	sadd.s32 $0x0, s12;
	s29 =	simm.s32 $0x8;
	[sflag:s24] =	ssyncadd.s32 $0xFFFF9E58  }
.LBB2_10:
0x4c: {  	[hbm4b:s30+s2] =	stream.linear.scatter [tilespmem:s26], [sflag:$0x1], $0x4, $0x38;
	[tilespmem:$0x61A8] =	vst v63  }
0x4d: {  	s30 =	smov.u32 s28;
	s26 =	smov.u32 s29;
	p0 =	sne.s32 s28, $0xC34  }
.Ltmp4:
0x4e: {  	s28 =	sadd.s32 $0x1, s28;
	(pc) =	sbr.rel @p0 .LBB2_10-.Ltmp4, $2  }
0x4f: {  	_ =	sdelay $0x2  }
0x50: {  	s29 =	sadd.s32 $0x8, s29;
	s30 =	sadd.s32 s30, s12  }
0x51: {  	[hbm4b:s30+s2] =	stream.linear.scatter [tilespmem:s26], [sflag:$0x1], $0x4, $0x38;
	[tilespmem:$0x61A8] =	vst v63  }
0x52: {  	_ =	swait.ge [sflag:s24], $0x30D4  }
0x53: {  	[sflag:s24] =	ssyncset.done $0x0  }
0x54: {  	s26 =	simm.s32 $0x0;
	[sflag:s24] =	ssyncadd.s32 $0xFFFFCF2C  }
0x55: {  	[tilespmem:s26], [sflag:$0x1] =	stream.linear.gather [hbm4b:s13+s26], $0x61A8, $0x38;
	[tilespmem:$0x61A8] =	vst v63  }
0x56: {  	_ =	swait.ge [sflag:s24], $0x61A8  }
0x57: {  	s28 =	simm.s32 $0x1;
	[sflag:s24] =	ssyncset.done $0x0  }
0x58: {  	s30 =	sadd.s32 $0x0, s14;
	s29 =	simm.s32 $0x8;
	[sflag:s24] =	ssyncadd.s32 $0xFFFF9E58  }
.LBB2_12:
0x59: {  	[hbm4b:s30+s2] =	stream.linear.scatter [tilespmem:s26], [sflag:$0x1], $0x4, $0x38;
	[tilespmem:$0x61A8] =	vst v63  }
0x5a: {  	s30 =	smov.u32 s28;
	s26 =	smov.u32 s29;
	p0 =	sne.s32 s28, $0xC34  }
.Ltmp5:
0x5b: {  	s28 =	sadd.s32 $0x1, s28;
	(pc) =	sbr.rel @p0 .LBB2_12-.Ltmp5, $2  }
0x5c: {  	_ =	sdelay $0x2  }
0x5d: {  	s29 =	sadd.s32 $0x8, s29;
	s30 =	sadd.s32 s30, s14  }
0x5e: {  	[hbm4b:s30+s2] =	stream.linear.scatter [tilespmem:s26], [sflag:$0x1], $0x4, $0x38;
	[tilespmem:$0x61A8] =	vst v63  }
0x5f: {  	_ =	swait.ge [sflag:s24], $0x30D4  }
0x60: {  	[sflag:s24] =	ssyncset.done $0x0  }
0x61: {  	s26 =	simm.s32 $0x0;
	[sflag:s24] =	ssyncadd.s32 $0xFFFFCF2C  }
0x62: {  	[tilespmem:s26], [sflag:$0x1] =	stream.linear.gather [hbm4b:s15+s26], $0x61A8, $0x38;
	[tilespmem:$0x61A8] =	vst v63  }
0x63: {  	_ =	swait.ge [sflag:s24], $0x61A8  }
0x64: {  	s28 =	simm.s32 $0x1;
	[sflag:s24] =	ssyncset.done $0x0  }
0x65: {  	s30 =	sadd.s32 $0x0, s16;
	s29 =	simm.s32 $0x8;
	[sflag:s24] =	ssyncadd.s32 $0xFFFF9E58  }
.LBB2_14:
0x66: {  	[hbm4b:s30+s2] =	stream.linear.scatter [tilespmem:s26], [sflag:$0x1], $0x4, $0x38;
	[tilespmem:$0x61A8] =	vst v63  }
0x67: {  	s30 =	smov.u32 s28;
	s26 =	smov.u32 s29;
	p0 =	sne.s32 s28, $0xC34  }
.Ltmp6:
0x68: {  	s28 =	sadd.s32 $0x1, s28;
	(pc) =	sbr.rel @p0 .LBB2_14-.Ltmp6, $2  }
0x69: {  	_ =	sdelay $0x2  }
0x6a: {  	s29 =	sadd.s32 $0x8, s29;
	s30 =	sadd.s32 s30, s16  }
0x6b: {  	[hbm4b:s30+s2] =	stream.linear.scatter [tilespmem:s26], [sflag:$0x1], $0x4, $0x38;
	[tilespmem:$0x61A8] =	vst v63  }
0x6c: {  	_ =	swait.ge [sflag:s24], $0x30D4  }
0x6d: {  	[sflag:s24] =	ssyncset.done $0x0  }
0x6e: {  	s26 =	simm.s32 $0x0;
	[sflag:s24] =	ssyncadd.s32 $0xFFFFCF2C  }
0x6f: {  	[tilespmem:s26], [sflag:$0x1] =	stream.linear.gather [hbm4b:s17+s26], $0x61A8, $0x38;
	[tilespmem:$0x61A8] =	vst v63  }
0x70: {  	_ =	swait.ge [sflag:s24], $0x61A8  }
0x71: {  	s28 =	simm.s32 $0x1;
	[sflag:s24] =	ssyncset.done $0x0  }
0x72: {  	s30 =	sadd.s32 $0x0, s18;
	s29 =	simm.s32 $0x8;
	[sflag:s24] =	ssyncadd.s32 $0xFFFF9E58  }
.LBB2_16:
0x73: {  	[hbm4b:s30+s2] =	stream.linear.scatter [tilespmem:s26], [sflag:$0x1], $0x4, $0x38;
	[tilespmem:$0x61A8] =	vst v63  }
0x74: {  	s30 =	smov.u32 s28;
	s26 =	smov.u32 s29;
	p0 =	sne.s32 s28, $0xC34  }
.Ltmp7:
0x75: {  	s28 =	sadd.s32 $0x1, s28;
	(pc) =	sbr.rel @p0 .LBB2_16-.Ltmp7, $2  }
0x76: {  	_ =	sdelay $0x2  }
0x77: {  	s29 =	sadd.s32 $0x8, s29;
	s30 =	sadd.s32 s30, s18  }
0x78: {  	[hbm4b:s30+s2] =	stream.linear.scatter [tilespmem:s26], [sflag:$0x1], $0x4, $0x38;
	[tilespmem:$0x61A8] =	vst v63  }
0x79: {  	_ =	swait.ge [sflag:s24], $0x30D4  }
0x7a: {  	[sflag:s24] =	ssyncset.done $0x0  }
0x7b: {  	s26 =	simm.s32 $0x0;
	[sflag:s24] =	ssyncadd.s32 $0xFFFFCF2C  }
0x7c: {  	[tilespmem:s26], [sflag:$0x1] =	stream.linear.gather [hbm4b:s19+s26], $0x61A8, $0x38;
	[tilespmem:$0x61A8] =	vst v63  }
0x7d: {  	_ =	swait.ge [sflag:s24], $0x61A8  }
0x7e: {  	s28 =	simm.s32 $0x1;
	[sflag:s24] =	ssyncset.done $0x0  }
0x7f: {  	s30 =	sadd.s32 $0x0, s20;
	s29 =	simm.s32 $0x8;
	[sflag:s24] =	ssyncadd.s32 $0xFFFF9E58  }
.LBB2_18:
0x80: {  	[hbm4b:s30+s2] =	stream.linear.scatter [tilespmem:s26], [sflag:$0x1], $0x4, $0x38;
	[tilespmem:$0x61A8] =	vst v63  }
0x81: {  	s30 =	smov.u32 s28;
	s26 =	smov.u32 s29;
	p0 =	sne.s32 s28, $0xC34  }
.Ltmp8:
0x82: {  	s28 =	sadd.s32 $0x1, s28;
	(pc) =	sbr.rel @p0 .LBB2_18-.Ltmp8, $2  }
0x83: {  	_ =	sdelay $0x2  }
0x84: {  	s29 =	sadd.s32 $0x8, s29;
	s30 =	sadd.s32 s30, s20  }
0x85: {  	[hbm4b:s30+s2] =	stream.linear.scatter [tilespmem:s26], [sflag:$0x1], $0x4, $0x38;
	[tilespmem:$0x61A8] =	vst v63  }
0x86: {  	_ =	swait.ge [sflag:s24], $0x30D4  }
0x87: {  	[sflag:s24] =	ssyncset.done $0x0  }
0x88: {  	s26 =	simm.s32 $0x0;
	[sflag:s24] =	ssyncadd.s32 $0xFFFFCF2C  }
0x89: {  	[tilespmem:s26], [sflag:$0x1] =	stream.linear.gather [hbm4b:s21+s26], $0x61A8, $0x38;
	[tilespmem:$0x61A8] =	vst v63  }
0x8a: {  	_ =	swait.ge [sflag:s24], $0x61A8  }
0x8b: {  	s28 =	simm.s32 $0x1;
	[sflag:s24] =	ssyncset.done $0x0  }
0x8c: {  	s30 =	sadd.s32 $0x0, s22;
	s29 =	simm.s32 $0x8;
	[sflag:s24] =	ssyncadd.s32 $0xFFFF9E58  }
.LBB2_20:
0x8d: {  	[hbm4b:s30+s2] =	stream.linear.scatter [tilespmem:s26], [sflag:$0x1], $0x4, $0x38;
	[tilespmem:$0x61A8] =	vst v63  }
0x8e: {  	s30 =	smov.u32 s28;
	s26 =	smov.u32 s29;
	p0 =	sne.s32 s28, $0xC34  }
.Ltmp9:
0x8f: {  	s28 =	sadd.s32 $0x1, s28;
	(pc) =	sbr.rel @p0 .LBB2_20-.Ltmp9, $2  }
0x90: {  	_ =	sdelay $0x2  }
0x91: {  	s29 =	sadd.s32 $0x8, s29;
	s30 =	sadd.s32 s30, s22  }
0x92: {  	s25 =	sadd.s32 $0x1, s25  }
0x93: {  	p0 =	sne.s32 s25, s23  }
.Ltmp10:
0x94: {  	_ = 	snop;
	(pc) =	sbr.rel @p0 .LBB2_1-.Ltmp10, $4  }
0x95: {  	[hbm4b:s30+s2] =	stream.linear.scatter [tilespmem:s26], [sflag:$0x1], $0x4, $0x38;
	[tilespmem:$0x61A8] =	vst v63  }
0x96: {  	_ =	swait.ge [sflag:s24], $0x30D4  }
0x97: {  	[sflag:s24] =	ssyncset.done $0x0  }
0x98: {  	[sflag:s24] =	ssyncadd.s32 $0xFFFFCF2C  }
0x99: {  	_ =	sfence.sel $0x180000  }
0x9a: {  	[bflag:$0x0] =	sbarrier.arrive $0xFFFF  }
0x9b: {  	p0 =	sne.s32 s0, $0x0;
	_ =	strace $0x90000047  }
0x9c: {  	s0 =	sadd.s32 @!p0 $0x100000, s1;
	[bflag:$0x2] =	sbarrier.arrive $0xFFFF  }
0x9d: {  	[sflag:s0] =	ssyncadd.tile.s32 @!p0 $0x1;
	_ =	shalt  }
.Lfunc_end2:
_tile_overlayer_lowered:
.L_overlay_start_2:
0x9e: {  	(tag) =	ssettag $0x2  }
0x9f: {  	s0 =	rddreg [dreg:$0x0];
	s2 =	stileid.u32  }
0xa0: {  	s1 =	rddreg [dreg:$0x1];
	p0 =	sne.s32 s2, $0x0  }
0xa1: {  	s3 =	rddreg [dreg:$0x2];
	[bflag:$0x3] =	sbarrier.arrive $0xFFFF;
	s2 =	simm.s32 @!p0 $0x1C01  }
0xa2: {  	[timem:s3], [sflag:s2] =	dma.local @!p0 [hbm:s0], s1  }
0xa3: {  	s0 =	simm.s32 @!p0 $0x1  }
0xa4: {  	_ =	swait.ge @!p0 [sflag:s0], s1  }
0xa5: {  	s1 =	ssub.s32 @!p0 $0x0, s1;
	[sflag:s0] =	ssyncset.done @!p0 $0x0  }
0xa6: {  	[sflag:s0] =	ssyncadd.s32 @!p0 s1  }
0xa7: {  	[bflag:$0x3] =	sbarrier.arrive $0xFFFF  }
0xa8: {  	_ =	shalt  }

// kernel: kernel.8.cloned.1.call-start
scs
__scs_entry_jumppad:
0x0: {  	(pc) =	sbr.rel $0x88, $3  }
0x1: {  	(tag) =	ssettag $0x0;
	lr =	simm.s32 $0x1  }
0x2: {  	[smem:$0x3F9C] =	sst lr;
	_ =	strace $0xD0000000  }
0x3: {  	_ = 	snop  }
0x4: {  	_ = 	snop  }
0x5: {  	_ = 	snop  }
0x6: {  	_ = 	snop  }
0x7: {  	_ = 	snop  }
__scs_overlays_trampoline_lowered:
0x8: {  	[smem:$0x3FAB] =	sst s0  }
0x9: {  	[smem:$0x3FAC] =	sst s1  }
0xa: {  	[smem:$0x3FAD] =	sst s2  }
0xb: {  	[smem:$0x3FAE] =	sst s3  }
0xc: {  	[smem:$0x3FAF] =	sst s4  }
0xd: {  	[smem:$0x3FB0] =	sst s5  }
0xe: {  	[smem:$0x3FB1] =	sst s6  }
0xf: {  	[smem:$0x3FB2] =	sst s7  }
0x10: {  	[smem:$0x3FB3] =	sst s8  }
0x11: {  	[smem:$0x3FB4] =	sst s9;
	s0 =	simm.s32 @!p0 $0x0  }
0x12: {  	s1 =	sld [smem:$0x3F9A];
	s0 =	simm.s32 @p0 $0x1  }
0x13: {  	[smem:$0x3FB5] =	sst s0;
	s0 =	simm.s32 @!p1 $0x0  }
0x14: {  	s2 =	sld [smem:$0x3F99];
	s0 =	simm.s32 @p1 $0x1  }
0x15: {  	[smem:$0x3FB6] =	sst s0;
	s0 =	simm.s32 @!p2 $0x0  }
0x16: {  	s3 =	sld [smem:$0x3FDB];
	s0 =	simm.s32 @p2 $0x1  }
0x17: {  	s4 =	simm.s32 $0x1BF5;
	[smem:$0x3FB8] =	sst s0  }
0x18: {  	s0 =	sld [smem:$0x3F9B];
	_ =	swait.ge [sflag:s4], $0x0  }
0x19: {  	s7 =	sld [smem:$0x3F9C]  }
0x1a: {  	s8 =	sadd.s32 $0xFFFFE003, lr  }
0x1b: {  	s9 =	sadd.s32 $0xFFFFFEF7, lr;
	s5 =	simm.s32 $0xFFFFFFFF;
	p2 =	slt.u32 s8, $0xFFFFF086  }
0x1c: {  	p1 =	slt.u32 s9, $0xF7A;
	s5 =	simm.s32 @!p2 $0x0  }
0x1d: {  	s5 =	simm.s32 @p1 $0x1;
	p0 =	seq.s32 s7, s2  }
0x1e: {  	s7 =	smul.u32 @!p0 $0xF7A, s2;
	p2 =	seq.s32 @!p0 s5, $0x0  }
0x1f: {  	s9 =	smul.u32 $0xF7A, s1;
	s8 =	simm.s32 @!p0 $0x1BF5;
	p2 =	por !p2, p0  }
0x20: {  	[sflag:s8] =	ssyncset.s32 @!p0 $0xFFFFF086;
	s6 =	sadd.s32 @!p0 s3, s7;
	s7 =	simm.s32 @!p0 $0x108  }
0x21: {  	s3 =	sadd.s32 s3, s9;
	s6 =	sadd.s32 @!p0 $0x88, s6;
	s7 =	simm.s32 @p2 $0x1082  }
0x22: {  	[simem:s7], [sflag:s8] =	dma.local @!p0 [hbm:s6], $0xF7A  }
0x23: {  	s9 =	sor.u32 $0xD0000000, s2;
	s6 =	simm.s32 $0x108;
	_ =	swait.ge @!p0 [sflag:s8], $0x0  }
0x24: {  	s3 =	sadd.s32 $0x88, s3;
	s6 =	simm.s32 @!p1 $0x1082;
	[sflag:s4] =	ssyncset.s32 $0xFFFFF086  }
0x25: {  	[simem:s6], [sflag:s4] =	dma.local [hbm:s3], $0xF7A  }
0x26: {  	[smem:$0x3F9C] =	sst s1;
	(tag) =	ssettag s2;
	_ =	strace s9  }
0x27: {  	s1 =	sld [smem:$0x3FAC]  }
0x28: {  	s2 =	sld [smem:$0x3FAD]  }
0x29: {  	s4 =	sld [smem:$0x3FAF]  }
0x2a: {  	p0 =	seq.s32 s5, $0x0;
	s5 =	sld [smem:$0x3FB0]  }
0x2b: {  	s6 =	sld [smem:$0x3FB1]  }
0x2c: {  	s7 =	sld [smem:$0x3FB2]  }
0x2d: {  	s3 =	simm.s32 $0x108;
	s8 =	sld [smem:$0x3FB3]  }
0x2e: {  	s3 =	simm.s32 @!p0 $0x1082;
	s9 =	sld [smem:$0x3FB4]  }
0x2f: {  	lr =	sadd.s32 s0, s3;
	s0 =	sld [smem:$0x3FAB]  }
0x30: {  	s3 =	sld [smem:$0x3FAE]  }
0x31: {  	[smem:$0x3FB7] =	sst s10  }
0x32: {  	s10 =	sld [smem:$0x3FB5];
	_ =	sdelay $0x3  }
0x33: {  	p0 =	seq.s32 s10, $0x1;
	s10 =	sld [smem:$0x3FB7];
	_ =	sdelay $0x3  }
0x34: {  	[smem:$0x3FB7] =	sst s10  }
0x35: {  	s10 =	sld [smem:$0x3FB6];
	_ =	sdelay $0x3  }
0x36: {  	p1 =	seq.s32 s10, $0x1;
	s10 =	sld [smem:$0x3FB7];
	_ =	sdelay $0x3  }
0x37: {  	[smem:$0x3FB7] =	sst s10  }
0x38: {  	s10 =	sld [smem:$0x3FB8]  }
0x39: {  	_ = 	snop;
	(pc) =	sbr.ind lr, $3  }
0x3a: {  	_ = 	snop  }
0x3b: {  	_ = 	snop  }
0x3c: {  	p2 =	seq.s32 s10, $0x1;
	s10 =	sld [smem:$0x3FB7]  }
0x3d: {  	_ =	shalt  }
0x3e: {  	_ =	shalt  }
0x3f: {  	_ =	shalt  }
0x40: {  	_ =	shalt  }
0x41: {  	_ =	shalt  }
0x42: {  	_ =	shalt  }
0x43: {  	_ =	shalt  }
0x44: {  	_ =	shalt  }
0x45: {  	_ =	shalt  }
0x46: {  	_ =	shalt  }
0x47: {  	_ =	shalt  }
0x48: {  	_ =	shalt  }
0x49: {  	_ =	shalt  }
0x4a: {  	_ =	shalt  }
0x4b: {  	_ =	shalt  }
0x4c: {  	_ =	shalt  }
0x4d: {  	_ =	shalt  }
0x4e: {  	_ =	shalt  }
0x4f: {  	_ =	shalt  }
0x50: {  	_ =	shalt  }
0x51: {  	_ =	shalt  }
0x52: {  	_ =	shalt  }
0x53: {  	_ =	shalt  }
0x54: {  	_ =	shalt  }
0x55: {  	_ =	shalt  }
0x56: {  	_ =	shalt  }
0x57: {  	_ =	shalt  }
0x58: {  	_ =	shalt  }
0x59: {  	_ =	shalt  }
0x5a: {  	_ =	shalt  }
0x5b: {  	_ =	shalt  }
0x5c: {  	_ =	shalt  }
0x5d: {  	_ =	shalt  }
0x5e: {  	_ =	shalt  }
0x5f: {  	_ =	shalt  }
0x60: {  	_ =	shalt  }
0x61: {  	_ =	shalt  }
0x62: {  	_ =	shalt  }
0x63: {  	_ =	shalt  }
0x64: {  	_ =	shalt  }
0x65: {  	_ =	shalt  }
0x66: {  	_ =	shalt  }
0x67: {  	_ =	shalt  }
0x68: {  	_ =	shalt  }
0x69: {  	_ =	shalt  }
0x6a: {  	_ =	shalt  }
0x6b: {  	_ =	shalt  }
0x6c: {  	_ =	shalt  }
0x6d: {  	_ =	shalt  }
0x6e: {  	_ =	shalt  }
0x6f: {  	_ =	shalt  }
0x70: {  	_ =	shalt  }
0x71: {  	_ =	shalt  }
0x72: {  	_ =	shalt  }
0x73: {  	_ =	shalt  }
0x74: {  	_ =	shalt  }
0x75: {  	_ =	shalt  }
0x76: {  	_ =	shalt  }
0x77: {  	_ =	shalt  }
0x78: {  	_ =	shalt  }
0x79: {  	_ =	shalt  }
0x7a: {  	_ =	shalt  }
0x7b: {  	_ =	shalt  }
0x7c: {  	_ =	shalt  }
0x7d: {  	_ =	shalt  }
0x7e: {  	_ =	shalt  }
0x7f: {  	_ =	shalt  }
0x80: {  	_ =	shalt  }
0x81: {  	_ =	shalt  }
0x82: {  	_ =	shalt  }
0x83: {  	_ =	shalt  }
0x84: {  	_ =	shalt  }
0x85: {  	_ =	shalt  }
0x86: {  	_ =	shalt  }
0x87: {  	_ =	shalt  }
.Lfunc_end0:
.L_simem_size_0:
called_computation.1_lowered:
.L_overlay_start_0:
0x88: {  	s2 =	sld [smem:$0x3FD9]  }
0x89: {  	s3 =	sld [smem:$0x3FFE];
	_ =	sdelay $0x1  }
0x8a: {  	s1 =	srdreg.scid  }
0x8b: {  	s0 =	sand.u32 $0x1, s1  }
0x8c: {  	s16 =	sshll.u32 s0, $0xA;
	s2 =	sadd.s32 s3, s2  }
0x8d: {  	s2 =	sadd.s32 s2, s16  }
0x8e: {  	[smem:$0x3FC3] =	sst s2  }
0x8f: {  	_ = 	snop  }
0x90: {  	(tm) =	ssettm $0x1  }
0x91: {  	s17 =	sld [smem:$0x3FFB];
	_ =	sdelay $0x3  }
0x92: {  	_ =	strace s17  }
0x93: {  	s2 =	sld [smem:$0x3FFC];
	_ =	sdelay $0x3  }
0x94: {  	_ =	strace s2  }
0x95: {  	s2 =	sld [smem:$0x3FFD];
	_ =	sdelay $0x3  }
0x96: {  	_ =	strace s2  }
0x97: {  	_ =	strace $0x8FFFFFFF  }
0x98: {  	s18 =	sld [smem:$0x3FDB];
	_ =	sdelay $0x1  }
0x99: {  	s19 =	simm.s32 $_scs_section_size  }
0x9a: {  	s4 =	simm.s32 $_size__tile_overlayer_lowered;
	s5 =	simm.s32 $_tile_overlayer_lowered  }
0x9b: {  	s22 =	simm.s32 $0x1BFF;
	s21 =	sshll.u32 s5, $0x1;
	s2 =	sadd.s32 s19, s18  }
0x9c: {  	s6 =	simm.s32 $0x0;
	s20 =	sshll.u32 s4, $0x1;
	s4 =	sadd.s32 s21, s2  }
0x9d: {  	[timem:s6], [sflag:s22] =	dma.local [hbm:s4], s20  }
0x9e: {  	_ =	swait.ge [sflag:s22], s20  }
0x9f: {  	s3 =	ssub.s32 $0x0, s20;
	[sflag:s22] =	ssyncset.done $0x0  }
0xa0: {  	[sflag:s22] =	ssyncadd.s32 s3;
	_ =	sdelay $0x1  }
0xa1: {  	s23 =	simm.s32 $0x1B8B  }
0xa2: {  	_ =	swait.ge [sflag:s23], $0x1  }
0xa3: {  	[sflag:s23] =	ssyncset.done $0x0  }
0xa4: {  	s25 =	simm.s32 $0x1B8E;
	s24 =	sld [smem:$0x3FFE];
	[sflag:s23] =	ssyncadd.s32 $0xFFFFFFFF  }
0xa5: {  	s26 =	simm.s32 $execute0_lowered;
	[smem:$0x3FD2] =	sst s25  }
0xa6: {  	s4 =	sshll.u32 s26, $0x1;
	_ =	strace $0x80000049;
	[dreg:$0x1] =	wrdreg $0xFFFFFFFF  }
0xa7: {  	s28 =	simm.s32 $_size_execute0_lowered;
	s2 =	sadd.s32 s2, s4;
	[dreg:$0x0] =	wrdreg $0x0  }
0xa8: {  	s4 =	sshll.u32 s28, $0x1;
	[dreg:$0x2] =	wrdreg s2  }
0xa9: {  	[dreg:$0x3] =	wrdreg s4  }
0xaa: {  	[dreg:$0x4] =	wrdreg $0xC0  }
0xab: {  	_ =	task [dreg:s6], $0x5FFFF  }
0xac: {  	[dreg:$0x1] =	wrdreg $0xFFFFFFFF  }
0xad: {  	[dreg:$0x0] =	wrdreg $0x60  }
0xae: {  	[dreg:$0x2] =	wrdreg s24  }
0xaf: {  	[dreg:$0x3] =	wrdreg $0x9  }
0xb0: {  	_ =	task.clear_ibuf [dreg:s6], $0x4FFFF;
	_ =	strace $0x90000049  }
0xb1: {  	s29 =	simm.s32 $0x9;
	_ =	strace $0x8000004B  }
0xb2: {  	_ =	swait.ge [sflag:s29], $0x1  }
0xb3: {  	[sflag:s29] =	ssyncadd.s32 $0xFFFFFFFF  }
0xb4: {  	_ =	strace $0x9000004B  }
0xb5: {  	_ =	sfence  }
0xb6: {  	s30 =	sld [smem:$0x0];
	_ =	sdelay $0x2  }
0xb7: {  	s31 =	sshll.u32 s1, $0xD;
	s1 =	sshrl.u32 s1, $0x2  }
0xb8: {  	s3 =	sand.u32 $0x4000, s31;
	s1 =	sadd.s32 s1, s30  }
0xb9: {  	s0 =	sor.u32 s3, s0;
	s1 =	sshll.u32 s1, $0x11  }
0xba: {  	s0 =	sor.u32 s1, s0  }
0xbb: {  	s0 =	sadd.s32 $0x8F2B, s0  }
0xbc: {  	[sflag:s0] =	ssyncadd.remote.s32 $0x1  }
0xbd: {  	_ =	sfence.sel $0xFFFF  }
0xbe: {  	[dreg:$0x0] =	wrdreg $0xFFFFFFFF;
	(pc) =	sbr.abs _section_cstart, $3  }
0xbf: {  	[dreg:$0x1] =	wrdreg $0xFFFFFFFF  }
0xc0: {  	_ =	task.clear_ibuf [dreg:s6], $0x2FFFF;
	_ =	strace $0x9FFFFFFF  }
0xc1: {  	(tm) =	ssettm $0x7FFFFFFF  }
tec
execute0_lowered:
.L_overlay_start_1:
0x0: {  	(tag) =	ssettag $0x1  }
0x1: {  	s1 =	srdreg.scid;
	s3 =	stileid.u32  }
0x2: {  	s1 =	sand.u32 $0x1, s1;
	s3 =	sshll.u32 s3, $0x1  }
0x3: {  	s4 =	sor.u32 s1, s3  }
0x4: {  	s0 =	rddreg [dreg:$0x0];
	s2 =	simm.s32 $0x0;
	s5 =	sshll.u32 s4, $0xB  }
0x5: {  	[smem:$0x7FF] =	sst s2;
	s4 =	sshll.u32 s4, $0xA;
	s5 =	sadd.s32 s5, s0  }
0x6: {  	s3 =	sadd.s32 $0xF5600, s0;
	s0 =	sadd.s32 s4, s0;
	s20 =	sadd.s32 $0x1E9A00, s5  }
0x7: {  	_ =	strace $0x8000004A;
	s21 =	sadd.s32 $0x1200, s0;
	[dreg:$0x2] =	wrdreg s20  }
0x8: {  	s22 =	sadd.s32 $0x9200, s0;
	[dreg:$0x3] =	wrdreg s21  }
0x9: {  	s23 =	sadd.s32 $0x11200, s0;
	[dreg:$0x4] =	wrdreg s22  }
0xa: {  	s24 =	sadd.s32 $0x19200, s0;
	[dreg:$0x5] =	wrdreg s23  }
0xb: {  	s25 =	sadd.s32 $0x21200, s0;
	[dreg:$0x6] =	wrdreg s24  }
0xc: {  	s1 =	ssub.s32 $0x2, s1;
	s26 =	sadd.s32 $0x29200, s0;
	[dreg:$0x7] =	wrdreg s25  }
0xd: {  	s6 =	sshrl.u32 s1, $0x1;
	s5 =	sadd.s32 $0x31200, s0;
	[dreg:$0x8] =	wrdreg s26  }
0xe: {  	s1 =	ssub.s32 s1, s6;
	s6 =	sadd.s32 $0x1300, s0;
	[dreg:$0x9] =	wrdreg s5  }
0xf: {  	s7 =	sadd.s32 $0x9300, s0;
	[dreg:$0xa] =	wrdreg s6  }
0x10: {  	s8 =	sadd.s32 $0x11300, s0;
	[dreg:$0xb] =	wrdreg s7  }
0x11: {  	s9 =	sadd.s32 $0x19300, s0;
	[dreg:$0xc] =	wrdreg s8  }
0x12: {  	s10 =	sadd.s32 $0x21300, s0;
	[dreg:$0xd] =	wrdreg s9  }
0x13: {  	s11 =	sadd.s32 $0x29300, s0;
	[dreg:$0xe] =	wrdreg s10  }
0x14: {  	s12 =	sadd.s32 $0x31300, s0;
	[dreg:$0xf] =	wrdreg s11  }
0x15: {  	s13 =	sadd.s32 $0x1400, s0;
	[dreg:$0x10] =	wrdreg s12  }
0x16: {  	s14 =	sadd.s32 $0x9400, s0;
	[dreg:$0x11] =	wrdreg s13  }
0x17: {  	s15 =	sadd.s32 $0x11400, s0;
	[dreg:$0x12] =	wrdreg s14  }
0x18: {  	s28 =	simm.s32 $0x8C00;
	s16 =	sadd.s32 $0x19400, s0;
	[dreg:$0x13] =	wrdreg s15  }
0x19: {  	s29 =	simm.s32 $0x9000;
	s17 =	sadd.s32 $0x21400, s0;
	[dreg:$0x14] =	wrdreg s16  }
0x1a: {  	s30 =	simm.s32 $0x9400;
	s18 =	sadd.s32 $0x29400, s0;
	[dreg:$0x15] =	wrdreg s17  }
0x1b: {  	s31 =	simm.s32 $0x9800;
	s19 =	sadd.s32 $0x31400, s0;
	[dreg:$0x16] =	wrdreg s18  }
0x1c: {  	s4 =	simm.s32 $0xA400;
	[dreg:$0x17] =	wrdreg s19;
	s20 =	sadd.s32 $0x1500, s0  }
0x1d: {  	s21 =	sadd.s32 $0x9500, s0;
	s22 =	sadd.s32 $0x11500, s0;
	s23 =	sadd.s32 $0x19500, s0  }
0x1e: {  	s24 =	sadd.s32 $0x21500, s0;
	s25 =	sadd.s32 $0x29500, s0;
	s0 =	sadd.s32 $0x31500, s0  }
0x1f: {  	s26 =	smax.u32 s1, $0x1;
	s6 =	simm.s32 $0x80;
	s7 =	simm.s32 $0x4000  }
0x20: {  	s15 =	simm.s32 $0x1;
	s1 =	simm.s32 $0xA000;
	[dreg:$0x18] =	wrdreg s20  }
0x21: {  	s5 =	simm.s32 $0xA800;
	s8 =	simm.s32 $0xAC00;
	[dreg:$0x19] =	wrdreg s21  }
0x22: {  	s9 =	simm.s32 $0xB000;
	s10 =	simm.s32 $0xB400;
	[dreg:$0x1a] =	wrdreg s22  }
0x23: {  	s11 =	simm.s32 $0xB800;
	s12 =	simm.s32 $0xBC00;
	[dreg:$0x1b] =	wrdreg s23  }
0x24: {  	s13 =	simm.s32 $0xC000;
	s14 =	simm.s32 $0xC800;
	[dreg:$0x1c] =	wrdreg s24  }
0x25: {  	v0 =	vlaneseq.u32;
	s16 =	simm.s32 $0xD000;
	s17 =	simm.s32 $0xE000;
	[dreg:$0x1d] =	wrdreg s25  }
0x26: {  	v0 =	vmul.u32 $0x10, v0;
	s18 =	simm.s32 $0xE800;
	s19 =	simm.s32 $0xF000;
	[dreg:$0x1e] =	wrdreg s0  }
0x27: {  	[dreg:$0x1f] =	wrdreg s26;
	s25 =	simm.s32 $0x8400;
	s26 =	simm.s32 $0x8800  }
0x28: {  	v1 =	vor.u32 $0x8, v0;
	s0 =	simm.s32 $0x9C00;
	s20 =	simm.s32 $0xD800;
	s21 =	simm.s32 $0x0  }
.LBB2_1:
0x29: {  	s22 =	rddreg [dreg:$0x2];
	s24 =	simm.s32 $0x2  }
0x2a: {  	[tilespmem:s2], [sflag:$0x2] =	stream.linear.gather [hbm4b:s22+s2], $0x4000, $0x38;
	[tilespmem:$0xF800] =	vst v63  }
0x2b: {  	_ =	swait.ge [sflag:s24], $0x4000  }
0x2c: {  	[sflag:s24] =	ssyncset.done $0x0  }
0x2d: {  	[sflag:s24] =	ssyncadd.s32 $0xFFFFC000  }
0x2e: {  	[tilespmem:s7], [sflag:$0x1] =	stream.indirect.gather [hbm4b:s3+s6], $0x8, s2, s6, $0xb8;
	[tilespmem:$0xF800] =	vst v63  }
0x2f: {  	s23 =	simm.s32 $0x4400  }
0x30: {  	[tilespmem:s23], [sflag:$0x1] =	stream.indirect.gather [hbm4b:s3+s6], $0x8, s6, s6, $0xb8;
	[tilespmem:$0xF800] =	vst v63  }
0x31: {  	s24 =	simm.s32 $0x100;
	s23 =	simm.s32 $0x4800  }
0x32: {  	[tilespmem:s23], [sflag:$0x1] =	stream.indirect.gather [hbm4b:s3+s6], $0x8, s24, s6, $0xb8;
	[tilespmem:$0xF800] =	vst v63  }
0x33: {  	s23 =	simm.s32 $0x180;
	s24 =	simm.s32 $0x4C00  }
0x34: {  	[tilespmem:s24], [sflag:$0x1] =	stream.indirect.gather [hbm4b:s3+s6], $0x8, s23, s6, $0xb8;
	[tilespmem:$0xF800] =	vst v63  }
0x35: {  	s23 =	simm.s32 $0x200;
	s24 =	simm.s32 $0x5000  }
0x36: {  	[tilespmem:s24], [sflag:$0x1] =	stream.indirect.gather [hbm4b:s3+s6], $0x8, s23, s6, $0xb8;
	[tilespmem:$0xF800] =	vst v63  }
0x37: {  	s23 =	simm.s32 $0x280;
	s24 =	simm.s32 $0x5400  }
0x38: {  	[tilespmem:s24], [sflag:$0x1] =	stream.indirect.gather [hbm4b:s3+s6], $0x8, s23, s6, $0xb8;
	[tilespmem:$0xF800] =	vst v63  }
0x39: {  	s23 =	simm.s32 $0x300;
	s24 =	simm.s32 $0x5800  }
0x3a: {  	[tilespmem:s24], [sflag:$0x1] =	stream.indirect.gather [hbm4b:s3+s6], $0x8, s23, s6, $0xb8;
	[tilespmem:$0xF800] =	vst v63  }
0x3b: {  	s23 =	simm.s32 $0x380;
	s24 =	simm.s32 $0x5C00  }
0x3c: {  	[tilespmem:s24], [sflag:$0x1] =	stream.indirect.gather [hbm4b:s3+s6], $0x8, s23, s6, $0xb8;
	[tilespmem:$0xF800] =	vst v63  }
0x3d: {  	_ =	swait.ge [sflag:s15], $0x400  }
0x3e: {  	[sflag:s15] =	ssyncset.done $0x0  }
0x3f: {  	[sflag:s15] =	ssyncadd.s32 $0xFFFFFC00  }
0x40: {  	_ =	swait.ge [sflag:s15], $0x400  }
0x41: {  	[sflag:s15] =	ssyncset.done $0x0  }
0x42: {  	[sflag:s15] =	ssyncadd.s32 $0xFFFFFC00  }
0x43: {  	_ =	swait.ge [sflag:s15], $0x400  }
0x44: {  	[sflag:s15] =	ssyncset.done $0x0  }
0x45: {  	[sflag:s15] =	ssyncadd.s32 $0xFFFFFC00  }
0x46: {  	_ =	swait.ge [sflag:s15], $0x400  }
0x47: {  	[sflag:s15] =	ssyncset.done $0x0  }
0x48: {  	[sflag:s15] =	ssyncadd.s32 $0xFFFFFC00  }
0x49: {  	_ =	swait.ge [sflag:s15], $0x400  }
0x4a: {  	[sflag:s15] =	ssyncset.done $0x0  }
0x4b: {  	[sflag:s15] =	ssyncadd.s32 $0xFFFFFC00  }
0x4c: {  	_ =	swait.ge [sflag:s15], $0x400  }
0x4d: {  	[sflag:s15] =	ssyncset.done $0x0  }
0x4e: {  	[sflag:s15] =	ssyncadd.s32 $0xFFFFFC00  }
0x4f: {  	_ =	swait.ge [sflag:s15], $0x400  }
0x50: {  	[sflag:s15] =	ssyncset.done $0x0  }
0x51: {  	[sflag:s15] =	ssyncadd.s32 $0xFFFFFC00  }
0x52: {  	_ =	swait.ge [sflag:s15], $0x400  }
0x53: {  	[sflag:s15] =	ssyncset.done $0x0  }
0x54: {  	s23 =	simm.s32 $0x400;
	s24 =	simm.s32 $0x6000;
	[sflag:s15] =	ssyncadd.s32 $0xFFFFFC00  }
0x55: {  	[tilespmem:s24], [sflag:$0x1] =	stream.indirect.gather [hbm4b:s3+s6], $0x8, s23, s6, $0xb8;
	[tilespmem:$0xF800] =	vst v63  }
0x56: {  	s23 =	simm.s32 $0x480;
	s24 =	simm.s32 $0x6400  }
0x57: {  	[tilespmem:s24], [sflag:$0x1] =	stream.indirect.gather [hbm4b:s3+s6], $0x8, s23, s6, $0xb8;
	[tilespmem:$0xF800] =	vst v63  }
0x58: {  	s23 =	simm.s32 $0x500;
	s24 =	simm.s32 $0x6800  }
0x59: {  	[tilespmem:s24], [sflag:$0x1] =	stream.indirect.gather [hbm4b:s3+s6], $0x8, s23, s6, $0xb8;
	[tilespmem:$0xF800] =	vst v63  }
0x5a: {  	s23 =	simm.s32 $0x580;
	s24 =	simm.s32 $0x6C00  }
0x5b: {  	[tilespmem:s24], [sflag:$0x1] =	stream.indirect.gather [hbm4b:s3+s6], $0x8, s23, s6, $0xb8;
	[tilespmem:$0xF800] =	vst v63  }
0x5c: {  	s23 =	simm.s32 $0x600;
	s24 =	simm.s32 $0x7000  }
0x5d: {  	[tilespmem:s24], [sflag:$0x1] =	stream.indirect.gather [hbm4b:s3+s6], $0x8, s23, s6, $0xb8;
	[tilespmem:$0xF800] =	vst v63  }
0x5e: {  	s23 =	simm.s32 $0x680;
	s24 =	simm.s32 $0x7400  }
0x5f: {  	[tilespmem:s24], [sflag:$0x1] =	stream.indirect.gather [hbm4b:s3+s6], $0x8, s23, s6, $0xb8;
	[tilespmem:$0xF800] =	vst v63  }
0x60: {  	s23 =	simm.s32 $0x700;
	s24 =	simm.s32 $0x7800  }
0x61: {  	[tilespmem:s24], [sflag:$0x1] =	stream.indirect.gather [hbm4b:s3+s6], $0x8, s23, s6, $0xb8;
	[tilespmem:$0xF800] =	vst v63  }
0x62: {  	s23 =	simm.s32 $0x780;
	s24 =	simm.s32 $0x7C00  }
0x63: {  	[tilespmem:s24], [sflag:$0x1] =	stream.indirect.gather [hbm4b:s3+s6], $0x8, s23, s6, $0xb8;
	[tilespmem:$0xF800] =	vst v63  }
0x64: {  	_ =	swait.ge [sflag:s15], $0x400  }
0x65: {  	[sflag:s15] =	ssyncset.done $0x0  }
0x66: {  	[sflag:s15] =	ssyncadd.s32 $0xFFFFFC00  }
0x67: {  	_ =	swait.ge [sflag:s15], $0x400  }
0x68: {  	[sflag:s15] =	ssyncset.done $0x0  }
0x69: {  	[sflag:s15] =	ssyncadd.s32 $0xFFFFFC00  }
0x6a: {  	_ =	swait.ge [sflag:s15], $0x400  }
0x6b: {  	[sflag:s15] =	ssyncset.done $0x0  }
0x6c: {  	[sflag:s15] =	ssyncadd.s32 $0xFFFFFC00  }
0x6d: {  	_ =	swait.ge [sflag:s15], $0x400  }
0x6e: {  	[sflag:s15] =	ssyncset.done $0x0  }
0x6f: {  	[sflag:s15] =	ssyncadd.s32 $0xFFFFFC00  }
0x70: {  	_ =	swait.ge [sflag:s15], $0x400  }
0x71: {  	[sflag:s15] =	ssyncset.done $0x0  }
0x72: {  	[sflag:s15] =	ssyncadd.s32 $0xFFFFFC00  }
0x73: {  	_ =	swait.ge [sflag:s15], $0x400  }
0x74: {  	[sflag:s15] =	ssyncset.done $0x0  }
0x75: {  	[sflag:s15] =	ssyncadd.s32 $0xFFFFFC00  }
0x76: {  	_ =	swait.ge [sflag:s15], $0x400  }
0x77: {  	[sflag:s15] =	ssyncset.done $0x0  }
0x78: {  	[sflag:s15] =	ssyncadd.s32 $0xFFFFFC00  }
0x79: {  	_ =	swait.ge [sflag:s15], $0x400  }
0x7a: {  	[sflag:s15] =	ssyncset.done $0x0  }
0x7b: {  	s23 =	simm.s32 $0x800;
	s24 =	simm.s32 $0x8000;
	[sflag:s15] =	ssyncadd.s32 $0xFFFFFC00  }
0x7c: {  	[tilespmem:s24], [sflag:$0x1] =	stream.indirect.gather [hbm4b:s3+s6], $0x8, s23, s6, $0xb8;
	[tilespmem:$0xF800] =	vst v63  }
0x7d: {  	s24 =	simm.s32 $0x880  }
0x7e: {  	[tilespmem:s25], [sflag:$0x1] =	stream.indirect.gather [hbm4b:s3+s6], $0x8, s24, s6, $0xb8;
	[tilespmem:$0xF800] =	vst v63  }
0x7f: {  	s23 =	simm.s32 $0x900  }
0x80: {  	[tilespmem:s26], [sflag:$0x1] =	stream.indirect.gather [hbm4b:s3+s6], $0x8, s23, s6, $0xb8;
	[tilespmem:$0xF800] =	vst v63  }
0x81: {  	s24 =	simm.s32 $0x980  }
0x82: {  	[tilespmem:s28], [sflag:$0x1] =	stream.indirect.gather [hbm4b:s3+s6], $0x8, s24, s6, $0xb8;
	[tilespmem:$0xF800] =	vst v63  }
0x83: {  	s25 =	simm.s32 $0xA00  }
0x84: {  	[tilespmem:s29], [sflag:$0x1] =	stream.indirect.gather [hbm4b:s3+s6], $0x8, s25, s6, $0xb8;
	[tilespmem:$0xF800] =	vst v63  }
0x85: {  	s23 =	simm.s32 $0xA80  }
0x86: {  	[tilespmem:s30], [sflag:$0x1] =	stream.indirect.gather [hbm4b:s3+s6], $0x8, s23, s6, $0xb8;
	[tilespmem:$0xF800] =	vst v63  }
0x87: {  	s24 =	simm.s32 $0xB00  }
0x88: {  	[tilespmem:s31], [sflag:$0x1] =	stream.indirect.gather [hbm4b:s3+s6], $0x8, s24, s6, $0xb8;
	[tilespmem:$0xF800] =	vst v63  }
0x89: {  	s25 =	simm.s32 $0xB80  }
0x8a: {  	[tilespmem:s0], [sflag:$0x1] =	stream.indirect.gather [hbm4b:s3+s6], $0x8, s25, s6, $0xb8;
	[tilespmem:$0xF800] =	vst v63  }
0x8b: {  	_ =	swait.ge [sflag:s15], $0x400  }
0x8c: {  	[sflag:s15] =	ssyncset.done $0x0  }
0x8d: {  	[sflag:s15] =	ssyncadd.s32 $0xFFFFFC00  }
0x8e: {  	_ =	swait.ge [sflag:s15], $0x400  }
0x8f: {  	[sflag:s15] =	ssyncset.done $0x0  }
0x90: {  	[sflag:s15] =	ssyncadd.s32 $0xFFFFFC00  }
0x91: {  	_ =	swait.ge [sflag:s15], $0x400  }
0x92: {  	[sflag:s15] =	ssyncset.done $0x0  }
0x93: {  	[sflag:s15] =	ssyncadd.s32 $0xFFFFFC00  }
0x94: {  	_ =	swait.ge [sflag:s15], $0x400  }
0x95: {  	[sflag:s15] =	ssyncset.done $0x0  }
0x96: {  	[sflag:s15] =	ssyncadd.s32 $0xFFFFFC00  }
0x97: {  	_ =	swait.ge [sflag:s15], $0x400  }
0x98: {  	[sflag:s15] =	ssyncset.done $0x0  }
0x99: {  	[sflag:s15] =	ssyncadd.s32 $0xFFFFFC00  }
0x9a: {  	_ =	swait.ge [sflag:s15], $0x400  }
0x9b: {  	[sflag:s15] =	ssyncset.done $0x0  }
0x9c: {  	[sflag:s15] =	ssyncadd.s32 $0xFFFFFC00  }
0x9d: {  	_ =	swait.ge [sflag:s15], $0x400  }
0x9e: {  	[sflag:s15] =	ssyncset.done $0x0  }
0x9f: {  	[sflag:s15] =	ssyncadd.s32 $0xFFFFFC00  }
0xa0: {  	_ =	swait.ge [sflag:s15], $0x400  }
0xa1: {  	[sflag:s15] =	ssyncset.done $0x0  }
0xa2: {  	s23 =	simm.s32 $0xC00;
	[sflag:s15] =	ssyncadd.s32 $0xFFFFFC00  }
0xa3: {  	[tilespmem:s1], [sflag:$0x1] =	stream.indirect.gather [hbm4b:s3+s6], $0x8, s23, s6, $0xb8;
	[tilespmem:$0xF800] =	vst v63  }
0xa4: {  	s24 =	simm.s32 $0xC80  }
0xa5: {  	[tilespmem:s4], [sflag:$0x1] =	stream.indirect.gather [hbm4b:s3+s6], $0x8, s24, s6, $0xb8;
	[tilespmem:$0xF800] =	vst v63  }
0xa6: {  	s25 =	simm.s32 $0xD00  }
0xa7: {  	[tilespmem:s5], [sflag:$0x1] =	stream.indirect.gather [hbm4b:s3+s6], $0x8, s25, s6, $0xb8;
	[tilespmem:$0xF800] =	vst v63  }
0xa8: {  	s23 =	simm.s32 $0xD80  }
0xa9: {  	[tilespmem:s8], [sflag:$0x1] =	stream.indirect.gather [hbm4b:s3+s6], $0x8, s23, s6, $0xb8;
	[tilespmem:$0xF800] =	vst v63  }
0xaa: {  	s24 =	simm.s32 $0xE00  }
0xab: {  	[tilespmem:s9], [sflag:$0x1] =	stream.indirect.gather [hbm4b:s3+s6], $0x8, s24, s6, $0xb8;
	[tilespmem:$0xF800] =	vst v63  }
0xac: {  	s25 =	simm.s32 $0xE80  }
0xad: {  	[tilespmem:s10], [sflag:$0x1] =	stream.indirect.gather [hbm4b:s3+s6], $0x8, s25, s6, $0xb8;
	[tilespmem:$0xF800] =	vst v63  }
0xae: {  	s23 =	simm.s32 $0xF00  }
0xaf: {  	[tilespmem:s11], [sflag:$0x1] =	stream.indirect.gather [hbm4b:s3+s6], $0x8, s23, s6, $0xb8;
	[tilespmem:$0xF800] =	vst v63  }
0xb0: {  	s24 =	simm.s32 $0xF80  }
0xb1: {  	[tilespmem:s12], [sflag:$0x1] =	stream.indirect.gather [hbm4b:s3+s6], $0x8, s24, s6, $0xb8;
	[tilespmem:$0xF800] =	vst v63  }
0xb2: {  	_ =	swait.ge [sflag:s15], $0x400  }
0xb3: {  	[sflag:s15] =	ssyncset.done $0x0  }
0xb4: {  	[sflag:s15] =	ssyncadd.s32 $0xFFFFFC00  }
0xb5: {  	_ =	swait.ge [sflag:s15], $0x400  }
0xb6: {  	[sflag:s15] =	ssyncset.done $0x0  }
0xb7: {  	[sflag:s15] =	ssyncadd.s32 $0xFFFFFC00  }
0xb8: {  	_ =	swait.ge [sflag:s15], $0x400  }
0xb9: {  	[sflag:s15] =	ssyncset.done $0x0  }
0xba: {  	[sflag:s15] =	ssyncadd.s32 $0xFFFFFC00  }
0xbb: {  	_ =	swait.ge [sflag:s15], $0x400  }
0xbc: {  	[sflag:s15] =	ssyncset.done $0x0  }
0xbd: {  	[sflag:s15] =	ssyncadd.s32 $0xFFFFFC00  }
0xbe: {  	_ =	swait.ge [sflag:s15], $0x400  }
0xbf: {  	[sflag:s15] =	ssyncset.done $0x0  }
0xc0: {  	[sflag:s15] =	ssyncadd.s32 $0xFFFFFC00  }
0xc1: {  	_ =	swait.ge [sflag:s15], $0x400  }
0xc2: {  	[sflag:s15] =	ssyncset.done $0x0  }
0xc3: {  	v2 =	vmov s2;
	[sflag:s15] =	ssyncadd.s32 $0xFFFFFC00  }
0xc4: {  	v2 =	vshll.u32 v2, $0x3;
	_ =	swait.ge [sflag:s15], $0x400  }
0xc5: {  	v3 =	vor.u32 v1, v2;
	[sflag:s15] =	ssyncset.done $0x0  }
0xc6: {  	v2 =	vor.u32 v0, v2;
	[sflag:s15] =	ssyncadd.s32 $0xFFFFFC00  }
0xc7: {  	_ =	swait.ge [sflag:s15], $0x400  }
0xc8: {  	[sflag:s15] =	ssyncset.done $0x0  }
0xc9: {  	[sflag:s15] =	ssyncadd.s32 $0xFFFFFC00  }
0xca: {  	v4 =	vld.idx.msk [tilespmem:v3+s7+$0x0], $0xffff  }
0xcb: {  	v5 =	vld.idx.msk [tilespmem:v2+s7+$0x0], $0xffff;
	_ =	sdelay $0x2  }
0xcc: {  	v6 =	vor.u32 $0x1, v2;
	_ =	sdelay $0x1  }
0xcd: {  	v4 =	vmul.f32 v4, v5;
	_ =	sdelay $0x1  }
0xce: {  	[tilespmem:s20+$0xFFFFE800] =	vst v4  }
0xcf: {  	v4 =	vld.idx.msk [tilespmem:v6+s7+$0x0], $0xffff  }
0xd0: {  	v5 =	vor.u32 $0x1, v3;
	_ =	sdelay $0x3  }
0xd1: {  	[tilespmem:s20+$0xFFFFF000] =	vst v4  }
0xd2: {  	v4 =	vld.idx.msk [tilespmem:v5+s7+$0x0], $0xffff  }
0xd3: {  	v5 =	vor.u32 $0x2, v2;
	_ =	sdelay $0x3  }
0xd4: {  	[tilespmem:s20+$0x800] =	vst v4  }
0xd5: {  	v4 =	vld.idx.msk [tilespmem:v5+s7+$0x0], $0xffff  }
0xd6: {  	v5 =	vor.u32 $0x2, v3;
	_ =	sdelay $0x3  }
0xd7: {  	[tilespmem:s20+$0xFFFFF800] =	vst v4  }
0xd8: {  	v4 =	vld.idx.msk [tilespmem:v5+s7+$0x0], $0xffff  }
0xd9: {  	v2 =	vor.u32 $0x3, v2;
	_ =	sdelay $0x3  }
0xda: {  	[tilespmem:s20+$0x1000] =	vst v4  }
0xdb: {  	v2 =	vld.idx.msk [tilespmem:v2+s7+$0x0], $0xffff  }
0xdc: {  	v3 =	vor.u32 $0x3, v3;
	_ =	sdelay $0x2  }
0xdd: {  	s25 =	simm.s32 $0x20  }
0xde: {  	v4 =	vmov s25;
	[tilespmem:s20+$0x0] =	vst v2  }
0xdf: {  	s22 =	simm.s32 $0xD800;
	s23 =	simm.s32 $0x40;
	v2 =	vld.idx.msk [tilespmem:v3+s7+$0x0], $0xffff;
	v3 =	vshll.u32 v4, $0x3  }
.LBB2_2:
0xe0: {  	p0 =	sne.s32 s23, $0xFE0;
	v4 =	vor.u32 v1, v3  }
0xe1: {  	v3 =	vor.u32 v0, v3;
	_ =	sdelay $0x2  }
0xe2: {  	[tilespmem:s22+$0x1800] =	vst v2  }
0xe3: {  	v2 =	vld.idx.msk [tilespmem:v4+s7+$0x0], $0xffff  }
0xe4: {  	v5 =	vld.idx.msk [tilespmem:v3+s7+$0x0], $0xffff;
	_ =	sdelay $0x3  }
0xe5: {  	v6 =	vor.u32 $0x1, v3;
	_ =	sdelay $0x1  }
0xe6: {  	v2 =	vmul.f32 v2, v5  }
0xe7: {  	s22 =	sadd.s32 $0x10, s22  }
0xe8: {  	[tilespmem:s22+$0xFFFFE800] =	vst v2  }
0xe9: {  	v2 =	vld.idx.msk [tilespmem:v6+s7+$0x0], $0xffff;
	_ =	sdelay $0x1  }
0xea: {  	v5 =	vor.u32 $0x1, v4;
	_ =	sdelay $0x3  }
0xeb: {  	[tilespmem:s22+$0xFFFFF000] =	vst v2  }
0xec: {  	v2 =	vld.idx.msk [tilespmem:v5+s7+$0x0], $0xffff;
	_ =	sdelay $0x1  }
0xed: {  	v5 =	vor.u32 $0x2, v3;
	_ =	sdelay $0x3  }
0xee: {  	[tilespmem:s22+$0x800] =	vst v2  }
0xef: {  	v2 =	vld.idx.msk [tilespmem:v5+s7+$0x0], $0xffff;
	_ =	sdelay $0x1  }
0xf0: {  	v5 =	vor.u32 $0x2, v4;
	_ =	sdelay $0x3  }
0xf1: {  	[tilespmem:s22+$0xFFFFF800] =	vst v2  }
0xf2: {  	v2 =	vld.idx.msk [tilespmem:v5+s7+$0x0], $0xffff;
	_ =	sdelay $0x1  }
0xf3: {  	v3 =	vor.u32 $0x3, v3;
	_ =	sdelay $0x3  }
0xf4: {  	[tilespmem:s22+$0x1000] =	vst v2  }
0xf5: {  	v2 =	vld.idx.msk [tilespmem:v3+s7+$0x0], $0xffff;
	_ =	sdelay $0x1  }
0xf6: {  	v3 =	vor.u32 $0x3, v4;
	_ =	sdelay $0x1  }
.Ltmp0:
0xf7: {  	(pc) =	sbr.rel @p0 .LBB2_2-.Ltmp0, $4  }
0xf8: {  	_ = 	snop  }
0xf9: {  	[tilespmem:s22+$0x0] =	vst v2  }
0xfa: {  	v4 =	vmov s23;
	v2 =	vld.idx.msk [tilespmem:v3+s7+$0x0], $0xffff  }
0xfb: {  	s23 =	sadd.s32 $0x20, s23;
	v3 =	vshll.u32 v4, $0x3  }
0xfc: {  	v4 =	vor.u32 v1, v3  }
0xfd: {  	v3 =	vor.u32 v0, v3;
	_ =	sdelay $0x2  }
0xfe: {  	[tilespmem:s22+$0x1800] =	vst v2  }
0xff: {  	v2 =	vld.idx.msk [tilespmem:v4+s7+$0x0], $0xffff  }
0x100: {  	v5 =	vld.idx.msk [tilespmem:v3+s7+$0x0], $0xffff;
	_ =	sdelay $0x2  }
0x101: {  	v6 =	vor.u32 $0x1, v3;
	_ =	sdelay $0x1  }
0x102: {  	v2 =	vmul.f32 v2, v5  }
0x103: {  	s23 =	sadd.s32 $0x10, s22  }
0x104: {  	[tilespmem:s23+$0xFFFFE800] =	vst v2  }
0x105: {  	v2 =	vld.idx.msk [tilespmem:v6+s7+$0x0], $0xffff  }
0x106: {  	v5 =	vor.u32 $0x1, v4;
	_ =	sdelay $0x3  }
0x107: {  	[tilespmem:s23+$0xFFFFF000] =	vst v2  }
0x108: {  	v2 =	vld.idx.msk [tilespmem:v5+s7+$0x0], $0xffff  }
0x109: {  	v5 =	vor.u32 $0x2, v3;
	_ =	sdelay $0x3  }
0x10a: {  	[tilespmem:s23+$0x800] =	vst v2  }
0x10b: {  	v2 =	vld.idx.msk [tilespmem:v5+s7+$0x0], $0xffff  }
0x10c: {  	v5 =	vor.u32 $0x2, v4;
	_ =	sdelay $0x3  }
0x10d: {  	[tilespmem:s23+$0xFFFFF800] =	vst v2  }
0x10e: {  	v2 =	vld.idx.msk [tilespmem:v5+s7+$0x0], $0xffff  }
0x10f: {  	v3 =	vor.u32 $0x3, v3;
	_ =	sdelay $0x3  }
0x110: {  	[tilespmem:s23+$0x1000] =	vst v2  }
0x111: {  	v2 =	vld.idx.msk [tilespmem:v3+s7+$0x0], $0xffff  }
0x112: {  	v3 =	vor.u32 $0x3, v4;
	_ =	sdelay $0x3  }
0x113: {  	[tilespmem:s23+$0x0] =	vst v2  }
0x114: {  	v2 =	vld.idx.msk [tilespmem:v3+s7+$0x0], $0xffff;
	_ =	sdelay $0x4  }
0x115: {  	s24 =	rddreg [dreg:$0x3];
	[tilespmem:s23+$0x1800] =	vst v2;
	s23 =	simm.s32 $0x0  }
0x116: {  	[hbm4b:s24+s23] =	stream.linear.scatter [tilespmem:s13], [sflag:$0x1], $0x800, $0x38;
	[tilespmem:$0xF800] =	vst v63  }
0x117: {  	s25 =	rddreg [dreg:$0x4]  }
0x118: {  	[hbm4b:s25+s23] =	stream.linear.scatter [tilespmem:s14], [sflag:$0x1], $0x800, $0x38;
	[tilespmem:$0xF800] =	vst v63  }
0x119: {  	s24 =	rddreg [dreg:$0x5]  }
0x11a: {  	[hbm4b:s24+s23] =	stream.linear.scatter [tilespmem:s16], [sflag:$0x1], $0x800, $0x38;
	[tilespmem:$0xF800] =	vst v63  }
0x11b: {  	s22 =	simm.s32 $0xD800;
	s24 =	rddreg [dreg:$0x6]  }
0x11c: {  	[hbm4b:s24+s23] =	stream.linear.scatter [tilespmem:s22], [sflag:$0x1], $0x800, $0x38;
	[tilespmem:$0xF800] =	vst v63  }
0x11d: {  	s25 =	rddreg [dreg:$0x7]  }
0x11e: {  	[hbm4b:s25+s23] =	stream.linear.scatter [tilespmem:s17], [sflag:$0x1], $0x800, $0x38;
	[tilespmem:$0xF800] =	vst v63  }
0x11f: {  	s25 =	rddreg [dreg:$0x8]  }
0x120: {  	[hbm4b:s25+s23] =	stream.linear.scatter [tilespmem:s18], [sflag:$0x1], $0x800, $0x38;
	[tilespmem:$0xF800] =	vst v63  }
0x121: {  	s25 =	rddreg [dreg:$0x9]  }
0x122: {  	[hbm4b:s25+s23] =	stream.linear.scatter [tilespmem:s19], [sflag:$0x1], $0x800, $0x38;
	[tilespmem:$0xF800] =	vst v63  }
0x123: {  	_ =	swait.ge [sflag:s15], $0x800  }
0x124: {  	[sflag:s15] =	ssyncset.done $0x0  }
0x125: {  	[sflag:s15] =	ssyncadd.s32 $0xFFFFF800  }
0x126: {  	_ =	swait.ge [sflag:s15], $0x800  }
0x127: {  	[sflag:s15] =	ssyncset.done $0x0  }
0x128: {  	[sflag:s15] =	ssyncadd.s32 $0xFFFFF800  }
0x129: {  	_ =	swait.ge [sflag:s15], $0x800  }
0x12a: {  	[sflag:s15] =	ssyncset.done $0x0  }
0x12b: {  	[sflag:s15] =	ssyncadd.s32 $0xFFFFF800  }
0x12c: {  	_ =	swait.ge [sflag:s15], $0x800  }
0x12d: {  	[sflag:s15] =	ssyncset.done $0x0  }
0x12e: {  	[sflag:s15] =	ssyncadd.s32 $0xFFFFF800  }
0x12f: {  	_ =	swait.ge [sflag:s15], $0x800  }
0x130: {  	[sflag:s15] =	ssyncset.done $0x0  }
0x131: {  	[sflag:s15] =	ssyncadd.s32 $0xFFFFF800  }
0x132: {  	_ =	swait.ge [sflag:s15], $0x800  }
0x133: {  	[sflag:s15] =	ssyncset.done $0x0  }
0x134: {  	[sflag:s15] =	ssyncadd.s32 $0xFFFFF800  }
0x135: {  	_ =	swait.ge [sflag:s15], $0x800  }
0x136: {  	[sflag:s15] =	ssyncset.done $0x0  }
0x137: {  	s25 =	simm.s32 $0x1000;
	[sflag:s15] =	ssyncadd.s32 $0xFFFFF800  }
0x138: {  	[tilespmem:s7], [sflag:$0x1] =	stream.indirect.gather [hbm4b:s3+s6], $0x8, s25, s6, $0xb8;
	[tilespmem:$0xF800] =	vst v63  }
0x139: {  	s24 =	simm.s32 $0x4400;
	s25 =	simm.s32 $0x1080  }
0x13a: {  	[tilespmem:s24], [sflag:$0x1] =	stream.indirect.gather [hbm4b:s3+s6], $0x8, s25, s6, $0xb8;
	[tilespmem:$0xF800] =	vst v63  }
0x13b: {  	s24 =	simm.s32 $0x4800;
	s25 =	simm.s32 $0x1100  }
0x13c: {  	[tilespmem:s24], [sflag:$0x1] =	stream.indirect.gather [hbm4b:s3+s6], $0x8, s25, s6, $0xb8;
	[tilespmem:$0xF800] =	vst v63  }
0x13d: {  	s24 =	simm.s32 $0x4C00;
	s25 =	simm.s32 $0x1180  }
0x13e: {  	[tilespmem:s24], [sflag:$0x1] =	stream.indirect.gather [hbm4b:s3+s6], $0x8, s25, s6, $0xb8;
	[tilespmem:$0xF800] =	vst v63  }
0x13f: {  	s24 =	simm.s32 $0x5000;
	s25 =	simm.s32 $0x1200  }
0x140: {  	[tilespmem:s24], [sflag:$0x1] =	stream.indirect.gather [hbm4b:s3+s6], $0x8, s25, s6, $0xb8;
	[tilespmem:$0xF800] =	vst v63  }
0x141: {  	s24 =	simm.s32 $0x5400;
	s25 =	simm.s32 $0x1280  }
0x142: {  	[tilespmem:s24], [sflag:$0x1] =	stream.indirect.gather [hbm4b:s3+s6], $0x8, s25, s6, $0xb8;
	[tilespmem:$0xF800] =	vst v63  }
0x143: {  	s24 =	simm.s32 $0x5800;
	s25 =	simm.s32 $0x1300  }
0x144: {  	[tilespmem:s24], [sflag:$0x1] =	stream.indirect.gather [hbm4b:s3+s6], $0x8, s25, s6, $0xb8;
	[tilespmem:$0xF800] =	vst v63  }
0x145: {  	s24 =	simm.s32 $0x5C00;
	s25 =	simm.s32 $0x1380  }
0x146: {  	[tilespmem:s24], [sflag:$0x1] =	stream.indirect.gather [hbm4b:s3+s6], $0x8, s25, s6, $0xb8;
	[tilespmem:$0xF800] =	vst v63  }
0x147: {  	_ =	swait.ge [sflag:s15], $0x400  }
0x148: {  	[sflag:s15] =	ssyncset.done $0x0  }
0x149: {  	[sflag:s15] =	ssyncadd.s32 $0xFFFFFC00  }
0x14a: {  	_ =	swait.ge [sflag:s15], $0x400  }
0x14b: {  	[sflag:s15] =	ssyncset.done $0x0  }
0x14c: {  	[sflag:s15] =	ssyncadd.s32 $0xFFFFFC00  }
0x14d: {  	_ =	swait.ge [sflag:s15], $0x400  }
0x14e: {  	[sflag:s15] =	ssyncset.done $0x0  }
0x14f: {  	[sflag:s15] =	ssyncadd.s32 $0xFFFFFC00  }
0x150: {  	_ =	swait.ge [sflag:s15], $0x400  }
0x151: {  	[sflag:s15] =	ssyncset.done $0x0  }
0x152: {  	[sflag:s15] =	ssyncadd.s32 $0xFFFFFC00  }
0x153: {  	_ =	swait.ge [sflag:s15], $0x400  }
0x154: {  	[sflag:s15] =	ssyncset.done $0x0  }
0x155: {  	[sflag:s15] =	ssyncadd.s32 $0xFFFFFC00  }
0x156: {  	_ =	swait.ge [sflag:s15], $0x400  }
0x157: {  	[sflag:s15] =	ssyncset.done $0x0  }
0x158: {  	[sflag:s15] =	ssyncadd.s32 $0xFFFFFC00  }
0x159: {  	_ =	swait.ge [sflag:s15], $0x400  }
0x15a: {  	[sflag:s15] =	ssyncset.done $0x0  }
0x15b: {  	[sflag:s15] =	ssyncadd.s32 $0xFFFFFC00  }
0x15c: {  	_ =	swait.ge [sflag:s15], $0x400  }
0x15d: {  	[sflag:s15] =	ssyncset.done $0x0  }
0x15e: {  	s24 =	simm.s32 $0x6000;
	s25 =	simm.s32 $0x1400;
	[sflag:s15] =	ssyncadd.s32 $0xFFFFFC00  }
0x15f: {  	[tilespmem:s24], [sflag:$0x1] =	stream.indirect.gather [hbm4b:s3+s6], $0x8, s25, s6, $0xb8;
	[tilespmem:$0xF800] =	vst v63  }
0x160: {  	s24 =	simm.s32 $0x6400;
	s25 =	simm.s32 $0x1480  }
0x161: {  	[tilespmem:s24], [sflag:$0x1] =	stream.indirect.gather [hbm4b:s3+s6], $0x8, s25, s6, $0xb8;
	[tilespmem:$0xF800] =	vst v63  }
0x162: {  	s24 =	simm.s32 $0x6800;
	s25 =	simm.s32 $0x1500  }
0x163: {  	[tilespmem:s24], [sflag:$0x1] =	stream.indirect.gather [hbm4b:s3+s6], $0x8, s25, s6, $0xb8;
	[tilespmem:$0xF800] =	vst v63  }
0x164: {  	s24 =	simm.s32 $0x6C00;
	s25 =	simm.s32 $0x1580  }
0x165: {  	[tilespmem:s24], [sflag:$0x1] =	stream.indirect.gather [hbm4b:s3+s6], $0x8, s25, s6, $0xb8;
	[tilespmem:$0xF800] =	vst v63  }
0x166: {  	s24 =	simm.s32 $0x7000;
	s25 =	simm.s32 $0x1600  }
0x167: {  	[tilespmem:s24], [sflag:$0x1] =	stream.indirect.gather [hbm4b:s3+s6], $0x8, s25, s6, $0xb8;
	[tilespmem:$0xF800] =	vst v63  }
0x168: {  	s24 =	simm.s32 $0x7400;
	s25 =	simm.s32 $0x1680  }
0x169: {  	[tilespmem:s24], [sflag:$0x1] =	stream.indirect.gather [hbm4b:s3+s6], $0x8, s25, s6, $0xb8;
	[tilespmem:$0xF800] =	vst v63  }
0x16a: {  	s24 =	simm.s32 $0x7800;
	s25 =	simm.s32 $0x1700  }
0x16b: {  	[tilespmem:s24], [sflag:$0x1] =	stream.indirect.gather [hbm4b:s3+s6], $0x8, s25, s6, $0xb8;
	[tilespmem:$0xF800] =	vst v63  }
0x16c: {  	s24 =	simm.s32 $0x7C00;
	s25 =	simm.s32 $0x1780  }
0x16d: {  	[tilespmem:s24], [sflag:$0x1] =	stream.indirect.gather [hbm4b:s3+s6], $0x8, s25, s6, $0xb8;
	[tilespmem:$0xF800] =	vst v63  }
0x16e: {  	_ =	swait.ge [sflag:s15], $0x400  }
0x16f: {  	[sflag:s15] =	ssyncset.done $0x0  }
0x170: {  	[sflag:s15] =	ssyncadd.s32 $0xFFFFFC00  }
0x171: {  	_ =	swait.ge [sflag:s15], $0x400  }
0x172: {  	[sflag:s15] =	ssyncset.done $0x0  }
0x173: {  	[sflag:s15] =	ssyncadd.s32 $0xFFFFFC00  }
0x174: {  	_ =	swait.ge [sflag:s15], $0x400  }
0x175: {  	[sflag:s15] =	ssyncset.done $0x0  }
0x176: {  	[sflag:s15] =	ssyncadd.s32 $0xFFFFFC00  }
0x177: {  	_ =	swait.ge [sflag:s15], $0x400  }
0x178: {  	[sflag:s15] =	ssyncset.done $0x0  }
0x179: {  	[sflag:s15] =	ssyncadd.s32 $0xFFFFFC00  }
0x17a: {  	_ =	swait.ge [sflag:s15], $0x400  }
0x17b: {  	[sflag:s15] =	ssyncset.done $0x0  }
0x17c: {  	[sflag:s15] =	ssyncadd.s32 $0xFFFFFC00  }
0x17d: {  	_ =	swait.ge [sflag:s15], $0x400  }
0x17e: {  	[sflag:s15] =	ssyncset.done $0x0  }
0x17f: {  	[sflag:s15] =	ssyncadd.s32 $0xFFFFFC00  }
0x180: {  	_ =	swait.ge [sflag:s15], $0x400  }
0x181: {  	[sflag:s15] =	ssyncset.done $0x0  }
0x182: {  	[sflag:s15] =	ssyncadd.s32 $0xFFFFFC00  }
0x183: {  	_ =	swait.ge [sflag:s15], $0x400  }
0x184: {  	[sflag:s15] =	ssyncset.done $0x0  }
0x185: {  	s24 =	simm.s32 $0x8000;
	s25 =	simm.s32 $0x1800;
	[sflag:s15] =	ssyncadd.s32 $0xFFFFFC00  }
0x186: {  	[tilespmem:s24], [sflag:$0x1] =	stream.indirect.gather [hbm4b:s3+s6], $0x8, s25, s6, $0xb8;
	[tilespmem:$0xF800] =	vst v63  }
0x187: {  	s25 =	simm.s32 $0x8400;
	s24 =	simm.s32 $0x1880  }
0x188: {  	[tilespmem:s25], [sflag:$0x1] =	stream.indirect.gather [hbm4b:s3+s6], $0x8, s24, s6, $0xb8;
	[tilespmem:$0xF800] =	vst v63  }
0x189: {  	s24 =	simm.s32 $0x1900  }
0x18a: {  	[tilespmem:s26], [sflag:$0x1] =	stream.indirect.gather [hbm4b:s3+s6], $0x8, s24, s6, $0xb8;
	[tilespmem:$0xF800] =	vst v63  }
0x18b: {  	s26 =	simm.s32 $0x1980  }
0x18c: {  	[tilespmem:s28], [sflag:$0x1] =	stream.indirect.gather [hbm4b:s3+s6], $0x8, s26, s6, $0xb8;
	[tilespmem:$0xF800] =	vst v63  }
0x18d: {  	s26 =	simm.s32 $0x1A00  }
0x18e: {  	[tilespmem:s29], [sflag:$0x1] =	stream.indirect.gather [hbm4b:s3+s6], $0x8, s26, s6, $0xb8;
	[tilespmem:$0xF800] =	vst v63  }
0x18f: {  	s26 =	simm.s32 $0x1A80  }
0x190: {  	[tilespmem:s30], [sflag:$0x1] =	stream.indirect.gather [hbm4b:s3+s6], $0x8, s26, s6, $0xb8;
	[tilespmem:$0xF800] =	vst v63  }
0x191: {  	s26 =	simm.s32 $0x1B00  }
0x192: {  	[tilespmem:s31], [sflag:$0x1] =	stream.indirect.gather [hbm4b:s3+s6], $0x8, s26, s6, $0xb8;
	[tilespmem:$0xF800] =	vst v63  }
0x193: {  	s26 =	simm.s32 $0x1B80  }
0x194: {  	[tilespmem:s0], [sflag:$0x1] =	stream.indirect.gather [hbm4b:s3+s6], $0x8, s26, s6, $0xb8;
	[tilespmem:$0xF800] =	vst v63  }
0x195: {  	_ =	swait.ge [sflag:s15], $0x400  }
0x196: {  	[sflag:s15] =	ssyncset.done $0x0  }
0x197: {  	[sflag:s15] =	ssyncadd.s32 $0xFFFFFC00  }
0x198: {  	_ =	swait.ge [sflag:s15], $0x400  }
0x199: {  	[sflag:s15] =	ssyncset.done $0x0  }
0x19a: {  	[sflag:s15] =	ssyncadd.s32 $0xFFFFFC00  }
0x19b: {  	_ =	swait.ge [sflag:s15], $0x400  }
0x19c: {  	[sflag:s15] =	ssyncset.done $0x0  }
0x19d: {  	[sflag:s15] =	ssyncadd.s32 $0xFFFFFC00  }
0x19e: {  	_ =	swait.ge [sflag:s15], $0x400  }
0x19f: {  	[sflag:s15] =	ssyncset.done $0x0  }
0x1a0: {  	[sflag:s15] =	ssyncadd.s32 $0xFFFFFC00  }
0x1a1: {  	_ =	swait.ge [sflag:s15], $0x400  }
0x1a2: {  	[sflag:s15] =	ssyncset.done $0x0  }
0x1a3: {  	[sflag:s15] =	ssyncadd.s32 $0xFFFFFC00  }
0x1a4: {  	_ =	swait.ge [sflag:s15], $0x400  }
0x1a5: {  	[sflag:s15] =	ssyncset.done $0x0  }
0x1a6: {  	[sflag:s15] =	ssyncadd.s32 $0xFFFFFC00  }
0x1a7: {  	_ =	swait.ge [sflag:s15], $0x400  }
0x1a8: {  	[sflag:s15] =	ssyncset.done $0x0  }
0x1a9: {  	[sflag:s15] =	ssyncadd.s32 $0xFFFFFC00  }
0x1aa: {  	_ =	swait.ge [sflag:s15], $0x400  }
0x1ab: {  	[sflag:s15] =	ssyncset.done $0x0  }
0x1ac: {  	s26 =	simm.s32 $0x1C00;
	[sflag:s15] =	ssyncadd.s32 $0xFFFFFC00  }
0x1ad: {  	[tilespmem:s1], [sflag:$0x1] =	stream.indirect.gather [hbm4b:s3+s6], $0x8, s26, s6, $0xb8;
	[tilespmem:$0xF800] =	vst v63  }
0x1ae: {  	s26 =	simm.s32 $0x1C80  }
0x1af: {  	[tilespmem:s4], [sflag:$0x1] =	stream.indirect.gather [hbm4b:s3+s6], $0x8, s26, s6, $0xb8;
	[tilespmem:$0xF800] =	vst v63  }
0x1b0: {  	s26 =	simm.s32 $0x1D00  }
0x1b1: {  	[tilespmem:s5], [sflag:$0x1] =	stream.indirect.gather [hbm4b:s3+s6], $0x8, s26, s6, $0xb8;
	[tilespmem:$0xF800] =	vst v63  }
0x1b2: {  	s26 =	simm.s32 $0x1D80  }
0x1b3: {  	[tilespmem:s8], [sflag:$0x1] =	stream.indirect.gather [hbm4b:s3+s6], $0x8, s26, s6, $0xb8;
	[tilespmem:$0xF800] =	vst v63  }
0x1b4: {  	s26 =	simm.s32 $0x1E00  }
0x1b5: {  	[tilespmem:s9], [sflag:$0x1] =	stream.indirect.gather [hbm4b:s3+s6], $0x8, s26, s6, $0xb8;
	[tilespmem:$0xF800] =	vst v63  }
0x1b6: {  	s26 =	simm.s32 $0x1E80  }
0x1b7: {  	[tilespmem:s10], [sflag:$0x1] =	stream.indirect.gather [hbm4b:s3+s6], $0x8, s26, s6, $0xb8;
	[tilespmem:$0xF800] =	vst v63  }
0x1b8: {  	s26 =	simm.s32 $0x1F00  }
0x1b9: {  	[tilespmem:s11], [sflag:$0x1] =	stream.indirect.gather [hbm4b:s3+s6], $0x8, s26, s6, $0xb8;
	[tilespmem:$0xF800] =	vst v63  }
0x1ba: {  	s26 =	simm.s32 $0x1F80  }
0x1bb: {  	[tilespmem:s12], [sflag:$0x1] =	stream.indirect.gather [hbm4b:s3+s6], $0x8, s26, s6, $0xb8;
	[tilespmem:$0xF800] =	vst v63  }
0x1bc: {  	_ =	swait.ge [sflag:s15], $0x400  }
0x1bd: {  	[sflag:s15] =	ssyncset.done $0x0  }
0x1be: {  	[sflag:s15] =	ssyncadd.s32 $0xFFFFFC00  }
0x1bf: {  	_ =	swait.ge [sflag:s15], $0x400  }
0x1c0: {  	[sflag:s15] =	ssyncset.done $0x0  }
0x1c1: {  	[sflag:s15] =	ssyncadd.s32 $0xFFFFFC00  }
0x1c2: {  	_ =	swait.ge [sflag:s15], $0x400  }
0x1c3: {  	[sflag:s15] =	ssyncset.done $0x0  }
0x1c4: {  	[sflag:s15] =	ssyncadd.s32 $0xFFFFFC00  }
0x1c5: {  	_ =	swait.ge [sflag:s15], $0x400  }
0x1c6: {  	[sflag:s15] =	ssyncset.done $0x0  }
0x1c7: {  	[sflag:s15] =	ssyncadd.s32 $0xFFFFFC00  }
0x1c8: {  	_ =	swait.ge [sflag:s15], $0x400  }
0x1c9: {  	[sflag:s15] =	ssyncset.done $0x0  }
0x1ca: {  	[sflag:s15] =	ssyncadd.s32 $0xFFFFFC00  }
0x1cb: {  	_ =	swait.ge [sflag:s15], $0x400  }
0x1cc: {  	[sflag:s15] =	ssyncset.done $0x0  }
0x1cd: {  	v2 =	vmov s23;
	[sflag:s15] =	ssyncadd.s32 $0xFFFFFC00  }
0x1ce: {  	v2 =	vshll.u32 v2, $0x3;
	_ =	swait.ge [sflag:s15], $0x400  }
0x1cf: {  	v3 =	vor.u32 v1, v2;
	[sflag:s15] =	ssyncset.done $0x0  }
0x1d0: {  	v2 =	vor.u32 v0, v2;
	[sflag:s15] =	ssyncadd.s32 $0xFFFFFC00  }
0x1d1: {  	_ =	swait.ge [sflag:s15], $0x400  }
0x1d2: {  	[sflag:s15] =	ssyncset.done $0x0  }
0x1d3: {  	[sflag:s15] =	ssyncadd.s32 $0xFFFFFC00  }
0x1d4: {  	v4 =	vld.idx.msk [tilespmem:v3+s7+$0x0], $0xffff  }
0x1d5: {  	v5 =	vld.idx.msk [tilespmem:v2+s7+$0x0], $0xffff;
	_ =	sdelay $0x2  }
0x1d6: {  	v63 =	vor.u32 $0x1, v2;
	_ =	sdelay $0x1  }
0x1d7: {  	v4 =	vmul.f32 v4, v5;
	_ =	sdelay $0x1  }
0x1d8: {  	[tilespmem:s22+$0xFFFFE800] =	vst v4  }
0x1d9: {  	v4 =	vld.idx.msk [tilespmem:v63+s7+$0x0], $0xffff  }
0x1da: {  	v5 =	vor.u32 $0x1, v3;
	_ =	sdelay $0x3  }
0x1db: {  	[tilespmem:s22+$0xFFFFF000] =	vst v4  }
0x1dc: {  	v4 =	vld.idx.msk [tilespmem:v5+s7+$0x0], $0xffff  }
0x1dd: {  	v5 =	vor.u32 $0x2, v2;
	_ =	sdelay $0x3  }
0x1de: {  	[tilespmem:s22+$0x800] =	vst v4  }
0x1df: {  	v4 =	vld.idx.msk [tilespmem:v5+s7+$0x0], $0xffff  }
0x1e0: {  	v5 =	vor.u32 $0x2, v3;
	_ =	sdelay $0x3  }
0x1e1: {  	[tilespmem:s22+$0xFFFFF800] =	vst v4  }
0x1e2: {  	v4 =	vld.idx.msk [tilespmem:v5+s7+$0x0], $0xffff  }
0x1e3: {  	v2 =	vor.u32 $0x3, v2;
	_ =	sdelay $0x3  }
0x1e4: {  	[tilespmem:s22+$0x1000] =	vst v4  }
0x1e5: {  	v2 =	vld.idx.msk [tilespmem:v2+s7+$0x0], $0xffff  }
0x1e6: {  	v3 =	vor.u32 $0x3, v3;
	_ =	sdelay $0x2  }
0x1e7: {  	s26 =	simm.s32 $0x20  }
0x1e8: {  	v4 =	vmov s26;
	[tilespmem:s22+$0x0] =	vst v2  }
0x1e9: {  	s23 =	simm.s32 $0x40;
	v2 =	vld.idx.msk [tilespmem:v3+s7+$0x0], $0xffff;
	v3 =	vshll.u32 v4, $0x3  }
.LBB2_4:
0x1ea: {  	p0 =	sne.s32 s23, $0xFE0;
	v4 =	vor.u32 v1, v3  }
0x1eb: {  	v3 =	vor.u32 v0, v3;
	_ =	sdelay $0x2  }
0x1ec: {  	[tilespmem:s22+$0x1800] =	vst v2  }
0x1ed: {  	v2 =	vld.idx.msk [tilespmem:v4+s7+$0x0], $0xffff  }
0x1ee: {  	v5 =	vld.idx.msk [tilespmem:v3+s7+$0x0], $0xffff;
	_ =	sdelay $0x3  }
0x1ef: {  	v6 =	vor.u32 $0x1, v3;
	_ =	sdelay $0x1  }
0x1f0: {  	v2 =	vmul.f32 v2, v5  }
0x1f1: {  	s22 =	sadd.s32 $0x10, s22  }
0x1f2: {  	[tilespmem:s22+$0xFFFFE800] =	vst v2  }
0x1f3: {  	v2 =	vld.idx.msk [tilespmem:v6+s7+$0x0], $0xffff;
	_ =	sdelay $0x1  }
0x1f4: {  	v5 =	vor.u32 $0x1, v4;
	_ =	sdelay $0x3  }
0x1f5: {  	[tilespmem:s22+$0xFFFFF000] =	vst v2  }
0x1f6: {  	v2 =	vld.idx.msk [tilespmem:v5+s7+$0x0], $0xffff;
	_ =	sdelay $0x1  }
0x1f7: {  	v5 =	vor.u32 $0x2, v3;
	_ =	sdelay $0x3  }
0x1f8: {  	[tilespmem:s22+$0x800] =	vst v2  }
0x1f9: {  	v2 =	vld.idx.msk [tilespmem:v5+s7+$0x0], $0xffff;
	_ =	sdelay $0x1  }
0x1fa: {  	v5 =	vor.u32 $0x2, v4;
	_ =	sdelay $0x3  }
0x1fb: {  	[tilespmem:s22+$0xFFFFF800] =	vst v2  }
0x1fc: {  	v2 =	vld.idx.msk [tilespmem:v5+s7+$0x0], $0xffff;
	_ =	sdelay $0x1  }
0x1fd: {  	v3 =	vor.u32 $0x3, v3;
	_ =	sdelay $0x3  }
0x1fe: {  	[tilespmem:s22+$0x1000] =	vst v2  }
0x1ff: {  	v2 =	vld.idx.msk [tilespmem:v3+s7+$0x0], $0xffff;
	_ =	sdelay $0x1  }
0x200: {  	v3 =	vor.u32 $0x3, v4;
	_ =	sdelay $0x1  }
.Ltmp1:
0x201: {  	(pc) =	sbr.rel @p0 .LBB2_4-.Ltmp1, $4  }
0x202: {  	_ = 	snop  }
0x203: {  	[tilespmem:s22+$0x0] =	vst v2  }
0x204: {  	v4 =	vmov s23;
	v2 =	vld.idx.msk [tilespmem:v3+s7+$0x0], $0xffff  }
0x205: {  	s23 =	sadd.s32 $0x20, s23;
	v3 =	vshll.u32 v4, $0x3  }
0x206: {  	v4 =	vor.u32 v1, v3  }
0x207: {  	v3 =	vor.u32 v0, v3;
	_ =	sdelay $0x2  }
0x208: {  	[tilespmem:s22+$0x1800] =	vst v2  }
0x209: {  	v2 =	vld.idx.msk [tilespmem:v4+s7+$0x0], $0xffff  }
0x20a: {  	v5 =	vld.idx.msk [tilespmem:v3+s7+$0x0], $0xffff;
	_ =	sdelay $0x2  }
0x20b: {  	v6 =	vor.u32 $0x1, v3;
	_ =	sdelay $0x1  }
0x20c: {  	v2 =	vmul.f32 v2, v5  }
0x20d: {  	s23 =	sadd.s32 $0x10, s22  }
0x20e: {  	[tilespmem:s23+$0xFFFFE800] =	vst v2  }
0x20f: {  	v2 =	vld.idx.msk [tilespmem:v6+s7+$0x0], $0xffff  }
0x210: {  	v5 =	vor.u32 $0x1, v4;
	_ =	sdelay $0x3  }
0x211: {  	[tilespmem:s23+$0xFFFFF000] =	vst v2  }
0x212: {  	v2 =	vld.idx.msk [tilespmem:v5+s7+$0x0], $0xffff  }
0x213: {  	v5 =	vor.u32 $0x2, v3;
	_ =	sdelay $0x3  }
0x214: {  	[tilespmem:s23+$0x800] =	vst v2  }
0x215: {  	v2 =	vld.idx.msk [tilespmem:v5+s7+$0x0], $0xffff  }
0x216: {  	v5 =	vor.u32 $0x2, v4;
	_ =	sdelay $0x3  }
0x217: {  	[tilespmem:s23+$0xFFFFF800] =	vst v2  }
0x218: {  	v2 =	vld.idx.msk [tilespmem:v5+s7+$0x0], $0xffff  }
0x219: {  	v3 =	vor.u32 $0x3, v3;
	_ =	sdelay $0x3  }
0x21a: {  	[tilespmem:s23+$0x1000] =	vst v2  }
0x21b: {  	v2 =	vld.idx.msk [tilespmem:v3+s7+$0x0], $0xffff  }
0x21c: {  	v3 =	vor.u32 $0x3, v4;
	_ =	sdelay $0x3  }
0x21d: {  	[tilespmem:s23+$0x0] =	vst v2  }
0x21e: {  	v2 =	vld.idx.msk [tilespmem:v3+s7+$0x0], $0xffff;
	_ =	sdelay $0x4  }
0x21f: {  	s24 =	rddreg [dreg:$0xa];
	[tilespmem:s23+$0x1800] =	vst v2;
	s23 =	simm.s32 $0x0  }
0x220: {  	[hbm4b:s24+s23] =	stream.linear.scatter [tilespmem:s13], [sflag:$0x1], $0x800, $0x38;
	[tilespmem:$0xF800] =	vst v63  }
0x221: {  	s26 =	rddreg [dreg:$0xb]  }
0x222: {  	[hbm4b:s26+s23] =	stream.linear.scatter [tilespmem:s14], [sflag:$0x1], $0x800, $0x38;
	[tilespmem:$0xF800] =	vst v63  }
0x223: {  	s24 =	rddreg [dreg:$0xc]  }
0x224: {  	[hbm4b:s24+s23] =	stream.linear.scatter [tilespmem:s16], [sflag:$0x1], $0x800, $0x38;
	[tilespmem:$0xF800] =	vst v63  }
0x225: {  	s22 =	simm.s32 $0xD800;
	s24 =	rddreg [dreg:$0xd]  }
0x226: {  	[hbm4b:s24+s23] =	stream.linear.scatter [tilespmem:s22], [sflag:$0x1], $0x800, $0x38;
	[tilespmem:$0xF800] =	vst v63  }
0x227: {  	s26 =	rddreg [dreg:$0xe]  }
0x228: {  	[hbm4b:s26+s23] =	stream.linear.scatter [tilespmem:s17], [sflag:$0x1], $0x800, $0x38;
	[tilespmem:$0xF800] =	vst v63  }
0x229: {  	s26 =	rddreg [dreg:$0xf]  }
0x22a: {  	[hbm4b:s26+s23] =	stream.linear.scatter [tilespmem:s18], [sflag:$0x1], $0x800, $0x38;
	[tilespmem:$0xF800] =	vst v63  }
0x22b: {  	s26 =	rddreg [dreg:$0x10]  }
0x22c: {  	[hbm4b:s26+s23] =	stream.linear.scatter [tilespmem:s19], [sflag:$0x1], $0x800, $0x38;
	[tilespmem:$0xF800] =	vst v63  }
0x22d: {  	_ =	swait.ge [sflag:s15], $0x800  }
0x22e: {  	[sflag:s15] =	ssyncset.done $0x0  }
0x22f: {  	[sflag:s15] =	ssyncadd.s32 $0xFFFFF800  }
0x230: {  	_ =	swait.ge [sflag:s15], $0x800  }
0x231: {  	[sflag:s15] =	ssyncset.done $0x0  }
0x232: {  	[sflag:s15] =	ssyncadd.s32 $0xFFFFF800  }
0x233: {  	_ =	swait.ge [sflag:s15], $0x800  }
0x234: {  	[sflag:s15] =	ssyncset.done $0x0  }
0x235: {  	[sflag:s15] =	ssyncadd.s32 $0xFFFFF800  }
0x236: {  	_ =	swait.ge [sflag:s15], $0x800  }
0x237: {  	[sflag:s15] =	ssyncset.done $0x0  }
0x238: {  	[sflag:s15] =	ssyncadd.s32 $0xFFFFF800  }
0x239: {  	_ =	swait.ge [sflag:s15], $0x800  }
0x23a: {  	[sflag:s15] =	ssyncset.done $0x0  }
0x23b: {  	[sflag:s15] =	ssyncadd.s32 $0xFFFFF800  }
0x23c: {  	_ =	swait.ge [sflag:s15], $0x800  }
0x23d: {  	[sflag:s15] =	ssyncset.done $0x0  }
0x23e: {  	[sflag:s15] =	ssyncadd.s32 $0xFFFFF800  }
0x23f: {  	_ =	swait.ge [sflag:s15], $0x800  }
0x240: {  	[sflag:s15] =	ssyncset.done $0x0  }
0x241: {  	s26 =	simm.s32 $0x2000;
	[sflag:s15] =	ssyncadd.s32 $0xFFFFF800  }
0x242: {  	[tilespmem:s7], [sflag:$0x1] =	stream.indirect.gather [hbm4b:s3+s6], $0x8, s26, s6, $0xb8;
	[tilespmem:$0xF800] =	vst v63  }
0x243: {  	s24 =	simm.s32 $0x4400;
	s26 =	simm.s32 $0x2080  }
0x244: {  	[tilespmem:s24], [sflag:$0x1] =	stream.indirect.gather [hbm4b:s3+s6], $0x8, s26, s6, $0xb8;
	[tilespmem:$0xF800] =	vst v63  }
0x245: {  	s24 =	simm.s32 $0x4800;
	s26 =	simm.s32 $0x2100  }
0x246: {  	[tilespmem:s24], [sflag:$0x1] =	stream.indirect.gather [hbm4b:s3+s6], $0x8, s26, s6, $0xb8;
	[tilespmem:$0xF800] =	vst v63  }
0x247: {  	s24 =	simm.s32 $0x4C00;
	s26 =	simm.s32 $0x2180  }
0x248: {  	[tilespmem:s24], [sflag:$0x1] =	stream.indirect.gather [hbm4b:s3+s6], $0x8, s26, s6, $0xb8;
	[tilespmem:$0xF800] =	vst v63  }
0x249: {  	s24 =	simm.s32 $0x5000;
	s26 =	simm.s32 $0x2200  }
0x24a: {  	[tilespmem:s24], [sflag:$0x1] =	stream.indirect.gather [hbm4b:s3+s6], $0x8, s26, s6, $0xb8;
	[tilespmem:$0xF800] =	vst v63  }
0x24b: {  	s24 =	simm.s32 $0x5400;
	s26 =	simm.s32 $0x2280  }
0x24c: {  	[tilespmem:s24], [sflag:$0x1] =	stream.indirect.gather [hbm4b:s3+s6], $0x8, s26, s6, $0xb8;
	[tilespmem:$0xF800] =	vst v63  }
0x24d: {  	s24 =	simm.s32 $0x5800;
	s26 =	simm.s32 $0x2300  }
0x24e: {  	[tilespmem:s24], [sflag:$0x1] =	stream.indirect.gather [hbm4b:s3+s6], $0x8, s26, s6, $0xb8;
	[tilespmem:$0xF800] =	vst v63  }
0x24f: {  	s24 =	simm.s32 $0x5C00;
	s26 =	simm.s32 $0x2380  }
0x250: {  	[tilespmem:s24], [sflag:$0x1] =	stream.indirect.gather [hbm4b:s3+s6], $0x8, s26, s6, $0xb8;
	[tilespmem:$0xF800] =	vst v63  }
0x251: {  	_ =	swait.ge [sflag:s15], $0x400  }
0x252: {  	[sflag:s15] =	ssyncset.done $0x0  }
0x253: {  	[sflag:s15] =	ssyncadd.s32 $0xFFFFFC00  }
0x254: {  	_ =	swait.ge [sflag:s15], $0x400  }
0x255: {  	[sflag:s15] =	ssyncset.done $0x0  }
0x256: {  	[sflag:s15] =	ssyncadd.s32 $0xFFFFFC00  }
0x257: {  	_ =	swait.ge [sflag:s15], $0x400  }
0x258: {  	[sflag:s15] =	ssyncset.done $0x0  }
0x259: {  	[sflag:s15] =	ssyncadd.s32 $0xFFFFFC00  }
0x25a: {  	_ =	swait.ge [sflag:s15], $0x400  }
0x25b: {  	[sflag:s15] =	ssyncset.done $0x0  }
0x25c: {  	[sflag:s15] =	ssyncadd.s32 $0xFFFFFC00  }
0x25d: {  	_ =	swait.ge [sflag:s15], $0x400  }
0x25e: {  	[sflag:s15] =	ssyncset.done $0x0  }
0x25f: {  	[sflag:s15] =	ssyncadd.s32 $0xFFFFFC00  }
0x260: {  	_ =	swait.ge [sflag:s15], $0x400  }
0x261: {  	[sflag:s15] =	ssyncset.done $0x0  }
0x262: {  	[sflag:s15] =	ssyncadd.s32 $0xFFFFFC00  }
0x263: {  	_ =	swait.ge [sflag:s15], $0x400  }
0x264: {  	[sflag:s15] =	ssyncset.done $0x0  }
0x265: {  	[sflag:s15] =	ssyncadd.s32 $0xFFFFFC00  }
0x266: {  	_ =	swait.ge [sflag:s15], $0x400  }
0x267: {  	[sflag:s15] =	ssyncset.done $0x0  }
0x268: {  	s24 =	simm.s32 $0x6000;
	s26 =	simm.s32 $0x2400;
	[sflag:s15] =	ssyncadd.s32 $0xFFFFFC00  }
0x269: {  	[tilespmem:s24], [sflag:$0x1] =	stream.indirect.gather [hbm4b:s3+s6], $0x8, s26, s6, $0xb8;
	[tilespmem:$0xF800] =	vst v63  }
0x26a: {  	s24 =	simm.s32 $0x6400;
	s26 =	simm.s32 $0x2480  }
0x26b: {  	[tilespmem:s24], [sflag:$0x1] =	stream.indirect.gather [hbm4b:s3+s6], $0x8, s26, s6, $0xb8;
	[tilespmem:$0xF800] =	vst v63  }
0x26c: {  	s24 =	simm.s32 $0x6800;
	s26 =	simm.s32 $0x2500  }
0x26d: {  	[tilespmem:s24], [sflag:$0x1] =	stream.indirect.gather [hbm4b:s3+s6], $0x8, s26, s6, $0xb8;
	[tilespmem:$0xF800] =	vst v63  }
0x26e: {  	s24 =	simm.s32 $0x6C00;
	s26 =	simm.s32 $0x2580  }
0x26f: {  	[tilespmem:s24], [sflag:$0x1] =	stream.indirect.gather [hbm4b:s3+s6], $0x8, s26, s6, $0xb8;
	[tilespmem:$0xF800] =	vst v63  }
0x270: {  	s24 =	simm.s32 $0x7000;
	s26 =	simm.s32 $0x2600  }
0x271: {  	[tilespmem:s24], [sflag:$0x1] =	stream.indirect.gather [hbm4b:s3+s6], $0x8, s26, s6, $0xb8;
	[tilespmem:$0xF800] =	vst v63  }
0x272: {  	s24 =	simm.s32 $0x7400;
	s26 =	simm.s32 $0x2680  }
0x273: {  	[tilespmem:s24], [sflag:$0x1] =	stream.indirect.gather [hbm4b:s3+s6], $0x8, s26, s6, $0xb8;
	[tilespmem:$0xF800] =	vst v63  }
0x274: {  	s24 =	simm.s32 $0x7800;
	s26 =	simm.s32 $0x2700  }
0x275: {  	[tilespmem:s24], [sflag:$0x1] =	stream.indirect.gather [hbm4b:s3+s6], $0x8, s26, s6, $0xb8;
	[tilespmem:$0xF800] =	vst v63  }
0x276: {  	s24 =	simm.s32 $0x7C00;
	s26 =	simm.s32 $0x2780  }
0x277: {  	[tilespmem:s24], [sflag:$0x1] =	stream.indirect.gather [hbm4b:s3+s6], $0x8, s26, s6, $0xb8;
	[tilespmem:$0xF800] =	vst v63  }
0x278: {  	_ =	swait.ge [sflag:s15], $0x400  }
0x279: {  	[sflag:s15] =	ssyncset.done $0x0  }
0x27a: {  	[sflag:s15] =	ssyncadd.s32 $0xFFFFFC00  }
0x27b: {  	_ =	swait.ge [sflag:s15], $0x400  }
0x27c: {  	[sflag:s15] =	ssyncset.done $0x0  }
0x27d: {  	[sflag:s15] =	ssyncadd.s32 $0xFFFFFC00  }
0x27e: {  	_ =	swait.ge [sflag:s15], $0x400  }
0x27f: {  	[sflag:s15] =	ssyncset.done $0x0  }
0x280: {  	[sflag:s15] =	ssyncadd.s32 $0xFFFFFC00  }
0x281: {  	_ =	swait.ge [sflag:s15], $0x400  }
0x282: {  	[sflag:s15] =	ssyncset.done $0x0  }
0x283: {  	[sflag:s15] =	ssyncadd.s32 $0xFFFFFC00  }
0x284: {  	_ =	swait.ge [sflag:s15], $0x400  }
0x285: {  	[sflag:s15] =	ssyncset.done $0x0  }
0x286: {  	[sflag:s15] =	ssyncadd.s32 $0xFFFFFC00  }
0x287: {  	_ =	swait.ge [sflag:s15], $0x400  }
0x288: {  	[sflag:s15] =	ssyncset.done $0x0  }
0x289: {  	[sflag:s15] =	ssyncadd.s32 $0xFFFFFC00  }
0x28a: {  	_ =	swait.ge [sflag:s15], $0x400  }
0x28b: {  	[sflag:s15] =	ssyncset.done $0x0  }
0x28c: {  	[sflag:s15] =	ssyncadd.s32 $0xFFFFFC00  }
0x28d: {  	_ =	swait.ge [sflag:s15], $0x400  }
0x28e: {  	[sflag:s15] =	ssyncset.done $0x0  }
0x28f: {  	s24 =	simm.s32 $0x8000;
	s26 =	simm.s32 $0x2800;
	[sflag:s15] =	ssyncadd.s32 $0xFFFFFC00  }
0x290: {  	[tilespmem:s24], [sflag:$0x1] =	stream.indirect.gather [hbm4b:s3+s6], $0x8, s26, s6, $0xb8;
	[tilespmem:$0xF800] =	vst v63  }
0x291: {  	s26 =	simm.s32 $0x2880  }
0x292: {  	[tilespmem:s25], [sflag:$0x1] =	stream.indirect.gather [hbm4b:s3+s6], $0x8, s26, s6, $0xb8;
	[tilespmem:$0xF800] =	vst v63  }
0x293: {  	s24 =	simm.s32 $0x2900;
	s26 =	simm.s32 $0x8800  }
0x294: {  	[tilespmem:s26], [sflag:$0x1] =	stream.indirect.gather [hbm4b:s3+s6], $0x8, s24, s6, $0xb8;
	[tilespmem:$0xF800] =	vst v63  }
0x295: {  	s24 =	simm.s32 $0x2980  }
0x296: {  	[tilespmem:s28], [sflag:$0x1] =	stream.indirect.gather [hbm4b:s3+s6], $0x8, s24, s6, $0xb8;
	[tilespmem:$0xF800] =	vst v63  }
0x297: {  	s28 =	simm.s32 $0x2A00  }
0x298: {  	[tilespmem:s29], [sflag:$0x1] =	stream.indirect.gather [hbm4b:s3+s6], $0x8, s28, s6, $0xb8;
	[tilespmem:$0xF800] =	vst v63  }
0x299: {  	s28 =	simm.s32 $0x2A80  }
0x29a: {  	[tilespmem:s30], [sflag:$0x1] =	stream.indirect.gather [hbm4b:s3+s6], $0x8, s28, s6, $0xb8;
	[tilespmem:$0xF800] =	vst v63  }
0x29b: {  	s28 =	simm.s32 $0x2B00  }
0x29c: {  	[tilespmem:s31], [sflag:$0x1] =	stream.indirect.gather [hbm4b:s3+s6], $0x8, s28, s6, $0xb8;
	[tilespmem:$0xF800] =	vst v63  }
0x29d: {  	s28 =	simm.s32 $0x2B80  }
0x29e: {  	[tilespmem:s0], [sflag:$0x1] =	stream.indirect.gather [hbm4b:s3+s6], $0x8, s28, s6, $0xb8;
	[tilespmem:$0xF800] =	vst v63  }
0x29f: {  	_ =	swait.ge [sflag:s15], $0x400  }
0x2a0: {  	[sflag:s15] =	ssyncset.done $0x0  }
0x2a1: {  	[sflag:s15] =	ssyncadd.s32 $0xFFFFFC00  }
0x2a2: {  	_ =	swait.ge [sflag:s15], $0x400  }
0x2a3: {  	[sflag:s15] =	ssyncset.done $0x0  }
0x2a4: {  	[sflag:s15] =	ssyncadd.s32 $0xFFFFFC00  }
0x2a5: {  	_ =	swait.ge [sflag:s15], $0x400  }
0x2a6: {  	[sflag:s15] =	ssyncset.done $0x0  }
0x2a7: {  	[sflag:s15] =	ssyncadd.s32 $0xFFFFFC00  }
0x2a8: {  	_ =	swait.ge [sflag:s15], $0x400  }
0x2a9: {  	[sflag:s15] =	ssyncset.done $0x0  }
0x2aa: {  	[sflag:s15] =	ssyncadd.s32 $0xFFFFFC00  }
0x2ab: {  	_ =	swait.ge [sflag:s15], $0x400  }
0x2ac: {  	[sflag:s15] =	ssyncset.done $0x0  }
0x2ad: {  	[sflag:s15] =	ssyncadd.s32 $0xFFFFFC00  }
0x2ae: {  	_ =	swait.ge [sflag:s15], $0x400  }
0x2af: {  	[sflag:s15] =	ssyncset.done $0x0  }
0x2b0: {  	[sflag:s15] =	ssyncadd.s32 $0xFFFFFC00  }
0x2b1: {  	_ =	swait.ge [sflag:s15], $0x400  }
0x2b2: {  	[sflag:s15] =	ssyncset.done $0x0  }
0x2b3: {  	[sflag:s15] =	ssyncadd.s32 $0xFFFFFC00  }
0x2b4: {  	_ =	swait.ge [sflag:s15], $0x400  }
0x2b5: {  	[sflag:s15] =	ssyncset.done $0x0  }
0x2b6: {  	s28 =	simm.s32 $0x2C00;
	[sflag:s15] =	ssyncadd.s32 $0xFFFFFC00  }
0x2b7: {  	[tilespmem:s1], [sflag:$0x1] =	stream.indirect.gather [hbm4b:s3+s6], $0x8, s28, s6, $0xb8;
	[tilespmem:$0xF800] =	vst v63  }
0x2b8: {  	s28 =	simm.s32 $0x2C80  }
0x2b9: {  	[tilespmem:s4], [sflag:$0x1] =	stream.indirect.gather [hbm4b:s3+s6], $0x8, s28, s6, $0xb8;
	[tilespmem:$0xF800] =	vst v63  }
0x2ba: {  	s28 =	simm.s32 $0x2D00  }
0x2bb: {  	[tilespmem:s5], [sflag:$0x1] =	stream.indirect.gather [hbm4b:s3+s6], $0x8, s28, s6, $0xb8;
	[tilespmem:$0xF800] =	vst v63  }
0x2bc: {  	s28 =	simm.s32 $0x2D80  }
0x2bd: {  	[tilespmem:s8], [sflag:$0x1] =	stream.indirect.gather [hbm4b:s3+s6], $0x8, s28, s6, $0xb8;
	[tilespmem:$0xF800] =	vst v63  }
0x2be: {  	s28 =	simm.s32 $0x2E00  }
0x2bf: {  	[tilespmem:s9], [sflag:$0x1] =	stream.indirect.gather [hbm4b:s3+s6], $0x8, s28, s6, $0xb8;
	[tilespmem:$0xF800] =	vst v63  }
0x2c0: {  	s28 =	simm.s32 $0x2E80  }
0x2c1: {  	[tilespmem:s10], [sflag:$0x1] =	stream.indirect.gather [hbm4b:s3+s6], $0x8, s28, s6, $0xb8;
	[tilespmem:$0xF800] =	vst v63  }
0x2c2: {  	s28 =	simm.s32 $0x2F00  }
0x2c3: {  	[tilespmem:s11], [sflag:$0x1] =	stream.indirect.gather [hbm4b:s3+s6], $0x8, s28, s6, $0xb8;
	[tilespmem:$0xF800] =	vst v63  }
0x2c4: {  	s28 =	simm.s32 $0x2F80  }
0x2c5: {  	[tilespmem:s12], [sflag:$0x1] =	stream.indirect.gather [hbm4b:s3+s6], $0x8, s28, s6, $0xb8;
	[tilespmem:$0xF800] =	vst v63  }
0x2c6: {  	_ =	swait.ge [sflag:s15], $0x400  }
0x2c7: {  	[sflag:s15] =	ssyncset.done $0x0  }
0x2c8: {  	[sflag:s15] =	ssyncadd.s32 $0xFFFFFC00  }
0x2c9: {  	_ =	swait.ge [sflag:s15], $0x400  }
0x2ca: {  	[sflag:s15] =	ssyncset.done $0x0  }
0x2cb: {  	[sflag:s15] =	ssyncadd.s32 $0xFFFFFC00  }
0x2cc: {  	_ =	swait.ge [sflag:s15], $0x400  }
0x2cd: {  	[sflag:s15] =	ssyncset.done $0x0  }
0x2ce: {  	[sflag:s15] =	ssyncadd.s32 $0xFFFFFC00  }
0x2cf: {  	_ =	swait.ge [sflag:s15], $0x400  }
0x2d0: {  	[sflag:s15] =	ssyncset.done $0x0  }
0x2d1: {  	[sflag:s15] =	ssyncadd.s32 $0xFFFFFC00  }
0x2d2: {  	_ =	swait.ge [sflag:s15], $0x400  }
0x2d3: {  	[sflag:s15] =	ssyncset.done $0x0  }
0x2d4: {  	[sflag:s15] =	ssyncadd.s32 $0xFFFFFC00  }
0x2d5: {  	_ =	swait.ge [sflag:s15], $0x400  }
0x2d6: {  	[sflag:s15] =	ssyncset.done $0x0  }
0x2d7: {  	v2 =	vmov s23;
	[sflag:s15] =	ssyncadd.s32 $0xFFFFFC00  }
0x2d8: {  	v2 =	vshll.u32 v2, $0x3;
	_ =	swait.ge [sflag:s15], $0x400  }
0x2d9: {  	v3 =	vor.u32 v1, v2;
	[sflag:s15] =	ssyncset.done $0x0  }
0x2da: {  	v2 =	vor.u32 v0, v2;
	[sflag:s15] =	ssyncadd.s32 $0xFFFFFC00  }
0x2db: {  	_ =	swait.ge [sflag:s15], $0x400  }
0x2dc: {  	[sflag:s15] =	ssyncset.done $0x0  }
0x2dd: {  	[sflag:s15] =	ssyncadd.s32 $0xFFFFFC00  }
0x2de: {  	v4 =	vld.idx.msk [tilespmem:v3+s7+$0x0], $0xffff  }
0x2df: {  	v5 =	vld.idx.msk [tilespmem:v2+s7+$0x0], $0xffff;
	_ =	sdelay $0x2  }
0x2e0: {  	v63 =	vor.u32 $0x1, v2;
	_ =	sdelay $0x1  }
0x2e1: {  	v4 =	vmul.f32 v4, v5;
	_ =	sdelay $0x1  }
0x2e2: {  	[tilespmem:s22+$0xFFFFE800] =	vst v4  }
0x2e3: {  	v4 =	vld.idx.msk [tilespmem:v63+s7+$0x0], $0xffff  }
0x2e4: {  	v5 =	vor.u32 $0x1, v3;
	_ =	sdelay $0x3  }
0x2e5: {  	[tilespmem:s22+$0xFFFFF000] =	vst v4  }
0x2e6: {  	v4 =	vld.idx.msk [tilespmem:v5+s7+$0x0], $0xffff  }
0x2e7: {  	v5 =	vor.u32 $0x2, v2;
	_ =	sdelay $0x3  }
0x2e8: {  	[tilespmem:s22+$0x800] =	vst v4  }
0x2e9: {  	v4 =	vld.idx.msk [tilespmem:v5+s7+$0x0], $0xffff  }
0x2ea: {  	v5 =	vor.u32 $0x2, v3;
	_ =	sdelay $0x3  }
0x2eb: {  	[tilespmem:s22+$0xFFFFF800] =	vst v4  }
0x2ec: {  	v4 =	vld.idx.msk [tilespmem:v5+s7+$0x0], $0xffff  }
0x2ed: {  	v2 =	vor.u32 $0x3, v2;
	_ =	sdelay $0x3  }
0x2ee: {  	[tilespmem:s22+$0x1000] =	vst v4  }
0x2ef: {  	v2 =	vld.idx.msk [tilespmem:v2+s7+$0x0], $0xffff  }
0x2f0: {  	v3 =	vor.u32 $0x3, v3;
	_ =	sdelay $0x2  }
0x2f1: {  	s28 =	simm.s32 $0x20  }
0x2f2: {  	v4 =	vmov s28;
	[tilespmem:s22+$0x0] =	vst v2  }
0x2f3: {  	s23 =	simm.s32 $0x40;
	v2 =	vld.idx.msk [tilespmem:v3+s7+$0x0], $0xffff;
	v3 =	vshll.u32 v4, $0x3  }
.LBB2_6:
0x2f4: {  	p0 =	sne.s32 s23, $0xFE0;
	v4 =	vor.u32 v1, v3  }
0x2f5: {  	v3 =	vor.u32 v0, v3;
	_ =	sdelay $0x2  }
0x2f6: {  	[tilespmem:s22+$0x1800] =	vst v2  }
0x2f7: {  	v2 =	vld.idx.msk [tilespmem:v4+s7+$0x0], $0xffff  }
0x2f8: {  	v5 =	vld.idx.msk [tilespmem:v3+s7+$0x0], $0xffff;
	_ =	sdelay $0x3  }
0x2f9: {  	v6 =	vor.u32 $0x1, v3;
	_ =	sdelay $0x1  }
0x2fa: {  	v2 =	vmul.f32 v2, v5  }
0x2fb: {  	s22 =	sadd.s32 $0x10, s22  }
0x2fc: {  	[tilespmem:s22+$0xFFFFE800] =	vst v2  }
0x2fd: {  	v2 =	vld.idx.msk [tilespmem:v6+s7+$0x0], $0xffff;
	_ =	sdelay $0x1  }
0x2fe: {  	v5 =	vor.u32 $0x1, v4;
	_ =	sdelay $0x3  }
0x2ff: {  	[tilespmem:s22+$0xFFFFF000] =	vst v2  }
0x300: {  	v2 =	vld.idx.msk [tilespmem:v5+s7+$0x0], $0xffff;
	_ =	sdelay $0x1  }
0x301: {  	v5 =	vor.u32 $0x2, v3;
	_ =	sdelay $0x3  }
0x302: {  	[tilespmem:s22+$0x800] =	vst v2  }
0x303: {  	v2 =	vld.idx.msk [tilespmem:v5+s7+$0x0], $0xffff;
	_ =	sdelay $0x1  }
0x304: {  	v5 =	vor.u32 $0x2, v4;
	_ =	sdelay $0x3  }
0x305: {  	[tilespmem:s22+$0xFFFFF800] =	vst v2  }
0x306: {  	v2 =	vld.idx.msk [tilespmem:v5+s7+$0x0], $0xffff;
	_ =	sdelay $0x1  }
0x307: {  	v3 =	vor.u32 $0x3, v3;
	_ =	sdelay $0x3  }
0x308: {  	[tilespmem:s22+$0x1000] =	vst v2  }
0x309: {  	v2 =	vld.idx.msk [tilespmem:v3+s7+$0x0], $0xffff;
	_ =	sdelay $0x1  }
0x30a: {  	v3 =	vor.u32 $0x3, v4;
	_ =	sdelay $0x1  }
.Ltmp2:
0x30b: {  	(pc) =	sbr.rel @p0 .LBB2_6-.Ltmp2, $4  }
0x30c: {  	_ = 	snop  }
0x30d: {  	[tilespmem:s22+$0x0] =	vst v2  }
0x30e: {  	v4 =	vmov s23;
	v2 =	vld.idx.msk [tilespmem:v3+s7+$0x0], $0xffff  }
0x30f: {  	s23 =	sadd.s32 $0x20, s23;
	v3 =	vshll.u32 v4, $0x3  }
0x310: {  	v4 =	vor.u32 v1, v3  }
0x311: {  	v3 =	vor.u32 v0, v3;
	_ =	sdelay $0x2  }
0x312: {  	[tilespmem:s22+$0x1800] =	vst v2  }
0x313: {  	v2 =	vld.idx.msk [tilespmem:v4+s7+$0x0], $0xffff  }
0x314: {  	v5 =	vld.idx.msk [tilespmem:v3+s7+$0x0], $0xffff;
	_ =	sdelay $0x2  }
0x315: {  	v6 =	vor.u32 $0x1, v3;
	_ =	sdelay $0x1  }
0x316: {  	v2 =	vmul.f32 v2, v5  }
0x317: {  	s23 =	sadd.s32 $0x10, s22  }
0x318: {  	[tilespmem:s23+$0xFFFFE800] =	vst v2  }
0x319: {  	v2 =	vld.idx.msk [tilespmem:v6+s7+$0x0], $0xffff  }
0x31a: {  	v5 =	vor.u32 $0x1, v4;
	_ =	sdelay $0x3  }
0x31b: {  	[tilespmem:s23+$0xFFFFF000] =	vst v2  }
0x31c: {  	v2 =	vld.idx.msk [tilespmem:v5+s7+$0x0], $0xffff  }
0x31d: {  	v5 =	vor.u32 $0x2, v3;
	_ =	sdelay $0x3  }
0x31e: {  	[tilespmem:s23+$0x800] =	vst v2  }
0x31f: {  	v2 =	vld.idx.msk [tilespmem:v5+s7+$0x0], $0xffff  }
0x320: {  	v5 =	vor.u32 $0x2, v4;
	_ =	sdelay $0x3  }
0x321: {  	[tilespmem:s23+$0xFFFFF800] =	vst v2  }
0x322: {  	v2 =	vld.idx.msk [tilespmem:v5+s7+$0x0], $0xffff  }
0x323: {  	v3 =	vor.u32 $0x3, v3;
	_ =	sdelay $0x3  }
0x324: {  	[tilespmem:s23+$0x1000] =	vst v2  }
0x325: {  	v2 =	vld.idx.msk [tilespmem:v3+s7+$0x0], $0xffff  }
0x326: {  	v3 =	vor.u32 $0x3, v4;
	_ =	sdelay $0x3  }
0x327: {  	[tilespmem:s23+$0x0] =	vst v2  }
0x328: {  	v2 =	vld.idx.msk [tilespmem:v3+s7+$0x0], $0xffff;
	_ =	sdelay $0x4  }
0x329: {  	s24 =	rddreg [dreg:$0x11];
	[tilespmem:s23+$0x1800] =	vst v2;
	s23 =	simm.s32 $0x0  }
0x32a: {  	[hbm4b:s24+s23] =	stream.linear.scatter [tilespmem:s13], [sflag:$0x1], $0x800, $0x38;
	[tilespmem:$0xF800] =	vst v63  }
0x32b: {  	s24 =	rddreg [dreg:$0x12]  }
0x32c: {  	[hbm4b:s24+s23] =	stream.linear.scatter [tilespmem:s14], [sflag:$0x1], $0x800, $0x38;
	[tilespmem:$0xF800] =	vst v63  }
0x32d: {  	s24 =	rddreg [dreg:$0x13]  }
0x32e: {  	[hbm4b:s24+s23] =	stream.linear.scatter [tilespmem:s16], [sflag:$0x1], $0x800, $0x38;
	[tilespmem:$0xF800] =	vst v63  }
0x32f: {  	s22 =	simm.s32 $0xD800;
	s24 =	rddreg [dreg:$0x14]  }
0x330: {  	[hbm4b:s24+s23] =	stream.linear.scatter [tilespmem:s22], [sflag:$0x1], $0x800, $0x38;
	[tilespmem:$0xF800] =	vst v63  }
0x331: {  	s24 =	rddreg [dreg:$0x15]  }
0x332: {  	[hbm4b:s24+s23] =	stream.linear.scatter [tilespmem:s17], [sflag:$0x1], $0x800, $0x38;
	[tilespmem:$0xF800] =	vst v63  }
0x333: {  	s24 =	rddreg [dreg:$0x16]  }
0x334: {  	[hbm4b:s24+s23] =	stream.linear.scatter [tilespmem:s18], [sflag:$0x1], $0x800, $0x38;
	[tilespmem:$0xF800] =	vst v63  }
0x335: {  	s24 =	rddreg [dreg:$0x17]  }
0x336: {  	[hbm4b:s24+s23] =	stream.linear.scatter [tilespmem:s19], [sflag:$0x1], $0x800, $0x38;
	[tilespmem:$0xF800] =	vst v63  }
0x337: {  	_ =	swait.ge [sflag:s15], $0x800  }
0x338: {  	[sflag:s15] =	ssyncset.done $0x0  }
0x339: {  	[sflag:s15] =	ssyncadd.s32 $0xFFFFF800  }
0x33a: {  	_ =	swait.ge [sflag:s15], $0x800  }
0x33b: {  	[sflag:s15] =	ssyncset.done $0x0  }
0x33c: {  	[sflag:s15] =	ssyncadd.s32 $0xFFFFF800  }
0x33d: {  	_ =	swait.ge [sflag:s15], $0x800  }
0x33e: {  	[sflag:s15] =	ssyncset.done $0x0  }
0x33f: {  	[sflag:s15] =	ssyncadd.s32 $0xFFFFF800  }
0x340: {  	_ =	swait.ge [sflag:s15], $0x800  }
0x341: {  	[sflag:s15] =	ssyncset.done $0x0  }
0x342: {  	[sflag:s15] =	ssyncadd.s32 $0xFFFFF800  }
0x343: {  	_ =	swait.ge [sflag:s15], $0x800  }
0x344: {  	[sflag:s15] =	ssyncset.done $0x0  }
0x345: {  	[sflag:s15] =	ssyncadd.s32 $0xFFFFF800  }
0x346: {  	_ =	swait.ge [sflag:s15], $0x800  }
0x347: {  	[sflag:s15] =	ssyncset.done $0x0  }
0x348: {  	[sflag:s15] =	ssyncadd.s32 $0xFFFFF800  }
0x349: {  	_ =	swait.ge [sflag:s15], $0x800  }
0x34a: {  	[sflag:s15] =	ssyncset.done $0x0  }
0x34b: {  	s24 =	simm.s32 $0x3000;
	[sflag:s15] =	ssyncadd.s32 $0xFFFFF800  }
0x34c: {  	[tilespmem:s7], [sflag:$0x1] =	stream.indirect.gather [hbm4b:s3+s6], $0x8, s24, s6, $0xb8;
	[tilespmem:$0xF800] =	vst v63  }
0x34d: {  	s28 =	simm.s32 $0x3080;
	s24 =	simm.s32 $0x4400  }
0x34e: {  	[tilespmem:s24], [sflag:$0x1] =	stream.indirect.gather [hbm4b:s3+s6], $0x8, s28, s6, $0xb8;
	[tilespmem:$0xF800] =	vst v63  }
0x34f: {  	s24 =	simm.s32 $0x4800;
	s28 =	simm.s32 $0x3100  }
0x350: {  	[tilespmem:s24], [sflag:$0x1] =	stream.indirect.gather [hbm4b:s3+s6], $0x8, s28, s6, $0xb8;
	[tilespmem:$0xF800] =	vst v63  }
0x351: {  	s24 =	simm.s32 $0x4C00;
	s28 =	simm.s32 $0x3180  }
0x352: {  	[tilespmem:s24], [sflag:$0x1] =	stream.indirect.gather [hbm4b:s3+s6], $0x8, s28, s6, $0xb8;
	[tilespmem:$0xF800] =	vst v63  }
0x353: {  	s24 =	simm.s32 $0x5000;
	s28 =	simm.s32 $0x3200  }
0x354: {  	[tilespmem:s24], [sflag:$0x1] =	stream.indirect.gather [hbm4b:s3+s6], $0x8, s28, s6, $0xb8;
	[tilespmem:$0xF800] =	vst v63  }
0x355: {  	s24 =	simm.s32 $0x5400;
	s28 =	simm.s32 $0x3280  }
0x356: {  	[tilespmem:s24], [sflag:$0x1] =	stream.indirect.gather [hbm4b:s3+s6], $0x8, s28, s6, $0xb8;
	[tilespmem:$0xF800] =	vst v63  }
0x357: {  	s24 =	simm.s32 $0x5800;
	s28 =	simm.s32 $0x3300  }
0x358: {  	[tilespmem:s24], [sflag:$0x1] =	stream.indirect.gather [hbm4b:s3+s6], $0x8, s28, s6, $0xb8;
	[tilespmem:$0xF800] =	vst v63  }
0x359: {  	s24 =	simm.s32 $0x5C00;
	s28 =	simm.s32 $0x3380  }
0x35a: {  	[tilespmem:s24], [sflag:$0x1] =	stream.indirect.gather [hbm4b:s3+s6], $0x8, s28, s6, $0xb8;
	[tilespmem:$0xF800] =	vst v63  }
0x35b: {  	_ =	swait.ge [sflag:s15], $0x400  }
0x35c: {  	[sflag:s15] =	ssyncset.done $0x0  }
0x35d: {  	[sflag:s15] =	ssyncadd.s32 $0xFFFFFC00  }
0x35e: {  	_ =	swait.ge [sflag:s15], $0x400  }
0x35f: {  	[sflag:s15] =	ssyncset.done $0x0  }
0x360: {  	[sflag:s15] =	ssyncadd.s32 $0xFFFFFC00  }
0x361: {  	_ =	swait.ge [sflag:s15], $0x400  }
0x362: {  	[sflag:s15] =	ssyncset.done $0x0  }
0x363: {  	[sflag:s15] =	ssyncadd.s32 $0xFFFFFC00  }
0x364: {  	_ =	swait.ge [sflag:s15], $0x400  }
0x365: {  	[sflag:s15] =	ssyncset.done $0x0  }
0x366: {  	[sflag:s15] =	ssyncadd.s32 $0xFFFFFC00  }
0x367: {  	_ =	swait.ge [sflag:s15], $0x400  }
0x368: {  	[sflag:s15] =	ssyncset.done $0x0  }
0x369: {  	[sflag:s15] =	ssyncadd.s32 $0xFFFFFC00  }
0x36a: {  	_ =	swait.ge [sflag:s15], $0x400  }
0x36b: {  	[sflag:s15] =	ssyncset.done $0x0  }
0x36c: {  	[sflag:s15] =	ssyncadd.s32 $0xFFFFFC00  }
0x36d: {  	_ =	swait.ge [sflag:s15], $0x400  }
0x36e: {  	[sflag:s15] =	ssyncset.done $0x0  }
0x36f: {  	[sflag:s15] =	ssyncadd.s32 $0xFFFFFC00  }
0x370: {  	_ =	swait.ge [sflag:s15], $0x400  }
0x371: {  	[sflag:s15] =	ssyncset.done $0x0  }
0x372: {  	s24 =	simm.s32 $0x6000;
	s28 =	simm.s32 $0x3400;
	[sflag:s15] =	ssyncadd.s32 $0xFFFFFC00  }
0x373: {  	[tilespmem:s24], [sflag:$0x1] =	stream.indirect.gather [hbm4b:s3+s6], $0x8, s28, s6, $0xb8;
	[tilespmem:$0xF800] =	vst v63  }
0x374: {  	s24 =	simm.s32 $0x6400;
	s28 =	simm.s32 $0x3480  }
0x375: {  	[tilespmem:s24], [sflag:$0x1] =	stream.indirect.gather [hbm4b:s3+s6], $0x8, s28, s6, $0xb8;
	[tilespmem:$0xF800] =	vst v63  }
0x376: {  	s24 =	simm.s32 $0x6800;
	s28 =	simm.s32 $0x3500  }
0x377: {  	[tilespmem:s24], [sflag:$0x1] =	stream.indirect.gather [hbm4b:s3+s6], $0x8, s28, s6, $0xb8;
	[tilespmem:$0xF800] =	vst v63  }
0x378: {  	s24 =	simm.s32 $0x6C00;
	s28 =	simm.s32 $0x3580  }
0x379: {  	[tilespmem:s24], [sflag:$0x1] =	stream.indirect.gather [hbm4b:s3+s6], $0x8, s28, s6, $0xb8;
	[tilespmem:$0xF800] =	vst v63  }
0x37a: {  	s24 =	simm.s32 $0x7000;
	s28 =	simm.s32 $0x3600  }
0x37b: {  	[tilespmem:s24], [sflag:$0x1] =	stream.indirect.gather [hbm4b:s3+s6], $0x8, s28, s6, $0xb8;
	[tilespmem:$0xF800] =	vst v63  }
0x37c: {  	s24 =	simm.s32 $0x7400;
	s28 =	simm.s32 $0x3680  }
0x37d: {  	[tilespmem:s24], [sflag:$0x1] =	stream.indirect.gather [hbm4b:s3+s6], $0x8, s28, s6, $0xb8;
	[tilespmem:$0xF800] =	vst v63  }
0x37e: {  	s24 =	simm.s32 $0x7800;
	s28 =	simm.s32 $0x3700  }
0x37f: {  	[tilespmem:s24], [sflag:$0x1] =	stream.indirect.gather [hbm4b:s3+s6], $0x8, s28, s6, $0xb8;
	[tilespmem:$0xF800] =	vst v63  }
0x380: {  	s24 =	simm.s32 $0x7C00;
	s28 =	simm.s32 $0x3780  }
0x381: {  	[tilespmem:s24], [sflag:$0x1] =	stream.indirect.gather [hbm4b:s3+s6], $0x8, s28, s6, $0xb8;
	[tilespmem:$0xF800] =	vst v63  }
0x382: {  	_ =	swait.ge [sflag:s15], $0x400  }
0x383: {  	[sflag:s15] =	ssyncset.done $0x0  }
0x384: {  	[sflag:s15] =	ssyncadd.s32 $0xFFFFFC00  }
0x385: {  	_ =	swait.ge [sflag:s15], $0x400  }
0x386: {  	[sflag:s15] =	ssyncset.done $0x0  }
0x387: {  	[sflag:s15] =	ssyncadd.s32 $0xFFFFFC00  }
0x388: {  	_ =	swait.ge [sflag:s15], $0x400  }
0x389: {  	[sflag:s15] =	ssyncset.done $0x0  }
0x38a: {  	[sflag:s15] =	ssyncadd.s32 $0xFFFFFC00  }
0x38b: {  	_ =	swait.ge [sflag:s15], $0x400  }
0x38c: {  	[sflag:s15] =	ssyncset.done $0x0  }
0x38d: {  	[sflag:s15] =	ssyncadd.s32 $0xFFFFFC00  }
0x38e: {  	_ =	swait.ge [sflag:s15], $0x400  }
0x38f: {  	[sflag:s15] =	ssyncset.done $0x0  }
0x390: {  	[sflag:s15] =	ssyncadd.s32 $0xFFFFFC00  }
0x391: {  	_ =	swait.ge [sflag:s15], $0x400  }
0x392: {  	[sflag:s15] =	ssyncset.done $0x0  }
0x393: {  	[sflag:s15] =	ssyncadd.s32 $0xFFFFFC00  }
0x394: {  	_ =	swait.ge [sflag:s15], $0x400  }
0x395: {  	[sflag:s15] =	ssyncset.done $0x0  }
0x396: {  	[sflag:s15] =	ssyncadd.s32 $0xFFFFFC00  }
0x397: {  	_ =	swait.ge [sflag:s15], $0x400  }
0x398: {  	[sflag:s15] =	ssyncset.done $0x0  }
0x399: {  	s24 =	simm.s32 $0x8000;
	s28 =	simm.s32 $0x3800;
	[sflag:s15] =	ssyncadd.s32 $0xFFFFFC00  }
0x39a: {  	[tilespmem:s24], [sflag:$0x1] =	stream.indirect.gather [hbm4b:s3+s6], $0x8, s28, s6, $0xb8;
	[tilespmem:$0xF800] =	vst v63  }
0x39b: {  	s24 =	simm.s32 $0x3880  }
0x39c: {  	[tilespmem:s25], [sflag:$0x1] =	stream.indirect.gather [hbm4b:s3+s6], $0x8, s24, s6, $0xb8;
	[tilespmem:$0xF800] =	vst v63  }
0x39d: {  	s24 =	simm.s32 $0x3900  }
0x39e: {  	[tilespmem:s26], [sflag:$0x1] =	stream.indirect.gather [hbm4b:s3+s6], $0x8, s24, s6, $0xb8;
	[tilespmem:$0xF800] =	vst v63  }
0x39f: {  	s28 =	simm.s32 $0x8C00;
	s24 =	simm.s32 $0x3980  }
0x3a0: {  	[tilespmem:s28], [sflag:$0x1] =	stream.indirect.gather [hbm4b:s3+s6], $0x8, s24, s6, $0xb8;
	[tilespmem:$0xF800] =	vst v63  }
0x3a1: {  	s24 =	simm.s32 $0x3A00  }
0x3a2: {  	[tilespmem:s29], [sflag:$0x1] =	stream.indirect.gather [hbm4b:s3+s6], $0x8, s24, s6, $0xb8;
	[tilespmem:$0xF800] =	vst v63  }
0x3a3: {  	s24 =	simm.s32 $0x3A80  }
0x3a4: {  	[tilespmem:s30], [sflag:$0x1] =	stream.indirect.gather [hbm4b:s3+s6], $0x8, s24, s6, $0xb8;
	[tilespmem:$0xF800] =	vst v63  }
0x3a5: {  	s24 =	simm.s32 $0x3B00  }
0x3a6: {  	[tilespmem:s31], [sflag:$0x1] =	stream.indirect.gather [hbm4b:s3+s6], $0x8, s24, s6, $0xb8;
	[tilespmem:$0xF800] =	vst v63  }
0x3a7: {  	s24 =	simm.s32 $0x3B80  }
0x3a8: {  	[tilespmem:s0], [sflag:$0x1] =	stream.indirect.gather [hbm4b:s3+s6], $0x8, s24, s6, $0xb8;
	[tilespmem:$0xF800] =	vst v63  }
0x3a9: {  	_ =	swait.ge [sflag:s15], $0x400  }
0x3aa: {  	[sflag:s15] =	ssyncset.done $0x0  }
0x3ab: {  	[sflag:s15] =	ssyncadd.s32 $0xFFFFFC00  }
0x3ac: {  	_ =	swait.ge [sflag:s15], $0x400  }
0x3ad: {  	[sflag:s15] =	ssyncset.done $0x0  }
0x3ae: {  	[sflag:s15] =	ssyncadd.s32 $0xFFFFFC00  }
0x3af: {  	_ =	swait.ge [sflag:s15], $0x400  }
0x3b0: {  	[sflag:s15] =	ssyncset.done $0x0  }
0x3b1: {  	[sflag:s15] =	ssyncadd.s32 $0xFFFFFC00  }
0x3b2: {  	_ =	swait.ge [sflag:s15], $0x400  }
0x3b3: {  	[sflag:s15] =	ssyncset.done $0x0  }
0x3b4: {  	[sflag:s15] =	ssyncadd.s32 $0xFFFFFC00  }
0x3b5: {  	_ =	swait.ge [sflag:s15], $0x400  }
0x3b6: {  	[sflag:s15] =	ssyncset.done $0x0  }
0x3b7: {  	[sflag:s15] =	ssyncadd.s32 $0xFFFFFC00  }
0x3b8: {  	_ =	swait.ge [sflag:s15], $0x400  }
0x3b9: {  	[sflag:s15] =	ssyncset.done $0x0  }
0x3ba: {  	[sflag:s15] =	ssyncadd.s32 $0xFFFFFC00  }
0x3bb: {  	_ =	swait.ge [sflag:s15], $0x400  }
0x3bc: {  	[sflag:s15] =	ssyncset.done $0x0  }
0x3bd: {  	[sflag:s15] =	ssyncadd.s32 $0xFFFFFC00  }
0x3be: {  	_ =	swait.ge [sflag:s15], $0x400  }
0x3bf: {  	[sflag:s15] =	ssyncset.done $0x0  }
0x3c0: {  	s24 =	simm.s32 $0x3C00;
	[sflag:s15] =	ssyncadd.s32 $0xFFFFFC00  }
0x3c1: {  	[tilespmem:s1], [sflag:$0x1] =	stream.indirect.gather [hbm4b:s3+s6], $0x8, s24, s6, $0xb8;
	[tilespmem:$0xF800] =	vst v63  }
0x3c2: {  	s24 =	simm.s32 $0x3C80  }
0x3c3: {  	[tilespmem:s4], [sflag:$0x1] =	stream.indirect.gather [hbm4b:s3+s6], $0x8, s24, s6, $0xb8;
	[tilespmem:$0xF800] =	vst v63  }
0x3c4: {  	s24 =	simm.s32 $0x3D00  }
0x3c5: {  	[tilespmem:s5], [sflag:$0x1] =	stream.indirect.gather [hbm4b:s3+s6], $0x8, s24, s6, $0xb8;
	[tilespmem:$0xF800] =	vst v63  }
0x3c6: {  	s24 =	simm.s32 $0x3D80  }
0x3c7: {  	[tilespmem:s8], [sflag:$0x1] =	stream.indirect.gather [hbm4b:s3+s6], $0x8, s24, s6, $0xb8;
	[tilespmem:$0xF800] =	vst v63  }
0x3c8: {  	s24 =	simm.s32 $0x3E00  }
0x3c9: {  	[tilespmem:s9], [sflag:$0x1] =	stream.indirect.gather [hbm4b:s3+s6], $0x8, s24, s6, $0xb8;
	[tilespmem:$0xF800] =	vst v63  }
0x3ca: {  	s24 =	simm.s32 $0x3E80  }
0x3cb: {  	[tilespmem:s10], [sflag:$0x1] =	stream.indirect.gather [hbm4b:s3+s6], $0x8, s24, s6, $0xb8;
	[tilespmem:$0xF800] =	vst v63  }
0x3cc: {  	s24 =	simm.s32 $0x3F00  }
0x3cd: {  	[tilespmem:s11], [sflag:$0x1] =	stream.indirect.gather [hbm4b:s3+s6], $0x8, s24, s6, $0xb8;
	[tilespmem:$0xF800] =	vst v63  }
0x3ce: {  	s24 =	simm.s32 $0x3F80  }
0x3cf: {  	[tilespmem:s12], [sflag:$0x1] =	stream.indirect.gather [hbm4b:s3+s6], $0x8, s24, s6, $0xb8;
	[tilespmem:$0xF800] =	vst v63  }
0x3d0: {  	_ =	swait.ge [sflag:s15], $0x400  }
0x3d1: {  	[sflag:s15] =	ssyncset.done $0x0  }
0x3d2: {  	[sflag:s15] =	ssyncadd.s32 $0xFFFFFC00  }
0x3d3: {  	_ =	swait.ge [sflag:s15], $0x400  }
0x3d4: {  	[sflag:s15] =	ssyncset.done $0x0  }
0x3d5: {  	[sflag:s15] =	ssyncadd.s32 $0xFFFFFC00  }
0x3d6: {  	_ =	swait.ge [sflag:s15], $0x400  }
0x3d7: {  	[sflag:s15] =	ssyncset.done $0x0  }
0x3d8: {  	[sflag:s15] =	ssyncadd.s32 $0xFFFFFC00  }
0x3d9: {  	_ =	swait.ge [sflag:s15], $0x400  }
0x3da: {  	[sflag:s15] =	ssyncset.done $0x0  }
0x3db: {  	[sflag:s15] =	ssyncadd.s32 $0xFFFFFC00  }
0x3dc: {  	_ =	swait.ge [sflag:s15], $0x400  }
0x3dd: {  	[sflag:s15] =	ssyncset.done $0x0  }
0x3de: {  	[sflag:s15] =	ssyncadd.s32 $0xFFFFFC00  }
0x3df: {  	_ =	swait.ge [sflag:s15], $0x400  }
0x3e0: {  	[sflag:s15] =	ssyncset.done $0x0  }
0x3e1: {  	v2 =	vmov s23;
	[sflag:s15] =	ssyncadd.s32 $0xFFFFFC00  }
0x3e2: {  	v2 =	vshll.u32 v2, $0x3;
	_ =	swait.ge [sflag:s15], $0x400  }
0x3e3: {  	v3 =	vor.u32 v1, v2;
	[sflag:s15] =	ssyncset.done $0x0  }
0x3e4: {  	v2 =	vor.u32 v0, v2;
	[sflag:s15] =	ssyncadd.s32 $0xFFFFFC00  }
0x3e5: {  	_ =	swait.ge [sflag:s15], $0x400  }
0x3e6: {  	[sflag:s15] =	ssyncset.done $0x0  }
0x3e7: {  	[sflag:s15] =	ssyncadd.s32 $0xFFFFFC00  }
0x3e8: {  	v4 =	vld.idx.msk [tilespmem:v3+s7+$0x0], $0xffff  }
0x3e9: {  	v5 =	vld.idx.msk [tilespmem:v2+s7+$0x0], $0xffff;
	_ =	sdelay $0x2  }
0x3ea: {  	v63 =	vor.u32 $0x1, v2;
	_ =	sdelay $0x1  }
0x3eb: {  	v4 =	vmul.f32 v4, v5;
	_ =	sdelay $0x1  }
0x3ec: {  	[tilespmem:s22+$0xFFFFE800] =	vst v4  }
0x3ed: {  	v4 =	vld.idx.msk [tilespmem:v63+s7+$0x0], $0xffff  }
0x3ee: {  	v5 =	vor.u32 $0x1, v3;
	_ =	sdelay $0x3  }
0x3ef: {  	[tilespmem:s22+$0xFFFFF000] =	vst v4  }
0x3f0: {  	v4 =	vld.idx.msk [tilespmem:v5+s7+$0x0], $0xffff  }
0x3f1: {  	v5 =	vor.u32 $0x2, v2;
	_ =	sdelay $0x3  }
0x3f2: {  	[tilespmem:s22+$0x800] =	vst v4  }
0x3f3: {  	v4 =	vld.idx.msk [tilespmem:v5+s7+$0x0], $0xffff  }
0x3f4: {  	v5 =	vor.u32 $0x2, v3;
	_ =	sdelay $0x3  }
0x3f5: {  	[tilespmem:s22+$0xFFFFF800] =	vst v4  }
0x3f6: {  	v4 =	vld.idx.msk [tilespmem:v5+s7+$0x0], $0xffff  }
0x3f7: {  	v2 =	vor.u32 $0x3, v2;
	_ =	sdelay $0x3  }
0x3f8: {  	[tilespmem:s22+$0x1000] =	vst v4  }
0x3f9: {  	v2 =	vld.idx.msk [tilespmem:v2+s7+$0x0], $0xffff  }
0x3fa: {  	v3 =	vor.u32 $0x3, v3;
	_ =	sdelay $0x2  }
0x3fb: {  	s24 =	simm.s32 $0x20  }
0x3fc: {  	v4 =	vmov s24;
	[tilespmem:s22+$0x0] =	vst v2  }
0x3fd: {  	s23 =	simm.s32 $0x40;
	v2 =	vld.idx.msk [tilespmem:v3+s7+$0x0], $0xffff;
	v3 =	vshll.u32 v4, $0x3  }
.LBB2_8:
0x3fe: {  	p0 =	sne.s32 s23, $0xFE0;
	v4 =	vor.u32 v1, v3  }
0x3ff: {  	v3 =	vor.u32 v0, v3;
	_ =	sdelay $0x2  }
0x400: {  	[tilespmem:s22+$0x1800] =	vst v2  }
0x401: {  	v2 =	vld.idx.msk [tilespmem:v4+s7+$0x0], $0xffff  }
0x402: {  	v5 =	vld.idx.msk [tilespmem:v3+s7+$0x0], $0xffff;
	_ =	sdelay $0x3  }
0x403: {  	v6 =	vor.u32 $0x1, v3;
	_ =	sdelay $0x1  }
0x404: {  	v2 =	vmul.f32 v2, v5  }
0x405: {  	s22 =	sadd.s32 $0x10, s22  }
0x406: {  	[tilespmem:s22+$0xFFFFE800] =	vst v2  }
0x407: {  	v2 =	vld.idx.msk [tilespmem:v6+s7+$0x0], $0xffff;
	_ =	sdelay $0x1  }
0x408: {  	v5 =	vor.u32 $0x1, v4;
	_ =	sdelay $0x3  }
0x409: {  	[tilespmem:s22+$0xFFFFF000] =	vst v2  }
0x40a: {  	v2 =	vld.idx.msk [tilespmem:v5+s7+$0x0], $0xffff;
	_ =	sdelay $0x1  }
0x40b: {  	v5 =	vor.u32 $0x2, v3;
	_ =	sdelay $0x3  }
0x40c: {  	[tilespmem:s22+$0x800] =	vst v2  }
0x40d: {  	v2 =	vld.idx.msk [tilespmem:v5+s7+$0x0], $0xffff;
	_ =	sdelay $0x1  }
0x40e: {  	v5 =	vor.u32 $0x2, v4;
	_ =	sdelay $0x3  }
0x40f: {  	[tilespmem:s22+$0xFFFFF800] =	vst v2  }
0x410: {  	v2 =	vld.idx.msk [tilespmem:v5+s7+$0x0], $0xffff;
	_ =	sdelay $0x1  }
0x411: {  	v3 =	vor.u32 $0x3, v3;
	_ =	sdelay $0x3  }
0x412: {  	[tilespmem:s22+$0x1000] =	vst v2  }
0x413: {  	v2 =	vld.idx.msk [tilespmem:v3+s7+$0x0], $0xffff;
	_ =	sdelay $0x1  }
0x414: {  	v3 =	vor.u32 $0x3, v4;
	_ =	sdelay $0x1  }
.Ltmp3:
0x415: {  	(pc) =	sbr.rel @p0 .LBB2_8-.Ltmp3, $4  }
0x416: {  	_ = 	snop  }
0x417: {  	[tilespmem:s22+$0x0] =	vst v2  }
0x418: {  	v4 =	vmov s23;
	v2 =	vld.idx.msk [tilespmem:v3+s7+$0x0], $0xffff  }
0x419: {  	s23 =	sadd.s32 $0x20, s23;
	v3 =	vshll.u32 v4, $0x3  }
0x41a: {  	v4 =	vor.u32 v1, v3  }
0x41b: {  	v3 =	vor.u32 v0, v3;
	_ =	sdelay $0x2  }
0x41c: {  	[tilespmem:s22+$0x1800] =	vst v2  }
0x41d: {  	v2 =	vld.idx.msk [tilespmem:v4+s7+$0x0], $0xffff  }
0x41e: {  	v5 =	vld.idx.msk [tilespmem:v3+s7+$0x0], $0xffff;
	_ =	sdelay $0x2  }
0x41f: {  	v6 =	vor.u32 $0x1, v3;
	_ =	sdelay $0x1  }
0x420: {  	v2 =	vmul.f32 v2, v5  }
0x421: {  	s24 =	sadd.s32 $0x10, s22  }
0x422: {  	[tilespmem:s24+$0xFFFFE800] =	vst v2  }
0x423: {  	v2 =	vld.idx.msk [tilespmem:v6+s7+$0x0], $0xffff  }
0x424: {  	v61 =	vor.u32 $0x1, v4;
	_ =	sdelay $0x3  }
0x425: {  	[tilespmem:s24+$0xFFFFF000] =	vst v2  }
0x426: {  	v2 =	vld.idx.msk [tilespmem:v61+s7+$0x0], $0xffff  }
0x427: {  	v62 =	vor.u32 $0x2, v3;
	_ =	sdelay $0x3  }
0x428: {  	[tilespmem:s24+$0x800] =	vst v2  }
0x429: {  	v2 =	vld.idx.msk [tilespmem:v62+s7+$0x0], $0xffff  }
0x42a: {  	v63 =	vor.u32 $0x2, v4;
	_ =	sdelay $0x3  }
0x42b: {  	[tilespmem:s24+$0xFFFFF800] =	vst v2  }
0x42c: {  	v2 =	vld.idx.msk [tilespmem:v63+s7+$0x0], $0xffff  }
0x42d: {  	v3 =	vor.u32 $0x3, v3;
	_ =	sdelay $0x3  }
0x42e: {  	[tilespmem:s24+$0x1000] =	vst v2  }
0x42f: {  	v2 =	vld.idx.msk [tilespmem:v3+s7+$0x0], $0xffff  }
0x430: {  	v3 =	vor.u32 $0x3, v4;
	_ =	sdelay $0x3  }
0x431: {  	[tilespmem:s24+$0x0] =	vst v2  }
0x432: {  	v2 =	vld.idx.msk [tilespmem:v3+s7+$0x0], $0xffff;
	_ =	sdelay $0x4  }
0x433: {  	s23 =	rddreg [dreg:$0x18];
	[tilespmem:s24+$0x1800] =	vst v2  }
0x434: {  	[hbm4b:s23+s2] =	stream.linear.scatter [tilespmem:s13], [sflag:$0x1], $0x800, $0x38;
	[tilespmem:$0xF800] =	vst v63  }
0x435: {  	s24 =	rddreg [dreg:$0x19]  }
0x436: {  	[hbm4b:s24+s2] =	stream.linear.scatter [tilespmem:s14], [sflag:$0x1], $0x800, $0x38;
	[tilespmem:$0xF800] =	vst v63  }
0x437: {  	s23 =	rddreg [dreg:$0x1a]  }
0x438: {  	[hbm4b:s23+s2] =	stream.linear.scatter [tilespmem:s16], [sflag:$0x1], $0x800, $0x38;
	[tilespmem:$0xF800] =	vst v63  }
0x439: {  	s24 =	rddreg [dreg:$0x1b]  }
0x43a: {  	[hbm4b:s24+s2] =	stream.linear.scatter [tilespmem:s20], [sflag:$0x1], $0x800, $0x38;
	[tilespmem:$0xF800] =	vst v63  }
0x43b: {  	s23 =	rddreg [dreg:$0x1c]  }
0x43c: {  	[hbm4b:s23+s2] =	stream.linear.scatter [tilespmem:s17], [sflag:$0x1], $0x800, $0x38;
	[tilespmem:$0xF800] =	vst v63  }
0x43d: {  	s24 =	rddreg [dreg:$0x1d]  }
0x43e: {  	[hbm4b:s24+s2] =	stream.linear.scatter [tilespmem:s18], [sflag:$0x1], $0x800, $0x38;
	[tilespmem:$0xF800] =	vst v63  }
0x43f: {  	s23 =	rddreg [dreg:$0x1e]  }
0x440: {  	[hbm4b:s23+s2] =	stream.linear.scatter [tilespmem:s19], [sflag:$0x1], $0x800, $0x38;
	[tilespmem:$0xF800] =	vst v63  }
0x441: {  	_ =	swait.ge [sflag:s15], $0x800  }
0x442: {  	[sflag:s15] =	ssyncset.done $0x0  }
0x443: {  	[sflag:s15] =	ssyncadd.s32 $0xFFFFF800  }
0x444: {  	_ =	swait.ge [sflag:s15], $0x800  }
0x445: {  	[sflag:s15] =	ssyncset.done $0x0  }
0x446: {  	[sflag:s15] =	ssyncadd.s32 $0xFFFFF800  }
0x447: {  	_ =	swait.ge [sflag:s15], $0x800  }
0x448: {  	[sflag:s15] =	ssyncset.done $0x0  }
0x449: {  	[sflag:s15] =	ssyncadd.s32 $0xFFFFF800  }
0x44a: {  	_ =	swait.ge [sflag:s15], $0x800  }
0x44b: {  	[sflag:s15] =	ssyncset.done $0x0  }
0x44c: {  	[sflag:s15] =	ssyncadd.s32 $0xFFFFF800  }
0x44d: {  	_ =	swait.ge [sflag:s15], $0x800  }
0x44e: {  	[sflag:s15] =	ssyncset.done $0x0  }
0x44f: {  	[sflag:s15] =	ssyncadd.s32 $0xFFFFF800  }
0x450: {  	_ =	swait.ge [sflag:s15], $0x800  }
0x451: {  	[sflag:s15] =	ssyncset.done $0x0  }
0x452: {  	[sflag:s15] =	ssyncadd.s32 $0xFFFFF800  }
0x453: {  	_ =	swait.ge [sflag:s15], $0x800  }
0x454: {  	s21 =	sadd.s32 $0x1, s21;
	s24 =	rddreg [dreg:$0x1f]  }
0x455: {  	p0 =	sne.s32 s21, s24  }
.Ltmp4:
0x456: {  	_ = 	snop;
	(pc) =	sbr.rel @p0 .LBB2_1-.Ltmp4, $3  }
0x457: {  	_ =	sdelay $0x1  }
0x458: {  	[sflag:s15] =	ssyncset.done $0x0  }
0x459: {  	[sflag:s15] =	ssyncadd.s32 $0xFFFFF800  }
0x45a: {  	_ =	sfence.sel $0x180000  }
0x45b: {  	[bflag:$0x0] =	sbarrier.arrive $0xFFFF  }
0x45c: {  	_ =	strace $0x9000004A  }
0x45d: {  	s0 =	stileid.u32;
	[bflag:$0x2] =	sbarrier.arrive $0xFFFF  }
0x45e: {  	p0 =	sne.s32 s0, $0x0;
	s0 =	rddreg [dreg:$0x1]  }
0x45f: {  	s0 =	sadd.s32 @!p0 $0x100000, s0  }
0x460: {  	[sflag:s0] =	ssyncadd.tile.s32 @!p0 $0x1;
	_ =	shalt  }
.Lfunc_end2:
_tile_overlayer_lowered:
.L_overlay_start_2:
0x461: {  	(tag) =	ssettag $0x2  }
0x462: {  	s0 =	rddreg [dreg:$0x0];
	s2 =	stileid.u32  }
0x463: {  	s1 =	rddreg [dreg:$0x1];
	p0 =	sne.s32 s2, $0x0  }
0x464: {  	s3 =	rddreg [dreg:$0x2];
	[bflag:$0x3] =	sbarrier.arrive $0xFFFF;
	s2 =	simm.s32 @!p0 $0x1C02  }
0x465: {  	[timem:s3], [sflag:s2] =	dma.local @!p0 [hbm:s0], s1  }
0x466: {  	s0 =	simm.s32 @!p0 $0x2  }
0x467: {  	_ =	swait.ge @!p0 [sflag:s0], s1  }
0x468: {  	s1 =	ssub.s32 @!p0 $0x0, s1;
	[sflag:s0] =	ssyncset.done @!p0 $0x0  }
0x469: {  	[sflag:s0] =	ssyncadd.s32 @!p0 s1  }
0x46a: {  	[bflag:$0x3] =	sbarrier.arrive $0xFFFF  }
0x46b: {  	_ =	shalt  }

</sc_bundles>
